<compile_context>
chip_gen: v7x
topology: tpu7x:2x2x1
jax: 0.10.2.dev20260603
libtpu: 0.0.44.dev20260713+nightly
codegen_flags: <defaults>
</compile_context>

<pallas_src>
import functools

import jax
import jax.numpy as jnp
from jax import lax
from jax.experimental import pallas as pl
from jax.experimental.pallas import tpu as pltpu
from jax.experimental.pallas import tpu_sc as plsc

_N = 1048576
_C = 16
_H = 16384
_W = 256
_NC = 2
_NS = 16
_NW = _NC * _NS
_PPW = _N // _NW
_K = 128
_NCHUNK = _PPW // _K
_L = 16


def _compute_indices(x0v, x1v, x2v, i00, i01, i10, i11, w00, w01, w10, w11):
  for i in range(_K // _L):
    s = i * _L
    sl = pl.ds(s, _L)
    a0 = x0v[sl]
    a1 = x1v[sl]
    a2 = x2v[sl]

    one = jnp.float32(1.0)
    zero = jnp.float32(0.0)
    c0 = jnp.minimum(jnp.maximum(a0, zero), one)
    c1 = jnp.minimum(jnp.maximum(a1, zero), one)
    c2 = jnp.minimum(jnp.maximum(a2, zero), one)
    three = jnp.int32(3)
    v0 = jnp.minimum((c0 * 4.0).astype(jnp.int32), three)
    v1 = jnp.minimum((c1 * 4.0).astype(jnp.int32), three)
    v2 = jnp.minimum((c2 * 4.0).astype(jnp.int32), three)
    vi = v2 * 16 + v1 * 4 + v0

    r0 = a0 * 1024.0
    r1 = a1 * 1024.0
    px = r0 - (r0 * (1.0 / 256.0)).astype(jnp.int32).astype(jnp.float32) * 256.0
    py = r1 - (r1 * (1.0 / 256.0)).astype(jnp.int32).astype(jnp.float32) * 256.0

    ix = px - 0.5
    iy = (py + vi.astype(jnp.float32) * 256.0) - 0.5
    ix0 = (ix + 1.0).astype(jnp.int32) - 1
    iy0 = (iy + 1.0).astype(jnp.int32) - 1
    wx1 = ix - ix0.astype(jnp.float32)
    wx0 = 1.0 - wx1
    wy1 = iy - iy0.astype(jnp.float32)
    wy0 = 1.0 - wy1

    inr = ((a0 >= 0.0) & (a0 <= 1.0) & (a1 >= 0.0) & (a1 <= 1.0))
    inrf = jnp.where(inr, one, zero)

    ix1 = ix0 + 1
    iy1 = iy0 + 1
    vx0 = jnp.where((ix0 >= 0) & (ix0 <= _W - 1), one, zero)
    vx1 = jnp.where((ix1 >= 0) & (ix1 <= _W - 1), one, zero)
    vy0 = jnp.where((iy0 >= 0) & (iy0 <= _H - 1), inrf, zero)
    vy1 = jnp.where((iy1 >= 0) & (iy1 <= _H - 1), inrf, zero)
    wx0 = wx0 * vx0
    wx1 = wx1 * vx1
    wy0 = wy0 * vy0
    wy1 = wy1 * vy1

    zi = jnp.int32(0)
    x0c = jnp.minimum(jnp.maximum(ix0, zi), jnp.int32(_W - 1))
    x1c = jnp.minimum(jnp.maximum(ix1, zi), jnp.int32(_W - 1))
    y0c = jnp.minimum(jnp.maximum(iy0, zi), jnp.int32(_H - 1)) * _W
    y1c = jnp.minimum(jnp.maximum(iy1, zi), jnp.int32(_H - 1)) * _W

    i00[sl] = y0c + x0c
    i01[sl] = y0c + x1c
    i10[sl] = y1c + x0c
    i11[sl] = y1c + x1c
    w00[sl] = wx0 * wy0
    w01[sl] = wx1 * wy0
    w10[sl] = wx0 * wy1
    w11[sl] = wx1 * wy1


def _accumulate(r00, r01, r10, r11, w00, w01, w10, w11, outv):
  def acc(k, carry2):
    o = (r00[k] * w00[pl.ds(k, _L)][0]
         + r01[k] * w01[pl.ds(k, _L)][0]
         + r10[k] * w10[pl.ds(k, _L)][0]
         + r11[k] * w11[pl.ds(k, _L)][0])
    outv[k] = o
    return carry2

  lax.fori_loop(0, _K, acc, 0, unroll=4)


def _body(x0_hbm, x1_hbm, x2_hbm, table_hbm, out_hbm,
          x0v, x1v, x2v,
          i00a, i01a, i10a, i11a, w00a, w01a, w10a, w11a,
          r00a, r01a, r10a, r11a,
          i00b, i01b, i10b, i11b, w00b, w01b, w10b, w11b,
          r00b, r01b, r10b, r11b,
          outv, sema, semb):
  wid = lax.axis_index("s") * _NC + lax.axis_index("c")
  base = wid * _PPW

  def _load_coords(gb):
    pltpu.sync_copy(x0_hbm.at[pl.ds(gb, _K)], x0v)
    pltpu.sync_copy(x1_hbm.at[pl.ds(gb, _K)], x1v)
    pltpu.sync_copy(x2_hbm.at[pl.ds(gb, _K)], x2v)

  def chunk2(c2, carry):
    gba = base + (2 * c2) * _K
    gbb = gba + _K

    _load_coords(gba)
    _compute_indices(x0v, x1v, x2v, i00a, i01a, i10a, i11a,
                     w00a, w01a, w10a, w11a)
    cpa = [pltpu.async_copy(table_hbm.at[i00a], r00a, sema),
           pltpu.async_copy(table_hbm.at[i01a], r01a, sema),
           pltpu.async_copy(table_hbm.at[i10a], r10a, sema),
           pltpu.async_copy(table_hbm.at[i11a], r11a, sema)]

    _load_coords(gbb)
    _compute_indices(x0v, x1v, x2v, i00b, i01b, i10b, i11b,
                     w00b, w01b, w10b, w11b)
    cpb = [pltpu.async_copy(table_hbm.at[i00b], r00b, semb),
           pltpu.async_copy(table_hbm.at[i01b], r01b, semb),
           pltpu.async_copy(table_hbm.at[i10b], r10b, semb),
           pltpu.async_copy(table_hbm.at[i11b], r11b, semb)]

    for cp in cpa:
      cp.wait()
    _accumulate(r00a, r01a, r10a, r11a, w00a, w01a, w10a, w11a, outv)
    pltpu.sync_copy(outv, out_hbm.at[pl.ds(gba, _K)])

    for cp in cpb:
      cp.wait()
    _accumulate(r00b, r01b, r10b, r11b, w00b, w01b, w10b, w11b, outv)
    pltpu.sync_copy(outv, out_hbm.at[pl.ds(gbb, _K)])
    return carry

  lax.fori_loop(0, _NCHUNK // 2, chunk2, 0)


@jax.jit
def _run(x0, x1, x2, table):
  mesh = plsc.VectorSubcoreMesh(core_axis_name="c", subcore_axis_name="s")
  return pl.kernel(
      _body,
      out_type=jax.ShapeDtypeStruct((_N, _C), jnp.float32),
      mesh=mesh,
      scratch_types=(
          [pltpu.VMEM((_K,), jnp.float32)] * 3
          + ([pltpu.VMEM((_K,), jnp.int32)] * 4
             + [pltpu.VMEM((_K + _L,), jnp.float32)] * 4
             + [pltpu.VMEM((_K, _C), jnp.float32)] * 4) * 2
          + [pltpu.VMEM((_K, _C), jnp.float32)]
          + [pltpu.SemaphoreType.DMA] * 2
      ),
      compiler_params=pltpu.CompilerParams(use_tc_tiling_on_sc=False),
  )(x0, x1, x2, table)


_YB = 64


def _tpose_body(in_ref, out_ref):
  m = _YB * _W
  b = in_ref[...].reshape(_C, m)
  eye = jnp.eye(_C, dtype=jnp.float32)
  t = jax.lax.dot_general(b, eye, (((0,), (0,)), ((), ())))
  ci = lax.broadcasted_iota(jnp.int32, (_C, 128), 0)
  li = lax.broadcasted_iota(jnp.int32, (_C, 128), 1)
  acc = jnp.zeros((m // 8, 128), jnp.float32)
  for p in range(8):
    tp = lax.slice(t, (p, 0), (p + 8 * (m // 8 - 1) + 1, _C), (8, 1))
    gp = (li == 16 * p + ci).astype(jnp.float32)
    acc = acc + tp @ gp
  out_ref[...] = acc


@jax.jit
def _detile(tensor):
  return pl.pallas_call(
      _tpose_body,
      grid=(_H // _YB,),
      in_specs=[pl.BlockSpec((_C, _YB, _W), lambda i: (0, i, 0))],
      out_specs=pl.BlockSpec((_YB * _W * _C // 128, 128), lambda i: (i, 0)),
      out_shape=jax.ShapeDtypeStruct((_H * _W * _C // 128, 128), jnp.float32),
  )(tensor)


def kernel(x, tensor):
  table = jnp.transpose(tensor, (1, 2, 0)).reshape(_H * _W, _C)
  return _run(x[:, 0], x[:, 1], x[:, 2], table)

# --- scband reference (transcript-rebuilt; emitter-appended) ---
"""Pipeline reference for scband-array-ndsubdivided-88536455839953 (READ-ONLY COPY).

The authoritative reference and input builder live on the scoring server;
editing this copy changes nothing except your own understanding.
"""

import jax, jax.numpy as jnp
import numpy as np

OUT_CHANNELS = 16
INPUT_CHANNELS = [0, 1]
SIZE = [1024, 1024]
RANGE_MIN = np.array([0.0, 0.0, 0.0], dtype=np.float32)
RANGE_MAX = np.array([1.0, 1.0, 1.0], dtype=np.float32)
GRID_SIZE = [4, 4, 4]
TENSOR_SIZE = [SIZE[0] // GRID_SIZE[INPUT_CHANNELS[0]], SIZE[1] // GRID_SIZE[INPUT_CHANNELS[1]]]
FULL_SIZE = [TENSOR_SIZE[0], GRID_SIZE[0] * GRID_SIZE[1] * GRID_SIZE[2] * TENSOR_SIZE[1]]
N_POINTS = 1048576


def setup_inputs(seed: int = 0) -> dict:
    key = jax.random.key(seed)
    k1, k2 = jax.random.split(key)
    x = jax.random.uniform(k1, (N_POINTS, 3), dtype=jnp.float32)
    tensor = jax.random.uniform(k2, (OUT_CHANNELS, FULL_SIZE[1], FULL_SIZE[0]), dtype=jnp.float32, minval=-1.0, maxval=1.0)
    return {"x": x, "tensor": tensor}


def _grid_sample_bilinear_zeros(img, grid):
    # img: (C, H, W); grid: (N, 2) with (gx, gy) in [-1, 1]; align_corners=False, padding_mode='zeros'
    C, H, W = img.shape
    gx = grid[:, 0]
    gy = grid[:, 1]
    ix = ((gx + 1.0) * W - 1.0) / 2.0
    iy = ((gy + 1.0) * H - 1.0) / 2.0
    ix0 = jnp.floor(ix)
    iy0 = jnp.floor(iy)
    ix1 = ix0 + 1.0
    iy1 = iy0 + 1.0
    wx1 = ix - ix0
    wx0 = 1.0 - wx1
    wy1 = iy - iy0
    wy0 = 1.0 - wy1

    def corner(xf, yf):
        valid = (xf >= 0) & (xf <= W - 1) & (yf >= 0) & (yf <= H - 1)
        xi = jnp.clip(xf, 0, W - 1).astype(jnp.int32)
        yi = jnp.clip(yf, 0, H - 1).astype(jnp.int32)
        vals = img[:, yi, xi]  # gather -> (C, N)
        return vals * valid.astype(img.dtype)[None, :]

    out = (corner(ix0, iy0) * (wx0 * wy0)[None, :]
           + corner(ix1, iy0) * (wx1 * wy0)[None, :]
           + corner(ix0, iy1) * (wx0 * wy1)[None, :]
           + corner(ix1, iy1) * (wx1 * wy1)[None, :])
    return out


def _forward(x, tensor):
    mn = jnp.asarray(RANGE_MIN)
    mx = jnp.asarray(RANGE_MAX)
    gs = jnp.asarray(np.array(GRID_SIZE, dtype=np.float32))
    voxel = jnp.clip(x[:, :3], mn[None, :], mx[None, :])
    voxel_idx = jnp.floor((voxel - mn[None, :]) / (mx - mn)[None, :] * gs[None, :])
    voxel_idx = jnp.clip(voxel_idx, 0.0, gs[None, :] - 1.0)
    voxel_idx = (voxel_idx[:, 2] * float(GRID_SIZE[0] * GRID_SIZE[1])
                 + voxel_idx[:, 1] * float(GRID_SIZE[0])
                 + voxel_idx[:, 0])
    ic = np.array(INPUT_CHANNELS)
    xs = jnp.stack([x[:, c] for c in INPUT_CHANNELS], axis=-1)
    mn2 = mn[ic]
    mx2 = mx[ic]
    xs = (xs - mn2[None, :]) / (mx2 - mn2)[None, :]
    mask = ~jnp.any((xs < 0) | (xs > 1), axis=-1, keepdims=True)
    size_a = jnp.asarray(np.array(SIZE, dtype=np.float32))
    ts = jnp.asarray(np.array(TENSOR_SIZE, dtype=np.float32))
    fs = jnp.asarray(np.array(FULL_SIZE, dtype=np.float32))
    xs = jnp.remainder(xs * size_a[None, :], ts[None, :])
    xs = jnp.stack([xs[:, 0], xs[:, 1] + voxel_idx * ts[1]], axis=-1) / fs[None, :] * 2.0 - 1.0
    xs = jnp.where(mask, xs, 1e8)
    feature = _grid_sample_bilinear_zeros(tensor, xs)  # (C_out, N)
    return feature.T  # (N, C_out)


def reference(x, tensor):
    return _forward(x, tensor)

if __name__ == "__main__":
    import jax
    _d = setup_inputs()
    print(jax.jit(kernel)(*tuple(_d.values())))

</pallas_src>

<mosaic_0001>
#map = affine_map<(d0, d1) -> (0)>
#map1 = affine_map<(d0, d1) -> (0, 0)>
module attributes {stable_mosaic.version = 14 : i64} {
  func.func @_body(%arg0: i32, %arg1: i32, %arg2: memref<1048576xf32, #tpu.memory_space<hbm>>, %arg3: memref<1048576xf32, #tpu.memory_space<hbm>>, %arg4: memref<1048576xf32, #tpu.memory_space<hbm>>, %arg5: memref<4194304x16xf32, #tpu.memory_space<hbm>>, %arg6: memref<1048576x16xf32, #tpu.memory_space<hbm>>, %arg7: memref<128xf32, #tpu.memory_space<vmem>>, %arg8: memref<128xf32, #tpu.memory_space<vmem>>, %arg9: memref<128xf32, #tpu.memory_space<vmem>>, %arg10: memref<128xi32, #tpu.memory_space<vmem>>, %arg11: memref<128xi32, #tpu.memory_space<vmem>>, %arg12: memref<128xi32, #tpu.memory_space<vmem>>, %arg13: memref<128xi32, #tpu.memory_space<vmem>>, %arg14: memref<144xf32, #tpu.memory_space<vmem>>, %arg15: memref<144xf32, #tpu.memory_space<vmem>>, %arg16: memref<144xf32, #tpu.memory_space<vmem>>, %arg17: memref<144xf32, #tpu.memory_space<vmem>>, %arg18: memref<128x16xf32, #tpu.memory_space<vmem>>, %arg19: memref<128x16xf32, #tpu.memory_space<vmem>>, %arg20: memref<128x16xf32, #tpu.memory_space<vmem>>, %arg21: memref<128x16xf32, #tpu.memory_space<vmem>>, %arg22: memref<128xi32, #tpu.memory_space<vmem>>, %arg23: memref<128xi32, #tpu.memory_space<vmem>>, %arg24: memref<128xi32, #tpu.memory_space<vmem>>, %arg25: memref<128xi32, #tpu.memory_space<vmem>>, %arg26: memref<144xf32, #tpu.memory_space<vmem>>, %arg27: memref<144xf32, #tpu.memory_space<vmem>>, %arg28: memref<144xf32, #tpu.memory_space<vmem>>, %arg29: memref<144xf32, #tpu.memory_space<vmem>>, %arg30: memref<128x16xf32, #tpu.memory_space<vmem>>, %arg31: memref<128x16xf32, #tpu.memory_space<vmem>>, %arg32: memref<128x16xf32, #tpu.memory_space<vmem>>, %arg33: memref<128x16xf32, #tpu.memory_space<vmem>>, %arg34: memref<128x16xf32, #tpu.memory_space<vmem>>, %arg35: memref<!tpu.dma_semaphore, #tpu.memory_space<semaphore_mem>>, %arg36: memref<!tpu.dma_semaphore, #tpu.memory_space<semaphore_mem>>) attributes {dimension_semantics = [#tpu.dimension_semantics<core_parallel>, #tpu.dimension_semantics<subcore_parallel>], iteration_bounds = array<i64: 2, 16>, scalar_prefetch = 0 : i64, scratch_operands = 30 : i64, tpu.core_type = #tpu.core_type<sc_vector_subcore>, window_params = [{transform_indices = #map}, {transform_indices = #map}, {transform_indices = #map}, {transform_indices = #map1}, {transform_indices = #map1}]} {
    %mul3A = arith.constant 2 : i32
    %mul3A_0 = arith.muli %arg1, %mul3A : i32
    %add3A = arith.addi %mul3A_0, %arg0 : i32
    %mul3A_1 = arith.constant 32768 : i32
    %mul3A_2 = arith.muli %add3A, %mul3A_1 : i32
    %scan3A = arith.constant 0 : i32
    %scan3A_3 = arith.constant 0 : i32
    %scan3A_4 = arith.constant 128 : i32
    %scan3A_5 = arith.addi %scan3A_3, %scan3A_4 : i32
    %scan3A_6 = arith.constant 1 : i32
    scf.for %scan3A_8 = %scan3A_3 to %scan3A_5 step %scan3A_6  : i32 {
      %mul3A_9 = arith.constant 2 : i32
      %mul3A_10 = arith.muli %mul3A_9, %scan3A_8 : i32
      %mul3A_11 = arith.constant 128 : i32
      %mul3A_12 = arith.muli %mul3A_10, %mul3A_11 : i32
      %add3A_13 = arith.addi %mul3A_2, %mul3A_12 : i32
      %add3A_14 = arith.constant 128 : i32
      %add3A_15 = arith.addi %add3A_13, %add3A_14 : i32
      "tpu.region"() ({
        %run_scoped3A = tpu.sem_alloc : memref<!tpu.dma_semaphore, #tpu.memory_space<semaphore_mem>>
        %dma_start3A_4206 = tpu.memref_slice %arg2[%add3A_13] : memref<1048576xf32, #tpu.memory_space<hbm>> -> memref<128xf32, #tpu.memory_space<hbm>>
        %dma_start3A_4207 = tpu.memref_slice %arg2[%add3A_13] : memref<1048576xf32, #tpu.memory_space<hbm>> -> memref<128xf32, #tpu.memory_space<hbm>>
        tpu.enqueue_dma source(%dma_start3A_4207 : memref<128xf32, #tpu.memory_space<hbm>>) target(%arg7 : memref<128xf32, #tpu.memory_space<vmem>>) target_semaphore(%run_scoped3A : memref<!tpu.dma_semaphore, #tpu.memory_space<semaphore_mem>>)
        %dma_wait3A_4208 = tpu.memref_slice %arg2[%add3A_13] : memref<1048576xf32, #tpu.memory_space<hbm>> -> memref<128xf32, #tpu.memory_space<hbm>>
        %dma_wait3A_4209 = tpu.memref_slice %arg2[%add3A_13] : memref<1048576xf32, #tpu.memory_space<hbm>> -> memref<128xf32, #tpu.memory_space<hbm>>
        tpu.wait_dma2 semaphore(%run_scoped3A : memref<!tpu.dma_semaphore, #tpu.memory_space<semaphore_mem>>) src(%dma_wait3A_4209 : memref<128xf32, #tpu.memory_space<hbm>>) dst(%arg7 : memref<128xf32, #tpu.memory_space<vmem>>)
        tpu.yield
      }) : () -> ()
      "tpu.region"() ({
        %run_scoped3A = tpu.sem_alloc : memref<!tpu.dma_semaphore, #tpu.memory_space<semaphore_mem>>
        %dma_start3A_4206 = tpu.memref_slice %arg3[%add3A_13] : memref<1048576xf32, #tpu.memory_space<hbm>> -> memref<128xf32, #tpu.memory_space<hbm>>
        %dma_start3A_4207 = tpu.memref_slice %arg3[%add3A_13] : memref<1048576xf32, #tpu.memory_space<hbm>> -> memref<128xf32, #tpu.memory_space<hbm>>
        tpu.enqueue_dma source(%dma_start3A_4207 : memref<128xf32, #tpu.memory_space<hbm>>) target(%arg8 : memref<128xf32, #tpu.memory_space<vmem>>) target_semaphore(%run_scoped3A : memref<!tpu.dma_semaphore, #tpu.memory_space<semaphore_mem>>)
        %dma_wait3A_4208 = tpu.memref_slice %arg3[%add3A_13] : memref<1048576xf32, #tpu.memory_space<hbm>> -> memref<128xf32, #tpu.memory_space<hbm>>
        %dma_wait3A_4209 = tpu.memref_slice %arg3[%add3A_13] : memref<1048576xf32, #tpu.memory_space<hbm>> -> memref<128xf32, #tpu.memory_space<hbm>>
        tpu.wait_dma2 semaphore(%run_scoped3A : memref<!tpu.dma_semaphore, #tpu.memory_space<semaphore_mem>>) src(%dma_wait3A_4209 : memref<128xf32, #tpu.memory_space<hbm>>) dst(%arg8 : memref<128xf32, #tpu.memory_space<vmem>>)
        tpu.yield
      }) : () -> ()
      "tpu.region"() ({
        %run_scoped3A = tpu.sem_alloc : memref<!tpu.dma_semaphore, #tpu.memory_space<semaphore_mem>>
        %dma_start3A_4206 = tpu.memref_slice %arg4[%add3A_13] : memref<1048576xf32, #tpu.memory_space<hbm>> -> memref<128xf32, #tpu.memory_space<hbm>>
        %dma_start3A_4207 = tpu.memref_slice %arg4[%add3A_13] : memref<1048576xf32, #tpu.memory_space<hbm>> -> memref<128xf32, #tpu.memory_space<hbm>>
        tpu.enqueue_dma source(%dma_start3A_4207 : memref<128xf32, #tpu.memory_space<hbm>>) target(%arg9 : memref<128xf32, #tpu.memory_space<vmem>>) target_semaphore(%run_scoped3A : memref<!tpu.dma_semaphore, #tpu.memory_space<semaphore_mem>>)
        %dma_wait3A_4208 = tpu.memref_slice %arg4[%add3A_13] : memref<1048576xf32, #tpu.memory_space<hbm>> -> memref<128xf32, #tpu.memory_space<hbm>>
        %dma_wait3A_4209 = tpu.memref_slice %arg4[%add3A_13] : memref<1048576xf32, #tpu.memory_space<hbm>> -> memref<128xf32, #tpu.memory_space<hbm>>
        tpu.wait_dma2 semaphore(%run_scoped3A : memref<!tpu.dma_semaphore, #tpu.memory_space<semaphore_mem>>) src(%dma_wait3A_4209 : memref<128xf32, #tpu.memory_space<hbm>>) dst(%arg9 : memref<128xf32, #tpu.memory_space<vmem>>)
        tpu.yield
      }) : () -> ()
      %get3A = arith.constant 0 : index
      %get3A_16 = tpu.vector_load %arg7[%get3A] {strides = array<i32>} : memref<128xf32, #tpu.memory_space<vmem>>, vector<16xf32>,
      %get3A_17 = vector.shape_cast %get3A_16 : vector<16xf32> to vector<16xf32>
      %get3A_18 = arith.constant 0 : index
      %get3A_19 = tpu.vector_load %arg8[%get3A_18] {strides = array<i32>} : memref<128xf32, #tpu.memory_space<vmem>>, vector<16xf32>,
      %get3A_20 = vector.shape_cast %get3A_19 : vector<16xf32> to vector<16xf32>
      %get3A_21 = arith.constant 0 : index
      %get3A_22 = tpu.vector_load %arg9[%get3A_21] {strides = array<i32>} : memref<128xf32, #tpu.memory_space<vmem>>, vector<16xf32>,
      %get3A_23 = vector.shape_cast %get3A_22 : vector<16xf32> to vector<16xf32>
      %max3A = arith.constant 0.000000e+00 : f32
      %max3A_24 = vector.broadcast %max3A : f32 to vector<16xf32>
      %max3A_25 = arith.maximumf %get3A_17, %max3A_24 : vector<16xf32>
      %min3A = arith.constant 1.000000e+00 : f32
      %min3A_26 = vector.broadcast %min3A : f32 to vector<16xf32>
      %min3A_27 = arith.minimumf %max3A_25, %min3A_26 : vector<16xf32>
      %max3A_28 = arith.constant 0.000000e+00 : f32
      %max3A_29 = vector.broadcast %max3A_28 : f32 to vector<16xf32>
      %max3A_30 = arith.maximumf %get3A_20, %max3A_29 : vector<16xf32>
      %min3A_31 = arith.constant 1.000000e+00 : f32
      %min3A_32 = vector.broadcast %min3A_31 : f32 to vector<16xf32>
      %min3A_33 = arith.minimumf %max3A_30, %min3A_32 : vector<16xf32>
      %max3A_34 = arith.constant 0.000000e+00 : f32
      %max3A_35 = vector.broadcast %max3A_34 : f32 to vector<16xf32>
      %max3A_36 = arith.maximumf %get3A_23, %max3A_35 : vector<16xf32>
      %min3A_37 = arith.constant 1.000000e+00 : f32
      %min3A_38 = vector.broadcast %min3A_37 : f32 to vector<16xf32>
      %min3A_39 = arith.minimumf %max3A_36, %min3A_38 : vector<16xf32>
      %mul3A_40 = arith.constant 4.000000e+00 : f32
      %mul3A_41 = vector.broadcast %mul3A_40 : f32 to vector<16xf32>
      %mul3A_42 = arith.mulf %min3A_27, %mul3A_41 : vector<16xf32>
      %convert_element_type3A = arith.fptosi %mul3A_42 : vector<16xf32> to vector<16xi32>
      %min3A_43 = arith.constant 3 : i32
      %min3A_44 = vector.broadcast %min3A_43 : i32 to vector<16xi32>
      %min3A_45 = arith.minsi %convert_element_type3A, %min3A_44 : vector<16xi32>
      %mul3A_46 = arith.constant 4.000000e+00 : f32
      %mul3A_47 = vector.broadcast %mul3A_46 : f32 to vector<16xf32>
      %mul3A_48 = arith.mulf %min3A_33, %mul3A_47 : vector<16xf32>
      %convert_element_type3A_49 = arith.fptosi %mul3A_48 : vector<16xf32> to vector<16xi32>
      %min3A_50 = arith.constant 3 : i32
      %min3A_51 = vector.broadcast %min3A_50 : i32 to vector<16xi32>
      %min3A_52 = arith.minsi %convert_element_type3A_49, %min3A_51 : vector<16xi32>
      %mul3A_53 = arith.constant 4.000000e+00 : f32
      %mul3A_54 = vector.broadcast %mul3A_53 : f32 to vector<16xf32>
      %mul3A_55 = arith.mulf %min3A_39, %mul3A_54 : vector<16xf32>
      %convert_element_type3A_56 = arith.fptosi %mul3A_55 : vector<16xf32> to vector<16xi32>
      %min3A_57 = arith.constant 3 : i32
      %min3A_58 = vector.broadcast %min3A_57 : i32 to vector<16xi32>
      %min3A_59 = arith.minsi %convert_element_type3A_56, %min3A_58 : vector<16xi32>
      %mul3A_60 = arith.constant 16 : i32
      %mul3A_61 = vector.broadcast %mul3A_60 : i32 to vector<16xi32>
      %mul3A_62 = arith.muli %min3A_59, %mul3A_61 : vector<16xi32>
      %mul3A_63 = arith.constant 4 : i32
      %mul3A_64 = vector.broadcast %mul3A_63 : i32 to vector<16xi32>
      %mul3A_65 = arith.muli %min3A_52, %mul3A_64 : vector<16xi32>
      %add3A_66 = arith.addi %mul3A_62, %mul3A_65 : vector<16xi32>
      %add3A_67 = arith.addi %add3A_66, %min3A_45 : vector<16xi32>
      %mul3A_68 = arith.constant 1.024000e+03 : f32
      %mul3A_69 = vector.broadcast %mul3A_68 : f32 to vector<16xf32>
      %mul3A_70 = arith.mulf %get3A_17, %mul3A_69 : vector<16xf32>
      %mul3A_71 = arith.constant 1.024000e+03 : f32
      %mul3A_72 = vector.broadcast %mul3A_71 : f32 to vector<16xf32>
      %mul3A_73 = arith.mulf %get3A_20, %mul3A_72 : vector<16xf32>
      %mul3A_74 = arith.constant 3.906250e-03 : f32
      %mul3A_75 = vector.broadcast %mul3A_74 : f32 to vector<16xf32>
      %mul3A_76 = arith.mulf %mul3A_70, %mul3A_75 : vector<16xf32>
      %convert_element_type3A_77 = arith.fptosi %mul3A_76 : vector<16xf32> to vector<16xi32>
      %convert_element_type3A_78 = arith.sitofp %convert_element_type3A_77 : vector<16xi32> to vector<16xf32>
      %mul3A_79 = arith.constant 2.560000e+02 : f32
      %mul3A_80 = vector.broadcast %mul3A_79 : f32 to vector<16xf32>
      %mul3A_81 = arith.mulf %convert_element_type3A_78, %mul3A_80 : vector<16xf32>
      %sub3A = arith.subf %mul3A_70, %mul3A_81 : vector<16xf32>
      %mul3A_82 = arith.constant 3.906250e-03 : f32
      %mul3A_83 = vector.broadcast %mul3A_82 : f32 to vector<16xf32>
      %mul3A_84 = arith.mulf %mul3A_73, %mul3A_83 : vector<16xf32>
      %convert_element_type3A_85 = arith.fptosi %mul3A_84 : vector<16xf32> to vector<16xi32>
      %convert_element_type3A_86 = arith.sitofp %convert_element_type3A_85 : vector<16xi32> to vector<16xf32>
      %mul3A_87 = arith.constant 2.560000e+02 : f32
      %mul3A_88 = vector.broadcast %mul3A_87 : f32 to vector<16xf32>
      %mul3A_89 = arith.mulf %convert_element_type3A_86, %mul3A_88 : vector<16xf32>
      %sub3A_90 = arith.subf %mul3A_73, %mul3A_89 : vector<16xf32>
      %sub3A_91 = arith.constant 5.000000e-01 : f32
      %sub3A_92 = vector.broadcast %sub3A_91 : f32 to vector<16xf32>
      %sub3A_93 = arith.subf %sub3A, %sub3A_92 : vector<16xf32>
      %convert_element_type3A_94 = arith.sitofp %add3A_67 : vector<16xi32> to vector<16xf32>
      %mul3A_95 = arith.constant 2.560000e+02 : f32
      %mul3A_96 = vector.broadcast %mul3A_95 : f32 to vector<16xf32>
      %mul3A_97 = arith.mulf %convert_element_type3A_94, %mul3A_96 : vector<16xf32>
      %add3A_98 = arith.addf %sub3A_90, %mul3A_97 : vector<16xf32>
      %sub3A_99 = arith.constant 5.000000e-01 : f32
      %sub3A_100 = vector.broadcast %sub3A_99 : f32 to vector<16xf32>
      %sub3A_101 = arith.subf %add3A_98, %sub3A_100 : vector<16xf32>
      %add3A_102 = arith.constant 1.000000e+00 : f32
      %add3A_103 = vector.broadcast %add3A_102 : f32 to vector<16xf32>
      %add3A_104 = arith.addf %sub3A_93, %add3A_103 : vector<16xf32>
      %convert_element_type3A_105 = arith.fptosi %add3A_104 : vector<16xf32> to vector<16xi32>
      %sub3A_106 = arith.constant 1 : i32
      %sub3A_107 = vector.broadcast %sub3A_106 : i32 to vector<16xi32>
      %sub3A_108 = arith.subi %convert_element_type3A_105, %sub3A_107 : vector<16xi32>
      %add3A_109 = arith.constant 1.000000e+00 : f32
      %add3A_110 = vector.broadcast %add3A_109 : f32 to vector<16xf32>
      %add3A_111 = arith.addf %sub3A_101, %add3A_110 : vector<16xf32>
      %convert_element_type3A_112 = arith.fptosi %add3A_111 : vector<16xf32> to vector<16xi32>
      %sub3A_113 = arith.constant 1 : i32
      %sub3A_114 = vector.broadcast %sub3A_113 : i32 to vector<16xi32>
      %sub3A_115 = arith.subi %convert_element_type3A_112, %sub3A_114 : vector<16xi32>
      %convert_element_type3A_116 = arith.sitofp %sub3A_108 : vector<16xi32> to vector<16xf32>
      %sub3A_117 = arith.subf %sub3A_93, %convert_element_type3A_116 : vector<16xf32>
      %sub3A_118 = arith.constant 1.000000e+00 : f32
      %sub3A_119 = vector.broadcast %sub3A_118 : f32 to vector<16xf32>
      %sub3A_120 = arith.subf %sub3A_119, %sub3A_117 : vector<16xf32>
      %convert_element_type3A_121 = arith.sitofp %sub3A_115 : vector<16xi32> to vector<16xf32>
      %sub3A_122 = arith.subf %sub3A_101, %convert_element_type3A_121 : vector<16xf32>
      %sub3A_123 = arith.constant 1.000000e+00 : f32
      %sub3A_124 = vector.broadcast %sub3A_123 : f32 to vector<16xf32>
      %sub3A_125 = arith.subf %sub3A_124, %sub3A_122 : vector<16xf32>
      %ge3A = arith.constant 0.000000e+00 : f32
      %ge3A_126 = vector.broadcast %ge3A : f32 to vector<16xf32>
      %ge3A_127 = arith.cmpf oge, %get3A_17, %ge3A_126 : vector<16xf32>
      %le3A = arith.constant 1.000000e+00 : f32
      %le3A_128 = vector.broadcast %le3A : f32 to vector<16xf32>
      %le3A_129 = arith.cmpf ole, %get3A_17, %le3A_128 : vector<16xf32>
      %and3A = arith.andi %ge3A_127, %le3A_129 : vector<16xi1>
      %ge3A_130 = arith.constant 0.000000e+00 : f32
      %ge3A_131 = vector.broadcast %ge3A_130 : f32 to vector<16xf32>
      %ge3A_132 = arith.cmpf oge, %get3A_20, %ge3A_131 : vector<16xf32>
      %and3A_133 = arith.andi %and3A, %ge3A_132 : vector<16xi1>
      %le3A_134 = arith.constant 1.000000e+00 : f32
      %le3A_135 = vector.broadcast %le3A_134 : f32 to vector<16xf32>
      %le3A_136 = arith.cmpf ole, %get3A_20, %le3A_135 : vector<16xf32>
      %and3A_137 = arith.andi %and3A_133, %le3A_136 : vector<16xi1>
      %jit3A = arith.constant 1.000000e+00 : f32
      %jit3A_138 = arith.constant 0.000000e+00 : f32
      %broadcast_in_dim3A = vector.broadcast %jit3A : f32 to vector<16xf32>
      %broadcast_in_dim3A_139 = vector.broadcast %jit3A_138 : f32 to vector<16xf32>
      %select_n3A = arith.select %and3A_137, %broadcast_in_dim3A, %broadcast_in_dim3A_139 : vector<16xi1>, vector<16xf32>
      %add3A_140 = arith.constant 1 : i32
      %add3A_141 = vector.broadcast %add3A_140 : i32 to vector<16xi32>
      %add3A_142 = arith.addi %sub3A_108, %add3A_141 : vector<16xi32>
      %add3A_143 = arith.constant 1 : i32
      %add3A_144 = vector.broadcast %add3A_143 : i32 to vector<16xi32>
      %add3A_145 = arith.addi %sub3A_115, %add3A_144 : vector<16xi32>
      %ge3A_146 = arith.constant 0 : i32
      %ge3A_147 = vector.broadcast %ge3A_146 : i32 to vector<16xi32>
      %ge3A_148 = arith.cmpi sge, %sub3A_108, %ge3A_147 : vector<16xi32>
      %le3A_149 = arith.constant 255 : i32
      %le3A_150 = vector.broadcast %le3A_149 : i32 to vector<16xi32>
      %le3A_151 = arith.cmpi sle, %sub3A_108, %le3A_150 : vector<16xi32>
      %and3A_152 = arith.andi %ge3A_148, %le3A_151 : vector<16xi1>
      %jit3A_153 = arith.constant 1.000000e+00 : f32
      %jit3A_154 = arith.constant 0.000000e+00 : f32
      %broadcast_in_dim3A_155 = vector.broadcast %jit3A_153 : f32 to vector<16xf32>
      %broadcast_in_dim3A_156 = vector.broadcast %jit3A_154 : f32 to vector<16xf32>
      %select_n3A_157 = arith.select %and3A_152, %broadcast_in_dim3A_155, %broadcast_in_dim3A_156 : vector<16xi1>, vector<16xf32>
      %ge3A_158 = arith.constant 0 : i32
      %ge3A_159 = vector.broadcast %ge3A_158 : i32 to vector<16xi32>
      %ge3A_160 = arith.cmpi sge, %add3A_142, %ge3A_159 : vector<16xi32>
      %le3A_161 = arith.constant 255 : i32
      %le3A_162 = vector.broadcast %le3A_161 : i32 to vector<16xi32>
      %le3A_163 = arith.cmpi sle, %add3A_142, %le3A_162 : vector<16xi32>
      %and3A_164 = arith.andi %ge3A_160, %le3A_163 : vector<16xi1>
      %jit3A_165 = arith.constant 1.000000e+00 : f32
      %jit3A_166 = arith.constant 0.000000e+00 : f32
      %broadcast_in_dim3A_167 = vector.broadcast %jit3A_165 : f32 to vector<16xf32>
      %broadcast_in_dim3A_168 = vector.broadcast %jit3A_166 : f32 to vector<16xf32>
      %select_n3A_169 = arith.select %and3A_164, %broadcast_in_dim3A_167, %broadcast_in_dim3A_168 : vector<16xi1>, vector<16xf32>
      %ge3A_170 = arith.constant 0 : i32
      %ge3A_171 = vector.broadcast %ge3A_170 : i32 to vector<16xi32>
      %ge3A_172 = arith.cmpi sge, %sub3A_115, %ge3A_171 : vector<16xi32>
      %le3A_173 = arith.constant 16383 : i32
      %le3A_174 = vector.broadcast %le3A_173 : i32 to vector<16xi32>
      %le3A_175 = arith.cmpi sle, %sub3A_115, %le3A_174 : vector<16xi32>
      %and3A_176 = arith.andi %ge3A_172, %le3A_175 : vector<16xi1>
      %jit3A_177 = arith.constant 0.000000e+00 : f32
      %broadcast_in_dim3A_178 = vector.broadcast %jit3A_177 : f32 to vector<16xf32>
      %select_n3A_179 = arith.select %and3A_176, %select_n3A, %broadcast_in_dim3A_178 : vector<16xi1>, vector<16xf32>
      %ge3A_180 = arith.constant 0 : i32
      %ge3A_181 = vector.broadcast %ge3A_180 : i32 to vector<16xi32>
      %ge3A_182 = arith.cmpi sge, %add3A_145, %ge3A_181 : vector<16xi32>
      %le3A_183 = arith.constant 16383 : i32
      %le3A_184 = vector.broadcast %le3A_183 : i32 to vector<16xi32>
      %le3A_185 = arith.cmpi sle, %add3A_145, %le3A_184 : vector<16xi32>
      %and3A_186 = arith.andi %ge3A_182, %le3A_185 : vector<16xi1>
      %jit3A_187 = arith.constant 0.000000e+00 : f32
      %broadcast_in_dim3A_188 = vector.broadcast %jit3A_187 : f32 to vector<16xf32>
      %select_n3A_189 = arith.select %and3A_186, %select_n3A, %broadcast_in_dim3A_188 : vector<16xi1>, vector<16xf32>
      %mul3A_190 = arith.mulf %sub3A_120, %select_n3A_157 : vector<16xf32>
      %mul3A_191 = arith.mulf %sub3A_117, %select_n3A_169 : vector<16xf32>
      %mul3A_192 = arith.mulf %sub3A_125, %select_n3A_179 : vector<16xf32>
      %mul3A_193 = arith.mulf %sub3A_122, %select_n3A_189 : vector<16xf32>
      %max3A_194 = arith.constant 0 : i32
      %max3A_195 = vector.broadcast %max3A_194 : i32 to vector<16xi32>
      %max3A_196 = arith.maxsi %sub3A_108, %max3A_195 : vector<16xi32>
      %min3A_197 = arith.constant 255 : i32
      %min3A_198 = vector.broadcast %min3A_197 : i32 to vector<16xi32>
      %min3A_199 = arith.minsi %max3A_196, %min3A_198 : vector<16xi32>
      %max3A_200 = arith.constant 0 : i32
      %max3A_201 = vector.broadcast %max3A_200 : i32 to vector<16xi32>
      %max3A_202 = arith.maxsi %add3A_142, %max3A_201 : vector<16xi32>
      %min3A_203 = arith.constant 255 : i32
      %min3A_204 = vector.broadcast %min3A_203 : i32 to vector<16xi32>
      %min3A_205 = arith.minsi %max3A_202, %min3A_204 : vector<16xi32>
      %max3A_206 = arith.constant 0 : i32
      %max3A_207 = vector.broadcast %max3A_206 : i32 to vector<16xi32>
      %max3A_208 = arith.maxsi %sub3A_115, %max3A_207 : vector<16xi32>
      %min3A_209 = arith.constant 16383 : i32
      %min3A_210 = vector.broadcast %min3A_209 : i32 to vector<16xi32>
      %min3A_211 = arith.minsi %max3A_208, %min3A_210 : vector<16xi32>
      %mul3A_212 = arith.constant 256 : i32
      %mul3A_213 = vector.broadcast %mul3A_212 : i32 to vector<16xi32>
      %mul3A_214 = arith.muli %min3A_211, %mul3A_213 : vector<16xi32>
      %max3A_215 = arith.constant 0 : i32
      %max3A_216 = vector.broadcast %max3A_215 : i32 to vector<16xi32>
      %max3A_217 = arith.maxsi %add3A_145, %max3A_216 : vector<16xi32>
      %min3A_218 = arith.constant 16383 : i32
      %min3A_219 = vector.broadcast %min3A_218 : i32 to vector<16xi32>
      %min3A_220 = arith.minsi %max3A_217, %min3A_219 : vector<16xi32>
      %mul3A_221 = arith.constant 256 : i32
      %mul3A_222 = vector.broadcast %mul3A_221 : i32 to vector<16xi32>
      %mul3A_223 = arith.muli %min3A_220, %mul3A_222 : vector<16xi32>
      %add3A_224 = arith.addi %mul3A_214, %min3A_199 : vector<16xi32>
      %swap3A = arith.constant 0 : index
      %swap3A_225 = tpu.vector_load %arg10[%swap3A] {strides = array<i32>} : memref<128xi32, #tpu.memory_space<vmem>>, vector<16xi32>,
      %swap3A_226 = vector.shape_cast %swap3A_225 : vector<16xi32> to vector<16xi32>
      %swap3A_227 = vector.shape_cast %add3A_224 : vector<16xi32> to vector<16xi32>
      tpu.vector_store %arg10[%swap3A], %swap3A_227 {strides = array<i32>} : memref<128xi32, #tpu.memory_space<vmem>>, vector<16xi32>,
      %add3A_228 = arith.addi %mul3A_214, %min3A_205 : vector<16xi32>
      %swap3A_229 = arith.constant 0 : index
      %swap3A_230 = tpu.vector_load %arg11[%swap3A_229] {strides = array<i32>} : memref<128xi32, #tpu.memory_space<vmem>>, vector<16xi32>,
      %swap3A_231 = vector.shape_cast %swap3A_230 : vector<16xi32> to vector<16xi32>
      %swap3A_232 = vector.shape_cast %add3A_228 : vector<16xi32> to vector<16xi32>
      tpu.vector_store %arg11[%swap3A_229], %swap3A_232 {strides = array<i32>} : memref<128xi32, #tpu.memory_space<vmem>>, vector<16xi32>,
      %add3A_233 = arith.addi %mul3A_223, %min3A_199 : vector<16xi32>
      %swap3A_234 = arith.constant 0 : index
      %swap3A_235 = tpu.vector_load %arg12[%swap3A_234] {strides = array<i32>} : memref<128xi32, #tpu.memory_space<vmem>>, vector<16xi32>,
      %swap3A_236 = vector.shape_cast %swap3A_235 : vector<16xi32> to vector<16xi32>
      %swap3A_237 = vector.shape_cast %add3A_233 : vector<16xi32> to vector<16xi32>
      tpu.vector_store %arg12[%swap3A_234], %swap3A_237 {strides = array<i32>} : memref<128xi32, #tpu.memory_space<vmem>>, vector<16xi32>,
      %add3A_238 = arith.addi %mul3A_223, %min3A_205 : vector<16xi32>
      %swap3A_239 = arith.constant 0 : index
      %swap3A_240 = tpu.vector_load %arg13[%swap3A_239] {strides = array<i32>} : memref<128xi32, #tpu.memory_space<vmem>>, vector<16xi32>,
      %swap3A_241 = vector.shape_cast %swap3A_240 : vector<16xi32> to vector<16xi32>
      %swap3A_242 = vector.shape_cast %add3A_238 : vector<16xi32> to vector<16xi32>
      tpu.vector_store %arg13[%swap3A_239], %swap3A_242 {strides = array<i32>} : memref<128xi32, #tpu.memory_space<vmem>>, vector<16xi32>,
      %mul3A_243 = arith.mulf %mul3A_190, %mul3A_192 : vector<16xf32>
      %swap3A_244 = arith.constant 0 : index
      %swap3A_245 = tpu.vector_load %arg14[%swap3A_244] {strides = array<i32>} : memref<144xf32, #tpu.memory_space<vmem>>, vector<16xf32>,
      %swap3A_246 = vector.shape_cast %swap3A_245 : vector<16xf32> to vector<16xf32>
      %swap3A_247 = vector.shape_cast %mul3A_243 : vector<16xf32> to vector<16xf32>
      tpu.vector_store %arg14[%swap3A_244], %swap3A_247 {strides = array<i32>} : memref<144xf32, #tpu.memory_space<vmem>>, vector<16xf32>,
      %mul3A_248 = arith.mulf %mul3A_191, %mul3A_192 : vector<16xf32>
      %swap3A_249 = arith.constant 0 : index
      %swap3A_250 = tpu.vector_load %arg15[%swap3A_249] {strides = array<i32>} : memref<144xf32, #tpu.memory_space<vmem>>, vector<16xf32>,
      %swap3A_251 = vector.shape_cast %swap3A_250 : vector<16xf32> to vector<16xf32>
      %swap3A_252 = vector.shape_cast %mul3A_248 : vector<16xf32> to vector<16xf32>
      tpu.vector_store %arg15[%swap3A_249], %swap3A_252 {strides = array<i32>} : memref<144xf32, #tpu.memory_space<vmem>>, vector<16xf32>,
      %mul3A_253 = arith.mulf %mul3A_190, %mul3A_193 : vector<16xf32>
      %swap3A_254 = arith.constant 0 : index
      %swap3A_255 = tpu.vector_load %arg16[%swap3A_254] {strides = array<i32>} : memref<144xf32, #tpu.memory_space<vmem>>, vector<16xf32>,
      %swap3A_256 = vector.shape_cast %swap3A_255 : vector<16xf32> to vector<16xf32>
      %swap3A_257 = vector.shape_cast %mul3A_253 : vector<16xf32> to vector<16xf32>
      tpu.vector_store %arg16[%swap3A_254], %swap3A_257 {strides = array<i32>} : memref<144xf32, #tpu.memory_space<vmem>>, vector<16xf32>,
      %mul3A_258 = arith.mulf %mul3A_191, %mul3A_193 : vector<16xf32>
      %swap3A_259 = arith.constant 0 : index
      %swap3A_260 = tpu.vector_load %arg17[%swap3A_259] {strides = array<i32>} : memref<144xf32, #tpu.memory_space<vmem>>, vector<16xf32>,
      %swap3A_261 = vector.shape_cast %swap3A_260 : vector<16xf32> to vector<16xf32>
      %swap3A_262 = vector.shape_cast %mul3A_258 : vector<16xf32> to vector<16xf32>
      tpu.vector_store %arg17[%swap3A_259], %swap3A_262 {strides = array<i32>} : memref<144xf32, #tpu.memory_space<vmem>>, vector<16xf32>,
      %get3A_263 = arith.constant 16 : index
      %get3A_264 = tpu.vector_load %arg7[%get3A_263] {strides = array<i32>} : memref<128xf32, #tpu.memory_space<vmem>>, vector<16xf32>,
      %get3A_265 = vector.shape_cast %get3A_264 : vector<16xf32> to vector<16xf32>
      %get3A_266 = arith.constant 16 : index
      %get3A_267 = tpu.vector_load %arg8[%get3A_266] {strides = array<i32>} : memref<128xf32, #tpu.memory_space<vmem>>, vector<16xf32>,
      %get3A_268 = vector.shape_cast %get3A_267 : vector<16xf32> to vector<16xf32>
      %get3A_269 = arith.constant 16 : index
      %get3A_270 = tpu.vector_load %arg9[%get3A_269] {strides = array<i32>} : memref<128xf32, #tpu.memory_space<vmem>>, vector<16xf32>,
      %get3A_271 = vector.shape_cast %get3A_270 : vector<16xf32> to vector<16xf32>
      %max3A_272 = arith.constant 0.000000e+00 : f32
      %max3A_273 = vector.broadcast %max3A_272 : f32 to vector<16xf32>
      %max3A_274 = arith.maximumf %get3A_265, %max3A_273 : vector<16xf32>
      %min3A_275 = arith.constant 1.000000e+00 : f32
      %min3A_276 = vector.broadcast %min3A_275 : f32 to vector<16xf32>
      %min3A_277 = arith.minimumf %max3A_274, %min3A_276 : vector<16xf32>
      %max3A_278 = arith.constant 0.000000e+00 : f32
      %max3A_279 = vector.broadcast %max3A_278 : f32 to vector<16xf32>
      %max3A_280 = arith.maximumf %get3A_268, %max3A_279 : vector<16xf32>
      %min3A_281 = arith.constant 1.000000e+00 : f32
      %min3A_282 = vector.broadcast %min3A_281 : f32 to vector<16xf32>
      %min3A_283 = arith.minimumf %max3A_280, %min3A_282 : vector<16xf32>
      %max3A_284 = arith.constant 0.000000e+00 : f32
      %max3A_285 = vector.broadcast %max3A_284 : f32 to vector<16xf32>
      %max3A_286 = arith.maximumf %get3A_271, %max3A_285 : vector<16xf32>
      %min3A_287 = arith.constant 1.000000e+00 : f32
      %min3A_288 = vector.broadcast %min3A_287 : f32 to vector<16xf32>
      %min3A_289 = arith.minimumf %max3A_286, %min3A_288 : vector<16xf32>
      %mul3A_290 = arith.constant 4.000000e+00 : f32
      %mul3A_291 = vector.broadcast %mul3A_290 : f32 to vector<16xf32>
      %mul3A_292 = arith.mulf %min3A_277, %mul3A_291 : vector<16xf32>
      %convert_element_type3A_293 = arith.fptosi %mul3A_292 : vector<16xf32> to vector<16xi32>
      %min3A_294 = arith.constant 3 : i32
      %min3A_295 = vector.broadcast %min3A_294 : i32 to vector<16xi32>
      %min3A_296 = arith.minsi %convert_element_type3A_293, %min3A_295 : vector<16xi32>
      %mul3A_297 = arith.constant 4.000000e+00 : f32
      %mul3A_298 = vector.broadcast %mul3A_297 : f32 to vector<16xf32>
      %mul3A_299 = arith.mulf %min3A_283, %mul3A_298 : vector<16xf32>
      %convert_element_type3A_300 = arith.fptosi %mul3A_299 : vector<16xf32> to vector<16xi32>
      %min3A_301 = arith.constant 3 : i32
      %min3A_302 = vector.broadcast %min3A_301 : i32 to vector<16xi32>
      %min3A_303 = arith.minsi %convert_element_type3A_300, %min3A_302 : vector<16xi32>
      %mul3A_304 = arith.constant 4.000000e+00 : f32
      %mul3A_305 = vector.broadcast %mul3A_304 : f32 to vector<16xf32>
      %mul3A_306 = arith.mulf %min3A_289, %mul3A_305 : vector<16xf32>
      %convert_element_type3A_307 = arith.fptosi %mul3A_306 : vector<16xf32> to vector<16xi32>
      %min3A_308 = arith.constant 3 : i32
      %min3A_309 = vector.broadcast %min3A_308 : i32 to vector<16xi32>
      %min3A_310 = arith.minsi %convert_element_type3A_307, %min3A_309 : vector<16xi32>
      %mul3A_311 = arith.constant 16 : i32
      %mul3A_312 = vector.broadcast %mul3A_311 : i32 to vector<16xi32>
      %mul3A_313 = arith.muli %min3A_310, %mul3A_312 : vector<16xi32>
      %mul3A_314 = arith.constant 4 : i32
      %mul3A_315 = vector.broadcast %mul3A_314 : i32 to vector<16xi32>
      %mul3A_316 = arith.muli %min3A_303, %mul3A_315 : vector<16xi32>
      %add3A_317 = arith.addi %mul3A_313, %mul3A_316 : vector<16xi32>
      %add3A_318 = arith.addi %add3A_317, %min3A_296 : vector<16xi32>
      %mul3A_319 = arith.constant 1.024000e+03 : f32
      %mul3A_320 = vector.broadcast %mul3A_319 : f32 to vector<16xf32>
      %mul3A_321 = arith.mulf %get3A_265, %mul3A_320 : vector<16xf32>
      %mul3A_322 = arith.constant 1.024000e+03 : f32
      %mul3A_323 = vector.broadcast %mul3A_322 : f32 to vector<16xf32>
      %mul3A_324 = arith.mulf %get3A_268, %mul3A_323 : vector<16xf32>
      %mul3A_325 = arith.constant 3.906250e-03 : f32
      %mul3A_326 = vector.broadcast %mul3A_325 : f32 to vector<16xf32>
      %mul3A_327 = arith.mulf %mul3A_321, %mul3A_326 : vector<16xf32>
      %convert_element_type3A_328 = arith.fptosi %mul3A_327 : vector<16xf32> to vector<16xi32>
      %convert_element_type3A_329 = arith.sitofp %convert_element_type3A_328 : vector<16xi32> to vector<16xf32>
      %mul3A_330 = arith.constant 2.560000e+02 : f32
      %mul3A_331 = vector.broadcast %mul3A_330 : f32 to vector<16xf32>
      %mul3A_332 = arith.mulf %convert_element_type3A_329, %mul3A_331 : vector<16xf32>
      %sub3A_333 = arith.subf %mul3A_321, %mul3A_332 : vector<16xf32>
      %mul3A_334 = arith.constant 3.906250e-03 : f32
      %mul3A_335 = vector.broadcast %mul3A_334 : f32 to vector<16xf32>
      %mul3A_336 = arith.mulf %mul3A_324, %mul3A_335 : vector<16xf32>
      %convert_element_type3A_337 = arith.fptosi %mul3A_336 : vector<16xf32> to vector<16xi32>
      %convert_element_type3A_338 = arith.sitofp %convert_element_type3A_337 : vector<16xi32> to vector<16xf32>
      %mul3A_339 = arith.constant 2.560000e+02 : f32
      %mul3A_340 = vector.broadcast %mul3A_339 : f32 to vector<16xf32>
      %mul3A_341 = arith.mulf %convert_element_type3A_338, %mul3A_340 : vector<16xf32>
      %sub3A_342 = arith.subf %mul3A_324, %mul3A_341 : vector<16xf32>
      %sub3A_343 = arith.constant 5.000000e-01 : f32
      %sub3A_344 = vector.broadcast %sub3A_343 : f32 to vector<16xf32>
      %sub3A_345 = arith.subf %sub3A_333, %sub3A_344 : vector<16xf32>
      %convert_element_type3A_346 = arith.sitofp %add3A_318 : vector<16xi32> to vector<16xf32>
      %mul3A_347 = arith.constant 2.560000e+02 : f32
      %mul3A_348 = vector.broadcast %mul3A_347 : f32 to vector<16xf32>
      %mul3A_349 = arith.mulf %convert_element_type3A_346, %mul3A_348 : vector<16xf32>
      %add3A_350 = arith.addf %sub3A_342, %mul3A_349 : vector<16xf32>
      %sub3A_351 = arith.constant 5.000000e-01 : f32
      %sub3A_352 = vector.broadcast %sub3A_351 : f32 to vector<16xf32>
      %sub3A_353 = arith.subf %add3A_350, %sub3A_352 : vector<16xf32>
      %add3A_354 = arith.constant 1.000000e+00 : f32
      %add3A_355 = vector.broadcast %add3A_354 : f32 to vector<16xf32>
      %add3A_356 = arith.addf %sub3A_345, %add3A_355 : vector<16xf32>
      %convert_element_type3A_357 = arith.fptosi %add3A_356 : vector<16xf32> to vector<16xi32>
      %sub3A_358 = arith.constant 1 : i32
      %sub3A_359 = vector.broadcast %sub3A_358 : i32 to vector<16xi32>
      %sub3A_360 = arith.subi %convert_element_type3A_357, %sub3A_359 : vector<16xi32>
      %add3A_361 = arith.constant 1.000000e+00 : f32
      %add3A_362 = vector.broadcast %add3A_361 : f32 to vector<16xf32>
      %add3A_363 = arith.addf %sub3A_353, %add3A_362 : vector<16xf32>
      %convert_element_type3A_364 = arith.fptosi %add3A_363 : vector<16xf32> to vector<16xi32>
      %sub3A_365 = arith.constant 1 : i32
      %sub3A_366 = vector.broadcast %sub3A_365 : i32 to vector<16xi32>
      %sub3A_367 = arith.subi %convert_element_type3A_364, %sub3A_366 : vector<16xi32>
      %convert_element_type3A_368 = arith.sitofp %sub3A_360 : vector<16xi32> to vector<16xf32>
      %sub3A_369 = arith.subf %sub3A_345, %convert_element_type3A_368 : vector<16xf32>
      %sub3A_370 = arith.constant 1.000000e+00 : f32
      %sub3A_371 = vector.broadcast %sub3A_370 : f32 to vector<16xf32>
      %sub3A_372 = arith.subf %sub3A_371, %sub3A_369 : vector<16xf32>
      %convert_element_type3A_373 = arith.sitofp %sub3A_367 : vector<16xi32> to vector<16xf32>
      %sub3A_374 = arith.subf %sub3A_353, %convert_element_type3A_373 : vector<16xf32>
      %sub3A_375 = arith.constant 1.000000e+00 : f32
      %sub3A_376 = vector.broadcast %sub3A_375 : f32 to vector<16xf32>
      %sub3A_377 = arith.subf %sub3A_376, %sub3A_374 : vector<16xf32>
      %ge3A_378 = arith.constant 0.000000e+00 : f32
      %ge3A_379 = vector.broadcast %ge3A_378 : f32 to vector<16xf32>
      %ge3A_380 = arith.cmpf oge, %get3A_265, %ge3A_379 : vector<16xf32>
      %le3A_381 = arith.constant 1.000000e+00 : f32
      %le3A_382 = vector.broadcast %le3A_381 : f32 to vector<16xf32>
      %le3A_383 = arith.cmpf ole, %get3A_265, %le3A_382 : vector<16xf32>
      %and3A_384 = arith.andi %ge3A_380, %le3A_383 : vector<16xi1>
      %ge3A_385 = arith.constant 0.000000e+00 : f32
      %ge3A_386 = vector.broadcast %ge3A_385 : f32 to vector<16xf32>
      %ge3A_387 = arith.cmpf oge, %get3A_268, %ge3A_386 : vector<16xf32>
      %and3A_388 = arith.andi %and3A_384, %ge3A_387 : vector<16xi1>
      %le3A_389 = arith.constant 1.000000e+00 : f32
      %le3A_390 = vector.broadcast %le3A_389 : f32 to vector<16xf32>
      %le3A_391 = arith.cmpf ole, %get3A_268, %le3A_390 : vector<16xf32>
      %and3A_392 = arith.andi %and3A_388, %le3A_391 : vector<16xi1>
      %jit3A_393 = arith.constant 1.000000e+00 : f32
      %jit3A_394 = arith.constant 0.000000e+00 : f32
      %broadcast_in_dim3A_395 = vector.broadcast %jit3A_393 : f32 to vector<16xf32>
      %broadcast_in_dim3A_396 = vector.broadcast %jit3A_394 : f32 to vector<16xf32>
      %select_n3A_397 = arith.select %and3A_392, %broadcast_in_dim3A_395, %broadcast_in_dim3A_396 : vector<16xi1>, vector<16xf32>
      %add3A_398 = arith.constant 1 : i32
      %add3A_399 = vector.broadcast %add3A_398 : i32 to vector<16xi32>
      %add3A_400 = arith.addi %sub3A_360, %add3A_399 : vector<16xi32>
      %add3A_401 = arith.constant 1 : i32
      %add3A_402 = vector.broadcast %add3A_401 : i32 to vector<16xi32>
      %add3A_403 = arith.addi %sub3A_367, %add3A_402 : vector<16xi32>
      %ge3A_404 = arith.constant 0 : i32
      %ge3A_405 = vector.broadcast %ge3A_404 : i32 to vector<16xi32>
      %ge3A_406 = arith.cmpi sge, %sub3A_360, %ge3A_405 : vector<16xi32>
      %le3A_407 = arith.constant 255 : i32
      %le3A_408 = vector.broadcast %le3A_407 : i32 to vector<16xi32>
      %le3A_409 = arith.cmpi sle, %sub3A_360, %le3A_408 : vector<16xi32>
      %and3A_410 = arith.andi %ge3A_406, %le3A_409 : vector<16xi1>
      %jit3A_411 = arith.constant 1.000000e+00 : f32
      %jit3A_412 = arith.constant 0.000000e+00 : f32
      %broadcast_in_dim3A_413 = vector.broadcast %jit3A_411 : f32 to vector<16xf32>
      %broadcast_in_dim3A_414 = vector.broadcast %jit3A_412 : f32 to vector<16xf32>
      %select_n3A_415 = arith.select %and3A_410, %broadcast_in_dim3A_413, %broadcast_in_dim3A_414 : vector<16xi1>, vector<16xf32>
      %ge3A_416 = arith.constant 0 : i32
      %ge3A_417 = vector.broadcast %ge3A_416 : i32 to vector<16xi32>
      %ge3A_418 = arith.cmpi sge, %add3A_400, %ge3A_417 : vector<16xi32>
      %le3A_419 = arith.constant 255 : i32
      %le3A_420 = vector.broadcast %le3A_419 : i32 to vector<16xi32>
      %le3A_421 = arith.cmpi sle, %add3A_400, %le3A_420 : vector<16xi32>
      %and3A_422 = arith.andi %ge3A_418, %le3A_421 : vector<16xi1>
      %jit3A_423 = arith.constant 1.000000e+00 : f32
      %jit3A_424 = arith.constant 0.000000e+00 : f32
      %broadcast_in_dim3A_425 = vector.broadcast %jit3A_423 : f32 to vector<16xf32>
      %broadcast_in_dim3A_426 = vector.broadcast %jit3A_424 : f32 to vector<16xf32>
      %select_n3A_427 = arith.select %and3A_422, %broadcast_in_dim3A_425, %broadcast_in_dim3A_426 : vector<16xi1>, vector<16xf32>
      %ge3A_428 = arith.constant 0 : i32
      %ge3A_429 = vector.broadcast %ge3A_428 : i32 to vector<16xi32>
      %ge3A_430 = arith.cmpi sge, %sub3A_367, %ge3A_429 : vector<16xi32>
      %le3A_431 = arith.constant 16383 : i32
      %le3A_432 = vector.broadcast %le3A_431 : i32 to vector<16xi32>
      %le3A_433 = arith.cmpi sle, %sub3A_367, %le3A_432 : vector<16xi32>
      %and3A_434 = arith.andi %ge3A_430, %le3A_433 : vector<16xi1>
      %jit3A_435 = arith.constant 0.000000e+00 : f32
      %broadcast_in_dim3A_436 = vector.broadcast %jit3A_435 : f32 to vector<16xf32>
      %select_n3A_437 = arith.select %and3A_434, %select_n3A_397, %broadcast_in_dim3A_436 : vector<16xi1>, vector<16xf32>
      %ge3A_438 = arith.constant 0 : i32
      %ge3A_439 = vector.broadcast %ge3A_438 : i32 to vector<16xi32>
      %ge3A_440 = arith.cmpi sge, %add3A_403, %ge3A_439 : vector<16xi32>
      %le3A_441 = arith.constant 16383 : i32
      %le3A_442 = vector.broadcast %le3A_441 : i32 to vector<16xi32>
      %le3A_443 = arith.cmpi sle, %add3A_403, %le3A_442 : vector<16xi32>
      %and3A_444 = arith.andi %ge3A_440, %le3A_443 : vector<16xi1>
      %jit3A_445 = arith.constant 0.000000e+00 : f32
      %broadcast_in_dim3A_446 = vector.broadcast %jit3A_445 : f32 to vector<16xf32>
      %select_n3A_447 = arith.select %and3A_444, %select_n3A_397, %broadcast_in_dim3A_446 : vector<16xi1>, vector<16xf32>
      %mul3A_448 = arith.mulf %sub3A_372, %select_n3A_415 : vector<16xf32>
      %mul3A_449 = arith.mulf %sub3A_369, %select_n3A_427 : vector<16xf32>
      %mul3A_450 = arith.mulf %sub3A_377, %select_n3A_437 : vector<16xf32>
      %mul3A_451 = arith.mulf %sub3A_374, %select_n3A_447 : vector<16xf32>
      %max3A_452 = arith.constant 0 : i32
      %max3A_453 = vector.broadcast %max3A_452 : i32 to vector<16xi32>
      %max3A_454 = arith.maxsi %sub3A_360, %max3A_453 : vector<16xi32>
      %min3A_455 = arith.constant 255 : i32
      %min3A_456 = vector.broadcast %min3A_455 : i32 to vector<16xi32>
      %min3A_457 = arith.minsi %max3A_454, %min3A_456 : vector<16xi32>
      %max3A_458 = arith.constant 0 : i32
      %max3A_459 = vector.broadcast %max3A_458 : i32 to vector<16xi32>
      %max3A_460 = arith.maxsi %add3A_400, %max3A_459 : vector<16xi32>
      %min3A_461 = arith.constant 255 : i32
      %min3A_462 = vector.broadcast %min3A_461 : i32 to vector<16xi32>
      %min3A_463 = arith.minsi %max3A_460, %min3A_462 : vector<16xi32>
      %max3A_464 = arith.constant 0 : i32
      %max3A_465 = vector.broadcast %max3A_464 : i32 to vector<16xi32>
      %max3A_466 = arith.maxsi %sub3A_367, %max3A_465 : vector<16xi32>
      %min3A_467 = arith.constant 16383 : i32
      %min3A_468 = vector.broadcast %min3A_467 : i32 to vector<16xi32>
      %min3A_469 = arith.minsi %max3A_466, %min3A_468 : vector<16xi32>
      %mul3A_470 = arith.constant 256 : i32
      %mul3A_471 = vector.broadcast %mul3A_470 : i32 to vector<16xi32>
      %mul3A_472 = arith.muli %min3A_469, %mul3A_471 : vector<16xi32>
      %max3A_473 = arith.constant 0 : i32
      %max3A_474 = vector.broadcast %max3A_473 : i32 to vector<16xi32>
      %max3A_475 = arith.maxsi %add3A_403, %max3A_474 : vector<16xi32>
      %min3A_476 = arith.constant 16383 : i32
      %min3A_477 = vector.broadcast %min3A_476 : i32 to vector<16xi32>
      %min3A_478 = arith.minsi %max3A_475, %min3A_477 : vector<16xi32>
      %mul3A_479 = arith.constant 256 : i32
      %mul3A_480 = vector.broadcast %mul3A_479 : i32 to vector<16xi32>
      %mul3A_481 = arith.muli %min3A_478, %mul3A_480 : vector<16xi32>
      %add3A_482 = arith.addi %mul3A_472, %min3A_457 : vector<16xi32>
      %swap3A_483 = arith.constant 16 : index
      %swap3A_484 = tpu.vector_load %arg10[%swap3A_483] {strides = array<i32>} : memref<128xi32, #tpu.memory_space<vmem>>, vector<16xi32>,
      %swap3A_485 = vector.shape_cast %swap3A_484 : vector<16xi32> to vector<16xi32>
      %swap3A_486 = vector.shape_cast %add3A_482 : vector<16xi32> to vector<16xi32>
      tpu.vector_store %arg10[%swap3A_483], %swap3A_486 {strides = array<i32>} : memref<128xi32, #tpu.memory_space<vmem>>, vector<16xi32>,
      %add3A_487 = arith.addi %mul3A_472, %min3A_463 : vector<16xi32>
      %swap3A_488 = arith.constant 16 : index
      %swap3A_489 = tpu.vector_load %arg11[%swap3A_488] {strides = array<i32>} : memref<128xi32, #tpu.memory_space<vmem>>, vector<16xi32>,
      %swap3A_490 = vector.shape_cast %swap3A_489 : vector<16xi32> to vector<16xi32>
      %swap3A_491 = vector.shape_cast %add3A_487 : vector<16xi32> to vector<16xi32>
      tpu.vector_store %arg11[%swap3A_488], %swap3A_491 {strides = array<i32>} : memref<128xi32, #tpu.memory_space<vmem>>, vector<16xi32>,
      %add3A_492 = arith.addi %mul3A_481, %min3A_457 : vector<16xi32>
      %swap3A_493 = arith.constant 16 : index
      %swap3A_494 = tpu.vector_load %arg12[%swap3A_493] {strides = array<i32>} : memref<128xi32, #tpu.memory_space<vmem>>, vector<16xi32>,
      %swap3A_495 = vector.shape_cast %swap3A_494 : vector<16xi32> to vector<16xi32>
      %swap3A_496 = vector.shape_cast %add3A_492 : vector<16xi32> to vector<16xi32>
      tpu.vector_store %arg12[%swap3A_493], %swap3A_496 {strides = array<i32>} : memref<128xi32, #tpu.memory_space<vmem>>, vector<16xi32>,
      %add3A_497 = arith.addi %mul3A_481, %min3A_463 : vector<16xi32>
      %swap3A_498 = arith.constant 16 : index
      %swap3A_499 = tpu.vector_load %arg13[%swap3A_498] {strides = array<i32>} : memref<128xi32, #tpu.memory_space<vmem>>, vector<16xi32>,
      %swap3A_500 = vector.shape_cast %swap3A_499 : vector<16xi32> to vector<16xi32>
      %swap3A_501 = vector.shape_cast %add3A_497 : vector<16xi32> to vector<16xi32>
      tpu.vector_store %arg13[%swap3A_498], %swap3A_501 {strides = array<i32>} : memref<128xi32, #tpu.memory_space<vmem>>, vector<16xi32>,
      %mul3A_502 = arith.mulf %mul3A_448, %mul3A_450 : vector<16xf32>
      %swap3A_503 = arith.constant 16 : index
      %swap3A_504 = tpu.vector_load %arg14[%swap3A_503] {strides = array<i32>} : memref<144xf32, #tpu.memory_space<vmem>>, vector<16xf32>,
      %swap3A_505 = vector.shape_cast %swap3A_504 : vector<16xf32> to vector<16xf32>
      %swap3A_506 = vector.shape_cast %mul3A_502 : vector<16xf32> to vector<16xf32>
      tpu.vector_store %arg14[%swap3A_503], %swap3A_506 {strides = array<i32>} : memref<144xf32, #tpu.memory_space<vmem>>, vector<16xf32>,
      %mul3A_507 = arith.mulf %mul3A_449, %mul3A_450 : vector<16xf32>
      %swap3A_508 = arith.constant 16 : index
      %swap3A_509 = tpu.vector_load %arg15[%swap3A_508] {strides = array<i32>} : memref<144xf32, #tpu.memory_space<vmem>>, vector<16xf32>,
      %swap3A_510 = vector.shape_cast %swap3A_509 : vector<16xf32> to vector<16xf32>
      %swap3A_511 = vector.shape_cast %mul3A_507 : vector<16xf32> to vector<16xf32>
      tpu.vector_store %arg15[%swap3A_508], %swap3A_511 {strides = array<i32>} : memref<144xf32, #tpu.memory_space<vmem>>, vector<16xf32>,
      %mul3A_512 = arith.mulf %mul3A_448, %mul3A_451 : vector<16xf32>
      %swap3A_513 = arith.constant 16 : index
      %swap3A_514 = tpu.vector_load %arg16[%swap3A_513] {strides = array<i32>} : memref<144xf32, #tpu.memory_space<vmem>>, vector<16xf32>,
      %swap3A_515 = vector.shape_cast %swap3A_514 : vector<16xf32> to vector<16xf32>
      %swap3A_516 = vector.shape_cast %mul3A_512 : vector<16xf32> to vector<16xf32>
      tpu.vector_store %arg16[%swap3A_513], %swap3A_516 {strides = array<i32>} : memref<144xf32, #tpu.memory_space<vmem>>, vector<16xf32>,
      %mul3A_517 = arith.mulf %mul3A_449, %mul3A_451 : vector<16xf32>
      %swap3A_518 = arith.constant 16 : index
      %swap3A_519 = tpu.vector_load %arg17[%swap3A_518] {strides = array<i32>} : memref<144xf32, #tpu.memory_space<vmem>>, vector<16xf32>,
      %swap3A_520 = vector.shape_cast %swap3A_519 : vector<16xf32> to vector<16xf32>
      %swap3A_521 = vector.shape_cast %mul3A_517 : vector<16xf32> to vector<16xf32>
      tpu.vector_store %arg17[%swap3A_518], %swap3A_521 {strides = array<i32>} : memref<144xf32, #tpu.memory_space<vmem>>, vector<16xf32>,
      %get3A_522 = arith.constant 32 : index
      %get3A_523 = tpu.vector_load %arg7[%get3A_522] {strides = array<i32>} : memref<128xf32, #tpu.memory_space<vmem>>, vector<16xf32>,
      %get3A_524 = vector.shape_cast %get3A_523 : vector<16xf32> to vector<16xf32>
      %get3A_525 = arith.constant 32 : index
      %get3A_526 = tpu.vector_load %arg8[%get3A_525] {strides = array<i32>} : memref<128xf32, #tpu.memory_space<vmem>>, vector<16xf32>,
      %get3A_527 = vector.shape_cast %get3A_526 : vector<16xf32> to vector<16xf32>
      %get3A_528 = arith.constant 32 : index
      %get3A_529 = tpu.vector_load %arg9[%get3A_528] {strides = array<i32>} : memref<128xf32, #tpu.memory_space<vmem>>, vector<16xf32>,
      %get3A_530 = vector.shape_cast %get3A_529 : vector<16xf32> to vector<16xf32>
      %max3A_531 = arith.constant 0.000000e+00 : f32
      %max3A_532 = vector.broadcast %max3A_531 : f32 to vector<16xf32>
      %max3A_533 = arith.maximumf %get3A_524, %max3A_532 : vector<16xf32>
      %min3A_534 = arith.constant 1.000000e+00 : f32
      %min3A_535 = vector.broadcast %min3A_534 : f32 to vector<16xf32>
      %min3A_536 = arith.minimumf %max3A_533, %min3A_535 : vector<16xf32>
      %max3A_537 = arith.constant 0.000000e+00 : f32
      %max3A_538 = vector.broadcast %max3A_537 : f32 to vector<16xf32>
      %max3A_539 = arith.maximumf %get3A_527, %max3A_538 : vector<16xf32>
      %min3A_540 = arith.constant 1.000000e+00 : f32
      %min3A_541 = vector.broadcast %min3A_540 : f32 to vector<16xf32>
      %min3A_542 = arith.minimumf %max3A_539, %min3A_541 : vector<16xf32>
      %max3A_543 = arith.constant 0.000000e+00 : f32
      %max3A_544 = vector.broadcast %max3A_543 : f32 to vector<16xf32>
      %max3A_545 = arith.maximumf %get3A_530, %max3A_544 : vector<16xf32>
      %min3A_546 = arith.constant 1.000000e+00 : f32
      %min3A_547 = vector.broadcast %min3A_546 : f32 to vector<16xf32>
      %min3A_548 = arith.minimumf %max3A_545, %min3A_547 : vector<16xf32>
      %mul3A_549 = arith.constant 4.000000e+00 : f32
      %mul3A_550 = vector.broadcast %mul3A_549 : f32 to vector<16xf32>
      %mul3A_551 = arith.mulf %min3A_536, %mul3A_550 : vector<16xf32>
      %convert_element_type3A_552 = arith.fptosi %mul3A_551 : vector<16xf32> to vector<16xi32>
      %min3A_553 = arith.constant 3 : i32
      %min3A_554 = vector.broadcast %min3A_553 : i32 to vector<16xi32>
      %min3A_555 = arith.minsi %convert_element_type3A_552, %min3A_554 : vector<16xi32>
      %mul3A_556 = arith.constant 4.000000e+00 : f32
      %mul3A_557 = vector.broadcast %mul3A_556 : f32 to vector<16xf32>
      %mul3A_558 = arith.mulf %min3A_542, %mul3A_557 : vector<16xf32>
      %convert_element_type3A_559 = arith.fptosi %mul3A_558 : vector<16xf32> to vector<16xi32>
      %min3A_560 = arith.constant 3 : i32
      %min3A_561 = vector.broadcast %min3A_560 : i32 to vector<16xi32>
      %min3A_562 = arith.minsi %convert_element_type3A_559, %min3A_561 : vector<16xi32>
      %mul3A_563 = arith.constant 4.000000e+00 : f32
      %mul3A_564 = vector.broadcast %mul3A_563 : f32 to vector<16xf32>
      %mul3A_565 = arith.mulf %min3A_548, %mul3A_564 : vector<16xf32>
      %convert_element_type3A_566 = arith.fptosi %mul3A_565 : vector<16xf32> to vector<16xi32>
      %min3A_567 = arith.constant 3 : i32
      %min3A_568 = vector.broadcast %min3A_567 : i32 to vector<16xi32>
      %min3A_569 = arith.minsi %convert_element_type3A_566, %min3A_568 : vector<16xi32>
      %mul3A_570 = arith.constant 16 : i32
      %mul3A_571 = vector.broadcast %mul3A_570 : i32 to vector<16xi32>
      %mul3A_572 = arith.muli %min3A_569, %mul3A_571 : vector<16xi32>
      %mul3A_573 = arith.constant 4 : i32
      %mul3A_574 = vector.broadcast %mul3A_573 : i32 to vector<16xi32>
      %mul3A_575 = arith.muli %min3A_562, %mul3A_574 : vector<16xi32>
      %add3A_576 = arith.addi %mul3A_572, %mul3A_575 : vector<16xi32>
      %add3A_577 = arith.addi %add3A_576, %min3A_555 : vector<16xi32>
      %mul3A_578 = arith.constant 1.024000e+03 : f32
      %mul3A_579 = vector.broadcast %mul3A_578 : f32 to vector<16xf32>
      %mul3A_580 = arith.mulf %get3A_524, %mul3A_579 : vector<16xf32>
      %mul3A_581 = arith.constant 1.024000e+03 : f32
      %mul3A_582 = vector.broadcast %mul3A_581 : f32 to vector<16xf32>
      %mul3A_583 = arith.mulf %get3A_527, %mul3A_582 : vector<16xf32>
      %mul3A_584 = arith.constant 3.906250e-03 : f32
      %mul3A_585 = vector.broadcast %mul3A_584 : f32 to vector<16xf32>
      %mul3A_586 = arith.mulf %mul3A_580, %mul3A_585 : vector<16xf32>
      %convert_element_type3A_587 = arith.fptosi %mul3A_586 : vector<16xf32> to vector<16xi32>
      %convert_element_type3A_588 = arith.sitofp %convert_element_type3A_587 : vector<16xi32> to vector<16xf32>
      %mul3A_589 = arith.constant 2.560000e+02 : f32
      %mul3A_590 = vector.broadcast %mul3A_589 : f32 to vector<16xf32>
      %mul3A_591 = arith.mulf %convert_element_type3A_588, %mul3A_590 : vector<16xf32>
      %sub3A_592 = arith.subf %mul3A_580, %mul3A_591 : vector<16xf32>
      %mul3A_593 = arith.constant 3.906250e-03 : f32
      %mul3A_594 = vector.broadcast %mul3A_593 : f32 to vector<16xf32>
      %mul3A_595 = arith.mulf %mul3A_583, %mul3A_594 : vector<16xf32>
      %convert_element_type3A_596 = arith.fptosi %mul3A_595 : vector<16xf32> to vector<16xi32>
      %convert_element_type3A_597 = arith.sitofp %convert_element_type3A_596 : vector<16xi32> to vector<16xf32>
      %mul3A_598 = arith.constant 2.560000e+02 : f32
      %mul3A_599 = vector.broadcast %mul3A_598 : f32 to vector<16xf32>
      %mul3A_600 = arith.mulf %convert_element_type3A_597, %mul3A_599 : vector<16xf32>
      %sub3A_601 = arith.subf %mul3A_583, %mul3A_600 : vector<16xf32>
      %sub3A_602 = arith.constant 5.000000e-01 : f32
      %sub3A_603 = vector.broadcast %sub3A_602 : f32 to vector<16xf32>
      %sub3A_604 = arith.subf %sub3A_592, %sub3A_603 : vector<16xf32>
      %convert_element_type3A_605 = arith.sitofp %add3A_577 : vector<16xi32> to vector<16xf32>
      %mul3A_606 = arith.constant 2.560000e+02 : f32
      %mul3A_607 = vector.broadcast %mul3A_606 : f32 to vector<16xf32>
      %mul3A_608 = arith.mulf %convert_element_type3A_605, %mul3A_607 : vector<16xf32>
      %add3A_609 = arith.addf %sub3A_601, %mul3A_608 : vector<16xf32>
      %sub3A_610 = arith.constant 5.000000e-01 : f32
      %sub3A_611 = vector.broadcast %sub3A_610 : f32 to vector<16xf32>
      %sub3A_612 = arith.subf %add3A_609, %sub3A_611 : vector<16xf32>
      %add3A_613 = arith.constant 1.000000e+00 : f32
      %add3A_614 = vector.broadcast %add3A_613 : f32 to vector<16xf32>
      %add3A_615 = arith.addf %sub3A_604, %add3A_614 : vector<16xf32>
      %convert_element_type3A_616 = arith.fptosi %add3A_615 : vector<16xf32> to vector<16xi32>
      %sub3A_617 = arith.constant 1 : i32
      %sub3A_618 = vector.broadcast %sub3A_617 : i32 to vector<16xi32>
      %sub3A_619 = arith.subi %convert_element_type3A_616, %sub3A_618 : vector<16xi32>
      %add3A_620 = arith.constant 1.000000e+00 : f32
      %add3A_621 = vector.broadcast %add3A_620 : f32 to vector<16xf32>
      %add3A_622 = arith.addf %sub3A_612, %add3A_621 : vector<16xf32>
      %convert_element_type3A_623 = arith.fptosi %add3A_622 : vector<16xf32> to vector<16xi32>
      %sub3A_624 = arith.constant 1 : i32
      %sub3A_625 = vector.broadcast %sub3A_624 : i32 to vector<16xi32>
      %sub3A_626 = arith.subi %convert_element_type3A_623, %sub3A_625 : vector<16xi32>
      %convert_element_type3A_627 = arith.sitofp %sub3A_619 : vector<16xi32> to vector<16xf32>
      %sub3A_628 = arith.subf %sub3A_604, %convert_element_type3A_627 : vector<16xf32>
      %sub3A_629 = arith.constant 1.000000e+00 : f32
      %sub3A_630 = vector.broadcast %sub3A_629 : f32 to vector<16xf32>
      %sub3A_631 = arith.subf %sub3A_630, %sub3A_628 : vector<16xf32>
      %convert_element_type3A_632 = arith.sitofp %sub3A_626 : vector<16xi32> to vector<16xf32>
      %sub3A_633 = arith.subf %sub3A_612, %convert_element_type3A_632 : vector<16xf32>
      %sub3A_634 = arith.constant 1.000000e+00 : f32
      %sub3A_635 = vector.broadcast %sub3A_634 : f32 to vector<16xf32>
      %sub3A_636 = arith.subf %sub3A_635, %sub3A_633 : vector<16xf32>
      %ge3A_637 = arith.constant 0.000000e+00 : f32
      %ge3A_638 = vector.broadcast %ge3A_637 : f32 to vector<16xf32>
      %ge3A_639 = arith.cmpf oge, %get3A_524, %ge3A_638 : vector<16xf32>
      %le3A_640 = arith.constant 1.000000e+00 : f32
      %le3A_641 = vector.broadcast %le3A_640 : f32 to vector<16xf32>
      %le3A_642 = arith.cmpf ole, %get3A_524, %le3A_641 : vector<16xf32>
      %and3A_643 = arith.andi %ge3A_639, %le3A_642 : vector<16xi1>
      %ge3A_644 = arith.constant 0.000000e+00 : f32
      %ge3A_645 = vector.broadcast %ge3A_644 : f32 to vector<16xf32>
      %ge3A_646 = arith.cmpf oge, %get3A_527, %ge3A_645 : vector<16xf32>
      %and3A_647 = arith.andi %and3A_643, %ge3A_646 : vector<16xi1>
      %le3A_648 = arith.constant 1.000000e+00 : f32
      %le3A_649 = vector.broadcast %le3A_648 : f32 to vector<16xf32>
      %le3A_650 = arith.cmpf ole, %get3A_527, %le3A_649 : vector<16xf32>
      %and3A_651 = arith.andi %and3A_647, %le3A_650 : vector<16xi1>
      %jit3A_652 = arith.constant 1.000000e+00 : f32
      %jit3A_653 = arith.constant 0.000000e+00 : f32
      %broadcast_in_dim3A_654 = vector.broadcast %jit3A_652 : f32 to vector<16xf32>
      %broadcast_in_dim3A_655 = vector.broadcast %jit3A_653 : f32 to vector<16xf32>
      %select_n3A_656 = arith.select %and3A_651, %broadcast_in_dim3A_654, %broadcast_in_dim3A_655 : vector<16xi1>, vector<16xf32>
      %add3A_657 = arith.constant 1 : i32
      %add3A_658 = vector.broadcast %add3A_657 : i32 to vector<16xi32>
      %add3A_659 = arith.addi %sub3A_619, %add3A_658 : vector<16xi32>
      %add3A_660 = arith.constant 1 : i32
      %add3A_661 = vector.broadcast %add3A_660 : i32 to vector<16xi32>
      %add3A_662 = arith.addi %sub3A_626, %add3A_661 : vector<16xi32>
      %ge3A_663 = arith.constant 0 : i32
      %ge3A_664 = vector.broadcast %ge3A_663 : i32 to vector<16xi32>
      %ge3A_665 = arith.cmpi sge, %sub3A_619, %ge3A_664 : vector<16xi32>
      %le3A_666 = arith.constant 255 : i32
      %le3A_667 = vector.broadcast %le3A_666 : i32 to vector<16xi32>
      %le3A_668 = arith.cmpi sle, %sub3A_619, %le3A_667 : vector<16xi32>
      %and3A_669 = arith.andi %ge3A_665, %le3A_668 : vector<16xi1>
      %jit3A_670 = arith.constant 1.000000e+00 : f32
      %jit3A_671 = arith.constant 0.000000e+00 : f32
      %broadcast_in_dim3A_672 = vector.broadcast %jit3A_670 : f32 to vector<16xf32>
      %broadcast_in_dim3A_673 = vector.broadcast %jit3A_671 : f32 to vector<16xf32>
      %select_n3A_674 = arith.select %and3A_669, %broadcast_in_dim3A_672, %broadcast_in_dim3A_673 : vector<16xi1>, vector<16xf32>
      %ge3A_675 = arith.constant 0 : i32
      %ge3A_676 = vector.broadcast %ge3A_675 : i32 to vector<16xi32>
      %ge3A_677 = arith.cmpi sge, %add3A_659, %ge3A_676 : vector<16xi32>
      %le3A_678 = arith.constant 255 : i32
      %le3A_679 = vector.broadcast %le3A_678 : i32 to vector<16xi32>
      %le3A_680 = arith.cmpi sle, %add3A_659, %le3A_679 : vector<16xi32>
      %and3A_681 = arith.andi %ge3A_677, %le3A_680 : vector<16xi1>
      %jit3A_682 = arith.constant 1.000000e+00 : f32
      %jit3A_683 = arith.constant 0.000000e+00 : f32
      %broadcast_in_dim3A_684 = vector.broadcast %jit3A_682 : f32 to vector<16xf32>
      %broadcast_in_dim3A_685 = vector.broadcast %jit3A_683 : f32 to vector<16xf32>
      %select_n3A_686 = arith.select %and3A_681, %broadcast_in_dim3A_684, %broadcast_in_dim3A_685 : vector<16xi1>, vector<16xf32>
      %ge3A_687 = arith.constant 0 : i32
      %ge3A_688 = vector.broadcast %ge3A_687 : i32 to vector<16xi32>
      %ge3A_689 = arith.cmpi sge, %sub3A_626, %ge3A_688 : vector<16xi32>
      %le3A_690 = arith.constant 16383 : i32
      %le3A_691 = vector.broadcast %le3A_690 : i32 to vector<16xi32>
      %le3A_692 = arith.cmpi sle, %sub3A_626, %le3A_691 : vector<16xi32>
      %and3A_693 = arith.andi %ge3A_689, %le3A_692 : vector<16xi1>
      %jit3A_694 = arith.constant 0.000000e+00 : f32
      %broadcast_in_dim3A_695 = vector.broadcast %jit3A_694 : f32 to vector<16xf32>
      %select_n3A_696 = arith.select %and3A_693, %select_n3A_656, %broadcast_in_dim3A_695 : vector<16xi1>, vector<16xf32>
      %ge3A_697 = arith.constant 0 : i32
      %ge3A_698 = vector.broadcast %ge3A_697 : i32 to vector<16xi32>
      %ge3A_699 = arith.cmpi sge, %add3A_662, %ge3A_698 : vector<16xi32>
      %le3A_700 = arith.constant 16383 : i32
      %le3A_701 = vector.broadcast %le3A_700 : i32 to vector<16xi32>
      %le3A_702 = arith.cmpi sle, %add3A_662, %le3A_701 : vector<16xi32>
      %and3A_703 = arith.andi %ge3A_699, %le3A_702 : vector<16xi1>
      %jit3A_704 = arith.constant 0.000000e+00 : f32
      %broadcast_in_dim3A_705 = vector.broadcast %jit3A_704 : f32 to vector<16xf32>
      %select_n3A_706 = arith.select %and3A_703, %select_n3A_656, %broadcast_in_dim3A_705 : vector<16xi1>, vector<16xf32>
      %mul3A_707 = arith.mulf %sub3A_631, %select_n3A_674 : vector<16xf32>
      %mul3A_708 = arith.mulf %sub3A_628, %select_n3A_686 : vector<16xf32>
      %mul3A_709 = arith.mulf %sub3A_636, %select_n3A_696 : vector<16xf32>
      %mul3A_710 = arith.mulf %sub3A_633, %select_n3A_706 : vector<16xf32>
      %max3A_711 = arith.constant 0 : i32
      %max3A_712 = vector.broadcast %max3A_711 : i32 to vector<16xi32>
      %max3A_713 = arith.maxsi %sub3A_619, %max3A_712 : vector<16xi32>
      %min3A_714 = arith.constant 255 : i32
      %min3A_715 = vector.broadcast %min3A_714 : i32 to vector<16xi32>
      %min3A_716 = arith.minsi %max3A_713, %min3A_715 : vector<16xi32>
      %max3A_717 = arith.constant 0 : i32
      %max3A_718 = vector.broadcast %max3A_717 : i32 to vector<16xi32>
      %max3A_719 = arith.maxsi %add3A_659, %max3A_718 : vector<16xi32>
      %min3A_720 = arith.constant 255 : i32
      %min3A_721 = vector.broadcast %min3A_720 : i32 to vector<16xi32>
      %min3A_722 = arith.minsi %max3A_719, %min3A_721 : vector<16xi32>
      %max3A_723 = arith.constant 0 : i32
      %max3A_724 = vector.broadcast %max3A_723 : i32 to vector<16xi32>
      %max3A_725 = arith.maxsi %sub3A_626, %max3A_724 : vector<16xi32>
      %min3A_726 = arith.constant 16383 : i32
      %min3A_727 = vector.broadcast %min3A_726 : i32 to vector<16xi32>
      %min3A_728 = arith.minsi %max3A_725, %min3A_727 : vector<16xi32>
      %mul3A_729 = arith.constant 256 : i32
      %mul3A_730 = vector.broadcast %mul3A_729 : i32 to vector<16xi32>
      %mul3A_731 = arith.muli %min3A_728, %mul3A_730 : vector<16xi32>
      %max3A_732 = arith.constant 0 : i32
      %max3A_733 = vector.broadcast %max3A_732 : i32 to vector<16xi32>
      %max3A_734 = arith.maxsi %add3A_662, %max3A_733 : vector<16xi32>
      %min3A_735 = arith.constant 16383 : i32
      %min3A_736 = vector.broadcast %min3A_735 : i32 to vector<16xi32>
      %min3A_737 = arith.minsi %max3A_734, %min3A_736 : vector<16xi32>
      %mul3A_738 = arith.constant 256 : i32
      %mul3A_739 = vector.broadcast %mul3A_738 : i32 to vector<16xi32>
      %mul3A_740 = arith.muli %min3A_737, %mul3A_739 : vector<16xi32>
      %add3A_741 = arith.addi %mul3A_731, %min3A_716 : vector<16xi32>
      %swap3A_742 = arith.constant 32 : index
      %swap3A_743 = tpu.vector_load %arg10[%swap3A_742] {strides = array<i32>} : memref<128xi32, #tpu.memory_space<vmem>>, vector<16xi32>,
      %swap3A_744 = vector.shape_cast %swap3A_743 : vector<16xi32> to vector<16xi32>
      %swap3A_745 = vector.shape_cast %add3A_741 : vector<16xi32> to vector<16xi32>
      tpu.vector_store %arg10[%swap3A_742], %swap3A_745 {strides = array<i32>} : memref<128xi32, #tpu.memory_space<vmem>>, vector<16xi32>,
      %add3A_746 = arith.addi %mul3A_731, %min3A_722 : vector<16xi32>
      %swap3A_747 = arith.constant 32 : index
      %swap3A_748 = tpu.vector_load %arg11[%swap3A_747] {strides = array<i32>} : memref<128xi32, #tpu.memory_space<vmem>>, vector<16xi32>,
      %swap3A_749 = vector.shape_cast %swap3A_748 : vector<16xi32> to vector<16xi32>
      %swap3A_750 = vector.shape_cast %add3A_746 : vector<16xi32> to vector<16xi32>
      tpu.vector_store %arg11[%swap3A_747], %swap3A_750 {strides = array<i32>} : memref<128xi32, #tpu.memory_space<vmem>>, vector<16xi32>,
      %add3A_751 = arith.addi %mul3A_740, %min3A_716 : vector<16xi32>
      %swap3A_752 = arith.constant 32 : index
      %swap3A_753 = tpu.vector_load %arg12[%swap3A_752] {strides = array<i32>} : memref<128xi32, #tpu.memory_space<vmem>>, vector<16xi32>,
      %swap3A_754 = vector.shape_cast %swap3A_753 : vector<16xi32> to vector<16xi32>
      %swap3A_755 = vector.shape_cast %add3A_751 : vector<16xi32> to vector<16xi32>
      tpu.vector_store %arg12[%swap3A_752], %swap3A_755 {strides = array<i32>} : memref<128xi32, #tpu.memory_space<vmem>>, vector<16xi32>,
      %add3A_756 = arith.addi %mul3A_740, %min3A_722 : vector<16xi32>
      %swap3A_757 = arith.constant 32 : index
      %swap3A_758 = tpu.vector_load %arg13[%swap3A_757] {strides = array<i32>} : memref<128xi32, #tpu.memory_space<vmem>>, vector<16xi32>,
      %swap3A_759 = vector.shape_cast %swap3A_758 : vector<16xi32> to vector<16xi32>
      %swap3A_760 = vector.shape_cast %add3A_756 : vector<16xi32> to vector<16xi32>
      tpu.vector_store %arg13[%swap3A_757], %swap3A_760 {strides = array<i32>} : memref<128xi32, #tpu.memory_space<vmem>>, vector<16xi32>,
      %mul3A_761 = arith.mulf %mul3A_707, %mul3A_709 : vector<16xf32>
      %swap3A_762 = arith.constant 32 : index
      %swap3A_763 = tpu.vector_load %arg14[%swap3A_762] {strides = array<i32>} : memref<144xf32, #tpu.memory_space<vmem>>, vector<16xf32>,
      %swap3A_764 = vector.shape_cast %swap3A_763 : vector<16xf32> to vector<16xf32>
      %swap3A_765 = vector.shape_cast %mul3A_761 : vector<16xf32> to vector<16xf32>
      tpu.vector_store %arg14[%swap3A_762], %swap3A_765 {strides = array<i32>} : memref<144xf32, #tpu.memory_space<vmem>>, vector<16xf32>,
      %mul3A_766 = arith.mulf %mul3A_708, %mul3A_709 : vector<16xf32>
      %swap3A_767 = arith.constant 32 : index
      %swap3A_768 = tpu.vector_load %arg15[%swap3A_767] {strides = array<i32>} : memref<144xf32, #tpu.memory_space<vmem>>, vector<16xf32>,
      %swap3A_769 = vector.shape_cast %swap3A_768 : vector<16xf32> to vector<16xf32>
      %swap3A_770 = vector.shape_cast %mul3A_766 : vector<16xf32> to vector<16xf32>
      tpu.vector_store %arg15[%swap3A_767], %swap3A_770 {strides = array<i32>} : memref<144xf32, #tpu.memory_space<vmem>>, vector<16xf32>,
      %mul3A_771 = arith.mulf %mul3A_707, %mul3A_710 : vector<16xf32>
      %swap3A_772 = arith.constant 32 : index
      %swap3A_773 = tpu.vector_load %arg16[%swap3A_772] {strides = array<i32>} : memref<144xf32, #tpu.memory_space<vmem>>, vector<16xf32>,
      %swap3A_774 = vector.shape_cast %swap3A_773 : vector<16xf32> to vector<16xf32>
      %swap3A_775 = vector.shape_cast %mul3A_771 : vector<16xf32> to vector<16xf32>
      tpu.vector_store %arg16[%swap3A_772], %swap3A_775 {strides = array<i32>} : memref<144xf32, #tpu.memory_space<vmem>>, vector<16xf32>,
      %mul3A_776 = arith.mulf %mul3A_708, %mul3A_710 : vector<16xf32>
      %swap3A_777 = arith.constant 32 : index
      %swap3A_778 = tpu.vector_load %arg17[%swap3A_777] {strides = array<i32>} : memref<144xf32, #tpu.memory_space<vmem>>, vector<16xf32>,
      %swap3A_779 = vector.shape_cast %swap3A_778 : vector<16xf32> to vector<16xf32>
      %swap3A_780 = vector.shape_cast %mul3A_776 : vector<16xf32> to vector<16xf32>
      tpu.vector_store %arg17[%swap3A_777], %swap3A_780 {strides = array<i32>} : memref<144xf32, #tpu.memory_space<vmem>>, vector<16xf32>,
      %get3A_781 = arith.constant 48 : index
      %get3A_782 = tpu.vector_load %arg7[%get3A_781] {strides = array<i32>} : memref<128xf32, #tpu.memory_space<vmem>>, vector<16xf32>,
      %get3A_783 = vector.shape_cast %get3A_782 : vector<16xf32> to vector<16xf32>
      %get3A_784 = arith.constant 48 : index
      %get3A_785 = tpu.vector_load %arg8[%get3A_784] {strides = array<i32>} : memref<128xf32, #tpu.memory_space<vmem>>, vector<16xf32>,
      %get3A_786 = vector.shape_cast %get3A_785 : vector<16xf32> to vector<16xf32>
      %get3A_787 = arith.constant 48 : index
      %get3A_788 = tpu.vector_load %arg9[%get3A_787] {strides = array<i32>} : memref<128xf32, #tpu.memory_space<vmem>>, vector<16xf32>,
      %get3A_789 = vector.shape_cast %get3A_788 : vector<16xf32> to vector<16xf32>
      %max3A_790 = arith.constant 0.000000e+00 : f32
      %max3A_791 = vector.broadcast %max3A_790 : f32 to vector<16xf32>
      %max3A_792 = arith.maximumf %get3A_783, %max3A_791 : vector<16xf32>
      %min3A_793 = arith.constant 1.000000e+00 : f32
      %min3A_794 = vector.broadcast %min3A_793 : f32 to vector<16xf32>
      %min3A_795 = arith.minimumf %max3A_792, %min3A_794 : vector<16xf32>
      %max3A_796 = arith.constant 0.000000e+00 : f32
      %max3A_797 = vector.broadcast %max3A_796 : f32 to vector<16xf32>
      %max3A_798 = arith.maximumf %get3A_786, %max3A_797 : vector<16xf32>
      %min3A_799 = arith.constant 1.000000e+00 : f32
      %min3A_800 = vector.broadcast %min3A_799 : f32 to vector<16xf32>
      %min3A_801 = arith.minimumf %max3A_798, %min3A_800 : vector<16xf32>
      %max3A_802 = arith.constant 0.000000e+00 : f32
      %max3A_803 = vector.broadcast %max3A_802 : f32 to vector<16xf32>
      %max3A_804 = arith.maximumf %get3A_789, %max3A_803 : vector<16xf32>
      %min3A_805 = arith.constant 1.000000e+00 : f32
      %min3A_806 = vector.broadcast %min3A_805 : f32 to vector<16xf32>
      %min3A_807 = arith.minimumf %max3A_804, %min3A_806 : vector<16xf32>
      %mul3A_808 = arith.constant 4.000000e+00 : f32
      %mul3A_809 = vector.broadcast %mul3A_808 : f32 to vector<16xf32>
      %mul3A_810 = arith.mulf %min3A_795, %mul3A_809 : vector<16xf32>
      %convert_element_type3A_811 = arith.fptosi %mul3A_810 : vector<16xf32> to vector<16xi32>
      %min3A_812 = arith.constant 3 : i32
      %min3A_813 = vector.broadcast %min3A_812 : i32 to vector<16xi32>
      %min3A_814 = arith.minsi %convert_element_type3A_811, %min3A_813 : vector<16xi32>
      %mul3A_815 = arith.constant 4.000000e+00 : f32
      %mul3A_816 = vector.broadcast %mul3A_815 : f32 to vector<16xf32>
      %mul3A_817 = arith.mulf %min3A_801, %mul3A_816 : vector<16xf32>
      %convert_element_type3A_818 = arith.fptosi %mul3A_817 : vector<16xf32> to vector<16xi32>
      %min3A_819 = arith.constant 3 : i32
      %min3A_820 = vector.broadcast %min3A_819 : i32 to vector<16xi32>
      %min3A_821 = arith.minsi %convert_element_type3A_818, %min3A_820 : vector<16xi32>
      %mul3A_822 = arith.constant 4.000000e+00 : f32
      %mul3A_823 = vector.broadcast %mul3A_822 : f32 to vector<16xf32>
      %mul3A_824 = arith.mulf %min3A_807, %mul3A_823 : vector<16xf32>
      %convert_element_type3A_825 = arith.fptosi %mul3A_824 : vector<16xf32> to vector<16xi32>
      %min3A_826 = arith.constant 3 : i32
      %min3A_827 = vector.broadcast %min3A_826 : i32 to vector<16xi32>
      %min3A_828 = arith.minsi %convert_element_type3A_825, %min3A_827 : vector<16xi32>
      %mul3A_829 = arith.constant 16 : i32
      %mul3A_830 = vector.broadcast %mul3A_829 : i32 to vector<16xi32>
      %mul3A_831 = arith.muli %min3A_828, %mul3A_830 : vector<16xi32>
      %mul3A_832 = arith.constant 4 : i32
      %mul3A_833 = vector.broadcast %mul3A_832 : i32 to vector<16xi32>
      %mul3A_834 = arith.muli %min3A_821, %mul3A_833 : vector<16xi32>
      %add3A_835 = arith.addi %mul3A_831, %mul3A_834 : vector<16xi32>
      %add3A_836 = arith.addi %add3A_835, %min3A_814 : vector<16xi32>
      %mul3A_837 = arith.constant 1.024000e+03 : f32
      %mul3A_838 = vector.broadcast %mul3A_837 : f32 to vector<16xf32>
      %mul3A_839 = arith.mulf %get3A_783, %mul3A_838 : vector<16xf32>
      %mul3A_840 = arith.constant 1.024000e+03 : f32
      %mul3A_841 = vector.broadcast %mul3A_840 : f32 to vector<16xf32>
      %mul3A_842 = arith.mulf %get3A_786, %mul3A_841 : vector<16xf32>
      %mul3A_843 = arith.constant 3.906250e-03 : f32
      %mul3A_844 = vector.broadcast %mul3A_843 : f32 to vector<16xf32>
      %mul3A_845 = arith.mulf %mul3A_839, %mul3A_844 : vector<16xf32>
      %convert_element_type3A_846 = arith.fptosi %mul3A_845 : vector<16xf32> to vector<16xi32>
      %convert_element_type3A_847 = arith.sitofp %convert_element_type3A_846 : vector<16xi32> to vector<16xf32>
      %mul3A_848 = arith.constant 2.560000e+02 : f32
      %mul3A_849 = vector.broadcast %mul3A_848 : f32 to vector<16xf32>
      %mul3A_850 = arith.mulf %convert_element_type3A_847, %mul3A_849 : vector<16xf32>
      %sub3A_851 = arith.subf %mul3A_839, %mul3A_850 : vector<16xf32>
      %mul3A_852 = arith.constant 3.906250e-03 : f32
      %mul3A_853 = vector.broadcast %mul3A_852 : f32 to vector<16xf32>
      %mul3A_854 = arith.mulf %mul3A_842, %mul3A_853 : vector<16xf32>
      %convert_element_type3A_855 = arith.fptosi %mul3A_854 : vector<16xf32> to vector<16xi32>
      %convert_element_type3A_856 = arith.sitofp %convert_element_type3A_855 : vector<16xi32> to vector<16xf32>
      %mul3A_857 = arith.constant 2.560000e+02 : f32
      %mul3A_858 = vector.broadcast %mul3A_857 : f32 to vector<16xf32>
      %mul3A_859 = arith.mulf %convert_element_type3A_856, %mul3A_858 : vector<16xf32>
      %sub3A_860 = arith.subf %mul3A_842, %mul3A_859 : vector<16xf32>
      %sub3A_861 = arith.constant 5.000000e-01 : f32
      %sub3A_862 = vector.broadcast %sub3A_861 : f32 to vector<16xf32>
      %sub3A_863 = arith.subf %sub3A_851, %sub3A_862 : vector<16xf32>
      %convert_element_type3A_864 = arith.sitofp %add3A_836 : vector<16xi32> to vector<16xf32>
      %mul3A_865 = arith.constant 2.560000e+02 : f32
      %mul3A_866 = vector.broadcast %mul3A_865 : f32 to vector<16xf32>
      %mul3A_867 = arith.mulf %convert_element_type3A_864, %mul3A_866 : vector<16xf32>
      %add3A_868 = arith.addf %sub3A_860, %mul3A_867 : vector<16xf32>
      %sub3A_869 = arith.constant 5.000000e-01 : f32
      %sub3A_870 = vector.broadcast %sub3A_869 : f32 to vector<16xf32>
      %sub3A_871 = arith.subf %add3A_868, %sub3A_870 : vector<16xf32>
      %add3A_872 = arith.constant 1.000000e+00 : f32
      %add3A_873 = vector.broadcast %add3A_872 : f32 to vector<16xf32>
      %add3A_874 = arith.addf %sub3A_863, %add3A_873 : vector<16xf32>
      %convert_element_type3A_875 = arith.fptosi %add3A_874 : vector<16xf32> to vector<16xi32>
      %sub3A_876 = arith.constant 1 : i32
      %sub3A_877 = vector.broadcast %sub3A_876 : i32 to vector<16xi32>
      %sub3A_878 = arith.subi %convert_element_type3A_875, %sub3A_877 : vector<16xi32>
      %add3A_879 = arith.constant 1.000000e+00 : f32
      %add3A_880 = vector.broadcast %add3A_879 : f32 to vector<16xf32>
      %add3A_881 = arith.addf %sub3A_871, %add3A_880 : vector<16xf32>
      %convert_element_type3A_882 = arith.fptosi %add3A_881 : vector<16xf32> to vector<16xi32>
      %sub3A_883 = arith.constant 1 : i32
      %sub3A_884 = vector.broadcast %sub3A_883 : i32 to vector<16xi32>
      %sub3A_885 = arith.subi %convert_element_type3A_882, %sub3A_884 : vector<16xi32>
      %convert_element_type3A_886 = arith.sitofp %sub3A_878 : vector<16xi32> to vector<16xf32>
      %sub3A_887 = arith.subf %sub3A_863, %convert_element_type3A_886 : vector<16xf32>
      %sub3A_888 = arith.constant 1.000000e+00 : f32
      %sub3A_889 = vector.broadcast %sub3A_888 : f32 to vector<16xf32>
      %sub3A_890 = arith.subf %sub3A_889, %sub3A_887 : vector<16xf32>
      %convert_element_type3A_891 = arith.sitofp %sub3A_885 : vector<16xi32> to vector<16xf32>
      %sub3A_892 = arith.subf %sub3A_871, %convert_element_type3A_891 : vector<16xf32>
      %sub3A_893 = arith.constant 1.000000e+00 : f32
      %sub3A_894 = vector.broadcast %sub3A_893 : f32 to vector<16xf32>
      %sub3A_895 = arith.subf %sub3A_894, %sub3A_892 : vector<16xf32>
      %ge3A_896 = arith.constant 0.000000e+00 : f32
      %ge3A_897 = vector.broadcast %ge3A_896 : f32 to vector<16xf32>
      %ge3A_898 = arith.cmpf oge, %get3A_783, %ge3A_897 : vector<16xf32>
      %le3A_899 = arith.constant 1.000000e+00 : f32
      %le3A_900 = vector.broadcast %le3A_899 : f32 to vector<16xf32>
      %le3A_901 = arith.cmpf ole, %get3A_783, %le3A_900 : vector<16xf32>
      %and3A_902 = arith.andi %ge3A_898, %le3A_901 : vector<16xi1>
      %ge3A_903 = arith.constant 0.000000e+00 : f32
      %ge3A_904 = vector.broadcast %ge3A_903 : f32 to vector<16xf32>
      %ge3A_905 = arith.cmpf oge, %get3A_786, %ge3A_904 : vector<16xf32>
      %and3A_906 = arith.andi %and3A_902, %ge3A_905 : vector<16xi1>
      %le3A_907 = arith.constant 1.000000e+00 : f32
      %le3A_908 = vector.broadcast %le3A_907 : f32 to vector<16xf32>
      %le3A_909 = arith.cmpf ole, %get3A_786, %le3A_908 : vector<16xf32>
      %and3A_910 = arith.andi %and3A_906, %le3A_909 : vector<16xi1>
      %jit3A_911 = arith.constant 1.000000e+00 : f32
      %jit3A_912 = arith.constant 0.000000e+00 : f32
      %broadcast_in_dim3A_913 = vector.broadcast %jit3A_911 : f32 to vector<16xf32>
      %broadcast_in_dim3A_914 = vector.broadcast %jit3A_912 : f32 to vector<16xf32>
      %select_n3A_915 = arith.select %and3A_910, %broadcast_in_dim3A_913, %broadcast_in_dim3A_914 : vector<16xi1>, vector<16xf32>
      %add3A_916 = arith.constant 1 : i32
      %add3A_917 = vector.broadcast %add3A_916 : i32 to vector<16xi32>
      %add3A_918 = arith.addi %sub3A_878, %add3A_917 : vector<16xi32>
      %add3A_919 = arith.constant 1 : i32
      %add3A_920 = vector.broadcast %add3A_919 : i32 to vector<16xi32>
      %add3A_921 = arith.addi %sub3A_885, %add3A_920 : vector<16xi32>
      %ge3A_922 = arith.constant 0 : i32
      %ge3A_923 = vector.broadcast %ge3A_922 : i32 to vector<16xi32>
      %ge3A_924 = arith.cmpi sge, %sub3A_878, %ge3A_923 : vector<16xi32>
      %le3A_925 = arith.constant 255 : i32
      %le3A_926 = vector.broadcast %le3A_925 : i32 to vector<16xi32>
      %le3A_927 = arith.cmpi sle, %sub3A_878, %le3A_926 : vector<16xi32>
      %and3A_928 = arith.andi %ge3A_924, %le3A_927 : vector<16xi1>
      %jit3A_929 = arith.constant 1.000000e+00 : f32
      %jit3A_930 = arith.constant 0.000000e+00 : f32
      %broadcast_in_dim3A_931 = vector.broadcast %jit3A_929 : f32 to vector<16xf32>
      %broadcast_in_dim3A_932 = vector.broadcast %jit3A_930 : f32 to vector<16xf32>
      %select_n3A_933 = arith.select %and3A_928, %broadcast_in_dim3A_931, %broadcast_in_dim3A_932 : vector<16xi1>, vector<16xf32>
      %ge3A_934 = arith.constant 0 : i32
      %ge3A_935 = vector.broadcast %ge3A_934 : i32 to vector<16xi32>
      %ge3A_936 = arith.cmpi sge, %add3A_918, %ge3A_935 : vector<16xi32>
      %le3A_937 = arith.constant 255 : i32
      %le3A_938 = vector.broadcast %le3A_937 : i32 to vector<16xi32>
      %le3A_939 = arith.cmpi sle, %add3A_918, %le3A_938 : vector<16xi32>
      %and3A_940 = arith.andi %ge3A_936, %le3A_939 : vector<16xi1>
      %jit3A_941 = arith.constant 1.000000e+00 : f32
      %jit3A_942 = arith.constant 0.000000e+00 : f32
      %broadcast_in_dim3A_943 = vector.broadcast %jit3A_941 : f32 to vector<16xf32>
      %broadcast_in_dim3A_944 = vector.broadcast %jit3A_942 : f32 to vector<16xf32>
      %select_n3A_945 = arith.select %and3A_940, %broadcast_in_dim3A_943, %broadcast_in_dim3A_944 : vector<16xi1>, vector<16xf32>
      %ge3A_946 = arith.constant 0 : i32
      %ge3A_947 = vector.broadcast %ge3A_946 : i32 to vector<16xi32>
      %ge3A_948 = arith.cmpi sge, %sub3A_885, %ge3A_947 : vector<16xi32>
      %le3A_949 = arith.constant 16383 : i32
      %le3A_950 = vector.broadcast %le3A_949 : i32 to vector<16xi32>
      %le3A_951 = arith.cmpi sle, %sub3A_885, %le3A_950 : vector<16xi32>
      %and3A_952 = arith.andi %ge3A_948, %le3A_951 : vector<16xi1>
      %jit3A_953 = arith.constant 0.000000e+00 : f32
      %broadcast_in_dim3A_954 = vector.broadcast %jit3A_953 : f32 to vector<16xf32>
      %select_n3A_955 = arith.select %and3A_952, %select_n3A_915, %broadcast_in_dim3A_954 : vector<16xi1>, vector<16xf32>
      %ge3A_956 = arith.constant 0 : i32
      %ge3A_957 = vector.broadcast %ge3A_956 : i32 to vector<16xi32>
      %ge3A_958 = arith.cmpi sge, %add3A_921, %ge3A_957 : vector<16xi32>
      %le3A_959 = arith.constant 16383 : i32
      %le3A_960 = vector.broadcast %le3A_959 : i32 to vector<16xi32>
      %le3A_961 = arith.cmpi sle, %add3A_921, %le3A_960 : vector<16xi32>
      %and3A_962 = arith.andi %ge3A_958, %le3A_961 : vector<16xi1>
      %jit3A_963 = arith.constant 0.000000e+00 : f32
      %broadcast_in_dim3A_964 = vector.broadcast %jit3A_963 : f32 to vector<16xf32>
      %select_n3A_965 = arith.select %and3A_962, %select_n3A_915, %broadcast_in_dim3A_964 : vector<16xi1>, vector<16xf32>
      %mul3A_966 = arith.mulf %sub3A_890, %select_n3A_933 : vector<16xf32>
      %mul3A_967 = arith.mulf %sub3A_887, %select_n3A_945 : vector<16xf32>
      %mul3A_968 = arith.mulf %sub3A_895, %select_n3A_955 : vector<16xf32>
      %mul3A_969 = arith.mulf %sub3A_892, %select_n3A_965 : vector<16xf32>
      %max3A_970 = arith.constant 0 : i32
      %max3A_971 = vector.broadcast %max3A_970 : i32 to vector<16xi32>
      %max3A_972 = arith.maxsi %sub3A_878, %max3A_971 : vector<16xi32>
      %min3A_973 = arith.constant 255 : i32
      %min3A_974 = vector.broadcast %min3A_973 : i32 to vector<16xi32>
      %min3A_975 = arith.minsi %max3A_972, %min3A_974 : vector<16xi32>
      %max3A_976 = arith.constant 0 : i32
      %max3A_977 = vector.broadcast %max3A_976 : i32 to vector<16xi32>
      %max3A_978 = arith.maxsi %add3A_918, %max3A_977 : vector<16xi32>
      %min3A_979 = arith.constant 255 : i32
      %min3A_980 = vector.broadcast %min3A_979 : i32 to vector<16xi32>
      %min3A_981 = arith.minsi %max3A_978, %min3A_980 : vector<16xi32>
      %max3A_982 = arith.constant 0 : i32
      %max3A_983 = vector.broadcast %max3A_982 : i32 to vector<16xi32>
      %max3A_984 = arith.maxsi %sub3A_885, %max3A_983 : vector<16xi32>
      %min3A_985 = arith.constant 16383 : i32
      %min3A_986 = vector.broadcast %min3A_985 : i32 to vector<16xi32>
      %min3A_987 = arith.minsi %max3A_984, %min3A_986 : vector<16xi32>
      %mul3A_988 = arith.constant 256 : i32
      %mul3A_989 = vector.broadcast %mul3A_988 : i32 to vector<16xi32>
      %mul3A_990 = arith.muli %min3A_987, %mul3A_989 : vector<16xi32>
      %max3A_991 = arith.constant 0 : i32
      %max3A_992 = vector.broadcast %max3A_991 : i32 to vector<16xi32>
      %max3A_993 = arith.maxsi %add3A_921, %max3A_992 : vector<16xi32>
      %min3A_994 = arith.constant 16383 : i32
      %min3A_995 = vector.broadcast %min3A_994 : i32 to vector<16xi32>
      %min3A_996 = arith.minsi %max3A_993, %min3A_995 : vector<16xi32>
      %mul3A_997 = arith.constant 256 : i32
      %mul3A_998 = vector.broadcast %mul3A_997 : i32 to vector<16xi32>
      %mul3A_999 = arith.muli %min3A_996, %mul3A_998 : vector<16xi32>
      %add3A_1000 = arith.addi %mul3A_990, %min3A_975 : vector<16xi32>
      %swap3A_1001 = arith.constant 48 : index
      %swap3A_1002 = tpu.vector_load %arg10[%swap3A_1001] {strides = array<i32>} : memref<128xi32, #tpu.memory_space<vmem>>, vector<16xi32>,
      %swap3A_1003 = vector.shape_cast %swap3A_1002 : vector<16xi32> to vector<16xi32>
      %swap3A_1004 = vector.shape_cast %add3A_1000 : vector<16xi32> to vector<16xi32>
      tpu.vector_store %arg10[%swap3A_1001], %swap3A_1004 {strides = array<i32>} : memref<128xi32, #tpu.memory_space<vmem>>, vector<16xi32>,
      %add3A_1005 = arith.addi %mul3A_990, %min3A_981 : vector<16xi32>
      %swap3A_1006 = arith.constant 48 : index
      %swap3A_1007 = tpu.vector_load %arg11[%swap3A_1006] {strides = array<i32>} : memref<128xi32, #tpu.memory_space<vmem>>, vector<16xi32>,
      %swap3A_1008 = vector.shape_cast %swap3A_1007 : vector<16xi32> to vector<16xi32>
      %swap3A_1009 = vector.shape_cast %add3A_1005 : vector<16xi32> to vector<16xi32>
      tpu.vector_store %arg11[%swap3A_1006], %swap3A_1009 {strides = array<i32>} : memref<128xi32, #tpu.memory_space<vmem>>, vector<16xi32>,
      %add3A_1010 = arith.addi %mul3A_999, %min3A_975 : vector<16xi32>
      %swap3A_1011 = arith.constant 48 : index
      %swap3A_1012 = tpu.vector_load %arg12[%swap3A_1011] {strides = array<i32>} : memref<128xi32, #tpu.memory_space<vmem>>, vector<16xi32>,
      %swap3A_1013 = vector.shape_cast %swap3A_1012 : vector<16xi32> to vector<16xi32>
      %swap3A_1014 = vector.shape_cast %add3A_1010 : vector<16xi32> to vector<16xi32>
      tpu.vector_store %arg12[%swap3A_1011], %swap3A_1014 {strides = array<i32>} : memref<128xi32, #tpu.memory_space<vmem>>, vector<16xi32>,
      %add3A_1015 = arith.addi %mul3A_999, %min3A_981 : vector<16xi32>
      %swap3A_1016 = arith.constant 48 : index
      %swap3A_1017 = tpu.vector_load %arg13[%swap3A_1016] {strides = array<i32>} : memref<128xi32, #tpu.memory_space<vmem>>, vector<16xi32>,
      %swap3A_1018 = vector.shape_cast %swap3A_1017 : vector<16xi32> to vector<16xi32>
      %swap3A_1019 = vector.shape_cast %add3A_1015 : vector<16xi32> to vector<16xi32>
      tpu.vector_store %arg13[%swap3A_1016], %swap3A_1019 {strides = array<i32>} : memref<128xi32, #tpu.memory_space<vmem>>, vector<16xi32>,
      %mul3A_1020 = arith.mulf %mul3A_966, %mul3A_968 : vector<16xf32>
      %swap3A_1021 = arith.constant 48 : index
      %swap3A_1022 = tpu.vector_load %arg14[%swap3A_1021] {strides = array<i32>} : memref<144xf32, #tpu.memory_space<vmem>>, vector<16xf32>,
      %swap3A_1023 = vector.shape_cast %swap3A_1022 : vector<16xf32> to vector<16xf32>
      %swap3A_1024 = vector.shape_cast %mul3A_1020 : vector<16xf32> to vector<16xf32>
      tpu.vector_store %arg14[%swap3A_1021], %swap3A_1024 {strides = array<i32>} : memref<144xf32, #tpu.memory_space<vmem>>, vector<16xf32>,
      %mul3A_1025 = arith.mulf %mul3A_967, %mul3A_968 : vector<16xf32>
      %swap3A_1026 = arith.constant 48 : index
      %swap3A_1027 = tpu.vector_load %arg15[%swap3A_1026] {strides = array<i32>} : memref<144xf32, #tpu.memory_space<vmem>>, vector<16xf32>,
      %swap3A_1028 = vector.shape_cast %swap3A_1027 : vector<16xf32> to vector<16xf32>
      %swap3A_1029 = vector.shape_cast %mul3A_1025 : vector<16xf32> to vector<16xf32>
      tpu.vector_store %arg15[%swap3A_1026], %swap3A_1029 {strides = array<i32>} : memref<144xf32, #tpu.memory_space<vmem>>, vector<16xf32>,
      %mul3A_1030 = arith.mulf %mul3A_966, %mul3A_969 : vector<16xf32>
      %swap3A_1031 = arith.constant 48 : index
      %swap3A_1032 = tpu.vector_load %arg16[%swap3A_1031] {strides = array<i32>} : memref<144xf32, #tpu.memory_space<vmem>>, vector<16xf32>,
      %swap3A_1033 = vector.shape_cast %swap3A_1032 : vector<16xf32> to vector<16xf32>
      %swap3A_1034 = vector.shape_cast %mul3A_1030 : vector<16xf32> to vector<16xf32>
      tpu.vector_store %arg16[%swap3A_1031], %swap3A_1034 {strides = array<i32>} : memref<144xf32, #tpu.memory_space<vmem>>, vector<16xf32>,
      %mul3A_1035 = arith.mulf %mul3A_967, %mul3A_969 : vector<16xf32>
      %swap3A_1036 = arith.constant 48 : index
      %swap3A_1037 = tpu.vector_load %arg17[%swap3A_1036] {strides = array<i32>} : memref<144xf32, #tpu.memory_space<vmem>>, vector<16xf32>,
      %swap3A_1038 = vector.shape_cast %swap3A_1037 : vector<16xf32> to vector<16xf32>
      %swap3A_1039 = vector.shape_cast %mul3A_1035 : vector<16xf32> to vector<16xf32>
      tpu.vector_store %arg17[%swap3A_1036], %swap3A_1039 {strides = array<i32>} : memref<144xf32, #tpu.memory_space<vmem>>, vector<16xf32>,
      %get3A_1040 = arith.constant 64 : index
      %get3A_1041 = tpu.vector_load %arg7[%get3A_1040] {strides = array<i32>} : memref<128xf32, #tpu.memory_space<vmem>>, vector<16xf32>,
      %get3A_1042 = vector.shape_cast %get3A_1041 : vector<16xf32> to vector<16xf32>
      %get3A_1043 = arith.constant 64 : index
      %get3A_1044 = tpu.vector_load %arg8[%get3A_1043] {strides = array<i32>} : memref<128xf32, #tpu.memory_space<vmem>>, vector<16xf32>,
      %get3A_1045 = vector.shape_cast %get3A_1044 : vector<16xf32> to vector<16xf32>
      %get3A_1046 = arith.constant 64 : index
      %get3A_1047 = tpu.vector_load %arg9[%get3A_1046] {strides = array<i32>} : memref<128xf32, #tpu.memory_space<vmem>>, vector<16xf32>,
      %get3A_1048 = vector.shape_cast %get3A_1047 : vector<16xf32> to vector<16xf32>
      %max3A_1049 = arith.constant 0.000000e+00 : f32
      %max3A_1050 = vector.broadcast %max3A_1049 : f32 to vector<16xf32>
      %max3A_1051 = arith.maximumf %get3A_1042, %max3A_1050 : vector<16xf32>
      %min3A_1052 = arith.constant 1.000000e+00 : f32
      %min3A_1053 = vector.broadcast %min3A_1052 : f32 to vector<16xf32>
      %min3A_1054 = arith.minimumf %max3A_1051, %min3A_1053 : vector<16xf32>
      %max3A_1055 = arith.constant 0.000000e+00 : f32
      %max3A_1056 = vector.broadcast %max3A_1055 : f32 to vector<16xf32>
      %max3A_1057 = arith.maximumf %get3A_1045, %max3A_1056 : vector<16xf32>
      %min3A_1058 = arith.constant 1.000000e+00 : f32
      %min3A_1059 = vector.broadcast %min3A_1058 : f32 to vector<16xf32>
      %min3A_1060 = arith.minimumf %max3A_1057, %min3A_1059 : vector<16xf32>
      %max3A_1061 = arith.constant 0.000000e+00 : f32
      %max3A_1062 = vector.broadcast %max3A_1061 : f32 to vector<16xf32>
      %max3A_1063 = arith.maximumf %get3A_1048, %max3A_1062 : vector<16xf32>
      %min3A_1064 = arith.constant 1.000000e+00 : f32
      %min3A_1065 = vector.broadcast %min3A_1064 : f32 to vector<16xf32>
      %min3A_1066 = arith.minimumf %max3A_1063, %min3A_1065 : vector<16xf32>
      %mul3A_1067 = arith.constant 4.000000e+00 : f32
      %mul3A_1068 = vector.broadcast %mul3A_1067 : f32 to vector<16xf32>
      %mul3A_1069 = arith.mulf %min3A_1054, %mul3A_1068 : vector<16xf32>
      %convert_element_type3A_1070 = arith.fptosi %mul3A_1069 : vector<16xf32> to vector<16xi32>
      %min3A_1071 = arith.constant 3 : i32
      %min3A_1072 = vector.broadcast %min3A_1071 : i32 to vector<16xi32>
      %min3A_1073 = arith.minsi %convert_element_type3A_1070, %min3A_1072 : vector<16xi32>
      %mul3A_1074 = arith.constant 4.000000e+00 : f32
      %mul3A_1075 = vector.broadcast %mul3A_1074 : f32 to vector<16xf32>
      %mul3A_1076 = arith.mulf %min3A_1060, %mul3A_1075 : vector<16xf32>
      %convert_element_type3A_1077 = arith.fptosi %mul3A_1076 : vector<16xf32> to vector<16xi32>
      %min3A_1078 = arith.constant 3 : i32
      %min3A_1079 = vector.broadcast %min3A_1078 : i32 to vector<16xi32>
      %min3A_1080 = arith.minsi %convert_element_type3A_1077, %min3A_1079 : vector<16xi32>
      %mul3A_1081 = arith.constant 4.000000e+00 : f32
      %mul3A_1082 = vector.broadcast %mul3A_1081 : f32 to vector<16xf32>
      %mul3A_1083 = arith.mulf %min3A_1066, %mul3A_1082 : vector<16xf32>
      %convert_element_type3A_1084 = arith.fptosi %mul3A_1083 : vector<16xf32> to vector<16xi32>
      %min3A_1085 = arith.constant 3 : i32
      %min3A_1086 = vector.broadcast %min3A_1085 : i32 to vector<16xi32>
      %min3A_1087 = arith.minsi %convert_element_type3A_1084, %min3A_1086 : vector<16xi32>
      %mul3A_1088 = arith.constant 16 : i32
      %mul3A_1089 = vector.broadcast %mul3A_1088 : i32 to vector<16xi32>
      %mul3A_1090 = arith.muli %min3A_1087, %mul3A_1089 : vector<16xi32>
      %mul3A_1091 = arith.constant 4 : i32
      %mul3A_1092 = vector.broadcast %mul3A_1091 : i32 to vector<16xi32>
      %mul3A_1093 = arith.muli %min3A_1080, %mul3A_1092 : vector<16xi32>
      %add3A_1094 = arith.addi %mul3A_1090, %mul3A_1093 : vector<16xi32>
      %add3A_1095 = arith.addi %add3A_1094, %min3A_1073 : vector<16xi32>
      %mul3A_1096 = arith.constant 1.024000e+03 : f32
      %mul3A_1097 = vector.broadcast %mul3A_1096 : f32 to vector<16xf32>
      %mul3A_1098 = arith.mulf %get3A_1042, %mul3A_1097 : vector<16xf32>
      %mul3A_1099 = arith.constant 1.024000e+03 : f32
      %mul3A_1100 = vector.broadcast %mul3A_1099 : f32 to vector<16xf32>
      %mul3A_1101 = arith.mulf %get3A_1045, %mul3A_1100 : vector<16xf32>
      %mul3A_1102 = arith.constant 3.906250e-03 : f32
      %mul3A_1103 = vector.broadcast %mul3A_1102 : f32 to vector<16xf32>
      %mul3A_1104 = arith.mulf %mul3A_1098, %mul3A_1103 : vector<16xf32>
      %convert_element_type3A_1105 = arith.fptosi %mul3A_1104 : vector<16xf32> to vector<16xi32>
      %convert_element_type3A_1106 = arith.sitofp %convert_element_type3A_1105 : vector<16xi32> to vector<16xf32>
      %mul3A_1107 = arith.constant 2.560000e+02 : f32
      %mul3A_1108 = vector.broadcast %mul3A_1107 : f32 to vector<16xf32>
      %mul3A_1109 = arith.mulf %convert_element_type3A_1106, %mul3A_1108 : vector<16xf32>
      %sub3A_1110 = arith.subf %mul3A_1098, %mul3A_1109 : vector<16xf32>
      %mul3A_1111 = arith.constant 3.906250e-03 : f32
      %mul3A_1112 = vector.broadcast %mul3A_1111 : f32 to vector<16xf32>
      %mul3A_1113 = arith.mulf %mul3A_1101, %mul3A_1112 : vector<16xf32>
      %convert_element_type3A_1114 = arith.fptosi %mul3A_1113 : vector<16xf32> to vector<16xi32>
      %convert_element_type3A_1115 = arith.sitofp %convert_element_type3A_1114 : vector<16xi32> to vector<16xf32>
      %mul3A_1116 = arith.constant 2.560000e+02 : f32
      %mul3A_1117 = vector.broadcast %mul3A_1116 : f32 to vector<16xf32>
      %mul3A_1118 = arith.mulf %convert_element_type3A_1115, %mul3A_1117 : vector<16xf32>
      %sub3A_1119 = arith.subf %mul3A_1101, %mul3A_1118 : vector<16xf32>
      %sub3A_1120 = arith.constant 5.000000e-01 : f32
      %sub3A_1121 = vector.broadcast %sub3A_1120 : f32 to vector<16xf32>
      %sub3A_1122 = arith.subf %sub3A_1110, %sub3A_1121 : vector<16xf32>
      %convert_element_type3A_1123 = arith.sitofp %add3A_1095 : vector<16xi32> to vector<16xf32>
      %mul3A_1124 = arith.constant 2.560000e+02 : f32
      %mul3A_1125 = vector.broadcast %mul3A_1124 : f32 to vector<16xf32>
      %mul3A_1126 = arith.mulf %convert_element_type3A_1123, %mul3A_1125 : vector<16xf32>
      %add3A_1127 = arith.addf %sub3A_1119, %mul3A_1126 : vector<16xf32>
      %sub3A_1128 = arith.constant 5.000000e-01 : f32
      %sub3A_1129 = vector.broadcast %sub3A_1128 : f32 to vector<16xf32>
      %sub3A_1130 = arith.subf %add3A_1127, %sub3A_1129 : vector<16xf32>
      %add3A_1131 = arith.constant 1.000000e+00 : f32
      %add3A_1132 = vector.broadcast %add3A_1131 : f32 to vector<16xf32>
      %add3A_1133 = arith.addf %sub3A_1122, %add3A_1132 : vector<16xf32>
      %convert_element_type3A_1134 = arith.fptosi %add3A_1133 : vector<16xf32> to vector<16xi32>
      %sub3A_1135 = arith.constant 1 : i32
      %sub3A_1136 = vector.broadcast %sub3A_1135 : i32 to vector<16xi32>
      %sub3A_1137 = arith.subi %convert_element_type3A_1134, %sub3A_1136 : vector<16xi32>
      %add3A_1138 = arith.constant 1.000000e+00 : f32
      %add3A_1139 = vector.broadcast %add3A_1138 : f32 to vector<16xf32>
      %add3A_1140 = arith.addf %sub3A_1130, %add3A_1139 : vector<16xf32>
      %convert_element_type3A_1141 = arith.fptosi %add3A_1140 : vector<16xf32> to vector<16xi32>
      %sub3A_1142 = arith.constant 1 : i32
      %sub3A_1143 = vector.broadcast %sub3A_1142 : i32 to vector<16xi32>
      %sub3A_1144 = arith.subi %convert_element_type3A_1141, %sub3A_1143 : vector<16xi32>
      %convert_element_type3A_1145 = arith.sitofp %sub3A_1137 : vector<16xi32> to vector<16xf32>
      %sub3A_1146 = arith.subf %sub3A_1122, %convert_element_type3A_1145 : vector<16xf32>
      %sub3A_1147 = arith.constant 1.000000e+00 : f32
      %sub3A_1148 = vector.broadcast %sub3A_1147 : f32 to vector<16xf32>
      %sub3A_1149 = arith.subf %sub3A_1148, %sub3A_1146 : vector<16xf32>
      %convert_element_type3A_1150 = arith.sitofp %sub3A_1144 : vector<16xi32> to vector<16xf32>
      %sub3A_1151 = arith.subf %sub3A_1130, %convert_element_type3A_1150 : vector<16xf32>
      %sub3A_1152 = arith.constant 1.000000e+00 : f32
      %sub3A_1153 = vector.broadcast %sub3A_1152 : f32 to vector<16xf32>
      %sub3A_1154 = arith.subf %sub3A_1153, %sub3A_1151 : vector<16xf32>
      %ge3A_1155 = arith.constant 0.000000e+00 : f32
      %ge3A_1156 = vector.broadcast %ge3A_1155 : f32 to vector<16xf32>
      %ge3A_1157 = arith.cmpf oge, %get3A_1042, %ge3A_1156 : vector<16xf32>
      %le3A_1158 = arith.constant 1.000000e+00 : f32
      %le3A_1159 = vector.broadcast %le3A_1158 : f32 to vector<16xf32>
      %le3A_1160 = arith.cmpf ole, %get3A_1042, %le3A_1159 : vector<16xf32>
      %and3A_1161 = arith.andi %ge3A_1157, %le3A_1160 : vector<16xi1>
      %ge3A_1162 = arith.constant 0.000000e+00 : f32
      %ge3A_1163 = vector.broadcast %ge3A_1162 : f32 to vector<16xf32>
      %ge3A_1164 = arith.cmpf oge, %get3A_1045, %ge3A_1163 : vector<16xf32>
      %and3A_1165 = arith.andi %and3A_1161, %ge3A_1164 : vector<16xi1>
      %le3A_1166 = arith.constant 1.000000e+00 : f32
      %le3A_1167 = vector.broadcast %le3A_1166 : f32 to vector<16xf32>
      %le3A_1168 = arith.cmpf ole, %get3A_1045, %le3A_1167 : vector<16xf32>
      %and3A_1169 = arith.andi %and3A_1165, %le3A_1168 : vector<16xi1>
      %jit3A_1170 = arith.constant 1.000000e+00 : f32
      %jit3A_1171 = arith.constant 0.000000e+00 : f32
      %broadcast_in_dim3A_1172 = vector.broadcast %jit3A_1170 : f32 to vector<16xf32>
      %broadcast_in_dim3A_1173 = vector.broadcast %jit3A_1171 : f32 to vector<16xf32>
      %select_n3A_1174 = arith.select %and3A_1169, %broadcast_in_dim3A_1172, %broadcast_in_dim3A_1173 : vector<16xi1>, vector<16xf32>
      %add3A_1175 = arith.constant 1 : i32
      %add3A_1176 = vector.broadcast %add3A_1175 : i32 to vector<16xi32>
      %add3A_1177 = arith.addi %sub3A_1137, %add3A_1176 : vector<16xi32>
      %add3A_1178 = arith.constant 1 : i32
      %add3A_1179 = vector.broadcast %add3A_1178 : i32 to vector<16xi32>
      %add3A_1180 = arith.addi %sub3A_1144, %add3A_1179 : vector<16xi32>
      %ge3A_1181 = arith.constant 0 : i32
      %ge3A_1182 = vector.broadcast %ge3A_1181 : i32 to vector<16xi32>
      %ge3A_1183 = arith.cmpi sge, %sub3A_1137, %ge3A_1182 : vector<16xi32>
      %le3A_1184 = arith.constant 255 : i32
      %le3A_1185 = vector.broadcast %le3A_1184 : i32 to vector<16xi32>
      %le3A_1186 = arith.cmpi sle, %sub3A_1137, %le3A_1185 : vector<16xi32>
      %and3A_1187 = arith.andi %ge3A_1183, %le3A_1186 : vector<16xi1>
      %jit3A_1188 = arith.constant 1.000000e+00 : f32
      %jit3A_1189 = arith.constant 0.000000e+00 : f32
      %broadcast_in_dim3A_1190 = vector.broadcast %jit3A_1188 : f32 to vector<16xf32>
      %broadcast_in_dim3A_1191 = vector.broadcast %jit3A_1189 : f32 to vector<16xf32>
      %select_n3A_1192 = arith.select %and3A_1187, %broadcast_in_dim3A_1190, %broadcast_in_dim3A_1191 : vector<16xi1>, vector<16xf32>
      %ge3A_1193 = arith.constant 0 : i32
      %ge3A_1194 = vector.broadcast %ge3A_1193 : i32 to vector<16xi32>
      %ge3A_1195 = arith.cmpi sge, %add3A_1177, %ge3A_1194 : vector<16xi32>
      %le3A_1196 = arith.constant 255 : i32
      %le3A_1197 = vector.broadcast %le3A_1196 : i32 to vector<16xi32>
      %le3A_1198 = arith.cmpi sle, %add3A_1177, %le3A_1197 : vector<16xi32>
      %and3A_1199 = arith.andi %ge3A_1195, %le3A_1198 : vector<16xi1>
      %jit3A_1200 = arith.constant 1.000000e+00 : f32
      %jit3A_1201 = arith.constant 0.000000e+00 : f32
      %broadcast_in_dim3A_1202 = vector.broadcast %jit3A_1200 : f32 to vector<16xf32>
      %broadcast_in_dim3A_1203 = vector.broadcast %jit3A_1201 : f32 to vector<16xf32>
      %select_n3A_1204 = arith.select %and3A_1199, %broadcast_in_dim3A_1202, %broadcast_in_dim3A_1203 : vector<16xi1>, vector<16xf32>
      %ge3A_1205 = arith.constant 0 : i32
      %ge3A_1206 = vector.broadcast %ge3A_1205 : i32 to vector<16xi32>
      %ge3A_1207 = arith.cmpi sge, %sub3A_1144, %ge3A_1206 : vector<16xi32>
      %le3A_1208 = arith.constant 16383 : i32
      %le3A_1209 = vector.broadcast %le3A_1208 : i32 to vector<16xi32>
      %le3A_1210 = arith.cmpi sle, %sub3A_1144, %le3A_1209 : vector<16xi32>
      %and3A_1211 = arith.andi %ge3A_1207, %le3A_1210 : vector<16xi1>
      %jit3A_1212 = arith.constant 0.000000e+00 : f32
      %broadcast_in_dim3A_1213 = vector.broadcast %jit3A_1212 : f32 to vector<16xf32>
      %select_n3A_1214 = arith.select %and3A_1211, %select_n3A_1174, %broadcast_in_dim3A_1213 : vector<16xi1>, vector<16xf32>
      %ge3A_1215 = arith.constant 0 : i32
      %ge3A_1216 = vector.broadcast %ge3A_1215 : i32 to vector<16xi32>
      %ge3A_1217 = arith.cmpi sge, %add3A_1180, %ge3A_1216 : vector<16xi32>
      %le3A_1218 = arith.constant 16383 : i32
      %le3A_1219 = vector.broadcast %le3A_1218 : i32 to vector<16xi32>
      %le3A_1220 = arith.cmpi sle, %add3A_1180, %le3A_1219 : vector<16xi32>
      %and3A_1221 = arith.andi %ge3A_1217, %le3A_1220 : vector<16xi1>
      %jit3A_1222 = arith.constant 0.000000e+00 : f32
      %broadcast_in_dim3A_1223 = vector.broadcast %jit3A_1222 : f32 to vector<16xf32>
      %select_n3A_1224 = arith.select %and3A_1221, %select_n3A_1174, %broadcast_in_dim3A_1223 : vector<16xi1>, vector<16xf32>
      %mul3A_1225 = arith.mulf %sub3A_1149, %select_n3A_1192 : vector<16xf32>
      %mul3A_1226 = arith.mulf %sub3A_1146, %select_n3A_1204 : vector<16xf32>
      %mul3A_1227 = arith.mulf %sub3A_1154, %select_n3A_1214 : vector<16xf32>
      %mul3A_1228 = arith.mulf %sub3A_1151, %select_n3A_1224 : vector<16xf32>
      %max3A_1229 = arith.constant 0 : i32
      %max3A_1230 = vector.broadcast %max3A_1229 : i32 to vector<16xi32>
      %max3A_1231 = arith.maxsi %sub3A_1137, %max3A_1230 : vector<16xi32>
      %min3A_1232 = arith.constant 255 : i32
      %min3A_1233 = vector.broadcast %min3A_1232 : i32 to vector<16xi32>
      %min3A_1234 = arith.minsi %max3A_1231, %min3A_1233 : vector<16xi32>
      %max3A_1235 = arith.constant 0 : i32
      %max3A_1236 = vector.broadcast %max3A_1235 : i32 to vector<16xi32>
      %max3A_1237 = arith.maxsi %add3A_1177, %max3A_1236 : vector<16xi32>
      %min3A_1238 = arith.constant 255 : i32
      %min3A_1239 = vector.broadcast %min3A_1238 : i32 to vector<16xi32>
      %min3A_1240 = arith.minsi %max3A_1237, %min3A_1239 : vector<16xi32>
      %max3A_1241 = arith.constant 0 : i32
      %max3A_1242 = vector.broadcast %max3A_1241 : i32 to vector<16xi32>
      %max3A_1243 = arith.maxsi %sub3A_1144, %max3A_1242 : vector<16xi32>
      %min3A_1244 = arith.constant 16383 : i32
      %min3A_1245 = vector.broadcast %min3A_1244 : i32 to vector<16xi32>
      %min3A_1246 = arith.minsi %max3A_1243, %min3A_1245 : vector<16xi32>
      %mul3A_1247 = arith.constant 256 : i32
      %mul3A_1248 = vector.broadcast %mul3A_1247 : i32 to vector<16xi32>
      %mul3A_1249 = arith.muli %min3A_1246, %mul3A_1248 : vector<16xi32>
      %max3A_1250 = arith.constant 0 : i32
      %max3A_1251 = vector.broadcast %max3A_1250 : i32 to vector<16xi32>
      %max3A_1252 = arith.maxsi %add3A_1180, %max3A_1251 : vector<16xi32>
      %min3A_1253 = arith.constant 16383 : i32
      %min3A_1254 = vector.broadcast %min3A_1253 : i32 to vector<16xi32>
      %min3A_1255 = arith.minsi %max3A_1252, %min3A_1254 : vector<16xi32>
      %mul3A_1256 = arith.constant 256 : i32
      %mul3A_1257 = vector.broadcast %mul3A_1256 : i32 to vector<16xi32>
      %mul3A_1258 = arith.muli %min3A_1255, %mul3A_1257 : vector<16xi32>
      %add3A_1259 = arith.addi %mul3A_1249, %min3A_1234 : vector<16xi32>
      %swap3A_1260 = arith.constant 64 : index
      %swap3A_1261 = tpu.vector_load %arg10[%swap3A_1260] {strides = array<i32>} : memref<128xi32, #tpu.memory_space<vmem>>, vector<16xi32>,
      %swap3A_1262 = vector.shape_cast %swap3A_1261 : vector<16xi32> to vector<16xi32>
      %swap3A_1263 = vector.shape_cast %add3A_1259 : vector<16xi32> to vector<16xi32>
      tpu.vector_store %arg10[%swap3A_1260], %swap3A_1263 {strides = array<i32>} : memref<128xi32, #tpu.memory_space<vmem>>, vector<16xi32>,
      %add3A_1264 = arith.addi %mul3A_1249, %min3A_1240 : vector<16xi32>
      %swap3A_1265 = arith.constant 64 : index
      %swap3A_1266 = tpu.vector_load %arg11[%swap3A_1265] {strides = array<i32>} : memref<128xi32, #tpu.memory_space<vmem>>, vector<16xi32>,
      %swap3A_1267 = vector.shape_cast %swap3A_1266 : vector<16xi32> to vector<16xi32>
      %swap3A_1268 = vector.shape_cast %add3A_1264 : vector<16xi32> to vector<16xi32>
      tpu.vector_store %arg11[%swap3A_1265], %swap3A_1268 {strides = array<i32>} : memref<128xi32, #tpu.memory_space<vmem>>, vector<16xi32>,
      %add3A_1269 = arith.addi %mul3A_1258, %min3A_1234 : vector<16xi32>
      %swap3A_1270 = arith.constant 64 : index
      %swap3A_1271 = tpu.vector_load %arg12[%swap3A_1270] {strides = array<i32>} : memref<128xi32, #tpu.memory_space<vmem>>, vector<16xi32>,
      %swap3A_1272 = vector.shape_cast %swap3A_1271 : vector<16xi32> to vector<16xi32>
      %swap3A_1273 = vector.shape_cast %add3A_1269 : vector<16xi32> to vector<16xi32>
      tpu.vector_store %arg12[%swap3A_1270], %swap3A_1273 {strides = array<i32>} : memref<128xi32, #tpu.memory_space<vmem>>, vector<16xi32>,
      %add3A_1274 = arith.addi %mul3A_1258, %min3A_1240 : vector<16xi32>
      %swap3A_1275 = arith.constant 64 : index
      %swap3A_1276 = tpu.vector_load %arg13[%swap3A_1275] {strides = array<i32>} : memref<128xi32, #tpu.memory_space<vmem>>, vector<16xi32>,
      %swap3A_1277 = vector.shape_cast %swap3A_1276 : vector<16xi32> to vector<16xi32>
      %swap3A_1278 = vector.shape_cast %add3A_1274 : vector<16xi32> to vector<16xi32>
      tpu.vector_store %arg13[%swap3A_1275], %swap3A_1278 {strides = array<i32>} : memref<128xi32, #tpu.memory_space<vmem>>, vector<16xi32>,
      %mul3A_1279 = arith.mulf %mul3A_1225, %mul3A_1227 : vector<16xf32>
      %swap3A_1280 = arith.constant 64 : index
      %swap3A_1281 = tpu.vector_load %arg14[%swap3A_1280] {strides = array<i32>} : memref<144xf32, #tpu.memory_space<vmem>>, vector<16xf32>,
      %swap3A_1282 = vector.shape_cast %swap3A_1281 : vector<16xf32> to vector<16xf32>
      %swap3A_1283 = vector.shape_cast %mul3A_1279 : vector<16xf32> to vector<16xf32>
      tpu.vector_store %arg14[%swap3A_1280], %swap3A_1283 {strides = array<i32>} : memref<144xf32, #tpu.memory_space<vmem>>, vector<16xf32>,
      %mul3A_1284 = arith.mulf %mul3A_1226, %mul3A_1227 : vector<16xf32>
      %swap3A_1285 = arith.constant 64 : index
      %swap3A_1286 = tpu.vector_load %arg15[%swap3A_1285] {strides = array<i32>} : memref<144xf32, #tpu.memory_space<vmem>>, vector<16xf32>,
      %swap3A_1287 = vector.shape_cast %swap3A_1286 : vector<16xf32> to vector<16xf32>
      %swap3A_1288 = vector.shape_cast %mul3A_1284 : vector<16xf32> to vector<16xf32>
      tpu.vector_store %arg15[%swap3A_1285], %swap3A_1288 {strides = array<i32>} : memref<144xf32, #tpu.memory_space<vmem>>, vector<16xf32>,
      %mul3A_1289 = arith.mulf %mul3A_1225, %mul3A_1228 : vector<16xf32>
      %swap3A_1290 = arith.constant 64 : index
      %swap3A_1291 = tpu.vector_load %arg16[%swap3A_1290] {strides = array<i32>} : memref<144xf32, #tpu.memory_space<vmem>>, vector<16xf32>,
      %swap3A_1292 = vector.shape_cast %swap3A_1291 : vector<16xf32> to vector<16xf32>
      %swap3A_1293 = vector.shape_cast %mul3A_1289 : vector<16xf32> to vector<16xf32>
      tpu.vector_store %arg16[%swap3A_1290], %swap3A_1293 {strides = array<i32>} : memref<144xf32, #tpu.memory_space<vmem>>, vector<16xf32>,
      %mul3A_1294 = arith.mulf %mul3A_1226, %mul3A_1228 : vector<16xf32>
      %swap3A_1295 = arith.constant 64 : index
      %swap3A_1296 = tpu.vector_load %arg17[%swap3A_1295] {strides = array<i32>} : memref<144xf32, #tpu.memory_space<vmem>>, vector<16xf32>,
      %swap3A_1297 = vector.shape_cast %swap3A_1296 : vector<16xf32> to vector<16xf32>
      %swap3A_1298 = vector.shape_cast %mul3A_1294 : vector<16xf32> to vector<16xf32>
      tpu.vector_store %arg17[%swap3A_1295], %swap3A_1298 {strides = array<i32>} : memref<144xf32, #tpu.memory_space<vmem>>, vector<16xf32>,
      %get3A_1299 = arith.constant 80 : index
      %get3A_1300 = tpu.vector_load %arg7[%get3A_1299] {strides = array<i32>} : memref<128xf32, #tpu.memory_space<vmem>>, vector<16xf32>,
      %get3A_1301 = vector.shape_cast %get3A_1300 : vector<16xf32> to vector<16xf32>
      %get3A_1302 = arith.constant 80 : index
      %get3A_1303 = tpu.vector_load %arg8[%get3A_1302] {strides = array<i32>} : memref<128xf32, #tpu.memory_space<vmem>>, vector<16xf32>,
      %get3A_1304 = vector.shape_cast %get3A_1303 : vector<16xf32> to vector<16xf32>
      %get3A_1305 = arith.constant 80 : index
      %get3A_1306 = tpu.vector_load %arg9[%get3A_1305] {strides = array<i32>} : memref<128xf32, #tpu.memory_space<vmem>>, vector<16xf32>,
      %get3A_1307 = vector.shape_cast %get3A_1306 : vector<16xf32> to vector<16xf32>
      %max3A_1308 = arith.constant 0.000000e+00 : f32
      %max3A_1309 = vector.broadcast %max3A_1308 : f32 to vector<16xf32>
      %max3A_1310 = arith.maximumf %get3A_1301, %max3A_1309 : vector<16xf32>
      %min3A_1311 = arith.constant 1.000000e+00 : f32
      %min3A_1312 = vector.broadcast %min3A_1311 : f32 to vector<16xf32>
      %min3A_1313 = arith.minimumf %max3A_1310, %min3A_1312 : vector<16xf32>
      %max3A_1314 = arith.constant 0.000000e+00 : f32
      %max3A_1315 = vector.broadcast %max3A_1314 : f32 to vector<16xf32>
      %max3A_1316 = arith.maximumf %get3A_1304, %max3A_1315 : vector<16xf32>
      %min3A_1317 = arith.constant 1.000000e+00 : f32
      %min3A_1318 = vector.broadcast %min3A_1317 : f32 to vector<16xf32>
      %min3A_1319 = arith.minimumf %max3A_1316, %min3A_1318 : vector<16xf32>
      %max3A_1320 = arith.constant 0.000000e+00 : f32
      %max3A_1321 = vector.broadcast %max3A_1320 : f32 to vector<16xf32>
      %max3A_1322 = arith.maximumf %get3A_1307, %max3A_1321 : vector<16xf32>
      %min3A_1323 = arith.constant 1.000000e+00 : f32
      %min3A_1324 = vector.broadcast %min3A_1323 : f32 to vector<16xf32>
      %min3A_1325 = arith.minimumf %max3A_1322, %min3A_1324 : vector<16xf32>
      %mul3A_1326 = arith.constant 4.000000e+00 : f32
      %mul3A_1327 = vector.broadcast %mul3A_1326 : f32 to vector<16xf32>
      %mul3A_1328 = arith.mulf %min3A_1313, %mul3A_1327 : vector<16xf32>
      %convert_element_type3A_1329 = arith.fptosi %mul3A_1328 : vector<16xf32> to vector<16xi32>
      %min3A_1330 = arith.constant 3 : i32
      %min3A_1331 = vector.broadcast %min3A_1330 : i32 to vector<16xi32>
      %min3A_1332 = arith.minsi %convert_element_type3A_1329, %min3A_1331 : vector<16xi32>
      %mul3A_1333 = arith.constant 4.000000e+00 : f32
      %mul3A_1334 = vector.broadcast %mul3A_1333 : f32 to vector<16xf32>
      %mul3A_1335 = arith.mulf %min3A_1319, %mul3A_1334 : vector<16xf32>
      %convert_element_type3A_1336 = arith.fptosi %mul3A_1335 : vector<16xf32> to vector<16xi32>
      %min3A_1337 = arith.constant 3 : i32
      %min3A_1338 = vector.broadcast %min3A_1337 : i32 to vector<16xi32>
      %min3A_1339 = arith.minsi %convert_element_type3A_1336, %min3A_1338 : vector<16xi32>
      %mul3A_1340 = arith.constant 4.000000e+00 : f32
      %mul3A_1341 = vector.broadcast %mul3A_1340 : f32 to vector<16xf32>
      %mul3A_1342 = arith.mulf %min3A_1325, %mul3A_1341 : vector<16xf32>
      %convert_element_type3A_1343 = arith.fptosi %mul3A_1342 : vector<16xf32> to vector<16xi32>
      %min3A_1344 = arith.constant 3 : i32
      %min3A_1345 = vector.broadcast %min3A_1344 : i32 to vector<16xi32>
      %min3A_1346 = arith.minsi %convert_element_type3A_1343, %min3A_1345 : vector<16xi32>
      %mul3A_1347 = arith.constant 16 : i32
      %mul3A_1348 = vector.broadcast %mul3A_1347 : i32 to vector<16xi32>
      %mul3A_1349 = arith.muli %min3A_1346, %mul3A_1348 : vector<16xi32>
      %mul3A_1350 = arith.constant 4 : i32
      %mul3A_1351 = vector.broadcast %mul3A_1350 : i32 to vector<16xi32>
      %mul3A_1352 = arith.muli %min3A_1339, %mul3A_1351 : vector<16xi32>
      %add3A_1353 = arith.addi %mul3A_1349, %mul3A_1352 : vector<16xi32>
      %add3A_1354 = arith.addi %add3A_1353, %min3A_1332 : vector<16xi32>
      %mul3A_1355 = arith.constant 1.024000e+03 : f32
      %mul3A_1356 = vector.broadcast %mul3A_1355 : f32 to vector<16xf32>
      %mul3A_1357 = arith.mulf %get3A_1301, %mul3A_1356 : vector<16xf32>
      %mul3A_1358 = arith.constant 1.024000e+03 : f32
      %mul3A_1359 = vector.broadcast %mul3A_1358 : f32 to vector<16xf32>
      %mul3A_1360 = arith.mulf %get3A_1304, %mul3A_1359 : vector<16xf32>
      %mul3A_1361 = arith.constant 3.906250e-03 : f32
      %mul3A_1362 = vector.broadcast %mul3A_1361 : f32 to vector<16xf32>
      %mul3A_1363 = arith.mulf %mul3A_1357, %mul3A_1362 : vector<16xf32>
      %convert_element_type3A_1364 = arith.fptosi %mul3A_1363 : vector<16xf32> to vector<16xi32>
      %convert_element_type3A_1365 = arith.sitofp %convert_element_type3A_1364 : vector<16xi32> to vector<16xf32>
      %mul3A_1366 = arith.constant 2.560000e+02 : f32
      %mul3A_1367 = vector.broadcast %mul3A_1366 : f32 to vector<16xf32>
      %mul3A_1368 = arith.mulf %convert_element_type3A_1365, %mul3A_1367 : vector<16xf32>
      %sub3A_1369 = arith.subf %mul3A_1357, %mul3A_1368 : vector<16xf32>
      %mul3A_1370 = arith.constant 3.906250e-03 : f32
      %mul3A_1371 = vector.broadcast %mul3A_1370 : f32 to vector<16xf32>
      %mul3A_1372 = arith.mulf %mul3A_1360, %mul3A_1371 : vector<16xf32>
      %convert_element_type3A_1373 = arith.fptosi %mul3A_1372 : vector<16xf32> to vector<16xi32>
      %convert_element_type3A_1374 = arith.sitofp %convert_element_type3A_1373 : vector<16xi32> to vector<16xf32>
      %mul3A_1375 = arith.constant 2.560000e+02 : f32
      %mul3A_1376 = vector.broadcast %mul3A_1375 : f32 to vector<16xf32>
      %mul3A_1377 = arith.mulf %convert_element_type3A_1374, %mul3A_1376 : vector<16xf32>
      %sub3A_1378 = arith.subf %mul3A_1360, %mul3A_1377 : vector<16xf32>
      %sub3A_1379 = arith.constant 5.000000e-01 : f32
      %sub3A_1380 = vector.broadcast %sub3A_1379 : f32 to vector<16xf32>
      %sub3A_1381 = arith.subf %sub3A_1369, %sub3A_1380 : vector<16xf32>
      %convert_element_type3A_1382 = arith.sitofp %add3A_1354 : vector<16xi32> to vector<16xf32>
      %mul3A_1383 = arith.constant 2.560000e+02 : f32
      %mul3A_1384 = vector.broadcast %mul3A_1383 : f32 to vector<16xf32>
      %mul3A_1385 = arith.mulf %convert_element_type3A_1382, %mul3A_1384 : vector<16xf32>
      %add3A_1386 = arith.addf %sub3A_1378, %mul3A_1385 : vector<16xf32>
      %sub3A_1387 = arith.constant 5.000000e-01 : f32
      %sub3A_1388 = vector.broadcast %sub3A_1387 : f32 to vector<16xf32>
      %sub3A_1389 = arith.subf %add3A_1386, %sub3A_1388 : vector<16xf32>
      %add3A_1390 = arith.constant 1.000000e+00 : f32
      %add3A_1391 = vector.broadcast %add3A_1390 : f32 to vector<16xf32>
      %add3A_1392 = arith.addf %sub3A_1381, %add3A_1391 : vector<16xf32>
      %convert_element_type3A_1393 = arith.fptosi %add3A_1392 : vector<16xf32> to vector<16xi32>
      %sub3A_1394 = arith.constant 1 : i32
      %sub3A_1395 = vector.broadcast %sub3A_1394 : i32 to vector<16xi32>
      %sub3A_1396 = arith.subi %convert_element_type3A_1393, %sub3A_1395 : vector<16xi32>
      %add3A_1397 = arith.constant 1.000000e+00 : f32
      %add3A_1398 = vector.broadcast %add3A_1397 : f32 to vector<16xf32>
      %add3A_1399 = arith.addf %sub3A_1389, %add3A_1398 : vector<16xf32>
      %convert_element_type3A_1400 = arith.fptosi %add3A_1399 : vector<16xf32> to vector<16xi32>
      %sub3A_1401 = arith.constant 1 : i32
      %sub3A_1402 = vector.broadcast %sub3A_1401 : i32 to vector<16xi32>
      %sub3A_1403 = arith.subi %convert_element_type3A_1400, %sub3A_1402 : vector<16xi32>
      %convert_element_type3A_1404 = arith.sitofp %sub3A_1396 : vector<16xi32> to vector<16xf32>
      %sub3A_1405 = arith.subf %sub3A_1381, %convert_element_type3A_1404 : vector<16xf32>
      %sub3A_1406 = arith.constant 1.000000e+00 : f32
      %sub3A_1407 = vector.broadcast %sub3A_1406 : f32 to vector<16xf32>
      %sub3A_1408 = arith.subf %sub3A_1407, %sub3A_1405 : vector<16xf32>
      %convert_element_type3A_1409 = arith.sitofp %sub3A_1403 : vector<16xi32> to vector<16xf32>
      %sub3A_1410 = arith.subf %sub3A_1389, %convert_element_type3A_1409 : vector<16xf32>
      %sub3A_1411 = arith.constant 1.000000e+00 : f32
      %sub3A_1412 = vector.broadcast %sub3A_1411 : f32 to vector<16xf32>
      %sub3A_1413 = arith.subf %sub3A_1412, %sub3A_1410 : vector<16xf32>
      %ge3A_1414 = arith.constant 0.000000e+00 : f32
      %ge3A_1415 = vector.broadcast %ge3A_1414 : f32 to vector<16xf32>
      %ge3A_1416 = arith.cmpf oge, %get3A_1301, %ge3A_1415 : vector<16xf32>
      %le3A_1417 = arith.constant 1.000000e+00 : f32
      %le3A_1418 = vector.broadcast %le3A_1417 : f32 to vector<16xf32>
      %le3A_1419 = arith.cmpf ole, %get3A_1301, %le3A_1418 : vector<16xf32>
      %and3A_1420 = arith.andi %ge3A_1416, %le3A_1419 : vector<16xi1>
      %ge3A_1421 = arith.constant 0.000000e+00 : f32
      %ge3A_1422 = vector.broadcast %ge3A_1421 : f32 to vector<16xf32>
      %ge3A_1423 = arith.cmpf oge, %get3A_1304, %ge3A_1422 : vector<16xf32>
      %and3A_1424 = arith.andi %and3A_1420, %ge3A_1423 : vector<16xi1>
      %le3A_1425 = arith.constant 1.000000e+00 : f32
      %le3A_1426 = vector.broadcast %le3A_1425 : f32 to vector<16xf32>
      %le3A_1427 = arith.cmpf ole, %get3A_1304, %le3A_1426 : vector<16xf32>
      %and3A_1428 = arith.andi %and3A_1424, %le3A_1427 : vector<16xi1>
      %jit3A_1429 = arith.constant 1.000000e+00 : f32
      %jit3A_1430 = arith.constant 0.000000e+00 : f32
      %broadcast_in_dim3A_1431 = vector.broadcast %jit3A_1429 : f32 to vector<16xf32>
      %broadcast_in_dim3A_1432 = vector.broadcast %jit3A_1430 : f32 to vector<16xf32>
      %select_n3A_1433 = arith.select %and3A_1428, %broadcast_in_dim3A_1431, %broadcast_in_dim3A_1432 : vector<16xi1>, vector<16xf32>
      %add3A_1434 = arith.constant 1 : i32
      %add3A_1435 = vector.broadcast %add3A_1434 : i32 to vector<16xi32>
      %add3A_1436 = arith.addi %sub3A_1396, %add3A_1435 : vector<16xi32>
      %add3A_1437 = arith.constant 1 : i32
      %add3A_1438 = vector.broadcast %add3A_1437 : i32 to vector<16xi32>
      %add3A_1439 = arith.addi %sub3A_1403, %add3A_1438 : vector<16xi32>
      %ge3A_1440 = arith.constant 0 : i32
      %ge3A_1441 = vector.broadcast %ge3A_1440 : i32 to vector<16xi32>
      %ge3A_1442 = arith.cmpi sge, %sub3A_1396, %ge3A_1441 : vector<16xi32>
      %le3A_1443 = arith.constant 255 : i32
      %le3A_1444 = vector.broadcast %le3A_1443 : i32 to vector<16xi32>
      %le3A_1445 = arith.cmpi sle, %sub3A_1396, %le3A_1444 : vector<16xi32>
      %and3A_1446 = arith.andi %ge3A_1442, %le3A_1445 : vector<16xi1>
      %jit3A_1447 = arith.constant 1.000000e+00 : f32
      %jit3A_1448 = arith.constant 0.000000e+00 : f32
      %broadcast_in_dim3A_1449 = vector.broadcast %jit3A_1447 : f32 to vector<16xf32>
      %broadcast_in_dim3A_1450 = vector.broadcast %jit3A_1448 : f32 to vector<16xf32>
      %select_n3A_1451 = arith.select %and3A_1446, %broadcast_in_dim3A_1449, %broadcast_in_dim3A_1450 : vector<16xi1>, vector<16xf32>
      %ge3A_1452 = arith.constant 0 : i32
      %ge3A_1453 = vector.broadcast %ge3A_1452 : i32 to vector<16xi32>
      %ge3A_1454 = arith.cmpi sge, %add3A_1436, %ge3A_1453 : vector<16xi32>
      %le3A_1455 = arith.constant 255 : i32
      %le3A_1456 = vector.broadcast %le3A_1455 : i32 to vector<16xi32>
      %le3A_1457 = arith.cmpi sle, %add3A_1436, %le3A_1456 : vector<16xi32>
      %and3A_1458 = arith.andi %ge3A_1454, %le3A_1457 : vector<16xi1>
      %jit3A_1459 = arith.constant 1.000000e+00 : f32
      %jit3A_1460 = arith.constant 0.000000e+00 : f32
      %broadcast_in_dim3A_1461 = vector.broadcast %jit3A_1459 : f32 to vector<16xf32>
      %broadcast_in_dim3A_1462 = vector.broadcast %jit3A_1460 : f32 to vector<16xf32>
      %select_n3A_1463 = arith.select %and3A_1458, %broadcast_in_dim3A_1461, %broadcast_in_dim3A_1462 : vector<16xi1>, vector<16xf32>
      %ge3A_1464 = arith.constant 0 : i32
      %ge3A_1465 = vector.broadcast %ge3A_1464 : i32 to vector<16xi32>
      %ge3A_1466 = arith.cmpi sge, %sub3A_1403, %ge3A_1465 : vector<16xi32>
      %le3A_1467 = arith.constant 16383 : i32
      %le3A_1468 = vector.broadcast %le3A_1467 : i32 to vector<16xi32>
      %le3A_1469 = arith.cmpi sle, %sub3A_1403, %le3A_1468 : vector<16xi32>
      %and3A_1470 = arith.andi %ge3A_1466, %le3A_1469 : vector<16xi1>
      %jit3A_1471 = arith.constant 0.000000e+00 : f32
      %broadcast_in_dim3A_1472 = vector.broadcast %jit3A_1471 : f32 to vector<16xf32>
      %select_n3A_1473 = arith.select %and3A_1470, %select_n3A_1433, %broadcast_in_dim3A_1472 : vector<16xi1>, vector<16xf32>
      %ge3A_1474 = arith.constant 0 : i32
      %ge3A_1475 = vector.broadcast %ge3A_1474 : i32 to vector<16xi32>
      %ge3A_1476 = arith.cmpi sge, %add3A_1439, %ge3A_1475 : vector<16xi32>
      %le3A_1477 = arith.constant 16383 : i32
      %le3A_1478 = vector.broadcast %le3A_1477 : i32 to vector<16xi32>
      %le3A_1479 = arith.cmpi sle, %add3A_1439, %le3A_1478 : vector<16xi32>
      %and3A_1480 = arith.andi %ge3A_1476, %le3A_1479 : vector<16xi1>
      %jit3A_1481 = arith.constant 0.000000e+00 : f32
      %broadcast_in_dim3A_1482 = vector.broadcast %jit3A_1481 : f32 to vector<16xf32>
      %select_n3A_1483 = arith.select %and3A_1480, %select_n3A_1433, %broadcast_in_dim3A_1482 : vector<16xi1>, vector<16xf32>
      %mul3A_1484 = arith.mulf %sub3A_1408, %select_n3A_1451 : vector<16xf32>
      %mul3A_1485 = arith.mulf %sub3A_1405, %select_n3A_1463 : vector<16xf32>
      %mul3A_1486 = arith.mulf %sub3A_1413, %select_n3A_1473 : vector<16xf32>
      %mul3A_1487 = arith.mulf %sub3A_1410, %select_n3A_1483 : vector<16xf32>
      %max3A_1488 = arith.constant 0 : i32
      %max3A_1489 = vector.broadcast %max3A_1488 : i32 to vector<16xi32>
      %max3A_1490 = arith.maxsi %sub3A_1396, %max3A_1489 : vector<16xi32>
      %min3A_1491 = arith.constant 255 : i32
      %min3A_1492 = vector.broadcast %min3A_1491 : i32 to vector<16xi32>
      %min3A_1493 = arith.minsi %max3A_1490, %min3A_1492 : vector<16xi32>
      %max3A_1494 = arith.constant 0 : i32
      %max3A_1495 = vector.broadcast %max3A_1494 : i32 to vector<16xi32>
      %max3A_1496 = arith.maxsi %add3A_1436, %max3A_1495 : vector<16xi32>
      %min3A_1497 = arith.constant 255 : i32
      %min3A_1498 = vector.broadcast %min3A_1497 : i32 to vector<16xi32>
      %min3A_1499 = arith.minsi %max3A_1496, %min3A_1498 : vector<16xi32>
      %max3A_1500 = arith.constant 0 : i32
      %max3A_1501 = vector.broadcast %max3A_1500 : i32 to vector<16xi32>
      %max3A_1502 = arith.maxsi %sub3A_1403, %max3A_1501 : vector<16xi32>
      %min3A_1503 = arith.constant 16383 : i32
      %min3A_1504 = vector.broadcast %min3A_1503 : i32 to vector<16xi32>
      %min3A_1505 = arith.minsi %max3A_1502, %min3A_1504 : vector<16xi32>
      %mul3A_1506 = arith.constant 256 : i32
      %mul3A_1507 = vector.broadcast %mul3A_1506 : i32 to vector<16xi32>
      %mul3A_1508 = arith.muli %min3A_1505, %mul3A_1507 : vector<16xi32>
      %max3A_1509 = arith.constant 0 : i32
      %max3A_1510 = vector.broadcast %max3A_1509 : i32 to vector<16xi32>
      %max3A_1511 = arith.maxsi %add3A_1439, %max3A_1510 : vector<16xi32>
      %min3A_1512 = arith.constant 16383 : i32
      %min3A_1513 = vector.broadcast %min3A_1512 : i32 to vector<16xi32>
      %min3A_1514 = arith.minsi %max3A_1511, %min3A_1513 : vector<16xi32>
      %mul3A_1515 = arith.constant 256 : i32
      %mul3A_1516 = vector.broadcast %mul3A_1515 : i32 to vector<16xi32>
      %mul3A_1517 = arith.muli %min3A_1514, %mul3A_1516 : vector<16xi32>
      %add3A_1518 = arith.addi %mul3A_1508, %min3A_1493 : vector<16xi32>
      %swap3A_1519 = arith.constant 80 : index
      %swap3A_1520 = tpu.vector_load %arg10[%swap3A_1519] {strides = array<i32>} : memref<128xi32, #tpu.memory_space<vmem>>, vector<16xi32>,
      %swap3A_1521 = vector.shape_cast %swap3A_1520 : vector<16xi32> to vector<16xi32>
      %swap3A_1522 = vector.shape_cast %add3A_1518 : vector<16xi32> to vector<16xi32>
      tpu.vector_store %arg10[%swap3A_1519], %swap3A_1522 {strides = array<i32>} : memref<128xi32, #tpu.memory_space<vmem>>, vector<16xi32>,
      %add3A_1523 = arith.addi %mul3A_1508, %min3A_1499 : vector<16xi32>
      %swap3A_1524 = arith.constant 80 : index
      %swap3A_1525 = tpu.vector_load %arg11[%swap3A_1524] {strides = array<i32>} : memref<128xi32, #tpu.memory_space<vmem>>, vector<16xi32>,
      %swap3A_1526 = vector.shape_cast %swap3A_1525 : vector<16xi32> to vector<16xi32>
      %swap3A_1527 = vector.shape_cast %add3A_1523 : vector<16xi32> to vector<16xi32>
      tpu.vector_store %arg11[%swap3A_1524], %swap3A_1527 {strides = array<i32>} : memref<128xi32, #tpu.memory_space<vmem>>, vector<16xi32>,
      %add3A_1528 = arith.addi %mul3A_1517, %min3A_1493 : vector<16xi32>
      %swap3A_1529 = arith.constant 80 : index
      %swap3A_1530 = tpu.vector_load %arg12[%swap3A_1529] {strides = array<i32>} : memref<128xi32, #tpu.memory_space<vmem>>, vector<16xi32>,
      %swap3A_1531 = vector.shape_cast %swap3A_1530 : vector<16xi32> to vector<16xi32>
      %swap3A_1532 = vector.shape_cast %add3A_1528 : vector<16xi32> to vector<16xi32>
      tpu.vector_store %arg12[%swap3A_1529], %swap3A_1532 {strides = array<i32>} : memref<128xi32, #tpu.memory_space<vmem>>, vector<16xi32>,
      %add3A_1533 = arith.addi %mul3A_1517, %min3A_1499 : vector<16xi32>
      %swap3A_1534 = arith.constant 80 : index
      %swap3A_1535 = tpu.vector_load %arg13[%swap3A_1534] {strides = array<i32>} : memref<128xi32, #tpu.memory_space<vmem>>, vector<16xi32>,
      %swap3A_1536 = vector.shape_cast %swap3A_1535 : vector<16xi32> to vector<16xi32>
      %swap3A_1537 = vector.shape_cast %add3A_1533 : vector<16xi32> to vector<16xi32>
      tpu.vector_store %arg13[%swap3A_1534], %swap3A_1537 {strides = array<i32>} : memref<128xi32, #tpu.memory_space<vmem>>, vector<16xi32>,
      %mul3A_1538 = arith.mulf %mul3A_1484, %mul3A_1486 : vector<16xf32>
      %swap3A_1539 = arith.constant 80 : index
      %swap3A_1540 = tpu.vector_load %arg14[%swap3A_1539] {strides = array<i32>} : memref<144xf32, #tpu.memory_space<vmem>>, vector<16xf32>,
      %swap3A_1541 = vector.shape_cast %swap3A_1540 : vector<16xf32> to vector<16xf32>
      %swap3A_1542 = vector.shape_cast %mul3A_1538 : vector<16xf32> to vector<16xf32>
      tpu.vector_store %arg14[%swap3A_1539], %swap3A_1542 {strides = array<i32>} : memref<144xf32, #tpu.memory_space<vmem>>, vector<16xf32>,
      %mul3A_1543 = arith.mulf %mul3A_1485, %mul3A_1486 : vector<16xf32>
      %swap3A_1544 = arith.constant 80 : index
      %swap3A_1545 = tpu.vector_load %arg15[%swap3A_1544] {strides = array<i32>} : memref<144xf32, #tpu.memory_space<vmem>>, vector<16xf32>,
      %swap3A_1546 = vector.shape_cast %swap3A_1545 : vector<16xf32> to vector<16xf32>
      %swap3A_1547 = vector.shape_cast %mul3A_1543 : vector<16xf32> to vector<16xf32>
      tpu.vector_store %arg15[%swap3A_1544], %swap3A_1547 {strides = array<i32>} : memref<144xf32, #tpu.memory_space<vmem>>, vector<16xf32>,
      %mul3A_1548 = arith.mulf %mul3A_1484, %mul3A_1487 : vector<16xf32>
      %swap3A_1549 = arith.constant 80 : index
      %swap3A_1550 = tpu.vector_load %arg16[%swap3A_1549] {strides = array<i32>} : memref<144xf32, #tpu.memory_space<vmem>>, vector<16xf32>,
      %swap3A_1551 = vector.shape_cast %swap3A_1550 : vector<16xf32> to vector<16xf32>
      %swap3A_1552 = vector.shape_cast %mul3A_1548 : vector<16xf32> to vector<16xf32>
      tpu.vector_store %arg16[%swap3A_1549], %swap3A_1552 {strides = array<i32>} : memref<144xf32, #tpu.memory_space<vmem>>, vector<16xf32>,
      %mul3A_1553 = arith.mulf %mul3A_1485, %mul3A_1487 : vector<16xf32>
      %swap3A_1554 = arith.constant 80 : index
      %swap3A_1555 = tpu.vector_load %arg17[%swap3A_1554] {strides = array<i32>} : memref<144xf32, #tpu.memory_space<vmem>>, vector<16xf32>,
      %swap3A_1556 = vector.shape_cast %swap3A_1555 : vector<16xf32> to vector<16xf32>
      %swap3A_1557 = vector.shape_cast %mul3A_1553 : vector<16xf32> to vector<16xf32>
      tpu.vector_store %arg17[%swap3A_1554], %swap3A_1557 {strides = array<i32>} : memref<144xf32, #tpu.memory_space<vmem>>, vector<16xf32>,
      %get3A_1558 = arith.constant 96 : index
      %get3A_1559 = tpu.vector_load %arg7[%get3A_1558] {strides = array<i32>} : memref<128xf32, #tpu.memory_space<vmem>>, vector<16xf32>,
      %get3A_1560 = vector.shape_cast %get3A_1559 : vector<16xf32> to vector<16xf32>
      %get3A_1561 = arith.constant 96 : index
      %get3A_1562 = tpu.vector_load %arg8[%get3A_1561] {strides = array<i32>} : memref<128xf32, #tpu.memory_space<vmem>>, vector<16xf32>,
      %get3A_1563 = vector.shape_cast %get3A_1562 : vector<16xf32> to vector<16xf32>
      %get3A_1564 = arith.constant 96 : index
      %get3A_1565 = tpu.vector_load %arg9[%get3A_1564] {strides = array<i32>} : memref<128xf32, #tpu.memory_space<vmem>>, vector<16xf32>,
      %get3A_1566 = vector.shape_cast %get3A_1565 : vector<16xf32> to vector<16xf32>
      %max3A_1567 = arith.constant 0.000000e+00 : f32
      %max3A_1568 = vector.broadcast %max3A_1567 : f32 to vector<16xf32>
      %max3A_1569 = arith.maximumf %get3A_1560, %max3A_1568 : vector<16xf32>
      %min3A_1570 = arith.constant 1.000000e+00 : f32
      %min3A_1571 = vector.broadcast %min3A_1570 : f32 to vector<16xf32>
      %min3A_1572 = arith.minimumf %max3A_1569, %min3A_1571 : vector<16xf32>
      %max3A_1573 = arith.constant 0.000000e+00 : f32
      %max3A_1574 = vector.broadcast %max3A_1573 : f32 to vector<16xf32>
      %max3A_1575 = arith.maximumf %get3A_1563, %max3A_1574 : vector<16xf32>
      %min3A_1576 = arith.constant 1.000000e+00 : f32
      %min3A_1577 = vector.broadcast %min3A_1576 : f32 to vector<16xf32>
      %min3A_1578 = arith.minimumf %max3A_1575, %min3A_1577 : vector<16xf32>
      %max3A_1579 = arith.constant 0.000000e+00 : f32
      %max3A_1580 = vector.broadcast %max3A_1579 : f32 to vector<16xf32>
      %max3A_1581 = arith.maximumf %get3A_1566, %max3A_1580 : vector<16xf32>
      %min3A_1582 = arith.constant 1.000000e+00 : f32
      %min3A_1583 = vector.broadcast %min3A_1582 : f32 to vector<16xf32>
      %min3A_1584 = arith.minimumf %max3A_1581, %min3A_1583 : vector<16xf32>
      %mul3A_1585 = arith.constant 4.000000e+00 : f32
      %mul3A_1586 = vector.broadcast %mul3A_1585 : f32 to vector<16xf32>
      %mul3A_1587 = arith.mulf %min3A_1572, %mul3A_1586 : vector<16xf32>
      %convert_element_type3A_1588 = arith.fptosi %mul3A_1587 : vector<16xf32> to vector<16xi32>
      %min3A_1589 = arith.constant 3 : i32
      %min3A_1590 = vector.broadcast %min3A_1589 : i32 to vector<16xi32>
      %min3A_1591 = arith.minsi %convert_element_type3A_1588, %min3A_1590 : vector<16xi32>
      %mul3A_1592 = arith.constant 4.000000e+00 : f32
      %mul3A_1593 = vector.broadcast %mul3A_1592 : f32 to vector<16xf32>
      %mul3A_1594 = arith.mulf %min3A_1578, %mul3A_1593 : vector<16xf32>
      %convert_element_type3A_1595 = arith.fptosi %mul3A_1594 : vector<16xf32> to vector<16xi32>
      %min3A_1596 = arith.constant 3 : i32
      %min3A_1597 = vector.broadcast %min3A_1596 : i32 to vector<16xi32>
      %min3A_1598 = arith.minsi %convert_element_type3A_1595, %min3A_1597 : vector<16xi32>
      %mul3A_1599 = arith.constant 4.000000e+00 : f32
      %mul3A_1600 = vector.broadcast %mul3A_1599 : f32 to vector<16xf32>
      %mul3A_1601 = arith.mulf %min3A_1584, %mul3A_1600 : vector<16xf32>
      %convert_element_type3A_1602 = arith.fptosi %mul3A_1601 : vector<16xf32> to vector<16xi32>
      %min3A_1603 = arith.constant 3 : i32
      %min3A_1604 = vector.broadcast %min3A_1603 : i32 to vector<16xi32>
      %min3A_1605 = arith.minsi %convert_element_type3A_1602, %min3A_1604 : vector<16xi32>
      %mul3A_1606 = arith.constant 16 : i32
      %mul3A_1607 = vector.broadcast %mul3A_1606 : i32 to vector<16xi32>
      %mul3A_1608 = arith.muli %min3A_1605, %mul3A_1607 : vector<16xi32>
      %mul3A_1609 = arith.constant 4 : i32
      %mul3A_1610 = vector.broadcast %mul3A_1609 : i32 to vector<16xi32>
      %mul3A_1611 = arith.muli %min3A_1598, %mul3A_1610 : vector<16xi32>
      %add3A_1612 = arith.addi %mul3A_1608, %mul3A_1611 : vector<16xi32>
      %add3A_1613 = arith.addi %add3A_1612, %min3A_1591 : vector<16xi32>
      %mul3A_1614 = arith.constant 1.024000e+03 : f32
      %mul3A_1615 = vector.broadcast %mul3A_1614 : f32 to vector<16xf32>
      %mul3A_1616 = arith.mulf %get3A_1560, %mul3A_1615 : vector<16xf32>
      %mul3A_1617 = arith.constant 1.024000e+03 : f32
      %mul3A_1618 = vector.broadcast %mul3A_1617 : f32 to vector<16xf32>
      %mul3A_1619 = arith.mulf %get3A_1563, %mul3A_1618 : vector<16xf32>
      %mul3A_1620 = arith.constant 3.906250e-03 : f32
      %mul3A_1621 = vector.broadcast %mul3A_1620 : f32 to vector<16xf32>
      %mul3A_1622 = arith.mulf %mul3A_1616, %mul3A_1621 : vector<16xf32>
      %convert_element_type3A_1623 = arith.fptosi %mul3A_1622 : vector<16xf32> to vector<16xi32>
      %convert_element_type3A_1624 = arith.sitofp %convert_element_type3A_1623 : vector<16xi32> to vector<16xf32>
      %mul3A_1625 = arith.constant 2.560000e+02 : f32
      %mul3A_1626 = vector.broadcast %mul3A_1625 : f32 to vector<16xf32>
      %mul3A_1627 = arith.mulf %convert_element_type3A_1624, %mul3A_1626 : vector<16xf32>
      %sub3A_1628 = arith.subf %mul3A_1616, %mul3A_1627 : vector<16xf32>
      %mul3A_1629 = arith.constant 3.906250e-03 : f32
      %mul3A_1630 = vector.broadcast %mul3A_1629 : f32 to vector<16xf32>
      %mul3A_1631 = arith.mulf %mul3A_1619, %mul3A_1630 : vector<16xf32>
      %convert_element_type3A_1632 = arith.fptosi %mul3A_1631 : vector<16xf32> to vector<16xi32>
      %convert_element_type3A_1633 = arith.sitofp %convert_element_type3A_1632 : vector<16xi32> to vector<16xf32>
      %mul3A_1634 = arith.constant 2.560000e+02 : f32
      %mul3A_1635 = vector.broadcast %mul3A_1634 : f32 to vector<16xf32>
      %mul3A_1636 = arith.mulf %convert_element_type3A_1633, %mul3A_1635 : vector<16xf32>
      %sub3A_1637 = arith.subf %mul3A_1619, %mul3A_1636 : vector<16xf32>
      %sub3A_1638 = arith.constant 5.000000e-01 : f32
      %sub3A_1639 = vector.broadcast %sub3A_1638 : f32 to vector<16xf32>
      %sub3A_1640 = arith.subf %sub3A_1628, %sub3A_1639 : vector<16xf32>
      %convert_element_type3A_1641 = arith.sitofp %add3A_1613 : vector<16xi32> to vector<16xf32>
      %mul3A_1642 = arith.constant 2.560000e+02 : f32
      %mul3A_1643 = vector.broadcast %mul3A_1642 : f32 to vector<16xf32>
      %mul3A_1644 = arith.mulf %convert_element_type3A_1641, %mul3A_1643 : vector<16xf32>
      %add3A_1645 = arith.addf %sub3A_1637, %mul3A_1644 : vector<16xf32>
      %sub3A_1646 = arith.constant 5.000000e-01 : f32
      %sub3A_1647 = vector.broadcast %sub3A_1646 : f32 to vector<16xf32>
      %sub3A_1648 = arith.subf %add3A_1645, %sub3A_1647 : vector<16xf32>
      %add3A_1649 = arith.constant 1.000000e+00 : f32
      %add3A_1650 = vector.broadcast %add3A_1649 : f32 to vector<16xf32>
      %add3A_1651 = arith.addf %sub3A_1640, %add3A_1650 : vector<16xf32>
      %convert_element_type3A_1652 = arith.fptosi %add3A_1651 : vector<16xf32> to vector<16xi32>
      %sub3A_1653 = arith.constant 1 : i32
      %sub3A_1654 = vector.broadcast %sub3A_1653 : i32 to vector<16xi32>
      %sub3A_1655 = arith.subi %convert_element_type3A_1652, %sub3A_1654 : vector<16xi32>
      %add3A_1656 = arith.constant 1.000000e+00 : f32
      %add3A_1657 = vector.broadcast %add3A_1656 : f32 to vector<16xf32>
      %add3A_1658 = arith.addf %sub3A_1648, %add3A_1657 : vector<16xf32>
      %convert_element_type3A_1659 = arith.fptosi %add3A_1658 : vector<16xf32> to vector<16xi32>
      %sub3A_1660 = arith.constant 1 : i32
      %sub3A_1661 = vector.broadcast %sub3A_1660 : i32 to vector<16xi32>
      %sub3A_1662 = arith.subi %convert_element_type3A_1659, %sub3A_1661 : vector<16xi32>
      %convert_element_type3A_1663 = arith.sitofp %sub3A_1655 : vector<16xi32> to vector<16xf32>
      %sub3A_1664 = arith.subf %sub3A_1640, %convert_element_type3A_1663 : vector<16xf32>
      %sub3A_1665 = arith.constant 1.000000e+00 : f32
      %sub3A_1666 = vector.broadcast %sub3A_1665 : f32 to vector<16xf32>
      %sub3A_1667 = arith.subf %sub3A_1666, %sub3A_1664 : vector<16xf32>
      %convert_element_type3A_1668 = arith.sitofp %sub3A_1662 : vector<16xi32> to vector<16xf32>
      %sub3A_1669 = arith.subf %sub3A_1648, %convert_element_type3A_1668 : vector<16xf32>
      %sub3A_1670 = arith.constant 1.000000e+00 : f32
      %sub3A_1671 = vector.broadcast %sub3A_1670 : f32 to vector<16xf32>
      %sub3A_1672 = arith.subf %sub3A_1671, %sub3A_1669 : vector<16xf32>
      %ge3A_1673 = arith.constant 0.000000e+00 : f32
      %ge3A_1674 = vector.broadcast %ge3A_1673 : f32 to vector<16xf32>
      %ge3A_1675 = arith.cmpf oge, %get3A_1560, %ge3A_1674 : vector<16xf32>
      %le3A_1676 = arith.constant 1.000000e+00 : f32
      %le3A_1677 = vector.broadcast %le3A_1676 : f32 to vector<16xf32>
      %le3A_1678 = arith.cmpf ole, %get3A_1560, %le3A_1677 : vector<16xf32>
      %and3A_1679 = arith.andi %ge3A_1675, %le3A_1678 : vector<16xi1>
      %ge3A_1680 = arith.constant 0.000000e+00 : f32
      %ge3A_1681 = vector.broadcast %ge3A_1680 : f32 to vector<16xf32>
      %ge3A_1682 = arith.cmpf oge, %get3A_1563, %ge3A_1681 : vector<16xf32>
      %and3A_1683 = arith.andi %and3A_1679, %ge3A_1682 : vector<16xi1>
      %le3A_1684 = arith.constant 1.000000e+00 : f32
      %le3A_1685 = vector.broadcast %le3A_1684 : f32 to vector<16xf32>
      %le3A_1686 = arith.cmpf ole, %get3A_1563, %le3A_1685 : vector<16xf32>
      %and3A_1687 = arith.andi %and3A_1683, %le3A_1686 : vector<16xi1>
      %jit3A_1688 = arith.constant 1.000000e+00 : f32
      %jit3A_1689 = arith.constant 0.000000e+00 : f32
      %broadcast_in_dim3A_1690 = vector.broadcast %jit3A_1688 : f32 to vector<16xf32>
      %broadcast_in_dim3A_1691 = vector.broadcast %jit3A_1689 : f32 to vector<16xf32>
      %select_n3A_1692 = arith.select %and3A_1687, %broadcast_in_dim3A_1690, %broadcast_in_dim3A_1691 : vector<16xi1>, vector<16xf32>
      %add3A_1693 = arith.constant 1 : i32
      %add3A_1694 = vector.broadcast %add3A_1693 : i32 to vector<16xi32>
      %add3A_1695 = arith.addi %sub3A_1655, %add3A_1694 : vector<16xi32>
      %add3A_1696 = arith.constant 1 : i32
      %add3A_1697 = vector.broadcast %add3A_1696 : i32 to vector<16xi32>
      %add3A_1698 = arith.addi %sub3A_1662, %add3A_1697 : vector<16xi32>
      %ge3A_1699 = arith.constant 0 : i32
      %ge3A_1700 = vector.broadcast %ge3A_1699 : i32 to vector<16xi32>
      %ge3A_1701 = arith.cmpi sge, %sub3A_1655, %ge3A_1700 : vector<16xi32>
      %le3A_1702 = arith.constant 255 : i32
      %le3A_1703 = vector.broadcast %le3A_1702 : i32 to vector<16xi32>
      %le3A_1704 = arith.cmpi sle, %sub3A_1655, %le3A_1703 : vector<16xi32>
      %and3A_1705 = arith.andi %ge3A_1701, %le3A_1704 : vector<16xi1>
      %jit3A_1706 = arith.constant 1.000000e+00 : f32
      %jit3A_1707 = arith.constant 0.000000e+00 : f32
      %broadcast_in_dim3A_1708 = vector.broadcast %jit3A_1706 : f32 to vector<16xf32>
      %broadcast_in_dim3A_1709 = vector.broadcast %jit3A_1707 : f32 to vector<16xf32>
      %select_n3A_1710 = arith.select %and3A_1705, %broadcast_in_dim3A_1708, %broadcast_in_dim3A_1709 : vector<16xi1>, vector<16xf32>
      %ge3A_1711 = arith.constant 0 : i32
      %ge3A_1712 = vector.broadcast %ge3A_1711 : i32 to vector<16xi32>
      %ge3A_1713 = arith.cmpi sge, %add3A_1695, %ge3A_1712 : vector<16xi32>
      %le3A_1714 = arith.constant 255 : i32
      %le3A_1715 = vector.broadcast %le3A_1714 : i32 to vector<16xi32>
      %le3A_1716 = arith.cmpi sle, %add3A_1695, %le3A_1715 : vector<16xi32>
      %and3A_1717 = arith.andi %ge3A_1713, %le3A_1716 : vector<16xi1>
      %jit3A_1718 = arith.constant 1.000000e+00 : f32
      %jit3A_1719 = arith.constant 0.000000e+00 : f32
      %broadcast_in_dim3A_1720 = vector.broadcast %jit3A_1718 : f32 to vector<16xf32>
      %broadcast_in_dim3A_1721 = vector.broadcast %jit3A_1719 : f32 to vector<16xf32>
      %select_n3A_1722 = arith.select %and3A_1717, %broadcast_in_dim3A_1720, %broadcast_in_dim3A_1721 : vector<16xi1>, vector<16xf32>
      %ge3A_1723 = arith.constant 0 : i32
      %ge3A_1724 = vector.broadcast %ge3A_1723 : i32 to vector<16xi32>
      %ge3A_1725 = arith.cmpi sge, %sub3A_1662, %ge3A_1724 : vector<16xi32>
      %le3A_1726 = arith.constant 16383 : i32
      %le3A_1727 = vector.broadcast %le3A_1726 : i32 to vector<16xi32>
      %le3A_1728 = arith.cmpi sle, %sub3A_1662, %le3A_1727 : vector<16xi32>
      %and3A_1729 = arith.andi %ge3A_1725, %le3A_1728 : vector<16xi1>
      %jit3A_1730 = arith.constant 0.000000e+00 : f32
      %broadcast_in_dim3A_1731 = vector.broadcast %jit3A_1730 : f32 to vector<16xf32>
      %select_n3A_1732 = arith.select %and3A_1729, %select_n3A_1692, %broadcast_in_dim3A_1731 : vector<16xi1>, vector<16xf32>
      %ge3A_1733 = arith.constant 0 : i32
      %ge3A_1734 = vector.broadcast %ge3A_1733 : i32 to vector<16xi32>
      %ge3A_1735 = arith.cmpi sge, %add3A_1698, %ge3A_1734 : vector<16xi32>
      %le3A_1736 = arith.constant 16383 : i32
      %le3A_1737 = vector.broadcast %le3A_1736 : i32 to vector<16xi32>
      %le3A_1738 = arith.cmpi sle, %add3A_1698, %le3A_1737 : vector<16xi32>
      %and3A_1739 = arith.andi %ge3A_1735, %le3A_1738 : vector<16xi1>
      %jit3A_1740 = arith.constant 0.000000e+00 : f32
      %broadcast_in_dim3A_1741 = vector.broadcast %jit3A_1740 : f32 to vector<16xf32>
      %select_n3A_1742 = arith.select %and3A_1739, %select_n3A_1692, %broadcast_in_dim3A_1741 : vector<16xi1>, vector<16xf32>
      %mul3A_1743 = arith.mulf %sub3A_1667, %select_n3A_1710 : vector<16xf32>
      %mul3A_1744 = arith.mulf %sub3A_1664, %select_n3A_1722 : vector<16xf32>
      %mul3A_1745 = arith.mulf %sub3A_1672, %select_n3A_1732 : vector<16xf32>
      %mul3A_1746 = arith.mulf %sub3A_1669, %select_n3A_1742 : vector<16xf32>
      %max3A_1747 = arith.constant 0 : i32
      %max3A_1748 = vector.broadcast %max3A_1747 : i32 to vector<16xi32>
      %max3A_1749 = arith.maxsi %sub3A_1655, %max3A_1748 : vector<16xi32>
      %min3A_1750 = arith.constant 255 : i32
      %min3A_1751 = vector.broadcast %min3A_1750 : i32 to vector<16xi32>
      %min3A_1752 = arith.minsi %max3A_1749, %min3A_1751 : vector<16xi32>
      %max3A_1753 = arith.constant 0 : i32
      %max3A_1754 = vector.broadcast %max3A_1753 : i32 to vector<16xi32>
      %max3A_1755 = arith.maxsi %add3A_1695, %max3A_1754 : vector<16xi32>
      %min3A_1756 = arith.constant 255 : i32
      %min3A_1757 = vector.broadcast %min3A_1756 : i32 to vector<16xi32>
      %min3A_1758 = arith.minsi %max3A_1755, %min3A_1757 : vector<16xi32>
      %max3A_1759 = arith.constant 0 : i32
      %max3A_1760 = vector.broadcast %max3A_1759 : i32 to vector<16xi32>
      %max3A_1761 = arith.maxsi %sub3A_1662, %max3A_1760 : vector<16xi32>
      %min3A_1762 = arith.constant 16383 : i32
      %min3A_1763 = vector.broadcast %min3A_1762 : i32 to vector<16xi32>
      %min3A_1764 = arith.minsi %max3A_1761, %min3A_1763 : vector<16xi32>
      %mul3A_1765 = arith.constant 256 : i32
      %mul3A_1766 = vector.broadcast %mul3A_1765 : i32 to vector<16xi32>
      %mul3A_1767 = arith.muli %min3A_1764, %mul3A_1766 : vector<16xi32>
      %max3A_1768 = arith.constant 0 : i32
      %max3A_1769 = vector.broadcast %max3A_1768 : i32 to vector<16xi32>
      %max3A_1770 = arith.maxsi %add3A_1698, %max3A_1769 : vector<16xi32>
      %min3A_1771 = arith.constant 16383 : i32
      %min3A_1772 = vector.broadcast %min3A_1771 : i32 to vector<16xi32>
      %min3A_1773 = arith.minsi %max3A_1770, %min3A_1772 : vector<16xi32>
      %mul3A_1774 = arith.constant 256 : i32
      %mul3A_1775 = vector.broadcast %mul3A_1774 : i32 to vector<16xi32>
      %mul3A_1776 = arith.muli %min3A_1773, %mul3A_1775 : vector<16xi32>
      %add3A_1777 = arith.addi %mul3A_1767, %min3A_1752 : vector<16xi32>
      %swap3A_1778 = arith.constant 96 : index
      %swap3A_1779 = tpu.vector_load %arg10[%swap3A_1778] {strides = array<i32>} : memref<128xi32, #tpu.memory_space<vmem>>, vector<16xi32>,
      %swap3A_1780 = vector.shape_cast %swap3A_1779 : vector<16xi32> to vector<16xi32>
      %swap3A_1781 = vector.shape_cast %add3A_1777 : vector<16xi32> to vector<16xi32>
      tpu.vector_store %arg10[%swap3A_1778], %swap3A_1781 {strides = array<i32>} : memref<128xi32, #tpu.memory_space<vmem>>, vector<16xi32>,
      %add3A_1782 = arith.addi %mul3A_1767, %min3A_1758 : vector<16xi32>
      %swap3A_1783 = arith.constant 96 : index
      %swap3A_1784 = tpu.vector_load %arg11[%swap3A_1783] {strides = array<i32>} : memref<128xi32, #tpu.memory_space<vmem>>, vector<16xi32>,
      %swap3A_1785 = vector.shape_cast %swap3A_1784 : vector<16xi32> to vector<16xi32>
      %swap3A_1786 = vector.shape_cast %add3A_1782 : vector<16xi32> to vector<16xi32>
      tpu.vector_store %arg11[%swap3A_1783], %swap3A_1786 {strides = array<i32>} : memref<128xi32, #tpu.memory_space<vmem>>, vector<16xi32>,
      %add3A_1787 = arith.addi %mul3A_1776, %min3A_1752 : vector<16xi32>
      %swap3A_1788 = arith.constant 96 : index
      %swap3A_1789 = tpu.vector_load %arg12[%swap3A_1788] {strides = array<i32>} : memref<128xi32, #tpu.memory_space<vmem>>, vector<16xi32>,
      %swap3A_1790 = vector.shape_cast %swap3A_1789 : vector<16xi32> to vector<16xi32>
      %swap3A_1791 = vector.shape_cast %add3A_1787 : vector<16xi32> to vector<16xi32>
      tpu.vector_store %arg12[%swap3A_1788], %swap3A_1791 {strides = array<i32>} : memref<128xi32, #tpu.memory_space<vmem>>, vector<16xi32>,
      %add3A_1792 = arith.addi %mul3A_1776, %min3A_1758 : vector<16xi32>
      %swap3A_1793 = arith.constant 96 : index
      %swap3A_1794 = tpu.vector_load %arg13[%swap3A_1793] {strides = array<i32>} : memref<128xi32, #tpu.memory_space<vmem>>, vector<16xi32>,
      %swap3A_1795 = vector.shape_cast %swap3A_1794 : vector<16xi32> to vector<16xi32>
      %swap3A_1796 = vector.shape_cast %add3A_1792 : vector<16xi32> to vector<16xi32>
      tpu.vector_store %arg13[%swap3A_1793], %swap3A_1796 {strides = array<i32>} : memref<128xi32, #tpu.memory_space<vmem>>, vector<16xi32>,
      %mul3A_1797 = arith.mulf %mul3A_1743, %mul3A_1745 : vector<16xf32>
      %swap3A_1798 = arith.constant 96 : index
      %swap3A_1799 = tpu.vector_load %arg14[%swap3A_1798] {strides = array<i32>} : memref<144xf32, #tpu.memory_space<vmem>>, vector<16xf32>,
      %swap3A_1800 = vector.shape_cast %swap3A_1799 : vector<16xf32> to vector<16xf32>
      %swap3A_1801 = vector.shape_cast %mul3A_1797 : vector<16xf32> to vector<16xf32>
      tpu.vector_store %arg14[%swap3A_1798], %swap3A_1801 {strides = array<i32>} : memref<144xf32, #tpu.memory_space<vmem>>, vector<16xf32>,
      %mul3A_1802 = arith.mulf %mul3A_1744, %mul3A_1745 : vector<16xf32>
      %swap3A_1803 = arith.constant 96 : index
      %swap3A_1804 = tpu.vector_load %arg15[%swap3A_1803] {strides = array<i32>} : memref<144xf32, #tpu.memory_space<vmem>>, vector<16xf32>,
      %swap3A_1805 = vector.shape_cast %swap3A_1804 : vector<16xf32> to vector<16xf32>
      %swap3A_1806 = vector.shape_cast %mul3A_1802 : vector<16xf32> to vector<16xf32>
      tpu.vector_store %arg15[%swap3A_1803], %swap3A_1806 {strides = array<i32>} : memref<144xf32, #tpu.memory_space<vmem>>, vector<16xf32>,
      %mul3A_1807 = arith.mulf %mul3A_1743, %mul3A_1746 : vector<16xf32>
      %swap3A_1808 = arith.constant 96 : index
      %swap3A_1809 = tpu.vector_load %arg16[%swap3A_1808] {strides = array<i32>} : memref<144xf32, #tpu.memory_space<vmem>>, vector<16xf32>,
      %swap3A_1810 = vector.shape_cast %swap3A_1809 : vector<16xf32> to vector<16xf32>
      %swap3A_1811 = vector.shape_cast %mul3A_1807 : vector<16xf32> to vector<16xf32>
      tpu.vector_store %arg16[%swap3A_1808], %swap3A_1811 {strides = array<i32>} : memref<144xf32, #tpu.memory_space<vmem>>, vector<16xf32>,
      %mul3A_1812 = arith.mulf %mul3A_1744, %mul3A_1746 : vector<16xf32>
      %swap3A_1813 = arith.constant 96 : index
      %swap3A_1814 = tpu.vector_load %arg17[%swap3A_1813] {strides = array<i32>} : memref<144xf32, #tpu.memory_space<vmem>>, vector<16xf32>,
      %swap3A_1815 = vector.shape_cast %swap3A_1814 : vector<16xf32> to vector<16xf32>
      %swap3A_1816 = vector.shape_cast %mul3A_1812 : vector<16xf32> to vector<16xf32>
      tpu.vector_store %arg17[%swap3A_1813], %swap3A_1816 {strides = array<i32>} : memref<144xf32, #tpu.memory_space<vmem>>, vector<16xf32>,
      %get3A_1817 = arith.constant 112 : index
      %get3A_1818 = tpu.vector_load %arg7[%get3A_1817] {strides = array<i32>} : memref<128xf32, #tpu.memory_space<vmem>>, vector<16xf32>,
      %get3A_1819 = vector.shape_cast %get3A_1818 : vector<16xf32> to vector<16xf32>
      %get3A_1820 = arith.constant 112 : index
      %get3A_1821 = tpu.vector_load %arg8[%get3A_1820] {strides = array<i32>} : memref<128xf32, #tpu.memory_space<vmem>>, vector<16xf32>,
      %get3A_1822 = vector.shape_cast %get3A_1821 : vector<16xf32> to vector<16xf32>
      %get3A_1823 = arith.constant 112 : index
      %get3A_1824 = tpu.vector_load %arg9[%get3A_1823] {strides = array<i32>} : memref<128xf32, #tpu.memory_space<vmem>>, vector<16xf32>,
      %get3A_1825 = vector.shape_cast %get3A_1824 : vector<16xf32> to vector<16xf32>
      %max3A_1826 = arith.constant 0.000000e+00 : f32
      %max3A_1827 = vector.broadcast %max3A_1826 : f32 to vector<16xf32>
      %max3A_1828 = arith.maximumf %get3A_1819, %max3A_1827 : vector<16xf32>
      %min3A_1829 = arith.constant 1.000000e+00 : f32
      %min3A_1830 = vector.broadcast %min3A_1829 : f32 to vector<16xf32>
      %min3A_1831 = arith.minimumf %max3A_1828, %min3A_1830 : vector<16xf32>
      %max3A_1832 = arith.constant 0.000000e+00 : f32
      %max3A_1833 = vector.broadcast %max3A_1832 : f32 to vector<16xf32>
      %max3A_1834 = arith.maximumf %get3A_1822, %max3A_1833 : vector<16xf32>
      %min3A_1835 = arith.constant 1.000000e+00 : f32
      %min3A_1836 = vector.broadcast %min3A_1835 : f32 to vector<16xf32>
      %min3A_1837 = arith.minimumf %max3A_1834, %min3A_1836 : vector<16xf32>
      %max3A_1838 = arith.constant 0.000000e+00 : f32
      %max3A_1839 = vector.broadcast %max3A_1838 : f32 to vector<16xf32>
      %max3A_1840 = arith.maximumf %get3A_1825, %max3A_1839 : vector<16xf32>
      %min3A_1841 = arith.constant 1.000000e+00 : f32
      %min3A_1842 = vector.broadcast %min3A_1841 : f32 to vector<16xf32>
      %min3A_1843 = arith.minimumf %max3A_1840, %min3A_1842 : vector<16xf32>
      %mul3A_1844 = arith.constant 4.000000e+00 : f32
      %mul3A_1845 = vector.broadcast %mul3A_1844 : f32 to vector<16xf32>
      %mul3A_1846 = arith.mulf %min3A_1831, %mul3A_1845 : vector<16xf32>
      %convert_element_type3A_1847 = arith.fptosi %mul3A_1846 : vector<16xf32> to vector<16xi32>
      %min3A_1848 = arith.constant 3 : i32
      %min3A_1849 = vector.broadcast %min3A_1848 : i32 to vector<16xi32>
      %min3A_1850 = arith.minsi %convert_element_type3A_1847, %min3A_1849 : vector<16xi32>
      %mul3A_1851 = arith.constant 4.000000e+00 : f32
      %mul3A_1852 = vector.broadcast %mul3A_1851 : f32 to vector<16xf32>
      %mul3A_1853 = arith.mulf %min3A_1837, %mul3A_1852 : vector<16xf32>
      %convert_element_type3A_1854 = arith.fptosi %mul3A_1853 : vector<16xf32> to vector<16xi32>
      %min3A_1855 = arith.constant 3 : i32
      %min3A_1856 = vector.broadcast %min3A_1855 : i32 to vector<16xi32>
      %min3A_1857 = arith.minsi %convert_element_type3A_1854, %min3A_1856 : vector<16xi32>
      %mul3A_1858 = arith.constant 4.000000e+00 : f32
      %mul3A_1859 = vector.broadcast %mul3A_1858 : f32 to vector<16xf32>
      %mul3A_1860 = arith.mulf %min3A_1843, %mul3A_1859 : vector<16xf32>
      %convert_element_type3A_1861 = arith.fptosi %mul3A_1860 : vector<16xf32> to vector<16xi32>
      %min3A_1862 = arith.constant 3 : i32
      %min3A_1863 = vector.broadcast %min3A_1862 : i32 to vector<16xi32>
      %min3A_1864 = arith.minsi %convert_element_type3A_1861, %min3A_1863 : vector<16xi32>
      %mul3A_1865 = arith.constant 16 : i32
      %mul3A_1866 = vector.broadcast %mul3A_1865 : i32 to vector<16xi32>
      %mul3A_1867 = arith.muli %min3A_1864, %mul3A_1866 : vector<16xi32>
      %mul3A_1868 = arith.constant 4 : i32
      %mul3A_1869 = vector.broadcast %mul3A_1868 : i32 to vector<16xi32>
      %mul3A_1870 = arith.muli %min3A_1857, %mul3A_1869 : vector<16xi32>
      %add3A_1871 = arith.addi %mul3A_1867, %mul3A_1870 : vector<16xi32>
      %add3A_1872 = arith.addi %add3A_1871, %min3A_1850 : vector<16xi32>
      %mul3A_1873 = arith.constant 1.024000e+03 : f32
      %mul3A_1874 = vector.broadcast %mul3A_1873 : f32 to vector<16xf32>
      %mul3A_1875 = arith.mulf %get3A_1819, %mul3A_1874 : vector<16xf32>
      %mul3A_1876 = arith.constant 1.024000e+03 : f32
      %mul3A_1877 = vector.broadcast %mul3A_1876 : f32 to vector<16xf32>
      %mul3A_1878 = arith.mulf %get3A_1822, %mul3A_1877 : vector<16xf32>
      %mul3A_1879 = arith.constant 3.906250e-03 : f32
      %mul3A_1880 = vector.broadcast %mul3A_1879 : f32 to vector<16xf32>
      %mul3A_1881 = arith.mulf %mul3A_1875, %mul3A_1880 : vector<16xf32>
      %convert_element_type3A_1882 = arith.fptosi %mul3A_1881 : vector<16xf32> to vector<16xi32>
      %convert_element_type3A_1883 = arith.sitofp %convert_element_type3A_1882 : vector<16xi32> to vector<16xf32>
      %mul3A_1884 = arith.constant 2.560000e+02 : f32
      %mul3A_1885 = vector.broadcast %mul3A_1884 : f32 to vector<16xf32>
      %mul3A_1886 = arith.mulf %convert_element_type3A_1883, %mul3A_1885 : vector<16xf32>
      %sub3A_1887 = arith.subf %mul3A_1875, %mul3A_1886 : vector<16xf32>
      %mul3A_1888 = arith.constant 3.906250e-03 : f32
      %mul3A_1889 = vector.broadcast %mul3A_1888 : f32 to vector<16xf32>
      %mul3A_1890 = arith.mulf %mul3A_1878, %mul3A_1889 : vector<16xf32>
      %convert_element_type3A_1891 = arith.fptosi %mul3A_1890 : vector<16xf32> to vector<16xi32>
      %convert_element_type3A_1892 = arith.sitofp %convert_element_type3A_1891 : vector<16xi32> to vector<16xf32>
      %mul3A_1893 = arith.constant 2.560000e+02 : f32
      %mul3A_1894 = vector.broadcast %mul3A_1893 : f32 to vector<16xf32>
      %mul3A_1895 = arith.mulf %convert_element_type3A_1892, %mul3A_1894 : vector<16xf32>
      %sub3A_1896 = arith.subf %mul3A_1878, %mul3A_1895 : vector<16xf32>
      %sub3A_1897 = arith.constant 5.000000e-01 : f32
      %sub3A_1898 = vector.broadcast %sub3A_1897 : f32 to vector<16xf32>
      %sub3A_1899 = arith.subf %sub3A_1887, %sub3A_1898 : vector<16xf32>
      %convert_element_type3A_1900 = arith.sitofp %add3A_1872 : vector<16xi32> to vector<16xf32>
      %mul3A_1901 = arith.constant 2.560000e+02 : f32
      %mul3A_1902 = vector.broadcast %mul3A_1901 : f32 to vector<16xf32>
      %mul3A_1903 = arith.mulf %convert_element_type3A_1900, %mul3A_1902 : vector<16xf32>
      %add3A_1904 = arith.addf %sub3A_1896, %mul3A_1903 : vector<16xf32>
      %sub3A_1905 = arith.constant 5.000000e-01 : f32
      %sub3A_1906 = vector.broadcast %sub3A_1905 : f32 to vector<16xf32>
      %sub3A_1907 = arith.subf %add3A_1904, %sub3A_1906 : vector<16xf32>
      %add3A_1908 = arith.constant 1.000000e+00 : f32
      %add3A_1909 = vector.broadcast %add3A_1908 : f32 to vector<16xf32>
      %add3A_1910 = arith.addf %sub3A_1899, %add3A_1909 : vector<16xf32>
      %convert_element_type3A_1911 = arith.fptosi %add3A_1910 : vector<16xf32> to vector<16xi32>
      %sub3A_1912 = arith.constant 1 : i32
      %sub3A_1913 = vector.broadcast %sub3A_1912 : i32 to vector<16xi32>
      %sub3A_1914 = arith.subi %convert_element_type3A_1911, %sub3A_1913 : vector<16xi32>
      %add3A_1915 = arith.constant 1.000000e+00 : f32
      %add3A_1916 = vector.broadcast %add3A_1915 : f32 to vector<16xf32>
      %add3A_1917 = arith.addf %sub3A_1907, %add3A_1916 : vector<16xf32>
      %convert_element_type3A_1918 = arith.fptosi %add3A_1917 : vector<16xf32> to vector<16xi32>
      %sub3A_1919 = arith.constant 1 : i32
      %sub3A_1920 = vector.broadcast %sub3A_1919 : i32 to vector<16xi32>
      %sub3A_1921 = arith.subi %convert_element_type3A_1918, %sub3A_1920 : vector<16xi32>
      %convert_element_type3A_1922 = arith.sitofp %sub3A_1914 : vector<16xi32> to vector<16xf32>
      %sub3A_1923 = arith.subf %sub3A_1899, %convert_element_type3A_1922 : vector<16xf32>
      %sub3A_1924 = arith.constant 1.000000e+00 : f32
      %sub3A_1925 = vector.broadcast %sub3A_1924 : f32 to vector<16xf32>
      %sub3A_1926 = arith.subf %sub3A_1925, %sub3A_1923 : vector<16xf32>
      %convert_element_type3A_1927 = arith.sitofp %sub3A_1921 : vector<16xi32> to vector<16xf32>
      %sub3A_1928 = arith.subf %sub3A_1907, %convert_element_type3A_1927 : vector<16xf32>
      %sub3A_1929 = arith.constant 1.000000e+00 : f32
      %sub3A_1930 = vector.broadcast %sub3A_1929 : f32 to vector<16xf32>
      %sub3A_1931 = arith.subf %sub3A_1930, %sub3A_1928 : vector<16xf32>
      %ge3A_1932 = arith.constant 0.000000e+00 : f32
      %ge3A_1933 = vector.broadcast %ge3A_1932 : f32 to vector<16xf32>
      %ge3A_1934 = arith.cmpf oge, %get3A_1819, %ge3A_1933 : vector<16xf32>
      %le3A_1935 = arith.constant 1.000000e+00 : f32
      %le3A_1936 = vector.broadcast %le3A_1935 : f32 to vector<16xf32>
      %le3A_1937 = arith.cmpf ole, %get3A_1819, %le3A_1936 : vector<16xf32>
      %and3A_1938 = arith.andi %ge3A_1934, %le3A_1937 : vector<16xi1>
      %ge3A_1939 = arith.constant 0.000000e+00 : f32
      %ge3A_1940 = vector.broadcast %ge3A_1939 : f32 to vector<16xf32>
      %ge3A_1941 = arith.cmpf oge, %get3A_1822, %ge3A_1940 : vector<16xf32>
      %and3A_1942 = arith.andi %and3A_1938, %ge3A_1941 : vector<16xi1>
      %le3A_1943 = arith.constant 1.000000e+00 : f32
      %le3A_1944 = vector.broadcast %le3A_1943 : f32 to vector<16xf32>
      %le3A_1945 = arith.cmpf ole, %get3A_1822, %le3A_1944 : vector<16xf32>
      %and3A_1946 = arith.andi %and3A_1942, %le3A_1945 : vector<16xi1>
      %jit3A_1947 = arith.constant 1.000000e+00 : f32
      %jit3A_1948 = arith.constant 0.000000e+00 : f32
      %broadcast_in_dim3A_1949 = vector.broadcast %jit3A_1947 : f32 to vector<16xf32>
      %broadcast_in_dim3A_1950 = vector.broadcast %jit3A_1948 : f32 to vector<16xf32>
      %select_n3A_1951 = arith.select %and3A_1946, %broadcast_in_dim3A_1949, %broadcast_in_dim3A_1950 : vector<16xi1>, vector<16xf32>
      %add3A_1952 = arith.constant 1 : i32
      %add3A_1953 = vector.broadcast %add3A_1952 : i32 to vector<16xi32>
      %add3A_1954 = arith.addi %sub3A_1914, %add3A_1953 : vector<16xi32>
      %add3A_1955 = arith.constant 1 : i32
      %add3A_1956 = vector.broadcast %add3A_1955 : i32 to vector<16xi32>
      %add3A_1957 = arith.addi %sub3A_1921, %add3A_1956 : vector<16xi32>
      %ge3A_1958 = arith.constant 0 : i32
      %ge3A_1959 = vector.broadcast %ge3A_1958 : i32 to vector<16xi32>
      %ge3A_1960 = arith.cmpi sge, %sub3A_1914, %ge3A_1959 : vector<16xi32>
      %le3A_1961 = arith.constant 255 : i32
      %le3A_1962 = vector.broadcast %le3A_1961 : i32 to vector<16xi32>
      %le3A_1963 = arith.cmpi sle, %sub3A_1914, %le3A_1962 : vector<16xi32>
      %and3A_1964 = arith.andi %ge3A_1960, %le3A_1963 : vector<16xi1>
      %jit3A_1965 = arith.constant 1.000000e+00 : f32
      %jit3A_1966 = arith.constant 0.000000e+00 : f32
      %broadcast_in_dim3A_1967 = vector.broadcast %jit3A_1965 : f32 to vector<16xf32>
      %broadcast_in_dim3A_1968 = vector.broadcast %jit3A_1966 : f32 to vector<16xf32>
      %select_n3A_1969 = arith.select %and3A_1964, %broadcast_in_dim3A_1967, %broadcast_in_dim3A_1968 : vector<16xi1>, vector<16xf32>
      %ge3A_1970 = arith.constant 0 : i32
      %ge3A_1971 = vector.broadcast %ge3A_1970 : i32 to vector<16xi32>
      %ge3A_1972 = arith.cmpi sge, %add3A_1954, %ge3A_1971 : vector<16xi32>
      %le3A_1973 = arith.constant 255 : i32
      %le3A_1974 = vector.broadcast %le3A_1973 : i32 to vector<16xi32>
      %le3A_1975 = arith.cmpi sle, %add3A_1954, %le3A_1974 : vector<16xi32>
      %and3A_1976 = arith.andi %ge3A_1972, %le3A_1975 : vector<16xi1>
      %jit3A_1977 = arith.constant 1.000000e+00 : f32
      %jit3A_1978 = arith.constant 0.000000e+00 : f32
      %broadcast_in_dim3A_1979 = vector.broadcast %jit3A_1977 : f32 to vector<16xf32>
      %broadcast_in_dim3A_1980 = vector.broadcast %jit3A_1978 : f32 to vector<16xf32>
      %select_n3A_1981 = arith.select %and3A_1976, %broadcast_in_dim3A_1979, %broadcast_in_dim3A_1980 : vector<16xi1>, vector<16xf32>
      %ge3A_1982 = arith.constant 0 : i32
      %ge3A_1983 = vector.broadcast %ge3A_1982 : i32 to vector<16xi32>
      %ge3A_1984 = arith.cmpi sge, %sub3A_1921, %ge3A_1983 : vector<16xi32>
      %le3A_1985 = arith.constant 16383 : i32
      %le3A_1986 = vector.broadcast %le3A_1985 : i32 to vector<16xi32>
      %le3A_1987 = arith.cmpi sle, %sub3A_1921, %le3A_1986 : vector<16xi32>
      %and3A_1988 = arith.andi %ge3A_1984, %le3A_1987 : vector<16xi1>
      %jit3A_1989 = arith.constant 0.000000e+00 : f32
      %broadcast_in_dim3A_1990 = vector.broadcast %jit3A_1989 : f32 to vector<16xf32>
      %select_n3A_1991 = arith.select %and3A_1988, %select_n3A_1951, %broadcast_in_dim3A_1990 : vector<16xi1>, vector<16xf32>
      %ge3A_1992 = arith.constant 0 : i32
      %ge3A_1993 = vector.broadcast %ge3A_1992 : i32 to vector<16xi32>
      %ge3A_1994 = arith.cmpi sge, %add3A_1957, %ge3A_1993 : vector<16xi32>
      %le3A_1995 = arith.constant 16383 : i32
      %le3A_1996 = vector.broadcast %le3A_1995 : i32 to vector<16xi32>
      %le3A_1997 = arith.cmpi sle, %add3A_1957, %le3A_1996 : vector<16xi32>
      %and3A_1998 = arith.andi %ge3A_1994, %le3A_1997 : vector<16xi1>
      %jit3A_1999 = arith.constant 0.000000e+00 : f32
      %broadcast_in_dim3A_2000 = vector.broadcast %jit3A_1999 : f32 to vector<16xf32>
      %select_n3A_2001 = arith.select %and3A_1998, %select_n3A_1951, %broadcast_in_dim3A_2000 : vector<16xi1>, vector<16xf32>
      %mul3A_2002 = arith.mulf %sub3A_1926, %select_n3A_1969 : vector<16xf32>
      %mul3A_2003 = arith.mulf %sub3A_1923, %select_n3A_1981 : vector<16xf32>
      %mul3A_2004 = arith.mulf %sub3A_1931, %select_n3A_1991 : vector<16xf32>
      %mul3A_2005 = arith.mulf %sub3A_1928, %select_n3A_2001 : vector<16xf32>
      %max3A_2006 = arith.constant 0 : i32
      %max3A_2007 = vector.broadcast %max3A_2006 : i32 to vector<16xi32>
      %max3A_2008 = arith.maxsi %sub3A_1914, %max3A_2007 : vector<16xi32>
      %min3A_2009 = arith.constant 255 : i32
      %min3A_2010 = vector.broadcast %min3A_2009 : i32 to vector<16xi32>
      %min3A_2011 = arith.minsi %max3A_2008, %min3A_2010 : vector<16xi32>
      %max3A_2012 = arith.constant 0 : i32
      %max3A_2013 = vector.broadcast %max3A_2012 : i32 to vector<16xi32>
      %max3A_2014 = arith.maxsi %add3A_1954, %max3A_2013 : vector<16xi32>
      %min3A_2015 = arith.constant 255 : i32
      %min3A_2016 = vector.broadcast %min3A_2015 : i32 to vector<16xi32>
      %min3A_2017 = arith.minsi %max3A_2014, %min3A_2016 : vector<16xi32>
      %max3A_2018 = arith.constant 0 : i32
      %max3A_2019 = vector.broadcast %max3A_2018 : i32 to vector<16xi32>
      %max3A_2020 = arith.maxsi %sub3A_1921, %max3A_2019 : vector<16xi32>
      %min3A_2021 = arith.constant 16383 : i32
      %min3A_2022 = vector.broadcast %min3A_2021 : i32 to vector<16xi32>
      %min3A_2023 = arith.minsi %max3A_2020, %min3A_2022 : vector<16xi32>
      %mul3A_2024 = arith.constant 256 : i32
      %mul3A_2025 = vector.broadcast %mul3A_2024 : i32 to vector<16xi32>
      %mul3A_2026 = arith.muli %min3A_2023, %mul3A_2025 : vector<16xi32>
      %max3A_2027 = arith.constant 0 : i32
      %max3A_2028 = vector.broadcast %max3A_2027 : i32 to vector<16xi32>
      %max3A_2029 = arith.maxsi %add3A_1957, %max3A_2028 : vector<16xi32>
      %min3A_2030 = arith.constant 16383 : i32
      %min3A_2031 = vector.broadcast %min3A_2030 : i32 to vector<16xi32>
      %min3A_2032 = arith.minsi %max3A_2029, %min3A_2031 : vector<16xi32>
      %mul3A_2033 = arith.constant 256 : i32
      %mul3A_2034 = vector.broadcast %mul3A_2033 : i32 to vector<16xi32>
      %mul3A_2035 = arith.muli %min3A_2032, %mul3A_2034 : vector<16xi32>
      %add3A_2036 = arith.addi %mul3A_2026, %min3A_2011 : vector<16xi32>
      %swap3A_2037 = arith.constant 112 : index
      %swap3A_2038 = tpu.vector_load %arg10[%swap3A_2037] {strides = array<i32>} : memref<128xi32, #tpu.memory_space<vmem>>, vector<16xi32>,
      %swap3A_2039 = vector.shape_cast %swap3A_2038 : vector<16xi32> to vector<16xi32>
      %swap3A_2040 = vector.shape_cast %add3A_2036 : vector<16xi32> to vector<16xi32>
      tpu.vector_store %arg10[%swap3A_2037], %swap3A_2040 {strides = array<i32>} : memref<128xi32, #tpu.memory_space<vmem>>, vector<16xi32>,
      %add3A_2041 = arith.addi %mul3A_2026, %min3A_2017 : vector<16xi32>
      %swap3A_2042 = arith.constant 112 : index
      %swap3A_2043 = tpu.vector_load %arg11[%swap3A_2042] {strides = array<i32>} : memref<128xi32, #tpu.memory_space<vmem>>, vector<16xi32>,
      %swap3A_2044 = vector.shape_cast %swap3A_2043 : vector<16xi32> to vector<16xi32>
      %swap3A_2045 = vector.shape_cast %add3A_2041 : vector<16xi32> to vector<16xi32>
      tpu.vector_store %arg11[%swap3A_2042], %swap3A_2045 {strides = array<i32>} : memref<128xi32, #tpu.memory_space<vmem>>, vector<16xi32>,
      %add3A_2046 = arith.addi %mul3A_2035, %min3A_2011 : vector<16xi32>
      %swap3A_2047 = arith.constant 112 : index
      %swap3A_2048 = tpu.vector_load %arg12[%swap3A_2047] {strides = array<i32>} : memref<128xi32, #tpu.memory_space<vmem>>, vector<16xi32>,
      %swap3A_2049 = vector.shape_cast %swap3A_2048 : vector<16xi32> to vector<16xi32>
      %swap3A_2050 = vector.shape_cast %add3A_2046 : vector<16xi32> to vector<16xi32>
      tpu.vector_store %arg12[%swap3A_2047], %swap3A_2050 {strides = array<i32>} : memref<128xi32, #tpu.memory_space<vmem>>, vector<16xi32>,
      %add3A_2051 = arith.addi %mul3A_2035, %min3A_2017 : vector<16xi32>
      %swap3A_2052 = arith.constant 112 : index
      %swap3A_2053 = tpu.vector_load %arg13[%swap3A_2052] {strides = array<i32>} : memref<128xi32, #tpu.memory_space<vmem>>, vector<16xi32>,
      %swap3A_2054 = vector.shape_cast %swap3A_2053 : vector<16xi32> to vector<16xi32>
      %swap3A_2055 = vector.shape_cast %add3A_2051 : vector<16xi32> to vector<16xi32>
      tpu.vector_store %arg13[%swap3A_2052], %swap3A_2055 {strides = array<i32>} : memref<128xi32, #tpu.memory_space<vmem>>, vector<16xi32>,
      %mul3A_2056 = arith.mulf %mul3A_2002, %mul3A_2004 : vector<16xf32>
      %swap3A_2057 = arith.constant 112 : index
      %swap3A_2058 = tpu.vector_load %arg14[%swap3A_2057] {strides = array<i32>} : memref<144xf32, #tpu.memory_space<vmem>>, vector<16xf32>,
      %swap3A_2059 = vector.shape_cast %swap3A_2058 : vector<16xf32> to vector<16xf32>
      %swap3A_2060 = vector.shape_cast %mul3A_2056 : vector<16xf32> to vector<16xf32>
      tpu.vector_store %arg14[%swap3A_2057], %swap3A_2060 {strides = array<i32>} : memref<144xf32, #tpu.memory_space<vmem>>, vector<16xf32>,
      %mul3A_2061 = arith.mulf %mul3A_2003, %mul3A_2004 : vector<16xf32>
      %swap3A_2062 = arith.constant 112 : index
      %swap3A_2063 = tpu.vector_load %arg15[%swap3A_2062] {strides = array<i32>} : memref<144xf32, #tpu.memory_space<vmem>>, vector<16xf32>,
      %swap3A_2064 = vector.shape_cast %swap3A_2063 : vector<16xf32> to vector<16xf32>
      %swap3A_2065 = vector.shape_cast %mul3A_2061 : vector<16xf32> to vector<16xf32>
      tpu.vector_store %arg15[%swap3A_2062], %swap3A_2065 {strides = array<i32>} : memref<144xf32, #tpu.memory_space<vmem>>, vector<16xf32>,
      %mul3A_2066 = arith.mulf %mul3A_2002, %mul3A_2005 : vector<16xf32>
      %swap3A_2067 = arith.constant 112 : index
      %swap3A_2068 = tpu.vector_load %arg16[%swap3A_2067] {strides = array<i32>} : memref<144xf32, #tpu.memory_space<vmem>>, vector<16xf32>,
      %swap3A_2069 = vector.shape_cast %swap3A_2068 : vector<16xf32> to vector<16xf32>
      %swap3A_2070 = vector.shape_cast %mul3A_2066 : vector<16xf32> to vector<16xf32>
      tpu.vector_store %arg16[%swap3A_2067], %swap3A_2070 {strides = array<i32>} : memref<144xf32, #tpu.memory_space<vmem>>, vector<16xf32>,
      %mul3A_2071 = arith.mulf %mul3A_2003, %mul3A_2005 : vector<16xf32>
      %swap3A_2072 = arith.constant 112 : index
      %swap3A_2073 = tpu.vector_load %arg17[%swap3A_2072] {strides = array<i32>} : memref<144xf32, #tpu.memory_space<vmem>>, vector<16xf32>,
      %swap3A_2074 = vector.shape_cast %swap3A_2073 : vector<16xf32> to vector<16xf32>
      %swap3A_2075 = vector.shape_cast %mul3A_2071 : vector<16xf32> to vector<16xf32>
      tpu.vector_store %arg17[%swap3A_2072], %swap3A_2075 {strides = array<i32>} : memref<144xf32, #tpu.memory_space<vmem>>, vector<16xf32>,
      %dma_start3A = arith.constant 0 : i32
      %dma_start3A_2076 = arith.constant 0 : i32
      %dma_start3A_2077 = tpu.memref_slice %arg5[%dma_start3A, %dma_start3A_2076] : memref<4194304x16xf32, #tpu.memory_space<hbm>> -> memref<4194304x16xf32, #tpu.memory_space<hbm>>
      tpu.enqueue_indirect_dma source(%dma_start3A_2077 : memref<4194304x16xf32, #tpu.memory_space<hbm>>) target(%arg18 : memref<128x16xf32, #tpu.memory_space<vmem>>) offsets(%arg10 : memref<128xi32, #tpu.memory_space<vmem>>) semaphore(%arg35 : memref<!tpu.dma_semaphore, #tpu.memory_space<semaphore_mem>>)
      %dma_start3A_2078 = arith.constant 0 : i32
      %dma_start3A_2079 = arith.constant 0 : i32
      %dma_start3A_2080 = tpu.memref_slice %arg5[%dma_start3A_2078, %dma_start3A_2079] : memref<4194304x16xf32, #tpu.memory_space<hbm>> -> memref<4194304x16xf32, #tpu.memory_space<hbm>>
      tpu.enqueue_indirect_dma source(%dma_start3A_2080 : memref<4194304x16xf32, #tpu.memory_space<hbm>>) target(%arg19 : memref<128x16xf32, #tpu.memory_space<vmem>>) offsets(%arg11 : memref<128xi32, #tpu.memory_space<vmem>>) semaphore(%arg35 : memref<!tpu.dma_semaphore, #tpu.memory_space<semaphore_mem>>)
      %dma_start3A_2081 = arith.constant 0 : i32
      %dma_start3A_2082 = arith.constant 0 : i32
      %dma_start3A_2083 = tpu.memref_slice %arg5[%dma_start3A_2081, %dma_start3A_2082] : memref<4194304x16xf32, #tpu.memory_space<hbm>> -> memref<4194304x16xf32, #tpu.memory_space<hbm>>
      tpu.enqueue_indirect_dma source(%dma_start3A_2083 : memref<4194304x16xf32, #tpu.memory_space<hbm>>) target(%arg20 : memref<128x16xf32, #tpu.memory_space<vmem>>) offsets(%arg12 : memref<128xi32, #tpu.memory_space<vmem>>) semaphore(%arg35 : memref<!tpu.dma_semaphore, #tpu.memory_space<semaphore_mem>>)
      %dma_start3A_2084 = arith.constant 0 : i32
      %dma_start3A_2085 = arith.constant 0 : i32
      %dma_start3A_2086 = tpu.memref_slice %arg5[%dma_start3A_2084, %dma_start3A_2085] : memref<4194304x16xf32, #tpu.memory_space<hbm>> -> memref<4194304x16xf32, #tpu.memory_space<hbm>>
      tpu.enqueue_indirect_dma source(%dma_start3A_2086 : memref<4194304x16xf32, #tpu.memory_space<hbm>>) target(%arg21 : memref<128x16xf32, #tpu.memory_space<vmem>>) offsets(%arg13 : memref<128xi32, #tpu.memory_space<vmem>>) semaphore(%arg35 : memref<!tpu.dma_semaphore, #tpu.memory_space<semaphore_mem>>)
      "tpu.region"() ({
        %run_scoped3A = tpu.sem_alloc : memref<!tpu.dma_semaphore, #tpu.memory_space<semaphore_mem>>
        %dma_start3A_4206 = tpu.memref_slice %arg2[%add3A_15] : memref<1048576xf32, #tpu.memory_space<hbm>> -> memref<128xf32, #tpu.memory_space<hbm>>
        %dma_start3A_4207 = tpu.memref_slice %arg2[%add3A_15] : memref<1048576xf32, #tpu.memory_space<hbm>> -> memref<128xf32, #tpu.memory_space<hbm>>
        tpu.enqueue_dma source(%dma_start3A_4207 : memref<128xf32, #tpu.memory_space<hbm>>) target(%arg7 : memref<128xf32, #tpu.memory_space<vmem>>) target_semaphore(%run_scoped3A : memref<!tpu.dma_semaphore, #tpu.memory_space<semaphore_mem>>)
        %dma_wait3A_4208 = tpu.memref_slice %arg2[%add3A_15] : memref<1048576xf32, #tpu.memory_space<hbm>> -> memref<128xf32, #tpu.memory_space<hbm>>
        %dma_wait3A_4209 = tpu.memref_slice %arg2[%add3A_15] : memref<1048576xf32, #tpu.memory_space<hbm>> -> memref<128xf32, #tpu.memory_space<hbm>>
        tpu.wait_dma2 semaphore(%run_scoped3A : memref<!tpu.dma_semaphore, #tpu.memory_space<semaphore_mem>>) src(%dma_wait3A_4209 : memref<128xf32, #tpu.memory_space<hbm>>) dst(%arg7 : memref<128xf32, #tpu.memory_space<vmem>>)
        tpu.yield
      }) : () -> ()
      "tpu.region"() ({
        %run_scoped3A = tpu.sem_alloc : memref<!tpu.dma_semaphore, #tpu.memory_space<semaphore_mem>>
        %dma_start3A_4206 = tpu.memref_slice %arg3[%add3A_15] : memref<1048576xf32, #tpu.memory_space<hbm>> -> memref<128xf32, #tpu.memory_space<hbm>>
        %dma_start3A_4207 = tpu.memref_slice %arg3[%add3A_15] : memref<1048576xf32, #tpu.memory_space<hbm>> -> memref<128xf32, #tpu.memory_space<hbm>>
        tpu.enqueue_dma source(%dma_start3A_4207 : memref<128xf32, #tpu.memory_space<hbm>>) target(%arg8 : memref<128xf32, #tpu.memory_space<vmem>>) target_semaphore(%run_scoped3A : memref<!tpu.dma_semaphore, #tpu.memory_space<semaphore_mem>>)
        %dma_wait3A_4208 = tpu.memref_slice %arg3[%add3A_15] : memref<1048576xf32, #tpu.memory_space<hbm>> -> memref<128xf32, #tpu.memory_space<hbm>>
        %dma_wait3A_4209 = tpu.memref_slice %arg3[%add3A_15] : memref<1048576xf32, #tpu.memory_space<hbm>> -> memref<128xf32, #tpu.memory_space<hbm>>
        tpu.wait_dma2 semaphore(%run_scoped3A : memref<!tpu.dma_semaphore, #tpu.memory_space<semaphore_mem>>) src(%dma_wait3A_4209 : memref<128xf32, #tpu.memory_space<hbm>>) dst(%arg8 : memref<128xf32, #tpu.memory_space<vmem>>)
        tpu.yield
      }) : () -> ()
      "tpu.region"() ({
        %run_scoped3A = tpu.sem_alloc : memref<!tpu.dma_semaphore, #tpu.memory_space<semaphore_mem>>
        %dma_start3A_4206 = tpu.memref_slice %arg4[%add3A_15] : memref<1048576xf32, #tpu.memory_space<hbm>> -> memref<128xf32, #tpu.memory_space<hbm>>
        %dma_start3A_4207 = tpu.memref_slice %arg4[%add3A_15] : memref<1048576xf32, #tpu.memory_space<hbm>> -> memref<128xf32, #tpu.memory_space<hbm>>
        tpu.enqueue_dma source(%dma_start3A_4207 : memref<128xf32, #tpu.memory_space<hbm>>) target(%arg9 : memref<128xf32, #tpu.memory_space<vmem>>) target_semaphore(%run_scoped3A : memref<!tpu.dma_semaphore, #tpu.memory_space<semaphore_mem>>)
        %dma_wait3A_4208 = tpu.memref_slice %arg4[%add3A_15] : memref<1048576xf32, #tpu.memory_space<hbm>> -> memref<128xf32, #tpu.memory_space<hbm>>
        %dma_wait3A_4209 = tpu.memref_slice %arg4[%add3A_15] : memref<1048576xf32, #tpu.memory_space<hbm>> -> memref<128xf32, #tpu.memory_space<hbm>>
        tpu.wait_dma2 semaphore(%run_scoped3A : memref<!tpu.dma_semaphore, #tpu.memory_space<semaphore_mem>>) src(%dma_wait3A_4209 : memref<128xf32, #tpu.memory_space<hbm>>) dst(%arg9 : memref<128xf32, #tpu.memory_space<vmem>>)
        tpu.yield
      }) : () -> ()
      %get3A_2087 = arith.constant 0 : index
      %get3A_2088 = tpu.vector_load %arg7[%get3A_2087] {strides = array<i32>} : memref<128xf32, #tpu.memory_space<vmem>>, vector<16xf32>,
      %get3A_2089 = vector.shape_cast %get3A_2088 : vector<16xf32> to vector<16xf32>
      %get3A_2090 = arith.constant 0 : index
      %get3A_2091 = tpu.vector_load %arg8[%get3A_2090] {strides = array<i32>} : memref<128xf32, #tpu.memory_space<vmem>>, vector<16xf32>,
      %get3A_2092 = vector.shape_cast %get3A_2091 : vector<16xf32> to vector<16xf32>
      %get3A_2093 = arith.constant 0 : index
      %get3A_2094 = tpu.vector_load %arg9[%get3A_2093] {strides = array<i32>} : memref<128xf32, #tpu.memory_space<vmem>>, vector<16xf32>,
      %get3A_2095 = vector.shape_cast %get3A_2094 : vector<16xf32> to vector<16xf32>
      %max3A_2096 = arith.constant 0.000000e+00 : f32
      %max3A_2097 = vector.broadcast %max3A_2096 : f32 to vector<16xf32>
      %max3A_2098 = arith.maximumf %get3A_2089, %max3A_2097 : vector<16xf32>
      %min3A_2099 = arith.constant 1.000000e+00 : f32
      %min3A_2100 = vector.broadcast %min3A_2099 : f32 to vector<16xf32>
      %min3A_2101 = arith.minimumf %max3A_2098, %min3A_2100 : vector<16xf32>
      %max3A_2102 = arith.constant 0.000000e+00 : f32
      %max3A_2103 = vector.broadcast %max3A_2102 : f32 to vector<16xf32>
      %max3A_2104 = arith.maximumf %get3A_2092, %max3A_2103 : vector<16xf32>
      %min3A_2105 = arith.constant 1.000000e+00 : f32
      %min3A_2106 = vector.broadcast %min3A_2105 : f32 to vector<16xf32>
      %min3A_2107 = arith.minimumf %max3A_2104, %min3A_2106 : vector<16xf32>
      %max3A_2108 = arith.constant 0.000000e+00 : f32
      %max3A_2109 = vector.broadcast %max3A_2108 : f32 to vector<16xf32>
      %max3A_2110 = arith.maximumf %get3A_2095, %max3A_2109 : vector<16xf32>
      %min3A_2111 = arith.constant 1.000000e+00 : f32
      %min3A_2112 = vector.broadcast %min3A_2111 : f32 to vector<16xf32>
      %min3A_2113 = arith.minimumf %max3A_2110, %min3A_2112 : vector<16xf32>
      %mul3A_2114 = arith.constant 4.000000e+00 : f32
      %mul3A_2115 = vector.broadcast %mul3A_2114 : f32 to vector<16xf32>
      %mul3A_2116 = arith.mulf %min3A_2101, %mul3A_2115 : vector<16xf32>
      %convert_element_type3A_2117 = arith.fptosi %mul3A_2116 : vector<16xf32> to vector<16xi32>
      %min3A_2118 = arith.constant 3 : i32
      %min3A_2119 = vector.broadcast %min3A_2118 : i32 to vector<16xi32>
      %min3A_2120 = arith.minsi %convert_element_type3A_2117, %min3A_2119 : vector<16xi32>
      %mul3A_2121 = arith.constant 4.000000e+00 : f32
      %mul3A_2122 = vector.broadcast %mul3A_2121 : f32 to vector<16xf32>
      %mul3A_2123 = arith.mulf %min3A_2107, %mul3A_2122 : vector<16xf32>
      %convert_element_type3A_2124 = arith.fptosi %mul3A_2123 : vector<16xf32> to vector<16xi32>
      %min3A_2125 = arith.constant 3 : i32
      %min3A_2126 = vector.broadcast %min3A_2125 : i32 to vector<16xi32>
      %min3A_2127 = arith.minsi %convert_element_type3A_2124, %min3A_2126 : vector<16xi32>
      %mul3A_2128 = arith.constant 4.000000e+00 : f32
      %mul3A_2129 = vector.broadcast %mul3A_2128 : f32 to vector<16xf32>
      %mul3A_2130 = arith.mulf %min3A_2113, %mul3A_2129 : vector<16xf32>
      %convert_element_type3A_2131 = arith.fptosi %mul3A_2130 : vector<16xf32> to vector<16xi32>
      %min3A_2132 = arith.constant 3 : i32
      %min3A_2133 = vector.broadcast %min3A_2132 : i32 to vector<16xi32>
      %min3A_2134 = arith.minsi %convert_element_type3A_2131, %min3A_2133 : vector<16xi32>
      %mul3A_2135 = arith.constant 16 : i32
      %mul3A_2136 = vector.broadcast %mul3A_2135 : i32 to vector<16xi32>
      %mul3A_2137 = arith.muli %min3A_2134, %mul3A_2136 : vector<16xi32>
      %mul3A_2138 = arith.constant 4 : i32
      %mul3A_2139 = vector.broadcast %mul3A_2138 : i32 to vector<16xi32>
      %mul3A_2140 = arith.muli %min3A_2127, %mul3A_2139 : vector<16xi32>
      %add3A_2141 = arith.addi %mul3A_2137, %mul3A_2140 : vector<16xi32>
      %add3A_2142 = arith.addi %add3A_2141, %min3A_2120 : vector<16xi32>
      %mul3A_2143 = arith.constant 1.024000e+03 : f32
      %mul3A_2144 = vector.broadcast %mul3A_2143 : f32 to vector<16xf32>
      %mul3A_2145 = arith.mulf %get3A_2089, %mul3A_2144 : vector<16xf32>
      %mul3A_2146 = arith.constant 1.024000e+03 : f32
      %mul3A_2147 = vector.broadcast %mul3A_2146 : f32 to vector<16xf32>
      %mul3A_2148 = arith.mulf %get3A_2092, %mul3A_2147 : vector<16xf32>
      %mul3A_2149 = arith.constant 3.906250e-03 : f32
      %mul3A_2150 = vector.broadcast %mul3A_2149 : f32 to vector<16xf32>
      %mul3A_2151 = arith.mulf %mul3A_2145, %mul3A_2150 : vector<16xf32>
      %convert_element_type3A_2152 = arith.fptosi %mul3A_2151 : vector<16xf32> to vector<16xi32>
      %convert_element_type3A_2153 = arith.sitofp %convert_element_type3A_2152 : vector<16xi32> to vector<16xf32>
      %mul3A_2154 = arith.constant 2.560000e+02 : f32
      %mul3A_2155 = vector.broadcast %mul3A_2154 : f32 to vector<16xf32>
      %mul3A_2156 = arith.mulf %convert_element_type3A_2153, %mul3A_2155 : vector<16xf32>
      %sub3A_2157 = arith.subf %mul3A_2145, %mul3A_2156 : vector<16xf32>
      %mul3A_2158 = arith.constant 3.906250e-03 : f32
      %mul3A_2159 = vector.broadcast %mul3A_2158 : f32 to vector<16xf32>
      %mul3A_2160 = arith.mulf %mul3A_2148, %mul3A_2159 : vector<16xf32>
      %convert_element_type3A_2161 = arith.fptosi %mul3A_2160 : vector<16xf32> to vector<16xi32>
      %convert_element_type3A_2162 = arith.sitofp %convert_element_type3A_2161 : vector<16xi32> to vector<16xf32>
      %mul3A_2163 = arith.constant 2.560000e+02 : f32
      %mul3A_2164 = vector.broadcast %mul3A_2163 : f32 to vector<16xf32>
      %mul3A_2165 = arith.mulf %convert_element_type3A_2162, %mul3A_2164 : vector<16xf32>
      %sub3A_2166 = arith.subf %mul3A_2148, %mul3A_2165 : vector<16xf32>
      %sub3A_2167 = arith.constant 5.000000e-01 : f32
      %sub3A_2168 = vector.broadcast %sub3A_2167 : f32 to vector<16xf32>
      %sub3A_2169 = arith.subf %sub3A_2157, %sub3A_2168 : vector<16xf32>
      %convert_element_type3A_2170 = arith.sitofp %add3A_2142 : vector<16xi32> to vector<16xf32>
      %mul3A_2171 = arith.constant 2.560000e+02 : f32
      %mul3A_2172 = vector.broadcast %mul3A_2171 : f32 to vector<16xf32>
      %mul3A_2173 = arith.mulf %convert_element_type3A_2170, %mul3A_2172 : vector<16xf32>
      %add3A_2174 = arith.addf %sub3A_2166, %mul3A_2173 : vector<16xf32>
      %sub3A_2175 = arith.constant 5.000000e-01 : f32
      %sub3A_2176 = vector.broadcast %sub3A_2175 : f32 to vector<16xf32>
      %sub3A_2177 = arith.subf %add3A_2174, %sub3A_2176 : vector<16xf32>
      %add3A_2178 = arith.constant 1.000000e+00 : f32
      %add3A_2179 = vector.broadcast %add3A_2178 : f32 to vector<16xf32>
      %add3A_2180 = arith.addf %sub3A_2169, %add3A_2179 : vector<16xf32>
      %convert_element_type3A_2181 = arith.fptosi %add3A_2180 : vector<16xf32> to vector<16xi32>
      %sub3A_2182 = arith.constant 1 : i32
      %sub3A_2183 = vector.broadcast %sub3A_2182 : i32 to vector<16xi32>
      %sub3A_2184 = arith.subi %convert_element_type3A_2181, %sub3A_2183 : vector<16xi32>
      %add3A_2185 = arith.constant 1.000000e+00 : f32
      %add3A_2186 = vector.broadcast %add3A_2185 : f32 to vector<16xf32>
      %add3A_2187 = arith.addf %sub3A_2177, %add3A_2186 : vector<16xf32>
      %convert_element_type3A_2188 = arith.fptosi %add3A_2187 : vector<16xf32> to vector<16xi32>
      %sub3A_2189 = arith.constant 1 : i32
      %sub3A_2190 = vector.broadcast %sub3A_2189 : i32 to vector<16xi32>
      %sub3A_2191 = arith.subi %convert_element_type3A_2188, %sub3A_2190 : vector<16xi32>
      %convert_element_type3A_2192 = arith.sitofp %sub3A_2184 : vector<16xi32> to vector<16xf32>
      %sub3A_2193 = arith.subf %sub3A_2169, %convert_element_type3A_2192 : vector<16xf32>
      %sub3A_2194 = arith.constant 1.000000e+00 : f32
      %sub3A_2195 = vector.broadcast %sub3A_2194 : f32 to vector<16xf32>
      %sub3A_2196 = arith.subf %sub3A_2195, %sub3A_2193 : vector<16xf32>
      %convert_element_type3A_2197 = arith.sitofp %sub3A_2191 : vector<16xi32> to vector<16xf32>
      %sub3A_2198 = arith.subf %sub3A_2177, %convert_element_type3A_2197 : vector<16xf32>
      %sub3A_2199 = arith.constant 1.000000e+00 : f32
      %sub3A_2200 = vector.broadcast %sub3A_2199 : f32 to vector<16xf32>
      %sub3A_2201 = arith.subf %sub3A_2200, %sub3A_2198 : vector<16xf32>
      %ge3A_2202 = arith.constant 0.000000e+00 : f32
      %ge3A_2203 = vector.broadcast %ge3A_2202 : f32 to vector<16xf32>
      %ge3A_2204 = arith.cmpf oge, %get3A_2089, %ge3A_2203 : vector<16xf32>
      %le3A_2205 = arith.constant 1.000000e+00 : f32
      %le3A_2206 = vector.broadcast %le3A_2205 : f32 to vector<16xf32>
      %le3A_2207 = arith.cmpf ole, %get3A_2089, %le3A_2206 : vector<16xf32>
      %and3A_2208 = arith.andi %ge3A_2204, %le3A_2207 : vector<16xi1>
      %ge3A_2209 = arith.constant 0.000000e+00 : f32
      %ge3A_2210 = vector.broadcast %ge3A_2209 : f32 to vector<16xf32>
      %ge3A_2211 = arith.cmpf oge, %get3A_2092, %ge3A_2210 : vector<16xf32>
      %and3A_2212 = arith.andi %and3A_2208, %ge3A_2211 : vector<16xi1>
      %le3A_2213 = arith.constant 1.000000e+00 : f32
      %le3A_2214 = vector.broadcast %le3A_2213 : f32 to vector<16xf32>
      %le3A_2215 = arith.cmpf ole, %get3A_2092, %le3A_2214 : vector<16xf32>
      %and3A_2216 = arith.andi %and3A_2212, %le3A_2215 : vector<16xi1>
      %jit3A_2217 = arith.constant 1.000000e+00 : f32
      %jit3A_2218 = arith.constant 0.000000e+00 : f32
      %broadcast_in_dim3A_2219 = vector.broadcast %jit3A_2217 : f32 to vector<16xf32>
      %broadcast_in_dim3A_2220 = vector.broadcast %jit3A_2218 : f32 to vector<16xf32>
      %select_n3A_2221 = arith.select %and3A_2216, %broadcast_in_dim3A_2219, %broadcast_in_dim3A_2220 : vector<16xi1>, vector<16xf32>
      %add3A_2222 = arith.constant 1 : i32
      %add3A_2223 = vector.broadcast %add3A_2222 : i32 to vector<16xi32>
      %add3A_2224 = arith.addi %sub3A_2184, %add3A_2223 : vector<16xi32>
      %add3A_2225 = arith.constant 1 : i32
      %add3A_2226 = vector.broadcast %add3A_2225 : i32 to vector<16xi32>
      %add3A_2227 = arith.addi %sub3A_2191, %add3A_2226 : vector<16xi32>
      %ge3A_2228 = arith.constant 0 : i32
      %ge3A_2229 = vector.broadcast %ge3A_2228 : i32 to vector<16xi32>
      %ge3A_2230 = arith.cmpi sge, %sub3A_2184, %ge3A_2229 : vector<16xi32>
      %le3A_2231 = arith.constant 255 : i32
      %le3A_2232 = vector.broadcast %le3A_2231 : i32 to vector<16xi32>
      %le3A_2233 = arith.cmpi sle, %sub3A_2184, %le3A_2232 : vector<16xi32>
      %and3A_2234 = arith.andi %ge3A_2230, %le3A_2233 : vector<16xi1>
      %jit3A_2235 = arith.constant 1.000000e+00 : f32
      %jit3A_2236 = arith.constant 0.000000e+00 : f32
      %broadcast_in_dim3A_2237 = vector.broadcast %jit3A_2235 : f32 to vector<16xf32>
      %broadcast_in_dim3A_2238 = vector.broadcast %jit3A_2236 : f32 to vector<16xf32>
      %select_n3A_2239 = arith.select %and3A_2234, %broadcast_in_dim3A_2237, %broadcast_in_dim3A_2238 : vector<16xi1>, vector<16xf32>
      %ge3A_2240 = arith.constant 0 : i32
      %ge3A_2241 = vector.broadcast %ge3A_2240 : i32 to vector<16xi32>
      %ge3A_2242 = arith.cmpi sge, %add3A_2224, %ge3A_2241 : vector<16xi32>
      %le3A_2243 = arith.constant 255 : i32
      %le3A_2244 = vector.broadcast %le3A_2243 : i32 to vector<16xi32>
      %le3A_2245 = arith.cmpi sle, %add3A_2224, %le3A_2244 : vector<16xi32>
      %and3A_2246 = arith.andi %ge3A_2242, %le3A_2245 : vector<16xi1>
      %jit3A_2247 = arith.constant 1.000000e+00 : f32
      %jit3A_2248 = arith.constant 0.000000e+00 : f32
      %broadcast_in_dim3A_2249 = vector.broadcast %jit3A_2247 : f32 to vector<16xf32>
      %broadcast_in_dim3A_2250 = vector.broadcast %jit3A_2248 : f32 to vector<16xf32>
      %select_n3A_2251 = arith.select %and3A_2246, %broadcast_in_dim3A_2249, %broadcast_in_dim3A_2250 : vector<16xi1>, vector<16xf32>
      %ge3A_2252 = arith.constant 0 : i32
      %ge3A_2253 = vector.broadcast %ge3A_2252 : i32 to vector<16xi32>
      %ge3A_2254 = arith.cmpi sge, %sub3A_2191, %ge3A_2253 : vector<16xi32>
      %le3A_2255 = arith.constant 16383 : i32
      %le3A_2256 = vector.broadcast %le3A_2255 : i32 to vector<16xi32>
      %le3A_2257 = arith.cmpi sle, %sub3A_2191, %le3A_2256 : vector<16xi32>
      %and3A_2258 = arith.andi %ge3A_2254, %le3A_2257 : vector<16xi1>
      %jit3A_2259 = arith.constant 0.000000e+00 : f32
      %broadcast_in_dim3A_2260 = vector.broadcast %jit3A_2259 : f32 to vector<16xf32>
      %select_n3A_2261 = arith.select %and3A_2258, %select_n3A_2221, %broadcast_in_dim3A_2260 : vector<16xi1>, vector<16xf32>
      %ge3A_2262 = arith.constant 0 : i32
      %ge3A_2263 = vector.broadcast %ge3A_2262 : i32 to vector<16xi32>
      %ge3A_2264 = arith.cmpi sge, %add3A_2227, %ge3A_2263 : vector<16xi32>
      %le3A_2265 = arith.constant 16383 : i32
      %le3A_2266 = vector.broadcast %le3A_2265 : i32 to vector<16xi32>
      %le3A_2267 = arith.cmpi sle, %add3A_2227, %le3A_2266 : vector<16xi32>
      %and3A_2268 = arith.andi %ge3A_2264, %le3A_2267 : vector<16xi1>
      %jit3A_2269 = arith.constant 0.000000e+00 : f32
      %broadcast_in_dim3A_2270 = vector.broadcast %jit3A_2269 : f32 to vector<16xf32>
      %select_n3A_2271 = arith.select %and3A_2268, %select_n3A_2221, %broadcast_in_dim3A_2270 : vector<16xi1>, vector<16xf32>
      %mul3A_2272 = arith.mulf %sub3A_2196, %select_n3A_2239 : vector<16xf32>
      %mul3A_2273 = arith.mulf %sub3A_2193, %select_n3A_2251 : vector<16xf32>
      %mul3A_2274 = arith.mulf %sub3A_2201, %select_n3A_2261 : vector<16xf32>
      %mul3A_2275 = arith.mulf %sub3A_2198, %select_n3A_2271 : vector<16xf32>
      %max3A_2276 = arith.constant 0 : i32
      %max3A_2277 = vector.broadcast %max3A_2276 : i32 to vector<16xi32>
      %max3A_2278 = arith.maxsi %sub3A_2184, %max3A_2277 : vector<16xi32>
      %min3A_2279 = arith.constant 255 : i32
      %min3A_2280 = vector.broadcast %min3A_2279 : i32 to vector<16xi32>
      %min3A_2281 = arith.minsi %max3A_2278, %min3A_2280 : vector<16xi32>
      %max3A_2282 = arith.constant 0 : i32
      %max3A_2283 = vector.broadcast %max3A_2282 : i32 to vector<16xi32>
      %max3A_2284 = arith.maxsi %add3A_2224, %max3A_2283 : vector<16xi32>
      %min3A_2285 = arith.constant 255 : i32
      %min3A_2286 = vector.broadcast %min3A_2285 : i32 to vector<16xi32>
      %min3A_2287 = arith.minsi %max3A_2284, %min3A_2286 : vector<16xi32>
      %max3A_2288 = arith.constant 0 : i32
      %max3A_2289 = vector.broadcast %max3A_2288 : i32 to vector<16xi32>
      %max3A_2290 = arith.maxsi %sub3A_2191, %max3A_2289 : vector<16xi32>
      %min3A_2291 = arith.constant 16383 : i32
      %min3A_2292 = vector.broadcast %min3A_2291 : i32 to vector<16xi32>
      %min3A_2293 = arith.minsi %max3A_2290, %min3A_2292 : vector<16xi32>
      %mul3A_2294 = arith.constant 256 : i32
      %mul3A_2295 = vector.broadcast %mul3A_2294 : i32 to vector<16xi32>
      %mul3A_2296 = arith.muli %min3A_2293, %mul3A_2295 : vector<16xi32>
      %max3A_2297 = arith.constant 0 : i32
      %max3A_2298 = vector.broadcast %max3A_2297 : i32 to vector<16xi32>
      %max3A_2299 = arith.maxsi %add3A_2227, %max3A_2298 : vector<16xi32>
      %min3A_2300 = arith.constant 16383 : i32
      %min3A_2301 = vector.broadcast %min3A_2300 : i32 to vector<16xi32>
      %min3A_2302 = arith.minsi %max3A_2299, %min3A_2301 : vector<16xi32>
      %mul3A_2303 = arith.constant 256 : i32
      %mul3A_2304 = vector.broadcast %mul3A_2303 : i32 to vector<16xi32>
      %mul3A_2305 = arith.muli %min3A_2302, %mul3A_2304 : vector<16xi32>
      %add3A_2306 = arith.addi %mul3A_2296, %min3A_2281 : vector<16xi32>
      %swap3A_2307 = arith.constant 0 : index
      %swap3A_2308 = tpu.vector_load %arg22[%swap3A_2307] {strides = array<i32>} : memref<128xi32, #tpu.memory_space<vmem>>, vector<16xi32>,
      %swap3A_2309 = vector.shape_cast %swap3A_2308 : vector<16xi32> to vector<16xi32>
      %swap3A_2310 = vector.shape_cast %add3A_2306 : vector<16xi32> to vector<16xi32>
      tpu.vector_store %arg22[%swap3A_2307], %swap3A_2310 {strides = array<i32>} : memref<128xi32, #tpu.memory_space<vmem>>, vector<16xi32>,
      %add3A_2311 = arith.addi %mul3A_2296, %min3A_2287 : vector<16xi32>
      %swap3A_2312 = arith.constant 0 : index
      %swap3A_2313 = tpu.vector_load %arg23[%swap3A_2312] {strides = array<i32>} : memref<128xi32, #tpu.memory_space<vmem>>, vector<16xi32>,
      %swap3A_2314 = vector.shape_cast %swap3A_2313 : vector<16xi32> to vector<16xi32>
      %swap3A_2315 = vector.shape_cast %add3A_2311 : vector<16xi32> to vector<16xi32>
      tpu.vector_store %arg23[%swap3A_2312], %swap3A_2315 {strides = array<i32>} : memref<128xi32, #tpu.memory_space<vmem>>, vector<16xi32>,
      %add3A_2316 = arith.addi %mul3A_2305, %min3A_2281 : vector<16xi32>
      %swap3A_2317 = arith.constant 0 : index
      %swap3A_2318 = tpu.vector_load %arg24[%swap3A_2317] {strides = array<i32>} : memref<128xi32, #tpu.memory_space<vmem>>, vector<16xi32>,
      %swap3A_2319 = vector.shape_cast %swap3A_2318 : vector<16xi32> to vector<16xi32>
      %swap3A_2320 = vector.shape_cast %add3A_2316 : vector<16xi32> to vector<16xi32>
      tpu.vector_store %arg24[%swap3A_2317], %swap3A_2320 {strides = array<i32>} : memref<128xi32, #tpu.memory_space<vmem>>, vector<16xi32>,
      %add3A_2321 = arith.addi %mul3A_2305, %min3A_2287 : vector<16xi32>
      %swap3A_2322 = arith.constant 0 : index
      %swap3A_2323 = tpu.vector_load %arg25[%swap3A_2322] {strides = array<i32>} : memref<128xi32, #tpu.memory_space<vmem>>, vector<16xi32>,
      %swap3A_2324 = vector.shape_cast %swap3A_2323 : vector<16xi32> to vector<16xi32>
      %swap3A_2325 = vector.shape_cast %add3A_2321 : vector<16xi32> to vector<16xi32>
      tpu.vector_store %arg25[%swap3A_2322], %swap3A_2325 {strides = array<i32>} : memref<128xi32, #tpu.memory_space<vmem>>, vector<16xi32>,
      %mul3A_2326 = arith.mulf %mul3A_2272, %mul3A_2274 : vector<16xf32>
      %swap3A_2327 = arith.constant 0 : index
      %swap3A_2328 = tpu.vector_load %arg26[%swap3A_2327] {strides = array<i32>} : memref<144xf32, #tpu.memory_space<vmem>>, vector<16xf32>,
      %swap3A_2329 = vector.shape_cast %swap3A_2328 : vector<16xf32> to vector<16xf32>
      %swap3A_2330 = vector.shape_cast %mul3A_2326 : vector<16xf32> to vector<16xf32>
      tpu.vector_store %arg26[%swap3A_2327], %swap3A_2330 {strides = array<i32>} : memref<144xf32, #tpu.memory_space<vmem>>, vector<16xf32>,
      %mul3A_2331 = arith.mulf %mul3A_2273, %mul3A_2274 : vector<16xf32>
      %swap3A_2332 = arith.constant 0 : index
      %swap3A_2333 = tpu.vector_load %arg27[%swap3A_2332] {strides = array<i32>} : memref<144xf32, #tpu.memory_space<vmem>>, vector<16xf32>,
      %swap3A_2334 = vector.shape_cast %swap3A_2333 : vector<16xf32> to vector<16xf32>
      %swap3A_2335 = vector.shape_cast %mul3A_2331 : vector<16xf32> to vector<16xf32>
      tpu.vector_store %arg27[%swap3A_2332], %swap3A_2335 {strides = array<i32>} : memref<144xf32, #tpu.memory_space<vmem>>, vector<16xf32>,
      %mul3A_2336 = arith.mulf %mul3A_2272, %mul3A_2275 : vector<16xf32>
      %swap3A_2337 = arith.constant 0 : index
      %swap3A_2338 = tpu.vector_load %arg28[%swap3A_2337] {strides = array<i32>} : memref<144xf32, #tpu.memory_space<vmem>>, vector<16xf32>,
      %swap3A_2339 = vector.shape_cast %swap3A_2338 : vector<16xf32> to vector<16xf32>
      %swap3A_2340 = vector.shape_cast %mul3A_2336 : vector<16xf32> to vector<16xf32>
      tpu.vector_store %arg28[%swap3A_2337], %swap3A_2340 {strides = array<i32>} : memref<144xf32, #tpu.memory_space<vmem>>, vector<16xf32>,
      %mul3A_2341 = arith.mulf %mul3A_2273, %mul3A_2275 : vector<16xf32>
      %swap3A_2342 = arith.constant 0 : index
      %swap3A_2343 = tpu.vector_load %arg29[%swap3A_2342] {strides = array<i32>} : memref<144xf32, #tpu.memory_space<vmem>>, vector<16xf32>,
      %swap3A_2344 = vector.shape_cast %swap3A_2343 : vector<16xf32> to vector<16xf32>
      %swap3A_2345 = vector.shape_cast %mul3A_2341 : vector<16xf32> to vector<16xf32>
      tpu.vector_store %arg29[%swap3A_2342], %swap3A_2345 {strides = array<i32>} : memref<144xf32, #tpu.memory_space<vmem>>, vector<16xf32>,
      %get3A_2346 = arith.constant 16 : index
      %get3A_2347 = tpu.vector_load %arg7[%get3A_2346] {strides = array<i32>} : memref<128xf32, #tpu.memory_space<vmem>>, vector<16xf32>,
      %get3A_2348 = vector.shape_cast %get3A_2347 : vector<16xf32> to vector<16xf32>
      %get3A_2349 = arith.constant 16 : index
      %get3A_2350 = tpu.vector_load %arg8[%get3A_2349] {strides = array<i32>} : memref<128xf32, #tpu.memory_space<vmem>>, vector<16xf32>,
      %get3A_2351 = vector.shape_cast %get3A_2350 : vector<16xf32> to vector<16xf32>
      %get3A_2352 = arith.constant 16 : index
      %get3A_2353 = tpu.vector_load %arg9[%get3A_2352] {strides = array<i32>} : memref<128xf32, #tpu.memory_space<vmem>>, vector<16xf32>,
      %get3A_2354 = vector.shape_cast %get3A_2353 : vector<16xf32> to vector<16xf32>
      %max3A_2355 = arith.constant 0.000000e+00 : f32
      %max3A_2356 = vector.broadcast %max3A_2355 : f32 to vector<16xf32>
      %max3A_2357 = arith.maximumf %get3A_2348, %max3A_2356 : vector<16xf32>
      %min3A_2358 = arith.constant 1.000000e+00 : f32
      %min3A_2359 = vector.broadcast %min3A_2358 : f32 to vector<16xf32>
      %min3A_2360 = arith.minimumf %max3A_2357, %min3A_2359 : vector<16xf32>
      %max3A_2361 = arith.constant 0.000000e+00 : f32
      %max3A_2362 = vector.broadcast %max3A_2361 : f32 to vector<16xf32>
      %max3A_2363 = arith.maximumf %get3A_2351, %max3A_2362 : vector<16xf32>
      %min3A_2364 = arith.constant 1.000000e+00 : f32
      %min3A_2365 = vector.broadcast %min3A_2364 : f32 to vector<16xf32>
      %min3A_2366 = arith.minimumf %max3A_2363, %min3A_2365 : vector<16xf32>
      %max3A_2367 = arith.constant 0.000000e+00 : f32
      %max3A_2368 = vector.broadcast %max3A_2367 : f32 to vector<16xf32>
      %max3A_2369 = arith.maximumf %get3A_2354, %max3A_2368 : vector<16xf32>
      %min3A_2370 = arith.constant 1.000000e+00 : f32
      %min3A_2371 = vector.broadcast %min3A_2370 : f32 to vector<16xf32>
      %min3A_2372 = arith.minimumf %max3A_2369, %min3A_2371 : vector<16xf32>
      %mul3A_2373 = arith.constant 4.000000e+00 : f32
      %mul3A_2374 = vector.broadcast %mul3A_2373 : f32 to vector<16xf32>
      %mul3A_2375 = arith.mulf %min3A_2360, %mul3A_2374 : vector<16xf32>
      %convert_element_type3A_2376 = arith.fptosi %mul3A_2375 : vector<16xf32> to vector<16xi32>
      %min3A_2377 = arith.constant 3 : i32
      %min3A_2378 = vector.broadcast %min3A_2377 : i32 to vector<16xi32>
      %min3A_2379 = arith.minsi %convert_element_type3A_2376, %min3A_2378 : vector<16xi32>
      %mul3A_2380 = arith.constant 4.000000e+00 : f32
      %mul3A_2381 = vector.broadcast %mul3A_2380 : f32 to vector<16xf32>
      %mul3A_2382 = arith.mulf %min3A_2366, %mul3A_2381 : vector<16xf32>
      %convert_element_type3A_2383 = arith.fptosi %mul3A_2382 : vector<16xf32> to vector<16xi32>
      %min3A_2384 = arith.constant 3 : i32
      %min3A_2385 = vector.broadcast %min3A_2384 : i32 to vector<16xi32>
      %min3A_2386 = arith.minsi %convert_element_type3A_2383, %min3A_2385 : vector<16xi32>
      %mul3A_2387 = arith.constant 4.000000e+00 : f32
      %mul3A_2388 = vector.broadcast %mul3A_2387 : f32 to vector<16xf32>
      %mul3A_2389 = arith.mulf %min3A_2372, %mul3A_2388 : vector<16xf32>
      %convert_element_type3A_2390 = arith.fptosi %mul3A_2389 : vector<16xf32> to vector<16xi32>
      %min3A_2391 = arith.constant 3 : i32
      %min3A_2392 = vector.broadcast %min3A_2391 : i32 to vector<16xi32>
      %min3A_2393 = arith.minsi %convert_element_type3A_2390, %min3A_2392 : vector<16xi32>
      %mul3A_2394 = arith.constant 16 : i32
      %mul3A_2395 = vector.broadcast %mul3A_2394 : i32 to vector<16xi32>
      %mul3A_2396 = arith.muli %min3A_2393, %mul3A_2395 : vector<16xi32>
      %mul3A_2397 = arith.constant 4 : i32
      %mul3A_2398 = vector.broadcast %mul3A_2397 : i32 to vector<16xi32>
      %mul3A_2399 = arith.muli %min3A_2386, %mul3A_2398 : vector<16xi32>
      %add3A_2400 = arith.addi %mul3A_2396, %mul3A_2399 : vector<16xi32>
      %add3A_2401 = arith.addi %add3A_2400, %min3A_2379 : vector<16xi32>
      %mul3A_2402 = arith.constant 1.024000e+03 : f32
      %mul3A_2403 = vector.broadcast %mul3A_2402 : f32 to vector<16xf32>
      %mul3A_2404 = arith.mulf %get3A_2348, %mul3A_2403 : vector<16xf32>
      %mul3A_2405 = arith.constant 1.024000e+03 : f32
      %mul3A_2406 = vector.broadcast %mul3A_2405 : f32 to vector<16xf32>
      %mul3A_2407 = arith.mulf %get3A_2351, %mul3A_2406 : vector<16xf32>
      %mul3A_2408 = arith.constant 3.906250e-03 : f32
      %mul3A_2409 = vector.broadcast %mul3A_2408 : f32 to vector<16xf32>
      %mul3A_2410 = arith.mulf %mul3A_2404, %mul3A_2409 : vector<16xf32>
      %convert_element_type3A_2411 = arith.fptosi %mul3A_2410 : vector<16xf32> to vector<16xi32>
      %convert_element_type3A_2412 = arith.sitofp %convert_element_type3A_2411 : vector<16xi32> to vector<16xf32>
      %mul3A_2413 = arith.constant 2.560000e+02 : f32
      %mul3A_2414 = vector.broadcast %mul3A_2413 : f32 to vector<16xf32>
      %mul3A_2415 = arith.mulf %convert_element_type3A_2412, %mul3A_2414 : vector<16xf32>
      %sub3A_2416 = arith.subf %mul3A_2404, %mul3A_2415 : vector<16xf32>
      %mul3A_2417 = arith.constant 3.906250e-03 : f32
      %mul3A_2418 = vector.broadcast %mul3A_2417 : f32 to vector<16xf32>
      %mul3A_2419 = arith.mulf %mul3A_2407, %mul3A_2418 : vector<16xf32>
      %convert_element_type3A_2420 = arith.fptosi %mul3A_2419 : vector<16xf32> to vector<16xi32>
      %convert_element_type3A_2421 = arith.sitofp %convert_element_type3A_2420 : vector<16xi32> to vector<16xf32>
      %mul3A_2422 = arith.constant 2.560000e+02 : f32
      %mul3A_2423 = vector.broadcast %mul3A_2422 : f32 to vector<16xf32>
      %mul3A_2424 = arith.mulf %convert_element_type3A_2421, %mul3A_2423 : vector<16xf32>
      %sub3A_2425 = arith.subf %mul3A_2407, %mul3A_2424 : vector<16xf32>
      %sub3A_2426 = arith.constant 5.000000e-01 : f32
      %sub3A_2427 = vector.broadcast %sub3A_2426 : f32 to vector<16xf32>
      %sub3A_2428 = arith.subf %sub3A_2416, %sub3A_2427 : vector<16xf32>
      %convert_element_type3A_2429 = arith.sitofp %add3A_2401 : vector<16xi32> to vector<16xf32>
      %mul3A_2430 = arith.constant 2.560000e+02 : f32
      %mul3A_2431 = vector.broadcast %mul3A_2430 : f32 to vector<16xf32>
      %mul3A_2432 = arith.mulf %convert_element_type3A_2429, %mul3A_2431 : vector<16xf32>
      %add3A_2433 = arith.addf %sub3A_2425, %mul3A_2432 : vector<16xf32>
      %sub3A_2434 = arith.constant 5.000000e-01 : f32
      %sub3A_2435 = vector.broadcast %sub3A_2434 : f32 to vector<16xf32>
      %sub3A_2436 = arith.subf %add3A_2433, %sub3A_2435 : vector<16xf32>
      %add3A_2437 = arith.constant 1.000000e+00 : f32
      %add3A_2438 = vector.broadcast %add3A_2437 : f32 to vector<16xf32>
      %add3A_2439 = arith.addf %sub3A_2428, %add3A_2438 : vector<16xf32>
      %convert_element_type3A_2440 = arith.fptosi %add3A_2439 : vector<16xf32> to vector<16xi32>
      %sub3A_2441 = arith.constant 1 : i32
      %sub3A_2442 = vector.broadcast %sub3A_2441 : i32 to vector<16xi32>
      %sub3A_2443 = arith.subi %convert_element_type3A_2440, %sub3A_2442 : vector<16xi32>
      %add3A_2444 = arith.constant 1.000000e+00 : f32
      %add3A_2445 = vector.broadcast %add3A_2444 : f32 to vector<16xf32>
      %add3A_2446 = arith.addf %sub3A_2436, %add3A_2445 : vector<16xf32>
      %convert_element_type3A_2447 = arith.fptosi %add3A_2446 : vector<16xf32> to vector<16xi32>
      %sub3A_2448 = arith.constant 1 : i32
      %sub3A_2449 = vector.broadcast %sub3A_2448 : i32 to vector<16xi32>
      %sub3A_2450 = arith.subi %convert_element_type3A_2447, %sub3A_2449 : vector<16xi32>
      %convert_element_type3A_2451 = arith.sitofp %sub3A_2443 : vector<16xi32> to vector<16xf32>
      %sub3A_2452 = arith.subf %sub3A_2428, %convert_element_type3A_2451 : vector<16xf32>
      %sub3A_2453 = arith.constant 1.000000e+00 : f32
      %sub3A_2454 = vector.broadcast %sub3A_2453 : f32 to vector<16xf32>
      %sub3A_2455 = arith.subf %sub3A_2454, %sub3A_2452 : vector<16xf32>
      %convert_element_type3A_2456 = arith.sitofp %sub3A_2450 : vector<16xi32> to vector<16xf32>
      %sub3A_2457 = arith.subf %sub3A_2436, %convert_element_type3A_2456 : vector<16xf32>
      %sub3A_2458 = arith.constant 1.000000e+00 : f32
      %sub3A_2459 = vector.broadcast %sub3A_2458 : f32 to vector<16xf32>
      %sub3A_2460 = arith.subf %sub3A_2459, %sub3A_2457 : vector<16xf32>
      %ge3A_2461 = arith.constant 0.000000e+00 : f32
      %ge3A_2462 = vector.broadcast %ge3A_2461 : f32 to vector<16xf32>
      %ge3A_2463 = arith.cmpf oge, %get3A_2348, %ge3A_2462 : vector<16xf32>
      %le3A_2464 = arith.constant 1.000000e+00 : f32
      %le3A_2465 = vector.broadcast %le3A_2464 : f32 to vector<16xf32>
      %le3A_2466 = arith.cmpf ole, %get3A_2348, %le3A_2465 : vector<16xf32>
      %and3A_2467 = arith.andi %ge3A_2463, %le3A_2466 : vector<16xi1>
      %ge3A_2468 = arith.constant 0.000000e+00 : f32
      %ge3A_2469 = vector.broadcast %ge3A_2468 : f32 to vector<16xf32>
      %ge3A_2470 = arith.cmpf oge, %get3A_2351, %ge3A_2469 : vector<16xf32>
      %and3A_2471 = arith.andi %and3A_2467, %ge3A_2470 : vector<16xi1>
      %le3A_2472 = arith.constant 1.000000e+00 : f32
      %le3A_2473 = vector.broadcast %le3A_2472 : f32 to vector<16xf32>
      %le3A_2474 = arith.cmpf ole, %get3A_2351, %le3A_2473 : vector<16xf32>
      %and3A_2475 = arith.andi %and3A_2471, %le3A_2474 : vector<16xi1>
      %jit3A_2476 = arith.constant 1.000000e+00 : f32
      %jit3A_2477 = arith.constant 0.000000e+00 : f32
      %broadcast_in_dim3A_2478 = vector.broadcast %jit3A_2476 : f32 to vector<16xf32>
      %broadcast_in_dim3A_2479 = vector.broadcast %jit3A_2477 : f32 to vector<16xf32>
      %select_n3A_2480 = arith.select %and3A_2475, %broadcast_in_dim3A_2478, %broadcast_in_dim3A_2479 : vector<16xi1>, vector<16xf32>
      %add3A_2481 = arith.constant 1 : i32
      %add3A_2482 = vector.broadcast %add3A_2481 : i32 to vector<16xi32>
      %add3A_2483 = arith.addi %sub3A_2443, %add3A_2482 : vector<16xi32>
      %add3A_2484 = arith.constant 1 : i32
      %add3A_2485 = vector.broadcast %add3A_2484 : i32 to vector<16xi32>
      %add3A_2486 = arith.addi %sub3A_2450, %add3A_2485 : vector<16xi32>
      %ge3A_2487 = arith.constant 0 : i32
      %ge3A_2488 = vector.broadcast %ge3A_2487 : i32 to vector<16xi32>
      %ge3A_2489 = arith.cmpi sge, %sub3A_2443, %ge3A_2488 : vector<16xi32>
      %le3A_2490 = arith.constant 255 : i32
      %le3A_2491 = vector.broadcast %le3A_2490 : i32 to vector<16xi32>
      %le3A_2492 = arith.cmpi sle, %sub3A_2443, %le3A_2491 : vector<16xi32>
      %and3A_2493 = arith.andi %ge3A_2489, %le3A_2492 : vector<16xi1>
      %jit3A_2494 = arith.constant 1.000000e+00 : f32
      %jit3A_2495 = arith.constant 0.000000e+00 : f32
      %broadcast_in_dim3A_2496 = vector.broadcast %jit3A_2494 : f32 to vector<16xf32>
      %broadcast_in_dim3A_2497 = vector.broadcast %jit3A_2495 : f32 to vector<16xf32>
      %select_n3A_2498 = arith.select %and3A_2493, %broadcast_in_dim3A_2496, %broadcast_in_dim3A_2497 : vector<16xi1>, vector<16xf32>
      %ge3A_2499 = arith.constant 0 : i32
      %ge3A_2500 = vector.broadcast %ge3A_2499 : i32 to vector<16xi32>
      %ge3A_2501 = arith.cmpi sge, %add3A_2483, %ge3A_2500 : vector<16xi32>
      %le3A_2502 = arith.constant 255 : i32
      %le3A_2503 = vector.broadcast %le3A_2502 : i32 to vector<16xi32>
      %le3A_2504 = arith.cmpi sle, %add3A_2483, %le3A_2503 : vector<16xi32>
      %and3A_2505 = arith.andi %ge3A_2501, %le3A_2504 : vector<16xi1>
      %jit3A_2506 = arith.constant 1.000000e+00 : f32
      %jit3A_2507 = arith.constant 0.000000e+00 : f32
      %broadcast_in_dim3A_2508 = vector.broadcast %jit3A_2506 : f32 to vector<16xf32>
      %broadcast_in_dim3A_2509 = vector.broadcast %jit3A_2507 : f32 to vector<16xf32>
      %select_n3A_2510 = arith.select %and3A_2505, %broadcast_in_dim3A_2508, %broadcast_in_dim3A_2509 : vector<16xi1>, vector<16xf32>
      %ge3A_2511 = arith.constant 0 : i32
      %ge3A_2512 = vector.broadcast %ge3A_2511 : i32 to vector<16xi32>
      %ge3A_2513 = arith.cmpi sge, %sub3A_2450, %ge3A_2512 : vector<16xi32>
      %le3A_2514 = arith.constant 16383 : i32
      %le3A_2515 = vector.broadcast %le3A_2514 : i32 to vector<16xi32>
      %le3A_2516 = arith.cmpi sle, %sub3A_2450, %le3A_2515 : vector<16xi32>
      %and3A_2517 = arith.andi %ge3A_2513, %le3A_2516 : vector<16xi1>
      %jit3A_2518 = arith.constant 0.000000e+00 : f32
      %broadcast_in_dim3A_2519 = vector.broadcast %jit3A_2518 : f32 to vector<16xf32>
      %select_n3A_2520 = arith.select %and3A_2517, %select_n3A_2480, %broadcast_in_dim3A_2519 : vector<16xi1>, vector<16xf32>
      %ge3A_2521 = arith.constant 0 : i32
      %ge3A_2522 = vector.broadcast %ge3A_2521 : i32 to vector<16xi32>
      %ge3A_2523 = arith.cmpi sge, %add3A_2486, %ge3A_2522 : vector<16xi32>
      %le3A_2524 = arith.constant 16383 : i32
      %le3A_2525 = vector.broadcast %le3A_2524 : i32 to vector<16xi32>
      %le3A_2526 = arith.cmpi sle, %add3A_2486, %le3A_2525 : vector<16xi32>
      %and3A_2527 = arith.andi %ge3A_2523, %le3A_2526 : vector<16xi1>
      %jit3A_2528 = arith.constant 0.000000e+00 : f32
      %broadcast_in_dim3A_2529 = vector.broadcast %jit3A_2528 : f32 to vector<16xf32>
      %select_n3A_2530 = arith.select %and3A_2527, %select_n3A_2480, %broadcast_in_dim3A_2529 : vector<16xi1>, vector<16xf32>
      %mul3A_2531 = arith.mulf %sub3A_2455, %select_n3A_2498 : vector<16xf32>
      %mul3A_2532 = arith.mulf %sub3A_2452, %select_n3A_2510 : vector<16xf32>
      %mul3A_2533 = arith.mulf %sub3A_2460, %select_n3A_2520 : vector<16xf32>
      %mul3A_2534 = arith.mulf %sub3A_2457, %select_n3A_2530 : vector<16xf32>
      %max3A_2535 = arith.constant 0 : i32
      %max3A_2536 = vector.broadcast %max3A_2535 : i32 to vector<16xi32>
      %max3A_2537 = arith.maxsi %sub3A_2443, %max3A_2536 : vector<16xi32>
      %min3A_2538 = arith.constant 255 : i32
      %min3A_2539 = vector.broadcast %min3A_2538 : i32 to vector<16xi32>
      %min3A_2540 = arith.minsi %max3A_2537, %min3A_2539 : vector<16xi32>
      %max3A_2541 = arith.constant 0 : i32
      %max3A_2542 = vector.broadcast %max3A_2541 : i32 to vector<16xi32>
      %max3A_2543 = arith.maxsi %add3A_2483, %max3A_2542 : vector<16xi32>
      %min3A_2544 = arith.constant 255 : i32
      %min3A_2545 = vector.broadcast %min3A_2544 : i32 to vector<16xi32>
      %min3A_2546 = arith.minsi %max3A_2543, %min3A_2545 : vector<16xi32>
      %max3A_2547 = arith.constant 0 : i32
      %max3A_2548 = vector.broadcast %max3A_2547 : i32 to vector<16xi32>
      %max3A_2549 = arith.maxsi %sub3A_2450, %max3A_2548 : vector<16xi32>
      %min3A_2550 = arith.constant 16383 : i32
      %min3A_2551 = vector.broadcast %min3A_2550 : i32 to vector<16xi32>
      %min3A_2552 = arith.minsi %max3A_2549, %min3A_2551 : vector<16xi32>
      %mul3A_2553 = arith.constant 256 : i32
      %mul3A_2554 = vector.broadcast %mul3A_2553 : i32 to vector<16xi32>
      %mul3A_2555 = arith.muli %min3A_2552, %mul3A_2554 : vector<16xi32>
      %max3A_2556 = arith.constant 0 : i32
      %max3A_2557 = vector.broadcast %max3A_2556 : i32 to vector<16xi32>
      %max3A_2558 = arith.maxsi %add3A_2486, %max3A_2557 : vector<16xi32>
      %min3A_2559 = arith.constant 16383 : i32
      %min3A_2560 = vector.broadcast %min3A_2559 : i32 to vector<16xi32>
      %min3A_2561 = arith.minsi %max3A_2558, %min3A_2560 : vector<16xi32>
      %mul3A_2562 = arith.constant 256 : i32
      %mul3A_2563 = vector.broadcast %mul3A_2562 : i32 to vector<16xi32>
      %mul3A_2564 = arith.muli %min3A_2561, %mul3A_2563 : vector<16xi32>
      %add3A_2565 = arith.addi %mul3A_2555, %min3A_2540 : vector<16xi32>
      %swap3A_2566 = arith.constant 16 : index
      %swap3A_2567 = tpu.vector_load %arg22[%swap3A_2566] {strides = array<i32>} : memref<128xi32, #tpu.memory_space<vmem>>, vector<16xi32>,
      %swap3A_2568 = vector.shape_cast %swap3A_2567 : vector<16xi32> to vector<16xi32>
      %swap3A_2569 = vector.shape_cast %add3A_2565 : vector<16xi32> to vector<16xi32>
      tpu.vector_store %arg22[%swap3A_2566], %swap3A_2569 {strides = array<i32>} : memref<128xi32, #tpu.memory_space<vmem>>, vector<16xi32>,
      %add3A_2570 = arith.addi %mul3A_2555, %min3A_2546 : vector<16xi32>
      %swap3A_2571 = arith.constant 16 : index
      %swap3A_2572 = tpu.vector_load %arg23[%swap3A_2571] {strides = array<i32>} : memref<128xi32, #tpu.memory_space<vmem>>, vector<16xi32>,
      %swap3A_2573 = vector.shape_cast %swap3A_2572 : vector<16xi32> to vector<16xi32>
      %swap3A_2574 = vector.shape_cast %add3A_2570 : vector<16xi32> to vector<16xi32>
      tpu.vector_store %arg23[%swap3A_2571], %swap3A_2574 {strides = array<i32>} : memref<128xi32, #tpu.memory_space<vmem>>, vector<16xi32>,
      %add3A_2575 = arith.addi %mul3A_2564, %min3A_2540 : vector<16xi32>
      %swap3A_2576 = arith.constant 16 : index
      %swap3A_2577 = tpu.vector_load %arg24[%swap3A_2576] {strides = array<i32>} : memref<128xi32, #tpu.memory_space<vmem>>, vector<16xi32>,
      %swap3A_2578 = vector.shape_cast %swap3A_2577 : vector<16xi32> to vector<16xi32>
      %swap3A_2579 = vector.shape_cast %add3A_2575 : vector<16xi32> to vector<16xi32>
      tpu.vector_store %arg24[%swap3A_2576], %swap3A_2579 {strides = array<i32>} : memref<128xi32, #tpu.memory_space<vmem>>, vector<16xi32>,
      %add3A_2580 = arith.addi %mul3A_2564, %min3A_2546 : vector<16xi32>
      %swap3A_2581 = arith.constant 16 : index
      %swap3A_2582 = tpu.vector_load %arg25[%swap3A_2581] {strides = array<i32>} : memref<128xi32, #tpu.memory_space<vmem>>, vector<16xi32>,
      %swap3A_2583 = vector.shape_cast %swap3A_2582 : vector<16xi32> to vector<16xi32>
      %swap3A_2584 = vector.shape_cast %add3A_2580 : vector<16xi32> to vector<16xi32>
      tpu.vector_store %arg25[%swap3A_2581], %swap3A_2584 {strides = array<i32>} : memref<128xi32, #tpu.memory_space<vmem>>, vector<16xi32>,
      %mul3A_2585 = arith.mulf %mul3A_2531, %mul3A_2533 : vector<16xf32>
      %swap3A_2586 = arith.constant 16 : index
      %swap3A_2587 = tpu.vector_load %arg26[%swap3A_2586] {strides = array<i32>} : memref<144xf32, #tpu.memory_space<vmem>>, vector<16xf32>,
      %swap3A_2588 = vector.shape_cast %swap3A_2587 : vector<16xf32> to vector<16xf32>
      %swap3A_2589 = vector.shape_cast %mul3A_2585 : vector<16xf32> to vector<16xf32>
      tpu.vector_store %arg26[%swap3A_2586], %swap3A_2589 {strides = array<i32>} : memref<144xf32, #tpu.memory_space<vmem>>, vector<16xf32>,
      %mul3A_2590 = arith.mulf %mul3A_2532, %mul3A_2533 : vector<16xf32>
      %swap3A_2591 = arith.constant 16 : index
      %swap3A_2592 = tpu.vector_load %arg27[%swap3A_2591] {strides = array<i32>} : memref<144xf32, #tpu.memory_space<vmem>>, vector<16xf32>,
      %swap3A_2593 = vector.shape_cast %swap3A_2592 : vector<16xf32> to vector<16xf32>
      %swap3A_2594 = vector.shape_cast %mul3A_2590 : vector<16xf32> to vector<16xf32>
      tpu.vector_store %arg27[%swap3A_2591], %swap3A_2594 {strides = array<i32>} : memref<144xf32, #tpu.memory_space<vmem>>, vector<16xf32>,
      %mul3A_2595 = arith.mulf %mul3A_2531, %mul3A_2534 : vector<16xf32>
      %swap3A_2596 = arith.constant 16 : index
      %swap3A_2597 = tpu.vector_load %arg28[%swap3A_2596] {strides = array<i32>} : memref<144xf32, #tpu.memory_space<vmem>>, vector<16xf32>,
      %swap3A_2598 = vector.shape_cast %swap3A_2597 : vector<16xf32> to vector<16xf32>
      %swap3A_2599 = vector.shape_cast %mul3A_2595 : vector<16xf32> to vector<16xf32>
      tpu.vector_store %arg28[%swap3A_2596], %swap3A_2599 {strides = array<i32>} : memref<144xf32, #tpu.memory_space<vmem>>, vector<16xf32>,
      %mul3A_2600 = arith.mulf %mul3A_2532, %mul3A_2534 : vector<16xf32>
      %swap3A_2601 = arith.constant 16 : index
      %swap3A_2602 = tpu.vector_load %arg29[%swap3A_2601] {strides = array<i32>} : memref<144xf32, #tpu.memory_space<vmem>>, vector<16xf32>,
      %swap3A_2603 = vector.shape_cast %swap3A_2602 : vector<16xf32> to vector<16xf32>
      %swap3A_2604 = vector.shape_cast %mul3A_2600 : vector<16xf32> to vector<16xf32>
      tpu.vector_store %arg29[%swap3A_2601], %swap3A_2604 {strides = array<i32>} : memref<144xf32, #tpu.memory_space<vmem>>, vector<16xf32>,
      %get3A_2605 = arith.constant 32 : index
      %get3A_2606 = tpu.vector_load %arg7[%get3A_2605] {strides = array<i32>} : memref<128xf32, #tpu.memory_space<vmem>>, vector<16xf32>,
      %get3A_2607 = vector.shape_cast %get3A_2606 : vector<16xf32> to vector<16xf32>
      %get3A_2608 = arith.constant 32 : index
      %get3A_2609 = tpu.vector_load %arg8[%get3A_2608] {strides = array<i32>} : memref<128xf32, #tpu.memory_space<vmem>>, vector<16xf32>,
      %get3A_2610 = vector.shape_cast %get3A_2609 : vector<16xf32> to vector<16xf32>
      %get3A_2611 = arith.constant 32 : index
      %get3A_2612 = tpu.vector_load %arg9[%get3A_2611] {strides = array<i32>} : memref<128xf32, #tpu.memory_space<vmem>>, vector<16xf32>,
      %get3A_2613 = vector.shape_cast %get3A_2612 : vector<16xf32> to vector<16xf32>
      %max3A_2614 = arith.constant 0.000000e+00 : f32
      %max3A_2615 = vector.broadcast %max3A_2614 : f32 to vector<16xf32>
      %max3A_2616 = arith.maximumf %get3A_2607, %max3A_2615 : vector<16xf32>
      %min3A_2617 = arith.constant 1.000000e+00 : f32
      %min3A_2618 = vector.broadcast %min3A_2617 : f32 to vector<16xf32>
      %min3A_2619 = arith.minimumf %max3A_2616, %min3A_2618 : vector<16xf32>
      %max3A_2620 = arith.constant 0.000000e+00 : f32
      %max3A_2621 = vector.broadcast %max3A_2620 : f32 to vector<16xf32>
      %max3A_2622 = arith.maximumf %get3A_2610, %max3A_2621 : vector<16xf32>
      %min3A_2623 = arith.constant 1.000000e+00 : f32
      %min3A_2624 = vector.broadcast %min3A_2623 : f32 to vector<16xf32>
      %min3A_2625 = arith.minimumf %max3A_2622, %min3A_2624 : vector<16xf32>
      %max3A_2626 = arith.constant 0.000000e+00 : f32
      %max3A_2627 = vector.broadcast %max3A_2626 : f32 to vector<16xf32>
      %max3A_2628 = arith.maximumf %get3A_2613, %max3A_2627 : vector<16xf32>
      %min3A_2629 = arith.constant 1.000000e+00 : f32
      %min3A_2630 = vector.broadcast %min3A_2629 : f32 to vector<16xf32>
      %min3A_2631 = arith.minimumf %max3A_2628, %min3A_2630 : vector<16xf32>
      %mul3A_2632 = arith.constant 4.000000e+00 : f32
      %mul3A_2633 = vector.broadcast %mul3A_2632 : f32 to vector<16xf32>
      %mul3A_2634 = arith.mulf %min3A_2619, %mul3A_2633 : vector<16xf32>
      %convert_element_type3A_2635 = arith.fptosi %mul3A_2634 : vector<16xf32> to vector<16xi32>
      %min3A_2636 = arith.constant 3 : i32
      %min3A_2637 = vector.broadcast %min3A_2636 : i32 to vector<16xi32>
      %min3A_2638 = arith.minsi %convert_element_type3A_2635, %min3A_2637 : vector<16xi32>
      %mul3A_2639 = arith.constant 4.000000e+00 : f32
      %mul3A_2640 = vector.broadcast %mul3A_2639 : f32 to vector<16xf32>
      %mul3A_2641 = arith.mulf %min3A_2625, %mul3A_2640 : vector<16xf32>
      %convert_element_type3A_2642 = arith.fptosi %mul3A_2641 : vector<16xf32> to vector<16xi32>
      %min3A_2643 = arith.constant 3 : i32
      %min3A_2644 = vector.broadcast %min3A_2643 : i32 to vector<16xi32>
      %min3A_2645 = arith.minsi %convert_element_type3A_2642, %min3A_2644 : vector<16xi32>
      %mul3A_2646 = arith.constant 4.000000e+00 : f32
      %mul3A_2647 = vector.broadcast %mul3A_2646 : f32 to vector<16xf32>
      %mul3A_2648 = arith.mulf %min3A_2631, %mul3A_2647 : vector<16xf32>
      %convert_element_type3A_2649 = arith.fptosi %mul3A_2648 : vector<16xf32> to vector<16xi32>
      %min3A_2650 = arith.constant 3 : i32
      %min3A_2651 = vector.broadcast %min3A_2650 : i32 to vector<16xi32>
      %min3A_2652 = arith.minsi %convert_element_type3A_2649, %min3A_2651 : vector<16xi32>
      %mul3A_2653 = arith.constant 16 : i32
      %mul3A_2654 = vector.broadcast %mul3A_2653 : i32 to vector<16xi32>
      %mul3A_2655 = arith.muli %min3A_2652, %mul3A_2654 : vector<16xi32>
      %mul3A_2656 = arith.constant 4 : i32
      %mul3A_2657 = vector.broadcast %mul3A_2656 : i32 to vector<16xi32>
      %mul3A_2658 = arith.muli %min3A_2645, %mul3A_2657 : vector<16xi32>
      %add3A_2659 = arith.addi %mul3A_2655, %mul3A_2658 : vector<16xi32>
      %add3A_2660 = arith.addi %add3A_2659, %min3A_2638 : vector<16xi32>
      %mul3A_2661 = arith.constant 1.024000e+03 : f32
      %mul3A_2662 = vector.broadcast %mul3A_2661 : f32 to vector<16xf32>
      %mul3A_2663 = arith.mulf %get3A_2607, %mul3A_2662 : vector<16xf32>
      %mul3A_2664 = arith.constant 1.024000e+03 : f32
      %mul3A_2665 = vector.broadcast %mul3A_2664 : f32 to vector<16xf32>
      %mul3A_2666 = arith.mulf %get3A_2610, %mul3A_2665 : vector<16xf32>
      %mul3A_2667 = arith.constant 3.906250e-03 : f32
      %mul3A_2668 = vector.broadcast %mul3A_2667 : f32 to vector<16xf32>
      %mul3A_2669 = arith.mulf %mul3A_2663, %mul3A_2668 : vector<16xf32>
      %convert_element_type3A_2670 = arith.fptosi %mul3A_2669 : vector<16xf32> to vector<16xi32>
      %convert_element_type3A_2671 = arith.sitofp %convert_element_type3A_2670 : vector<16xi32> to vector<16xf32>
      %mul3A_2672 = arith.constant 2.560000e+02 : f32
      %mul3A_2673 = vector.broadcast %mul3A_2672 : f32 to vector<16xf32>
      %mul3A_2674 = arith.mulf %convert_element_type3A_2671, %mul3A_2673 : vector<16xf32>
      %sub3A_2675 = arith.subf %mul3A_2663, %mul3A_2674 : vector<16xf32>
      %mul3A_2676 = arith.constant 3.906250e-03 : f32
      %mul3A_2677 = vector.broadcast %mul3A_2676 : f32 to vector<16xf32>
      %mul3A_2678 = arith.mulf %mul3A_2666, %mul3A_2677 : vector<16xf32>
      %convert_element_type3A_2679 = arith.fptosi %mul3A_2678 : vector<16xf32> to vector<16xi32>
      %convert_element_type3A_2680 = arith.sitofp %convert_element_type3A_2679 : vector<16xi32> to vector<16xf32>
      %mul3A_2681 = arith.constant 2.560000e+02 : f32
      %mul3A_2682 = vector.broadcast %mul3A_2681 : f32 to vector<16xf32>
      %mul3A_2683 = arith.mulf %convert_element_type3A_2680, %mul3A_2682 : vector<16xf32>
      %sub3A_2684 = arith.subf %mul3A_2666, %mul3A_2683 : vector<16xf32>
      %sub3A_2685 = arith.constant 5.000000e-01 : f32
      %sub3A_2686 = vector.broadcast %sub3A_2685 : f32 to vector<16xf32>
      %sub3A_2687 = arith.subf %sub3A_2675, %sub3A_2686 : vector<16xf32>
      %convert_element_type3A_2688 = arith.sitofp %add3A_2660 : vector<16xi32> to vector<16xf32>
      %mul3A_2689 = arith.constant 2.560000e+02 : f32
      %mul3A_2690 = vector.broadcast %mul3A_2689 : f32 to vector<16xf32>
      %mul3A_2691 = arith.mulf %convert_element_type3A_2688, %mul3A_2690 : vector<16xf32>
      %add3A_2692 = arith.addf %sub3A_2684, %mul3A_2691 : vector<16xf32>
      %sub3A_2693 = arith.constant 5.000000e-01 : f32
      %sub3A_2694 = vector.broadcast %sub3A_2693 : f32 to vector<16xf32>
      %sub3A_2695 = arith.subf %add3A_2692, %sub3A_2694 : vector<16xf32>
      %add3A_2696 = arith.constant 1.000000e+00 : f32
      %add3A_2697 = vector.broadcast %add3A_2696 : f32 to vector<16xf32>
      %add3A_2698 = arith.addf %sub3A_2687, %add3A_2697 : vector<16xf32>
      %convert_element_type3A_2699 = arith.fptosi %add3A_2698 : vector<16xf32> to vector<16xi32>
      %sub3A_2700 = arith.constant 1 : i32
      %sub3A_2701 = vector.broadcast %sub3A_2700 : i32 to vector<16xi32>
      %sub3A_2702 = arith.subi %convert_element_type3A_2699, %sub3A_2701 : vector<16xi32>
      %add3A_2703 = arith.constant 1.000000e+00 : f32
      %add3A_2704 = vector.broadcast %add3A_2703 : f32 to vector<16xf32>
      %add3A_2705 = arith.addf %sub3A_2695, %add3A_2704 : vector<16xf32>
      %convert_element_type3A_2706 = arith.fptosi %add3A_2705 : vector<16xf32> to vector<16xi32>
      %sub3A_2707 = arith.constant 1 : i32
      %sub3A_2708 = vector.broadcast %sub3A_2707 : i32 to vector<16xi32>
      %sub3A_2709 = arith.subi %convert_element_type3A_2706, %sub3A_2708 : vector<16xi32>
      %convert_element_type3A_2710 = arith.sitofp %sub3A_2702 : vector<16xi32> to vector<16xf32>
      %sub3A_2711 = arith.subf %sub3A_2687, %convert_element_type3A_2710 : vector<16xf32>
      %sub3A_2712 = arith.constant 1.000000e+00 : f32
      %sub3A_2713 = vector.broadcast %sub3A_2712 : f32 to vector<16xf32>
      %sub3A_2714 = arith.subf %sub3A_2713, %sub3A_2711 : vector<16xf32>
      %convert_element_type3A_2715 = arith.sitofp %sub3A_2709 : vector<16xi32> to vector<16xf32>
      %sub3A_2716 = arith.subf %sub3A_2695, %convert_element_type3A_2715 : vector<16xf32>
      %sub3A_2717 = arith.constant 1.000000e+00 : f32
      %sub3A_2718 = vector.broadcast %sub3A_2717 : f32 to vector<16xf32>
      %sub3A_2719 = arith.subf %sub3A_2718, %sub3A_2716 : vector<16xf32>
      %ge3A_2720 = arith.constant 0.000000e+00 : f32
      %ge3A_2721 = vector.broadcast %ge3A_2720 : f32 to vector<16xf32>
      %ge3A_2722 = arith.cmpf oge, %get3A_2607, %ge3A_2721 : vector<16xf32>
      %le3A_2723 = arith.constant 1.000000e+00 : f32
      %le3A_2724 = vector.broadcast %le3A_2723 : f32 to vector<16xf32>
      %le3A_2725 = arith.cmpf ole, %get3A_2607, %le3A_2724 : vector<16xf32>
      %and3A_2726 = arith.andi %ge3A_2722, %le3A_2725 : vector<16xi1>
      %ge3A_2727 = arith.constant 0.000000e+00 : f32
      %ge3A_2728 = vector.broadcast %ge3A_2727 : f32 to vector<16xf32>
      %ge3A_2729 = arith.cmpf oge, %get3A_2610, %ge3A_2728 : vector<16xf32>
      %and3A_2730 = arith.andi %and3A_2726, %ge3A_2729 : vector<16xi1>
      %le3A_2731 = arith.constant 1.000000e+00 : f32
      %le3A_2732 = vector.broadcast %le3A_2731 : f32 to vector<16xf32>
      %le3A_2733 = arith.cmpf ole, %get3A_2610, %le3A_2732 : vector<16xf32>
      %and3A_2734 = arith.andi %and3A_2730, %le3A_2733 : vector<16xi1>
      %jit3A_2735 = arith.constant 1.000000e+00 : f32
      %jit3A_2736 = arith.constant 0.000000e+00 : f32
      %broadcast_in_dim3A_2737 = vector.broadcast %jit3A_2735 : f32 to vector<16xf32>
      %broadcast_in_dim3A_2738 = vector.broadcast %jit3A_2736 : f32 to vector<16xf32>
      %select_n3A_2739 = arith.select %and3A_2734, %broadcast_in_dim3A_2737, %broadcast_in_dim3A_2738 : vector<16xi1>, vector<16xf32>
      %add3A_2740 = arith.constant 1 : i32
      %add3A_2741 = vector.broadcast %add3A_2740 : i32 to vector<16xi32>
      %add3A_2742 = arith.addi %sub3A_2702, %add3A_2741 : vector<16xi32>
      %add3A_2743 = arith.constant 1 : i32
      %add3A_2744 = vector.broadcast %add3A_2743 : i32 to vector<16xi32>
      %add3A_2745 = arith.addi %sub3A_2709, %add3A_2744 : vector<16xi32>
      %ge3A_2746 = arith.constant 0 : i32
      %ge3A_2747 = vector.broadcast %ge3A_2746 : i32 to vector<16xi32>
      %ge3A_2748 = arith.cmpi sge, %sub3A_2702, %ge3A_2747 : vector<16xi32>
      %le3A_2749 = arith.constant 255 : i32
      %le3A_2750 = vector.broadcast %le3A_2749 : i32 to vector<16xi32>
      %le3A_2751 = arith.cmpi sle, %sub3A_2702, %le3A_2750 : vector<16xi32>
      %and3A_2752 = arith.andi %ge3A_2748, %le3A_2751 : vector<16xi1>
      %jit3A_2753 = arith.constant 1.000000e+00 : f32
      %jit3A_2754 = arith.constant 0.000000e+00 : f32
      %broadcast_in_dim3A_2755 = vector.broadcast %jit3A_2753 : f32 to vector<16xf32>
      %broadcast_in_dim3A_2756 = vector.broadcast %jit3A_2754 : f32 to vector<16xf32>
      %select_n3A_2757 = arith.select %and3A_2752, %broadcast_in_dim3A_2755, %broadcast_in_dim3A_2756 : vector<16xi1>, vector<16xf32>
      %ge3A_2758 = arith.constant 0 : i32
      %ge3A_2759 = vector.broadcast %ge3A_2758 : i32 to vector<16xi32>
      %ge3A_2760 = arith.cmpi sge, %add3A_2742, %ge3A_2759 : vector<16xi32>
      %le3A_2761 = arith.constant 255 : i32
      %le3A_2762 = vector.broadcast %le3A_2761 : i32 to vector<16xi32>
      %le3A_2763 = arith.cmpi sle, %add3A_2742, %le3A_2762 : vector<16xi32>
      %and3A_2764 = arith.andi %ge3A_2760, %le3A_2763 : vector<16xi1>
      %jit3A_2765 = arith.constant 1.000000e+00 : f32
      %jit3A_2766 = arith.constant 0.000000e+00 : f32
      %broadcast_in_dim3A_2767 = vector.broadcast %jit3A_2765 : f32 to vector<16xf32>
      %broadcast_in_dim3A_2768 = vector.broadcast %jit3A_2766 : f32 to vector<16xf32>
      %select_n3A_2769 = arith.select %and3A_2764, %broadcast_in_dim3A_2767, %broadcast_in_dim3A_2768 : vector<16xi1>, vector<16xf32>
      %ge3A_2770 = arith.constant 0 : i32
      %ge3A_2771 = vector.broadcast %ge3A_2770 : i32 to vector<16xi32>
      %ge3A_2772 = arith.cmpi sge, %sub3A_2709, %ge3A_2771 : vector<16xi32>
      %le3A_2773 = arith.constant 16383 : i32
      %le3A_2774 = vector.broadcast %le3A_2773 : i32 to vector<16xi32>
      %le3A_2775 = arith.cmpi sle, %sub3A_2709, %le3A_2774 : vector<16xi32>
      %and3A_2776 = arith.andi %ge3A_2772, %le3A_2775 : vector<16xi1>
      %jit3A_2777 = arith.constant 0.000000e+00 : f32
      %broadcast_in_dim3A_2778 = vector.broadcast %jit3A_2777 : f32 to vector<16xf32>
      %select_n3A_2779 = arith.select %and3A_2776, %select_n3A_2739, %broadcast_in_dim3A_2778 : vector<16xi1>, vector<16xf32>
      %ge3A_2780 = arith.constant 0 : i32
      %ge3A_2781 = vector.broadcast %ge3A_2780 : i32 to vector<16xi32>
      %ge3A_2782 = arith.cmpi sge, %add3A_2745, %ge3A_2781 : vector<16xi32>
      %le3A_2783 = arith.constant 16383 : i32
      %le3A_2784 = vector.broadcast %le3A_2783 : i32 to vector<16xi32>
      %le3A_2785 = arith.cmpi sle, %add3A_2745, %le3A_2784 : vector<16xi32>
      %and3A_2786 = arith.andi %ge3A_2782, %le3A_2785 : vector<16xi1>
      %jit3A_2787 = arith.constant 0.000000e+00 : f32
      %broadcast_in_dim3A_2788 = vector.broadcast %jit3A_2787 : f32 to vector<16xf32>
      %select_n3A_2789 = arith.select %and3A_2786, %select_n3A_2739, %broadcast_in_dim3A_2788 : vector<16xi1>, vector<16xf32>
      %mul3A_2790 = arith.mulf %sub3A_2714, %select_n3A_2757 : vector<16xf32>
      %mul3A_2791 = arith.mulf %sub3A_2711, %select_n3A_2769 : vector<16xf32>
      %mul3A_2792 = arith.mulf %sub3A_2719, %select_n3A_2779 : vector<16xf32>
      %mul3A_2793 = arith.mulf %sub3A_2716, %select_n3A_2789 : vector<16xf32>
      %max3A_2794 = arith.constant 0 : i32
      %max3A_2795 = vector.broadcast %max3A_2794 : i32 to vector<16xi32>
      %max3A_2796 = arith.maxsi %sub3A_2702, %max3A_2795 : vector<16xi32>
      %min3A_2797 = arith.constant 255 : i32
      %min3A_2798 = vector.broadcast %min3A_2797 : i32 to vector<16xi32>
      %min3A_2799 = arith.minsi %max3A_2796, %min3A_2798 : vector<16xi32>
      %max3A_2800 = arith.constant 0 : i32
      %max3A_2801 = vector.broadcast %max3A_2800 : i32 to vector<16xi32>
      %max3A_2802 = arith.maxsi %add3A_2742, %max3A_2801 : vector<16xi32>
      %min3A_2803 = arith.constant 255 : i32
      %min3A_2804 = vector.broadcast %min3A_2803 : i32 to vector<16xi32>
      %min3A_2805 = arith.minsi %max3A_2802, %min3A_2804 : vector<16xi32>
      %max3A_2806 = arith.constant 0 : i32
      %max3A_2807 = vector.broadcast %max3A_2806 : i32 to vector<16xi32>
      %max3A_2808 = arith.maxsi %sub3A_2709, %max3A_2807 : vector<16xi32>
      %min3A_2809 = arith.constant 16383 : i32
      %min3A_2810 = vector.broadcast %min3A_2809 : i32 to vector<16xi32>
      %min3A_2811 = arith.minsi %max3A_2808, %min3A_2810 : vector<16xi32>
      %mul3A_2812 = arith.constant 256 : i32
      %mul3A_2813 = vector.broadcast %mul3A_2812 : i32 to vector<16xi32>
      %mul3A_2814 = arith.muli %min3A_2811, %mul3A_2813 : vector<16xi32>
      %max3A_2815 = arith.constant 0 : i32
      %max3A_2816 = vector.broadcast %max3A_2815 : i32 to vector<16xi32>
      %max3A_2817 = arith.maxsi %add3A_2745, %max3A_2816 : vector<16xi32>
      %min3A_2818 = arith.constant 16383 : i32
      %min3A_2819 = vector.broadcast %min3A_2818 : i32 to vector<16xi32>
      %min3A_2820 = arith.minsi %max3A_2817, %min3A_2819 : vector<16xi32>
      %mul3A_2821 = arith.constant 256 : i32
      %mul3A_2822 = vector.broadcast %mul3A_2821 : i32 to vector<16xi32>
      %mul3A_2823 = arith.muli %min3A_2820, %mul3A_2822 : vector<16xi32>
      %add3A_2824 = arith.addi %mul3A_2814, %min3A_2799 : vector<16xi32>
      %swap3A_2825 = arith.constant 32 : index
      %swap3A_2826 = tpu.vector_load %arg22[%swap3A_2825] {strides = array<i32>} : memref<128xi32, #tpu.memory_space<vmem>>, vector<16xi32>,
      %swap3A_2827 = vector.shape_cast %swap3A_2826 : vector<16xi32> to vector<16xi32>
      %swap3A_2828 = vector.shape_cast %add3A_2824 : vector<16xi32> to vector<16xi32>
      tpu.vector_store %arg22[%swap3A_2825], %swap3A_2828 {strides = array<i32>} : memref<128xi32, #tpu.memory_space<vmem>>, vector<16xi32>,
      %add3A_2829 = arith.addi %mul3A_2814, %min3A_2805 : vector<16xi32>
      %swap3A_2830 = arith.constant 32 : index
      %swap3A_2831 = tpu.vector_load %arg23[%swap3A_2830] {strides = array<i32>} : memref<128xi32, #tpu.memory_space<vmem>>, vector<16xi32>,
      %swap3A_2832 = vector.shape_cast %swap3A_2831 : vector<16xi32> to vector<16xi32>
      %swap3A_2833 = vector.shape_cast %add3A_2829 : vector<16xi32> to vector<16xi32>
      tpu.vector_store %arg23[%swap3A_2830], %swap3A_2833 {strides = array<i32>} : memref<128xi32, #tpu.memory_space<vmem>>, vector<16xi32>,
      %add3A_2834 = arith.addi %mul3A_2823, %min3A_2799 : vector<16xi32>
      %swap3A_2835 = arith.constant 32 : index
      %swap3A_2836 = tpu.vector_load %arg24[%swap3A_2835] {strides = array<i32>} : memref<128xi32, #tpu.memory_space<vmem>>, vector<16xi32>,
      %swap3A_2837 = vector.shape_cast %swap3A_2836 : vector<16xi32> to vector<16xi32>
      %swap3A_2838 = vector.shape_cast %add3A_2834 : vector<16xi32> to vector<16xi32>
      tpu.vector_store %arg24[%swap3A_2835], %swap3A_2838 {strides = array<i32>} : memref<128xi32, #tpu.memory_space<vmem>>, vector<16xi32>,
      %add3A_2839 = arith.addi %mul3A_2823, %min3A_2805 : vector<16xi32>
      %swap3A_2840 = arith.constant 32 : index
      %swap3A_2841 = tpu.vector_load %arg25[%swap3A_2840] {strides = array<i32>} : memref<128xi32, #tpu.memory_space<vmem>>, vector<16xi32>,
      %swap3A_2842 = vector.shape_cast %swap3A_2841 : vector<16xi32> to vector<16xi32>
      %swap3A_2843 = vector.shape_cast %add3A_2839 : vector<16xi32> to vector<16xi32>
      tpu.vector_store %arg25[%swap3A_2840], %swap3A_2843 {strides = array<i32>} : memref<128xi32, #tpu.memory_space<vmem>>, vector<16xi32>,
      %mul3A_2844 = arith.mulf %mul3A_2790, %mul3A_2792 : vector<16xf32>
      %swap3A_2845 = arith.constant 32 : index
      %swap3A_2846 = tpu.vector_load %arg26[%swap3A_2845] {strides = array<i32>} : memref<144xf32, #tpu.memory_space<vmem>>, vector<16xf32>,
      %swap3A_2847 = vector.shape_cast %swap3A_2846 : vector<16xf32> to vector<16xf32>
      %swap3A_2848 = vector.shape_cast %mul3A_2844 : vector<16xf32> to vector<16xf32>
      tpu.vector_store %arg26[%swap3A_2845], %swap3A_2848 {strides = array<i32>} : memref<144xf32, #tpu.memory_space<vmem>>, vector<16xf32>,
      %mul3A_2849 = arith.mulf %mul3A_2791, %mul3A_2792 : vector<16xf32>
      %swap3A_2850 = arith.constant 32 : index
      %swap3A_2851 = tpu.vector_load %arg27[%swap3A_2850] {strides = array<i32>} : memref<144xf32, #tpu.memory_space<vmem>>, vector<16xf32>,
      %swap3A_2852 = vector.shape_cast %swap3A_2851 : vector<16xf32> to vector<16xf32>
      %swap3A_2853 = vector.shape_cast %mul3A_2849 : vector<16xf32> to vector<16xf32>
      tpu.vector_store %arg27[%swap3A_2850], %swap3A_2853 {strides = array<i32>} : memref<144xf32, #tpu.memory_space<vmem>>, vector<16xf32>,
      %mul3A_2854 = arith.mulf %mul3A_2790, %mul3A_2793 : vector<16xf32>
      %swap3A_2855 = arith.constant 32 : index
      %swap3A_2856 = tpu.vector_load %arg28[%swap3A_2855] {strides = array<i32>} : memref<144xf32, #tpu.memory_space<vmem>>, vector<16xf32>,
      %swap3A_2857 = vector.shape_cast %swap3A_2856 : vector<16xf32> to vector<16xf32>
      %swap3A_2858 = vector.shape_cast %mul3A_2854 : vector<16xf32> to vector<16xf32>
      tpu.vector_store %arg28[%swap3A_2855], %swap3A_2858 {strides = array<i32>} : memref<144xf32, #tpu.memory_space<vmem>>, vector<16xf32>,
      %mul3A_2859 = arith.mulf %mul3A_2791, %mul3A_2793 : vector<16xf32>
      %swap3A_2860 = arith.constant 32 : index
      %swap3A_2861 = tpu.vector_load %arg29[%swap3A_2860] {strides = array<i32>} : memref<144xf32, #tpu.memory_space<vmem>>, vector<16xf32>,
      %swap3A_2862 = vector.shape_cast %swap3A_2861 : vector<16xf32> to vector<16xf32>
      %swap3A_2863 = vector.shape_cast %mul3A_2859 : vector<16xf32> to vector<16xf32>
      tpu.vector_store %arg29[%swap3A_2860], %swap3A_2863 {strides = array<i32>} : memref<144xf32, #tpu.memory_space<vmem>>, vector<16xf32>,
      %get3A_2864 = arith.constant 48 : index
      %get3A_2865 = tpu.vector_load %arg7[%get3A_2864] {strides = array<i32>} : memref<128xf32, #tpu.memory_space<vmem>>, vector<16xf32>,
      %get3A_2866 = vector.shape_cast %get3A_2865 : vector<16xf32> to vector<16xf32>
      %get3A_2867 = arith.constant 48 : index
      %get3A_2868 = tpu.vector_load %arg8[%get3A_2867] {strides = array<i32>} : memref<128xf32, #tpu.memory_space<vmem>>, vector<16xf32>,
      %get3A_2869 = vector.shape_cast %get3A_2868 : vector<16xf32> to vector<16xf32>
      %get3A_2870 = arith.constant 48 : index
      %get3A_2871 = tpu.vector_load %arg9[%get3A_2870] {strides = array<i32>} : memref<128xf32, #tpu.memory_space<vmem>>, vector<16xf32>,
      %get3A_2872 = vector.shape_cast %get3A_2871 : vector<16xf32> to vector<16xf32>
      %max3A_2873 = arith.constant 0.000000e+00 : f32
      %max3A_2874 = vector.broadcast %max3A_2873 : f32 to vector<16xf32>
      %max3A_2875 = arith.maximumf %get3A_2866, %max3A_2874 : vector<16xf32>
      %min3A_2876 = arith.constant 1.000000e+00 : f32
      %min3A_2877 = vector.broadcast %min3A_2876 : f32 to vector<16xf32>
      %min3A_2878 = arith.minimumf %max3A_2875, %min3A_2877 : vector<16xf32>
      %max3A_2879 = arith.constant 0.000000e+00 : f32
      %max3A_2880 = vector.broadcast %max3A_2879 : f32 to vector<16xf32>
      %max3A_2881 = arith.maximumf %get3A_2869, %max3A_2880 : vector<16xf32>
      %min3A_2882 = arith.constant 1.000000e+00 : f32
      %min3A_2883 = vector.broadcast %min3A_2882 : f32 to vector<16xf32>
      %min3A_2884 = arith.minimumf %max3A_2881, %min3A_2883 : vector<16xf32>
      %max3A_2885 = arith.constant 0.000000e+00 : f32
      %max3A_2886 = vector.broadcast %max3A_2885 : f32 to vector<16xf32>
      %max3A_2887 = arith.maximumf %get3A_2872, %max3A_2886 : vector<16xf32>
      %min3A_2888 = arith.constant 1.000000e+00 : f32
      %min3A_2889 = vector.broadcast %min3A_2888 : f32 to vector<16xf32>
      %min3A_2890 = arith.minimumf %max3A_2887, %min3A_2889 : vector<16xf32>
      %mul3A_2891 = arith.constant 4.000000e+00 : f32
      %mul3A_2892 = vector.broadcast %mul3A_2891 : f32 to vector<16xf32>
      %mul3A_2893 = arith.mulf %min3A_2878, %mul3A_2892 : vector<16xf32>
      %convert_element_type3A_2894 = arith.fptosi %mul3A_2893 : vector<16xf32> to vector<16xi32>
      %min3A_2895 = arith.constant 3 : i32
      %min3A_2896 = vector.broadcast %min3A_2895 : i32 to vector<16xi32>
      %min3A_2897 = arith.minsi %convert_element_type3A_2894, %min3A_2896 : vector<16xi32>
      %mul3A_2898 = arith.constant 4.000000e+00 : f32
      %mul3A_2899 = vector.broadcast %mul3A_2898 : f32 to vector<16xf32>
      %mul3A_2900 = arith.mulf %min3A_2884, %mul3A_2899 : vector<16xf32>
      %convert_element_type3A_2901 = arith.fptosi %mul3A_2900 : vector<16xf32> to vector<16xi32>
      %min3A_2902 = arith.constant 3 : i32
      %min3A_2903 = vector.broadcast %min3A_2902 : i32 to vector<16xi32>
      %min3A_2904 = arith.minsi %convert_element_type3A_2901, %min3A_2903 : vector<16xi32>
      %mul3A_2905 = arith.constant 4.000000e+00 : f32
      %mul3A_2906 = vector.broadcast %mul3A_2905 : f32 to vector<16xf32>
      %mul3A_2907 = arith.mulf %min3A_2890, %mul3A_2906 : vector<16xf32>
      %convert_element_type3A_2908 = arith.fptosi %mul3A_2907 : vector<16xf32> to vector<16xi32>
      %min3A_2909 = arith.constant 3 : i32
      %min3A_2910 = vector.broadcast %min3A_2909 : i32 to vector<16xi32>
      %min3A_2911 = arith.minsi %convert_element_type3A_2908, %min3A_2910 : vector<16xi32>
      %mul3A_2912 = arith.constant 16 : i32
      %mul3A_2913 = vector.broadcast %mul3A_2912 : i32 to vector<16xi32>
      %mul3A_2914 = arith.muli %min3A_2911, %mul3A_2913 : vector<16xi32>
      %mul3A_2915 = arith.constant 4 : i32
      %mul3A_2916 = vector.broadcast %mul3A_2915 : i32 to vector<16xi32>
      %mul3A_2917 = arith.muli %min3A_2904, %mul3A_2916 : vector<16xi32>
      %add3A_2918 = arith.addi %mul3A_2914, %mul3A_2917 : vector<16xi32>
      %add3A_2919 = arith.addi %add3A_2918, %min3A_2897 : vector<16xi32>
      %mul3A_2920 = arith.constant 1.024000e+03 : f32
      %mul3A_2921 = vector.broadcast %mul3A_2920 : f32 to vector<16xf32>
      %mul3A_2922 = arith.mulf %get3A_2866, %mul3A_2921 : vector<16xf32>
      %mul3A_2923 = arith.constant 1.024000e+03 : f32
      %mul3A_2924 = vector.broadcast %mul3A_2923 : f32 to vector<16xf32>
      %mul3A_2925 = arith.mulf %get3A_2869, %mul3A_2924 : vector<16xf32>
      %mul3A_2926 = arith.constant 3.906250e-03 : f32
      %mul3A_2927 = vector.broadcast %mul3A_2926 : f32 to vector<16xf32>
      %mul3A_2928 = arith.mulf %mul3A_2922, %mul3A_2927 : vector<16xf32>
      %convert_element_type3A_2929 = arith.fptosi %mul3A_2928 : vector<16xf32> to vector<16xi32>
      %convert_element_type3A_2930 = arith.sitofp %convert_element_type3A_2929 : vector<16xi32> to vector<16xf32>
      %mul3A_2931 = arith.constant 2.560000e+02 : f32
      %mul3A_2932 = vector.broadcast %mul3A_2931 : f32 to vector<16xf32>
      %mul3A_2933 = arith.mulf %convert_element_type3A_2930, %mul3A_2932 : vector<16xf32>
      %sub3A_2934 = arith.subf %mul3A_2922, %mul3A_2933 : vector<16xf32>
      %mul3A_2935 = arith.constant 3.906250e-03 : f32
      %mul3A_2936 = vector.broadcast %mul3A_2935 : f32 to vector<16xf32>
      %mul3A_2937 = arith.mulf %mul3A_2925, %mul3A_2936 : vector<16xf32>
      %convert_element_type3A_2938 = arith.fptosi %mul3A_2937 : vector<16xf32> to vector<16xi32>
      %convert_element_type3A_2939 = arith.sitofp %convert_element_type3A_2938 : vector<16xi32> to vector<16xf32>
      %mul3A_2940 = arith.constant 2.560000e+02 : f32
      %mul3A_2941 = vector.broadcast %mul3A_2940 : f32 to vector<16xf32>
      %mul3A_2942 = arith.mulf %convert_element_type3A_2939, %mul3A_2941 : vector<16xf32>
      %sub3A_2943 = arith.subf %mul3A_2925, %mul3A_2942 : vector<16xf32>
      %sub3A_2944 = arith.constant 5.000000e-01 : f32
      %sub3A_2945 = vector.broadcast %sub3A_2944 : f32 to vector<16xf32>
      %sub3A_2946 = arith.subf %sub3A_2934, %sub3A_2945 : vector<16xf32>
      %convert_element_type3A_2947 = arith.sitofp %add3A_2919 : vector<16xi32> to vector<16xf32>
      %mul3A_2948 = arith.constant 2.560000e+02 : f32
      %mul3A_2949 = vector.broadcast %mul3A_2948 : f32 to vector<16xf32>
      %mul3A_2950 = arith.mulf %convert_element_type3A_2947, %mul3A_2949 : vector<16xf32>
      %add3A_2951 = arith.addf %sub3A_2943, %mul3A_2950 : vector<16xf32>
      %sub3A_2952 = arith.constant 5.000000e-01 : f32
      %sub3A_2953 = vector.broadcast %sub3A_2952 : f32 to vector<16xf32>
      %sub3A_2954 = arith.subf %add3A_2951, %sub3A_2953 : vector<16xf32>
      %add3A_2955 = arith.constant 1.000000e+00 : f32
      %add3A_2956 = vector.broadcast %add3A_2955 : f32 to vector<16xf32>
      %add3A_2957 = arith.addf %sub3A_2946, %add3A_2956 : vector<16xf32>
      %convert_element_type3A_2958 = arith.fptosi %add3A_2957 : vector<16xf32> to vector<16xi32>
      %sub3A_2959 = arith.constant 1 : i32
      %sub3A_2960 = vector.broadcast %sub3A_2959 : i32 to vector<16xi32>
      %sub3A_2961 = arith.subi %convert_element_type3A_2958, %sub3A_2960 : vector<16xi32>
      %add3A_2962 = arith.constant 1.000000e+00 : f32
      %add3A_2963 = vector.broadcast %add3A_2962 : f32 to vector<16xf32>
      %add3A_2964 = arith.addf %sub3A_2954, %add3A_2963 : vector<16xf32>
      %convert_element_type3A_2965 = arith.fptosi %add3A_2964 : vector<16xf32> to vector<16xi32>
      %sub3A_2966 = arith.constant 1 : i32
      %sub3A_2967 = vector.broadcast %sub3A_2966 : i32 to vector<16xi32>
      %sub3A_2968 = arith.subi %convert_element_type3A_2965, %sub3A_2967 : vector<16xi32>
      %convert_element_type3A_2969 = arith.sitofp %sub3A_2961 : vector<16xi32> to vector<16xf32>
      %sub3A_2970 = arith.subf %sub3A_2946, %convert_element_type3A_2969 : vector<16xf32>
      %sub3A_2971 = arith.constant 1.000000e+00 : f32
      %sub3A_2972 = vector.broadcast %sub3A_2971 : f32 to vector<16xf32>
      %sub3A_2973 = arith.subf %sub3A_2972, %sub3A_2970 : vector<16xf32>
      %convert_element_type3A_2974 = arith.sitofp %sub3A_2968 : vector<16xi32> to vector<16xf32>
      %sub3A_2975 = arith.subf %sub3A_2954, %convert_element_type3A_2974 : vector<16xf32>
      %sub3A_2976 = arith.constant 1.000000e+00 : f32
      %sub3A_2977 = vector.broadcast %sub3A_2976 : f32 to vector<16xf32>
      %sub3A_2978 = arith.subf %sub3A_2977, %sub3A_2975 : vector<16xf32>
      %ge3A_2979 = arith.constant 0.000000e+00 : f32
      %ge3A_2980 = vector.broadcast %ge3A_2979 : f32 to vector<16xf32>
      %ge3A_2981 = arith.cmpf oge, %get3A_2866, %ge3A_2980 : vector<16xf32>
      %le3A_2982 = arith.constant 1.000000e+00 : f32
      %le3A_2983 = vector.broadcast %le3A_2982 : f32 to vector<16xf32>
      %le3A_2984 = arith.cmpf ole, %get3A_2866, %le3A_2983 : vector<16xf32>
      %and3A_2985 = arith.andi %ge3A_2981, %le3A_2984 : vector<16xi1>
      %ge3A_2986 = arith.constant 0.000000e+00 : f32
      %ge3A_2987 = vector.broadcast %ge3A_2986 : f32 to vector<16xf32>
      %ge3A_2988 = arith.cmpf oge, %get3A_2869, %ge3A_2987 : vector<16xf32>
      %and3A_2989 = arith.andi %and3A_2985, %ge3A_2988 : vector<16xi1>
      %le3A_2990 = arith.constant 1.000000e+00 : f32
      %le3A_2991 = vector.broadcast %le3A_2990 : f32 to vector<16xf32>
      %le3A_2992 = arith.cmpf ole, %get3A_2869, %le3A_2991 : vector<16xf32>
      %and3A_2993 = arith.andi %and3A_2989, %le3A_2992 : vector<16xi1>
      %jit3A_2994 = arith.constant 1.000000e+00 : f32
      %jit3A_2995 = arith.constant 0.000000e+00 : f32
      %broadcast_in_dim3A_2996 = vector.broadcast %jit3A_2994 : f32 to vector<16xf32>
      %broadcast_in_dim3A_2997 = vector.broadcast %jit3A_2995 : f32 to vector<16xf32>
      %select_n3A_2998 = arith.select %and3A_2993, %broadcast_in_dim3A_2996, %broadcast_in_dim3A_2997 : vector<16xi1>, vector<16xf32>
      %add3A_2999 = arith.constant 1 : i32
      %add3A_3000 = vector.broadcast %add3A_2999 : i32 to vector<16xi32>
      %add3A_3001 = arith.addi %sub3A_2961, %add3A_3000 : vector<16xi32>
      %add3A_3002 = arith.constant 1 : i32
      %add3A_3003 = vector.broadcast %add3A_3002 : i32 to vector<16xi32>
      %add3A_3004 = arith.addi %sub3A_2968, %add3A_3003 : vector<16xi32>
      %ge3A_3005 = arith.constant 0 : i32
      %ge3A_3006 = vector.broadcast %ge3A_3005 : i32 to vector<16xi32>
      %ge3A_3007 = arith.cmpi sge, %sub3A_2961, %ge3A_3006 : vector<16xi32>
      %le3A_3008 = arith.constant 255 : i32
      %le3A_3009 = vector.broadcast %le3A_3008 : i32 to vector<16xi32>
      %le3A_3010 = arith.cmpi sle, %sub3A_2961, %le3A_3009 : vector<16xi32>
      %and3A_3011 = arith.andi %ge3A_3007, %le3A_3010 : vector<16xi1>
      %jit3A_3012 = arith.constant 1.000000e+00 : f32
      %jit3A_3013 = arith.constant 0.000000e+00 : f32
      %broadcast_in_dim3A_3014 = vector.broadcast %jit3A_3012 : f32 to vector<16xf32>
      %broadcast_in_dim3A_3015 = vector.broadcast %jit3A_3013 : f32 to vector<16xf32>
      %select_n3A_3016 = arith.select %and3A_3011, %broadcast_in_dim3A_3014, %broadcast_in_dim3A_3015 : vector<16xi1>, vector<16xf32>
      %ge3A_3017 = arith.constant 0 : i32
      %ge3A_3018 = vector.broadcast %ge3A_3017 : i32 to vector<16xi32>
      %ge3A_3019 = arith.cmpi sge, %add3A_3001, %ge3A_3018 : vector<16xi32>
      %le3A_3020 = arith.constant 255 : i32
      %le3A_3021 = vector.broadcast %le3A_3020 : i32 to vector<16xi32>
      %le3A_3022 = arith.cmpi sle, %add3A_3001, %le3A_3021 : vector<16xi32>
      %and3A_3023 = arith.andi %ge3A_3019, %le3A_3022 : vector<16xi1>
      %jit3A_3024 = arith.constant 1.000000e+00 : f32
      %jit3A_3025 = arith.constant 0.000000e+00 : f32
      %broadcast_in_dim3A_3026 = vector.broadcast %jit3A_3024 : f32 to vector<16xf32>
      %broadcast_in_dim3A_3027 = vector.broadcast %jit3A_3025 : f32 to vector<16xf32>
      %select_n3A_3028 = arith.select %and3A_3023, %broadcast_in_dim3A_3026, %broadcast_in_dim3A_3027 : vector<16xi1>, vector<16xf32>
      %ge3A_3029 = arith.constant 0 : i32
      %ge3A_3030 = vector.broadcast %ge3A_3029 : i32 to vector<16xi32>
      %ge3A_3031 = arith.cmpi sge, %sub3A_2968, %ge3A_3030 : vector<16xi32>
      %le3A_3032 = arith.constant 16383 : i32
      %le3A_3033 = vector.broadcast %le3A_3032 : i32 to vector<16xi32>
      %le3A_3034 = arith.cmpi sle, %sub3A_2968, %le3A_3033 : vector<16xi32>
      %and3A_3035 = arith.andi %ge3A_3031, %le3A_3034 : vector<16xi1>
      %jit3A_3036 = arith.constant 0.000000e+00 : f32
      %broadcast_in_dim3A_3037 = vector.broadcast %jit3A_3036 : f32 to vector<16xf32>
      %select_n3A_3038 = arith.select %and3A_3035, %select_n3A_2998, %broadcast_in_dim3A_3037 : vector<16xi1>, vector<16xf32>
      %ge3A_3039 = arith.constant 0 : i32
      %ge3A_3040 = vector.broadcast %ge3A_3039 : i32 to vector<16xi32>
      %ge3A_3041 = arith.cmpi sge, %add3A_3004, %ge3A_3040 : vector<16xi32>
      %le3A_3042 = arith.constant 16383 : i32
      %le3A_3043 = vector.broadcast %le3A_3042 : i32 to vector<16xi32>
      %le3A_3044 = arith.cmpi sle, %add3A_3004, %le3A_3043 : vector<16xi32>
      %and3A_3045 = arith.andi %ge3A_3041, %le3A_3044 : vector<16xi1>
      %jit3A_3046 = arith.constant 0.000000e+00 : f32
      %broadcast_in_dim3A_3047 = vector.broadcast %jit3A_3046 : f32 to vector<16xf32>
      %select_n3A_3048 = arith.select %and3A_3045, %select_n3A_2998, %broadcast_in_dim3A_3047 : vector<16xi1>, vector<16xf32>
      %mul3A_3049 = arith.mulf %sub3A_2973, %select_n3A_3016 : vector<16xf32>
      %mul3A_3050 = arith.mulf %sub3A_2970, %select_n3A_3028 : vector<16xf32>
      %mul3A_3051 = arith.mulf %sub3A_2978, %select_n3A_3038 : vector<16xf32>
      %mul3A_3052 = arith.mulf %sub3A_2975, %select_n3A_3048 : vector<16xf32>
      %max3A_3053 = arith.constant 0 : i32
      %max3A_3054 = vector.broadcast %max3A_3053 : i32 to vector<16xi32>
      %max3A_3055 = arith.maxsi %sub3A_2961, %max3A_3054 : vector<16xi32>
      %min3A_3056 = arith.constant 255 : i32
      %min3A_3057 = vector.broadcast %min3A_3056 : i32 to vector<16xi32>
      %min3A_3058 = arith.minsi %max3A_3055, %min3A_3057 : vector<16xi32>
      %max3A_3059 = arith.constant 0 : i32
      %max3A_3060 = vector.broadcast %max3A_3059 : i32 to vector<16xi32>
      %max3A_3061 = arith.maxsi %add3A_3001, %max3A_3060 : vector<16xi32>
      %min3A_3062 = arith.constant 255 : i32
      %min3A_3063 = vector.broadcast %min3A_3062 : i32 to vector<16xi32>
      %min3A_3064 = arith.minsi %max3A_3061, %min3A_3063 : vector<16xi32>
      %max3A_3065 = arith.constant 0 : i32
      %max3A_3066 = vector.broadcast %max3A_3065 : i32 to vector<16xi32>
      %max3A_3067 = arith.maxsi %sub3A_2968, %max3A_3066 : vector<16xi32>
      %min3A_3068 = arith.constant 16383 : i32
      %min3A_3069 = vector.broadcast %min3A_3068 : i32 to vector<16xi32>
      %min3A_3070 = arith.minsi %max3A_3067, %min3A_3069 : vector<16xi32>
      %mul3A_3071 = arith.constant 256 : i32
      %mul3A_3072 = vector.broadcast %mul3A_3071 : i32 to vector<16xi32>
      %mul3A_3073 = arith.muli %min3A_3070, %mul3A_3072 : vector<16xi32>
      %max3A_3074 = arith.constant 0 : i32
      %max3A_3075 = vector.broadcast %max3A_3074 : i32 to vector<16xi32>
      %max3A_3076 = arith.maxsi %add3A_3004, %max3A_3075 : vector<16xi32>
      %min3A_3077 = arith.constant 16383 : i32
      %min3A_3078 = vector.broadcast %min3A_3077 : i32 to vector<16xi32>
      %min3A_3079 = arith.minsi %max3A_3076, %min3A_3078 : vector<16xi32>
      %mul3A_3080 = arith.constant 256 : i32
      %mul3A_3081 = vector.broadcast %mul3A_3080 : i32 to vector<16xi32>
      %mul3A_3082 = arith.muli %min3A_3079, %mul3A_3081 : vector<16xi32>
      %add3A_3083 = arith.addi %mul3A_3073, %min3A_3058 : vector<16xi32>
      %swap3A_3084 = arith.constant 48 : index
      %swap3A_3085 = tpu.vector_load %arg22[%swap3A_3084] {strides = array<i32>} : memref<128xi32, #tpu.memory_space<vmem>>, vector<16xi32>,
      %swap3A_3086 = vector.shape_cast %swap3A_3085 : vector<16xi32> to vector<16xi32>
      %swap3A_3087 = vector.shape_cast %add3A_3083 : vector<16xi32> to vector<16xi32>
      tpu.vector_store %arg22[%swap3A_3084], %swap3A_3087 {strides = array<i32>} : memref<128xi32, #tpu.memory_space<vmem>>, vector<16xi32>,
      %add3A_3088 = arith.addi %mul3A_3073, %min3A_3064 : vector<16xi32>
      %swap3A_3089 = arith.constant 48 : index
      %swap3A_3090 = tpu.vector_load %arg23[%swap3A_3089] {strides = array<i32>} : memref<128xi32, #tpu.memory_space<vmem>>, vector<16xi32>,
      %swap3A_3091 = vector.shape_cast %swap3A_3090 : vector<16xi32> to vector<16xi32>
      %swap3A_3092 = vector.shape_cast %add3A_3088 : vector<16xi32> to vector<16xi32>
      tpu.vector_store %arg23[%swap3A_3089], %swap3A_3092 {strides = array<i32>} : memref<128xi32, #tpu.memory_space<vmem>>, vector<16xi32>,
      %add3A_3093 = arith.addi %mul3A_3082, %min3A_3058 : vector<16xi32>
      %swap3A_3094 = arith.constant 48 : index
      %swap3A_3095 = tpu.vector_load %arg24[%swap3A_3094] {strides = array<i32>} : memref<128xi32, #tpu.memory_space<vmem>>, vector<16xi32>,
      %swap3A_3096 = vector.shape_cast %swap3A_3095 : vector<16xi32> to vector<16xi32>
      %swap3A_3097 = vector.shape_cast %add3A_3093 : vector<16xi32> to vector<16xi32>
      tpu.vector_store %arg24[%swap3A_3094], %swap3A_3097 {strides = array<i32>} : memref<128xi32, #tpu.memory_space<vmem>>, vector<16xi32>,
      %add3A_3098 = arith.addi %mul3A_3082, %min3A_3064 : vector<16xi32>
      %swap3A_3099 = arith.constant 48 : index
      %swap3A_3100 = tpu.vector_load %arg25[%swap3A_3099] {strides = array<i32>} : memref<128xi32, #tpu.memory_space<vmem>>, vector<16xi32>,
      %swap3A_3101 = vector.shape_cast %swap3A_3100 : vector<16xi32> to vector<16xi32>
      %swap3A_3102 = vector.shape_cast %add3A_3098 : vector<16xi32> to vector<16xi32>
      tpu.vector_store %arg25[%swap3A_3099], %swap3A_3102 {strides = array<i32>} : memref<128xi32, #tpu.memory_space<vmem>>, vector<16xi32>,
      %mul3A_3103 = arith.mulf %mul3A_3049, %mul3A_3051 : vector<16xf32>
      %swap3A_3104 = arith.constant 48 : index
      %swap3A_3105 = tpu.vector_load %arg26[%swap3A_3104] {strides = array<i32>} : memref<144xf32, #tpu.memory_space<vmem>>, vector<16xf32>,
      %swap3A_3106 = vector.shape_cast %swap3A_3105 : vector<16xf32> to vector<16xf32>
      %swap3A_3107 = vector.shape_cast %mul3A_3103 : vector<16xf32> to vector<16xf32>
      tpu.vector_store %arg26[%swap3A_3104], %swap3A_3107 {strides = array<i32>} : memref<144xf32, #tpu.memory_space<vmem>>, vector<16xf32>,
      %mul3A_3108 = arith.mulf %mul3A_3050, %mul3A_3051 : vector<16xf32>
      %swap3A_3109 = arith.constant 48 : index
      %swap3A_3110 = tpu.vector_load %arg27[%swap3A_3109] {strides = array<i32>} : memref<144xf32, #tpu.memory_space<vmem>>, vector<16xf32>,
      %swap3A_3111 = vector.shape_cast %swap3A_3110 : vector<16xf32> to vector<16xf32>
      %swap3A_3112 = vector.shape_cast %mul3A_3108 : vector<16xf32> to vector<16xf32>
      tpu.vector_store %arg27[%swap3A_3109], %swap3A_3112 {strides = array<i32>} : memref<144xf32, #tpu.memory_space<vmem>>, vector<16xf32>,
      %mul3A_3113 = arith.mulf %mul3A_3049, %mul3A_3052 : vector<16xf32>
      %swap3A_3114 = arith.constant 48 : index
      %swap3A_3115 = tpu.vector_load %arg28[%swap3A_3114] {strides = array<i32>} : memref<144xf32, #tpu.memory_space<vmem>>, vector<16xf32>,
      %swap3A_3116 = vector.shape_cast %swap3A_3115 : vector<16xf32> to vector<16xf32>
      %swap3A_3117 = vector.shape_cast %mul3A_3113 : vector<16xf32> to vector<16xf32>
      tpu.vector_store %arg28[%swap3A_3114], %swap3A_3117 {strides = array<i32>} : memref<144xf32, #tpu.memory_space<vmem>>, vector<16xf32>,
      %mul3A_3118 = arith.mulf %mul3A_3050, %mul3A_3052 : vector<16xf32>
      %swap3A_3119 = arith.constant 48 : index
      %swap3A_3120 = tpu.vector_load %arg29[%swap3A_3119] {strides = array<i32>} : memref<144xf32, #tpu.memory_space<vmem>>, vector<16xf32>,
      %swap3A_3121 = vector.shape_cast %swap3A_3120 : vector<16xf32> to vector<16xf32>
      %swap3A_3122 = vector.shape_cast %mul3A_3118 : vector<16xf32> to vector<16xf32>
      tpu.vector_store %arg29[%swap3A_3119], %swap3A_3122 {strides = array<i32>} : memref<144xf32, #tpu.memory_space<vmem>>, vector<16xf32>,
      %get3A_3123 = arith.constant 64 : index
      %get3A_3124 = tpu.vector_load %arg7[%get3A_3123] {strides = array<i32>} : memref<128xf32, #tpu.memory_space<vmem>>, vector<16xf32>,
      %get3A_3125 = vector.shape_cast %get3A_3124 : vector<16xf32> to vector<16xf32>
      %get3A_3126 = arith.constant 64 : index
      %get3A_3127 = tpu.vector_load %arg8[%get3A_3126] {strides = array<i32>} : memref<128xf32, #tpu.memory_space<vmem>>, vector<16xf32>,
      %get3A_3128 = vector.shape_cast %get3A_3127 : vector<16xf32> to vector<16xf32>
      %get3A_3129 = arith.constant 64 : index
      %get3A_3130 = tpu.vector_load %arg9[%get3A_3129] {strides = array<i32>} : memref<128xf32, #tpu.memory_space<vmem>>, vector<16xf32>,
      %get3A_3131 = vector.shape_cast %get3A_3130 : vector<16xf32> to vector<16xf32>
      %max3A_3132 = arith.constant 0.000000e+00 : f32
      %max3A_3133 = vector.broadcast %max3A_3132 : f32 to vector<16xf32>
      %max3A_3134 = arith.maximumf %get3A_3125, %max3A_3133 : vector<16xf32>
      %min3A_3135 = arith.constant 1.000000e+00 : f32
      %min3A_3136 = vector.broadcast %min3A_3135 : f32 to vector<16xf32>
      %min3A_3137 = arith.minimumf %max3A_3134, %min3A_3136 : vector<16xf32>
      %max3A_3138 = arith.constant 0.000000e+00 : f32
      %max3A_3139 = vector.broadcast %max3A_3138 : f32 to vector<16xf32>
      %max3A_3140 = arith.maximumf %get3A_3128, %max3A_3139 : vector<16xf32>
      %min3A_3141 = arith.constant 1.000000e+00 : f32
      %min3A_3142 = vector.broadcast %min3A_3141 : f32 to vector<16xf32>
      %min3A_3143 = arith.minimumf %max3A_3140, %min3A_3142 : vector<16xf32>
      %max3A_3144 = arith.constant 0.000000e+00 : f32
      %max3A_3145 = vector.broadcast %max3A_3144 : f32 to vector<16xf32>
      %max3A_3146 = arith.maximumf %get3A_3131, %max3A_3145 : vector<16xf32>
      %min3A_3147 = arith.constant 1.000000e+00 : f32
      %min3A_3148 = vector.broadcast %min3A_3147 : f32 to vector<16xf32>
      %min3A_3149 = arith.minimumf %max3A_3146, %min3A_3148 : vector<16xf32>
      %mul3A_3150 = arith.constant 4.000000e+00 : f32
      %mul3A_3151 = vector.broadcast %mul3A_3150 : f32 to vector<16xf32>
      %mul3A_3152 = arith.mulf %min3A_3137, %mul3A_3151 : vector<16xf32>
      %convert_element_type3A_3153 = arith.fptosi %mul3A_3152 : vector<16xf32> to vector<16xi32>
      %min3A_3154 = arith.constant 3 : i32
      %min3A_3155 = vector.broadcast %min3A_3154 : i32 to vector<16xi32>
      %min3A_3156 = arith.minsi %convert_element_type3A_3153, %min3A_3155 : vector<16xi32>
      %mul3A_3157 = arith.constant 4.000000e+00 : f32
      %mul3A_3158 = vector.broadcast %mul3A_3157 : f32 to vector<16xf32>
      %mul3A_3159 = arith.mulf %min3A_3143, %mul3A_3158 : vector<16xf32>
      %convert_element_type3A_3160 = arith.fptosi %mul3A_3159 : vector<16xf32> to vector<16xi32>
      %min3A_3161 = arith.constant 3 : i32
      %min3A_3162 = vector.broadcast %min3A_3161 : i32 to vector<16xi32>
      %min3A_3163 = arith.minsi %convert_element_type3A_3160, %min3A_3162 : vector<16xi32>
      %mul3A_3164 = arith.constant 4.000000e+00 : f32
      %mul3A_3165 = vector.broadcast %mul3A_3164 : f32 to vector<16xf32>
      %mul3A_3166 = arith.mulf %min3A_3149, %mul3A_3165 : vector<16xf32>
      %convert_element_type3A_3167 = arith.fptosi %mul3A_3166 : vector<16xf32> to vector<16xi32>
      %min3A_3168 = arith.constant 3 : i32
      %min3A_3169 = vector.broadcast %min3A_3168 : i32 to vector<16xi32>
      %min3A_3170 = arith.minsi %convert_element_type3A_3167, %min3A_3169 : vector<16xi32>
      %mul3A_3171 = arith.constant 16 : i32
      %mul3A_3172 = vector.broadcast %mul3A_3171 : i32 to vector<16xi32>
      %mul3A_3173 = arith.muli %min3A_3170, %mul3A_3172 : vector<16xi32>
      %mul3A_3174 = arith.constant 4 : i32
      %mul3A_3175 = vector.broadcast %mul3A_3174 : i32 to vector<16xi32>
      %mul3A_3176 = arith.muli %min3A_3163, %mul3A_3175 : vector<16xi32>
      %add3A_3177 = arith.addi %mul3A_3173, %mul3A_3176 : vector<16xi32>
      %add3A_3178 = arith.addi %add3A_3177, %min3A_3156 : vector<16xi32>
      %mul3A_3179 = arith.constant 1.024000e+03 : f32
      %mul3A_3180 = vector.broadcast %mul3A_3179 : f32 to vector<16xf32>
      %mul3A_3181 = arith.mulf %get3A_3125, %mul3A_3180 : vector<16xf32>
      %mul3A_3182 = arith.constant 1.024000e+03 : f32
      %mul3A_3183 = vector.broadcast %mul3A_3182 : f32 to vector<16xf32>
      %mul3A_3184 = arith.mulf %get3A_3128, %mul3A_3183 : vector<16xf32>
      %mul3A_3185 = arith.constant 3.906250e-03 : f32
      %mul3A_3186 = vector.broadcast %mul3A_3185 : f32 to vector<16xf32>
      %mul3A_3187 = arith.mulf %mul3A_3181, %mul3A_3186 : vector<16xf32>
      %convert_element_type3A_3188 = arith.fptosi %mul3A_3187 : vector<16xf32> to vector<16xi32>
      %convert_element_type3A_3189 = arith.sitofp %convert_element_type3A_3188 : vector<16xi32> to vector<16xf32>
      %mul3A_3190 = arith.constant 2.560000e+02 : f32
      %mul3A_3191 = vector.broadcast %mul3A_3190 : f32 to vector<16xf32>
      %mul3A_3192 = arith.mulf %convert_element_type3A_3189, %mul3A_3191 : vector<16xf32>
      %sub3A_3193 = arith.subf %mul3A_3181, %mul3A_3192 : vector<16xf32>
      %mul3A_3194 = arith.constant 3.906250e-03 : f32
      %mul3A_3195 = vector.broadcast %mul3A_3194 : f32 to vector<16xf32>
      %mul3A_3196 = arith.mulf %mul3A_3184, %mul3A_3195 : vector<16xf32>
      %convert_element_type3A_3197 = arith.fptosi %mul3A_3196 : vector<16xf32> to vector<16xi32>
      %convert_element_type3A_3198 = arith.sitofp %convert_element_type3A_3197 : vector<16xi32> to vector<16xf32>
      %mul3A_3199 = arith.constant 2.560000e+02 : f32
      %mul3A_3200 = vector.broadcast %mul3A_3199 : f32 to vector<16xf32>
      %mul3A_3201 = arith.mulf %convert_element_type3A_3198, %mul3A_3200 : vector<16xf32>
      %sub3A_3202 = arith.subf %mul3A_3184, %mul3A_3201 : vector<16xf32>
      %sub3A_3203 = arith.constant 5.000000e-01 : f32
      %sub3A_3204 = vector.broadcast %sub3A_3203 : f32 to vector<16xf32>
      %sub3A_3205 = arith.subf %sub3A_3193, %sub3A_3204 : vector<16xf32>
      %convert_element_type3A_3206 = arith.sitofp %add3A_3178 : vector<16xi32> to vector<16xf32>
      %mul3A_3207 = arith.constant 2.560000e+02 : f32
      %mul3A_3208 = vector.broadcast %mul3A_3207 : f32 to vector<16xf32>
      %mul3A_3209 = arith.mulf %convert_element_type3A_3206, %mul3A_3208 : vector<16xf32>
      %add3A_3210 = arith.addf %sub3A_3202, %mul3A_3209 : vector<16xf32>
      %sub3A_3211 = arith.constant 5.000000e-01 : f32
      %sub3A_3212 = vector.broadcast %sub3A_3211 : f32 to vector<16xf32>
      %sub3A_3213 = arith.subf %add3A_3210, %sub3A_3212 : vector<16xf32>
      %add3A_3214 = arith.constant 1.000000e+00 : f32
      %add3A_3215 = vector.broadcast %add3A_3214 : f32 to vector<16xf32>
      %add3A_3216 = arith.addf %sub3A_3205, %add3A_3215 : vector<16xf32>
      %convert_element_type3A_3217 = arith.fptosi %add3A_3216 : vector<16xf32> to vector<16xi32>
      %sub3A_3218 = arith.constant 1 : i32
      %sub3A_3219 = vector.broadcast %sub3A_3218 : i32 to vector<16xi32>
      %sub3A_3220 = arith.subi %convert_element_type3A_3217, %sub3A_3219 : vector<16xi32>
      %add3A_3221 = arith.constant 1.000000e+00 : f32
      %add3A_3222 = vector.broadcast %add3A_3221 : f32 to vector<16xf32>
      %add3A_3223 = arith.addf %sub3A_3213, %add3A_3222 : vector<16xf32>
      %convert_element_type3A_3224 = arith.fptosi %add3A_3223 : vector<16xf32> to vector<16xi32>
      %sub3A_3225 = arith.constant 1 : i32
      %sub3A_3226 = vector.broadcast %sub3A_3225 : i32 to vector<16xi32>
      %sub3A_3227 = arith.subi %convert_element_type3A_3224, %sub3A_3226 : vector<16xi32>
      %convert_element_type3A_3228 = arith.sitofp %sub3A_3220 : vector<16xi32> to vector<16xf32>
      %sub3A_3229 = arith.subf %sub3A_3205, %convert_element_type3A_3228 : vector<16xf32>
      %sub3A_3230 = arith.constant 1.000000e+00 : f32
      %sub3A_3231 = vector.broadcast %sub3A_3230 : f32 to vector<16xf32>
      %sub3A_3232 = arith.subf %sub3A_3231, %sub3A_3229 : vector<16xf32>
      %convert_element_type3A_3233 = arith.sitofp %sub3A_3227 : vector<16xi32> to vector<16xf32>
      %sub3A_3234 = arith.subf %sub3A_3213, %convert_element_type3A_3233 : vector<16xf32>
      %sub3A_3235 = arith.constant 1.000000e+00 : f32
      %sub3A_3236 = vector.broadcast %sub3A_3235 : f32 to vector<16xf32>
      %sub3A_3237 = arith.subf %sub3A_3236, %sub3A_3234 : vector<16xf32>
      %ge3A_3238 = arith.constant 0.000000e+00 : f32
      %ge3A_3239 = vector.broadcast %ge3A_3238 : f32 to vector<16xf32>
      %ge3A_3240 = arith.cmpf oge, %get3A_3125, %ge3A_3239 : vector<16xf32>
      %le3A_3241 = arith.constant 1.000000e+00 : f32
      %le3A_3242 = vector.broadcast %le3A_3241 : f32 to vector<16xf32>
      %le3A_3243 = arith.cmpf ole, %get3A_3125, %le3A_3242 : vector<16xf32>
      %and3A_3244 = arith.andi %ge3A_3240, %le3A_3243 : vector<16xi1>
      %ge3A_3245 = arith.constant 0.000000e+00 : f32
      %ge3A_3246 = vector.broadcast %ge3A_3245 : f32 to vector<16xf32>
      %ge3A_3247 = arith.cmpf oge, %get3A_3128, %ge3A_3246 : vector<16xf32>
      %and3A_3248 = arith.andi %and3A_3244, %ge3A_3247 : vector<16xi1>
      %le3A_3249 = arith.constant 1.000000e+00 : f32
      %le3A_3250 = vector.broadcast %le3A_3249 : f32 to vector<16xf32>
      %le3A_3251 = arith.cmpf ole, %get3A_3128, %le3A_3250 : vector<16xf32>
      %and3A_3252 = arith.andi %and3A_3248, %le3A_3251 : vector<16xi1>
      %jit3A_3253 = arith.constant 1.000000e+00 : f32
      %jit3A_3254 = arith.constant 0.000000e+00 : f32
      %broadcast_in_dim3A_3255 = vector.broadcast %jit3A_3253 : f32 to vector<16xf32>
      %broadcast_in_dim3A_3256 = vector.broadcast %jit3A_3254 : f32 to vector<16xf32>
      %select_n3A_3257 = arith.select %and3A_3252, %broadcast_in_dim3A_3255, %broadcast_in_dim3A_3256 : vector<16xi1>, vector<16xf32>
      %add3A_3258 = arith.constant 1 : i32
      %add3A_3259 = vector.broadcast %add3A_3258 : i32 to vector<16xi32>
      %add3A_3260 = arith.addi %sub3A_3220, %add3A_3259 : vector<16xi32>
      %add3A_3261 = arith.constant 1 : i32
      %add3A_3262 = vector.broadcast %add3A_3261 : i32 to vector<16xi32>
      %add3A_3263 = arith.addi %sub3A_3227, %add3A_3262 : vector<16xi32>
      %ge3A_3264 = arith.constant 0 : i32
      %ge3A_3265 = vector.broadcast %ge3A_3264 : i32 to vector<16xi32>
      %ge3A_3266 = arith.cmpi sge, %sub3A_3220, %ge3A_3265 : vector<16xi32>
      %le3A_3267 = arith.constant 255 : i32
      %le3A_3268 = vector.broadcast %le3A_3267 : i32 to vector<16xi32>
      %le3A_3269 = arith.cmpi sle, %sub3A_3220, %le3A_3268 : vector<16xi32>
      %and3A_3270 = arith.andi %ge3A_3266, %le3A_3269 : vector<16xi1>
      %jit3A_3271 = arith.constant 1.000000e+00 : f32
      %jit3A_3272 = arith.constant 0.000000e+00 : f32
      %broadcast_in_dim3A_3273 = vector.broadcast %jit3A_3271 : f32 to vector<16xf32>
      %broadcast_in_dim3A_3274 = vector.broadcast %jit3A_3272 : f32 to vector<16xf32>
      %select_n3A_3275 = arith.select %and3A_3270, %broadcast_in_dim3A_3273, %broadcast_in_dim3A_3274 : vector<16xi1>, vector<16xf32>
      %ge3A_3276 = arith.constant 0 : i32
      %ge3A_3277 = vector.broadcast %ge3A_3276 : i32 to vector<16xi32>
      %ge3A_3278 = arith.cmpi sge, %add3A_3260, %ge3A_3277 : vector<16xi32>
      %le3A_3279 = arith.constant 255 : i32
      %le3A_3280 = vector.broadcast %le3A_3279 : i32 to vector<16xi32>
      %le3A_3281 = arith.cmpi sle, %add3A_3260, %le3A_3280 : vector<16xi32>
      %and3A_3282 = arith.andi %ge3A_3278, %le3A_3281 : vector<16xi1>
      %jit3A_3283 = arith.constant 1.000000e+00 : f32
      %jit3A_3284 = arith.constant 0.000000e+00 : f32
      %broadcast_in_dim3A_3285 = vector.broadcast %jit3A_3283 : f32 to vector<16xf32>
      %broadcast_in_dim3A_3286 = vector.broadcast %jit3A_3284 : f32 to vector<16xf32>
      %select_n3A_3287 = arith.select %and3A_3282, %broadcast_in_dim3A_3285, %broadcast_in_dim3A_3286 : vector<16xi1>, vector<16xf32>
      %ge3A_3288 = arith.constant 0 : i32
      %ge3A_3289 = vector.broadcast %ge3A_3288 : i32 to vector<16xi32>
      %ge3A_3290 = arith.cmpi sge, %sub3A_3227, %ge3A_3289 : vector<16xi32>
      %le3A_3291 = arith.constant 16383 : i32
      %le3A_3292 = vector.broadcast %le3A_3291 : i32 to vector<16xi32>
      %le3A_3293 = arith.cmpi sle, %sub3A_3227, %le3A_3292 : vector<16xi32>
      %and3A_3294 = arith.andi %ge3A_3290, %le3A_3293 : vector<16xi1>
      %jit3A_3295 = arith.constant 0.000000e+00 : f32
      %broadcast_in_dim3A_3296 = vector.broadcast %jit3A_3295 : f32 to vector<16xf32>
      %select_n3A_3297 = arith.select %and3A_3294, %select_n3A_3257, %broadcast_in_dim3A_3296 : vector<16xi1>, vector<16xf32>
      %ge3A_3298 = arith.constant 0 : i32
      %ge3A_3299 = vector.broadcast %ge3A_3298 : i32 to vector<16xi32>
      %ge3A_3300 = arith.cmpi sge, %add3A_3263, %ge3A_3299 : vector<16xi32>
      %le3A_3301 = arith.constant 16383 : i32
      %le3A_3302 = vector.broadcast %le3A_3301 : i32 to vector<16xi32>
      %le3A_3303 = arith.cmpi sle, %add3A_3263, %le3A_3302 : vector<16xi32>
      %and3A_3304 = arith.andi %ge3A_3300, %le3A_3303 : vector<16xi1>
      %jit3A_3305 = arith.constant 0.000000e+00 : f32
      %broadcast_in_dim3A_3306 = vector.broadcast %jit3A_3305 : f32 to vector<16xf32>
      %select_n3A_3307 = arith.select %and3A_3304, %select_n3A_3257, %broadcast_in_dim3A_3306 : vector<16xi1>, vector<16xf32>
      %mul3A_3308 = arith.mulf %sub3A_3232, %select_n3A_3275 : vector<16xf32>
      %mul3A_3309 = arith.mulf %sub3A_3229, %select_n3A_3287 : vector<16xf32>
      %mul3A_3310 = arith.mulf %sub3A_3237, %select_n3A_3297 : vector<16xf32>
      %mul3A_3311 = arith.mulf %sub3A_3234, %select_n3A_3307 : vector<16xf32>
      %max3A_3312 = arith.constant 0 : i32
      %max3A_3313 = vector.broadcast %max3A_3312 : i32 to vector<16xi32>
      %max3A_3314 = arith.maxsi %sub3A_3220, %max3A_3313 : vector<16xi32>
      %min3A_3315 = arith.constant 255 : i32
      %min3A_3316 = vector.broadcast %min3A_3315 : i32 to vector<16xi32>
      %min3A_3317 = arith.minsi %max3A_3314, %min3A_3316 : vector<16xi32>
      %max3A_3318 = arith.constant 0 : i32
      %max3A_3319 = vector.broadcast %max3A_3318 : i32 to vector<16xi32>
      %max3A_3320 = arith.maxsi %add3A_3260, %max3A_3319 : vector<16xi32>
      %min3A_3321 = arith.constant 255 : i32
      %min3A_3322 = vector.broadcast %min3A_3321 : i32 to vector<16xi32>
      %min3A_3323 = arith.minsi %max3A_3320, %min3A_3322 : vector<16xi32>
      %max3A_3324 = arith.constant 0 : i32
      %max3A_3325 = vector.broadcast %max3A_3324 : i32 to vector<16xi32>
      %max3A_3326 = arith.maxsi %sub3A_3227, %max3A_3325 : vector<16xi32>
      %min3A_3327 = arith.constant 16383 : i32
      %min3A_3328 = vector.broadcast %min3A_3327 : i32 to vector<16xi32>
      %min3A_3329 = arith.minsi %max3A_3326, %min3A_3328 : vector<16xi32>
      %mul3A_3330 = arith.constant 256 : i32
      %mul3A_3331 = vector.broadcast %mul3A_3330 : i32 to vector<16xi32>
      %mul3A_3332 = arith.muli %min3A_3329, %mul3A_3331 : vector<16xi32>
      %max3A_3333 = arith.constant 0 : i32
      %max3A_3334 = vector.broadcast %max3A_3333 : i32 to vector<16xi32>
      %max3A_3335 = arith.maxsi %add3A_3263, %max3A_3334 : vector<16xi32>
      %min3A_3336 = arith.constant 16383 : i32
      %min3A_3337 = vector.broadcast %min3A_3336 : i32 to vector<16xi32>
      %min3A_3338 = arith.minsi %max3A_3335, %min3A_3337 : vector<16xi32>
      %mul3A_3339 = arith.constant 256 : i32
      %mul3A_3340 = vector.broadcast %mul3A_3339 : i32 to vector<16xi32>
      %mul3A_3341 = arith.muli %min3A_3338, %mul3A_3340 : vector<16xi32>
      %add3A_3342 = arith.addi %mul3A_3332, %min3A_3317 : vector<16xi32>
      %swap3A_3343 = arith.constant 64 : index
      %swap3A_3344 = tpu.vector_load %arg22[%swap3A_3343] {strides = array<i32>} : memref<128xi32, #tpu.memory_space<vmem>>, vector<16xi32>,
      %swap3A_3345 = vector.shape_cast %swap3A_3344 : vector<16xi32> to vector<16xi32>
      %swap3A_3346 = vector.shape_cast %add3A_3342 : vector<16xi32> to vector<16xi32>
      tpu.vector_store %arg22[%swap3A_3343], %swap3A_3346 {strides = array<i32>} : memref<128xi32, #tpu.memory_space<vmem>>, vector<16xi32>,
      %add3A_3347 = arith.addi %mul3A_3332, %min3A_3323 : vector<16xi32>
      %swap3A_3348 = arith.constant 64 : index
      %swap3A_3349 = tpu.vector_load %arg23[%swap3A_3348] {strides = array<i32>} : memref<128xi32, #tpu.memory_space<vmem>>, vector<16xi32>,
      %swap3A_3350 = vector.shape_cast %swap3A_3349 : vector<16xi32> to vector<16xi32>
      %swap3A_3351 = vector.shape_cast %add3A_3347 : vector<16xi32> to vector<16xi32>
      tpu.vector_store %arg23[%swap3A_3348], %swap3A_3351 {strides = array<i32>} : memref<128xi32, #tpu.memory_space<vmem>>, vector<16xi32>,
      %add3A_3352 = arith.addi %mul3A_3341, %min3A_3317 : vector<16xi32>
      %swap3A_3353 = arith.constant 64 : index
      %swap3A_3354 = tpu.vector_load %arg24[%swap3A_3353] {strides = array<i32>} : memref<128xi32, #tpu.memory_space<vmem>>, vector<16xi32>,
      %swap3A_3355 = vector.shape_cast %swap3A_3354 : vector<16xi32> to vector<16xi32>
      %swap3A_3356 = vector.shape_cast %add3A_3352 : vector<16xi32> to vector<16xi32>
      tpu.vector_store %arg24[%swap3A_3353], %swap3A_3356 {strides = array<i32>} : memref<128xi32, #tpu.memory_space<vmem>>, vector<16xi32>,
      %add3A_3357 = arith.addi %mul3A_3341, %min3A_3323 : vector<16xi32>
      %swap3A_3358 = arith.constant 64 : index
      %swap3A_3359 = tpu.vector_load %arg25[%swap3A_3358] {strides = array<i32>} : memref<128xi32, #tpu.memory_space<vmem>>, vector<16xi32>,
      %swap3A_3360 = vector.shape_cast %swap3A_3359 : vector<16xi32> to vector<16xi32>
      %swap3A_3361 = vector.shape_cast %add3A_3357 : vector<16xi32> to vector<16xi32>
      tpu.vector_store %arg25[%swap3A_3358], %swap3A_3361 {strides = array<i32>} : memref<128xi32, #tpu.memory_space<vmem>>, vector<16xi32>,
      %mul3A_3362 = arith.mulf %mul3A_3308, %mul3A_3310 : vector<16xf32>
      %swap3A_3363 = arith.constant 64 : index
      %swap3A_3364 = tpu.vector_load %arg26[%swap3A_3363] {strides = array<i32>} : memref<144xf32, #tpu.memory_space<vmem>>, vector<16xf32>,
      %swap3A_3365 = vector.shape_cast %swap3A_3364 : vector<16xf32> to vector<16xf32>
      %swap3A_3366 = vector.shape_cast %mul3A_3362 : vector<16xf32> to vector<16xf32>
      tpu.vector_store %arg26[%swap3A_3363], %swap3A_3366 {strides = array<i32>} : memref<144xf32, #tpu.memory_space<vmem>>, vector<16xf32>,
      %mul3A_3367 = arith.mulf %mul3A_3309, %mul3A_3310 : vector<16xf32>
      %swap3A_3368 = arith.constant 64 : index
      %swap3A_3369 = tpu.vector_load %arg27[%swap3A_3368] {strides = array<i32>} : memref<144xf32, #tpu.memory_space<vmem>>, vector<16xf32>,
      %swap3A_3370 = vector.shape_cast %swap3A_3369 : vector<16xf32> to vector<16xf32>
      %swap3A_3371 = vector.shape_cast %mul3A_3367 : vector<16xf32> to vector<16xf32>
      tpu.vector_store %arg27[%swap3A_3368], %swap3A_3371 {strides = array<i32>} : memref<144xf32, #tpu.memory_space<vmem>>, vector<16xf32>,
      %mul3A_3372 = arith.mulf %mul3A_3308, %mul3A_3311 : vector<16xf32>
      %swap3A_3373 = arith.constant 64 : index
      %swap3A_3374 = tpu.vector_load %arg28[%swap3A_3373] {strides = array<i32>} : memref<144xf32, #tpu.memory_space<vmem>>, vector<16xf32>,
      %swap3A_3375 = vector.shape_cast %swap3A_3374 : vector<16xf32> to vector<16xf32>
      %swap3A_3376 = vector.shape_cast %mul3A_3372 : vector<16xf32> to vector<16xf32>
      tpu.vector_store %arg28[%swap3A_3373], %swap3A_3376 {strides = array<i32>} : memref<144xf32, #tpu.memory_space<vmem>>, vector<16xf32>,
      %mul3A_3377 = arith.mulf %mul3A_3309, %mul3A_3311 : vector<16xf32>
      %swap3A_3378 = arith.constant 64 : index
      %swap3A_3379 = tpu.vector_load %arg29[%swap3A_3378] {strides = array<i32>} : memref<144xf32, #tpu.memory_space<vmem>>, vector<16xf32>,
      %swap3A_3380 = vector.shape_cast %swap3A_3379 : vector<16xf32> to vector<16xf32>
      %swap3A_3381 = vector.shape_cast %mul3A_3377 : vector<16xf32> to vector<16xf32>
      tpu.vector_store %arg29[%swap3A_3378], %swap3A_3381 {strides = array<i32>} : memref<144xf32, #tpu.memory_space<vmem>>, vector<16xf32>,
      %get3A_3382 = arith.constant 80 : index
      %get3A_3383 = tpu.vector_load %arg7[%get3A_3382] {strides = array<i32>} : memref<128xf32, #tpu.memory_space<vmem>>, vector<16xf32>,
      %get3A_3384 = vector.shape_cast %get3A_3383 : vector<16xf32> to vector<16xf32>
      %get3A_3385 = arith.constant 80 : index
      %get3A_3386 = tpu.vector_load %arg8[%get3A_3385] {strides = array<i32>} : memref<128xf32, #tpu.memory_space<vmem>>, vector<16xf32>,
      %get3A_3387 = vector.shape_cast %get3A_3386 : vector<16xf32> to vector<16xf32>
      %get3A_3388 = arith.constant 80 : index
      %get3A_3389 = tpu.vector_load %arg9[%get3A_3388] {strides = array<i32>} : memref<128xf32, #tpu.memory_space<vmem>>, vector<16xf32>,
      %get3A_3390 = vector.shape_cast %get3A_3389 : vector<16xf32> to vector<16xf32>
      %max3A_3391 = arith.constant 0.000000e+00 : f32
      %max3A_3392 = vector.broadcast %max3A_3391 : f32 to vector<16xf32>
      %max3A_3393 = arith.maximumf %get3A_3384, %max3A_3392 : vector<16xf32>
      %min3A_3394 = arith.constant 1.000000e+00 : f32
      %min3A_3395 = vector.broadcast %min3A_3394 : f32 to vector<16xf32>
      %min3A_3396 = arith.minimumf %max3A_3393, %min3A_3395 : vector<16xf32>
      %max3A_3397 = arith.constant 0.000000e+00 : f32
      %max3A_3398 = vector.broadcast %max3A_3397 : f32 to vector<16xf32>
      %max3A_3399 = arith.maximumf %get3A_3387, %max3A_3398 : vector<16xf32>
      %min3A_3400 = arith.constant 1.000000e+00 : f32
      %min3A_3401 = vector.broadcast %min3A_3400 : f32 to vector<16xf32>
      %min3A_3402 = arith.minimumf %max3A_3399, %min3A_3401 : vector<16xf32>
      %max3A_3403 = arith.constant 0.000000e+00 : f32
      %max3A_3404 = vector.broadcast %max3A_3403 : f32 to vector<16xf32>
      %max3A_3405 = arith.maximumf %get3A_3390, %max3A_3404 : vector<16xf32>
      %min3A_3406 = arith.constant 1.000000e+00 : f32
      %min3A_3407 = vector.broadcast %min3A_3406 : f32 to vector<16xf32>
      %min3A_3408 = arith.minimumf %max3A_3405, %min3A_3407 : vector<16xf32>
      %mul3A_3409 = arith.constant 4.000000e+00 : f32
      %mul3A_3410 = vector.broadcast %mul3A_3409 : f32 to vector<16xf32>
      %mul3A_3411 = arith.mulf %min3A_3396, %mul3A_3410 : vector<16xf32>
      %convert_element_type3A_3412 = arith.fptosi %mul3A_3411 : vector<16xf32> to vector<16xi32>
      %min3A_3413 = arith.constant 3 : i32
      %min3A_3414 = vector.broadcast %min3A_3413 : i32 to vector<16xi32>
      %min3A_3415 = arith.minsi %convert_element_type3A_3412, %min3A_3414 : vector<16xi32>
      %mul3A_3416 = arith.constant 4.000000e+00 : f32
      %mul3A_3417 = vector.broadcast %mul3A_3416 : f32 to vector<16xf32>
      %mul3A_3418 = arith.mulf %min3A_3402, %mul3A_3417 : vector<16xf32>
      %convert_element_type3A_3419 = arith.fptosi %mul3A_3418 : vector<16xf32> to vector<16xi32>
      %min3A_3420 = arith.constant 3 : i32
      %min3A_3421 = vector.broadcast %min3A_3420 : i32 to vector<16xi32>
      %min3A_3422 = arith.minsi %convert_element_type3A_3419, %min3A_3421 : vector<16xi32>
      %mul3A_3423 = arith.constant 4.000000e+00 : f32
      %mul3A_3424 = vector.broadcast %mul3A_3423 : f32 to vector<16xf32>
      %mul3A_3425 = arith.mulf %min3A_3408, %mul3A_3424 : vector<16xf32>
      %convert_element_type3A_3426 = arith.fptosi %mul3A_3425 : vector<16xf32> to vector<16xi32>
      %min3A_3427 = arith.constant 3 : i32
      %min3A_3428 = vector.broadcast %min3A_3427 : i32 to vector<16xi32>
      %min3A_3429 = arith.minsi %convert_element_type3A_3426, %min3A_3428 : vector<16xi32>
      %mul3A_3430 = arith.constant 16 : i32
      %mul3A_3431 = vector.broadcast %mul3A_3430 : i32 to vector<16xi32>
      %mul3A_3432 = arith.muli %min3A_3429, %mul3A_3431 : vector<16xi32>
      %mul3A_3433 = arith.constant 4 : i32
      %mul3A_3434 = vector.broadcast %mul3A_3433 : i32 to vector<16xi32>
      %mul3A_3435 = arith.muli %min3A_3422, %mul3A_3434 : vector<16xi32>
      %add3A_3436 = arith.addi %mul3A_3432, %mul3A_3435 : vector<16xi32>
      %add3A_3437 = arith.addi %add3A_3436, %min3A_3415 : vector<16xi32>
      %mul3A_3438 = arith.constant 1.024000e+03 : f32
      %mul3A_3439 = vector.broadcast %mul3A_3438 : f32 to vector<16xf32>
      %mul3A_3440 = arith.mulf %get3A_3384, %mul3A_3439 : vector<16xf32>
      %mul3A_3441 = arith.constant 1.024000e+03 : f32
      %mul3A_3442 = vector.broadcast %mul3A_3441 : f32 to vector<16xf32>
      %mul3A_3443 = arith.mulf %get3A_3387, %mul3A_3442 : vector<16xf32>
      %mul3A_3444 = arith.constant 3.906250e-03 : f32
      %mul3A_3445 = vector.broadcast %mul3A_3444 : f32 to vector<16xf32>
      %mul3A_3446 = arith.mulf %mul3A_3440, %mul3A_3445 : vector<16xf32>
      %convert_element_type3A_3447 = arith.fptosi %mul3A_3446 : vector<16xf32> to vector<16xi32>
      %convert_element_type3A_3448 = arith.sitofp %convert_element_type3A_3447 : vector<16xi32> to vector<16xf32>
      %mul3A_3449 = arith.constant 2.560000e+02 : f32
      %mul3A_3450 = vector.broadcast %mul3A_3449 : f32 to vector<16xf32>
      %mul3A_3451 = arith.mulf %convert_element_type3A_3448, %mul3A_3450 : vector<16xf32>
      %sub3A_3452 = arith.subf %mul3A_3440, %mul3A_3451 : vector<16xf32>
      %mul3A_3453 = arith.constant 3.906250e-03 : f32
      %mul3A_3454 = vector.broadcast %mul3A_3453 : f32 to vector<16xf32>
      %mul3A_3455 = arith.mulf %mul3A_3443, %mul3A_3454 : vector<16xf32>
      %convert_element_type3A_3456 = arith.fptosi %mul3A_3455 : vector<16xf32> to vector<16xi32>
      %convert_element_type3A_3457 = arith.sitofp %convert_element_type3A_3456 : vector<16xi32> to vector<16xf32>
      %mul3A_3458 = arith.constant 2.560000e+02 : f32
      %mul3A_3459 = vector.broadcast %mul3A_3458 : f32 to vector<16xf32>
      %mul3A_3460 = arith.mulf %convert_element_type3A_3457, %mul3A_3459 : vector<16xf32>
      %sub3A_3461 = arith.subf %mul3A_3443, %mul3A_3460 : vector<16xf32>
      %sub3A_3462 = arith.constant 5.000000e-01 : f32
      %sub3A_3463 = vector.broadcast %sub3A_3462 : f32 to vector<16xf32>
      %sub3A_3464 = arith.subf %sub3A_3452, %sub3A_3463 : vector<16xf32>
      %convert_element_type3A_3465 = arith.sitofp %add3A_3437 : vector<16xi32> to vector<16xf32>
      %mul3A_3466 = arith.constant 2.560000e+02 : f32
      %mul3A_3467 = vector.broadcast %mul3A_3466 : f32 to vector<16xf32>
      %mul3A_3468 = arith.mulf %convert_element_type3A_3465, %mul3A_3467 : vector<16xf32>
      %add3A_3469 = arith.addf %sub3A_3461, %mul3A_3468 : vector<16xf32>
      %sub3A_3470 = arith.constant 5.000000e-01 : f32
      %sub3A_3471 = vector.broadcast %sub3A_3470 : f32 to vector<16xf32>
      %sub3A_3472 = arith.subf %add3A_3469, %sub3A_3471 : vector<16xf32>
      %add3A_3473 = arith.constant 1.000000e+00 : f32
      %add3A_3474 = vector.broadcast %add3A_3473 : f32 to vector<16xf32>
      %add3A_3475 = arith.addf %sub3A_3464, %add3A_3474 : vector<16xf32>
      %convert_element_type3A_3476 = arith.fptosi %add3A_3475 : vector<16xf32> to vector<16xi32>
      %sub3A_3477 = arith.constant 1 : i32
      %sub3A_3478 = vector.broadcast %sub3A_3477 : i32 to vector<16xi32>
      %sub3A_3479 = arith.subi %convert_element_type3A_3476, %sub3A_3478 : vector<16xi32>
      %add3A_3480 = arith.constant 1.000000e+00 : f32
      %add3A_3481 = vector.broadcast %add3A_3480 : f32 to vector<16xf32>
      %add3A_3482 = arith.addf %sub3A_3472, %add3A_3481 : vector<16xf32>
      %convert_element_type3A_3483 = arith.fptosi %add3A_3482 : vector<16xf32> to vector<16xi32>
      %sub3A_3484 = arith.constant 1 : i32
      %sub3A_3485 = vector.broadcast %sub3A_3484 : i32 to vector<16xi32>
      %sub3A_3486 = arith.subi %convert_element_type3A_3483, %sub3A_3485 : vector<16xi32>
      %convert_element_type3A_3487 = arith.sitofp %sub3A_3479 : vector<16xi32> to vector<16xf32>
      %sub3A_3488 = arith.subf %sub3A_3464, %convert_element_type3A_3487 : vector<16xf32>
      %sub3A_3489 = arith.constant 1.000000e+00 : f32
      %sub3A_3490 = vector.broadcast %sub3A_3489 : f32 to vector<16xf32>
      %sub3A_3491 = arith.subf %sub3A_3490, %sub3A_3488 : vector<16xf32>
      %convert_element_type3A_3492 = arith.sitofp %sub3A_3486 : vector<16xi32> to vector<16xf32>
      %sub3A_3493 = arith.subf %sub3A_3472, %convert_element_type3A_3492 : vector<16xf32>
      %sub3A_3494 = arith.constant 1.000000e+00 : f32
      %sub3A_3495 = vector.broadcast %sub3A_3494 : f32 to vector<16xf32>
      %sub3A_3496 = arith.subf %sub3A_3495, %sub3A_3493 : vector<16xf32>
      %ge3A_3497 = arith.constant 0.000000e+00 : f32
      %ge3A_3498 = vector.broadcast %ge3A_3497 : f32 to vector<16xf32>
      %ge3A_3499 = arith.cmpf oge, %get3A_3384, %ge3A_3498 : vector<16xf32>
      %le3A_3500 = arith.constant 1.000000e+00 : f32
      %le3A_3501 = vector.broadcast %le3A_3500 : f32 to vector<16xf32>
      %le3A_3502 = arith.cmpf ole, %get3A_3384, %le3A_3501 : vector<16xf32>
      %and3A_3503 = arith.andi %ge3A_3499, %le3A_3502 : vector<16xi1>
      %ge3A_3504 = arith.constant 0.000000e+00 : f32
      %ge3A_3505 = vector.broadcast %ge3A_3504 : f32 to vector<16xf32>
      %ge3A_3506 = arith.cmpf oge, %get3A_3387, %ge3A_3505 : vector<16xf32>
      %and3A_3507 = arith.andi %and3A_3503, %ge3A_3506 : vector<16xi1>
      %le3A_3508 = arith.constant 1.000000e+00 : f32
      %le3A_3509 = vector.broadcast %le3A_3508 : f32 to vector<16xf32>
      %le3A_3510 = arith.cmpf ole, %get3A_3387, %le3A_3509 : vector<16xf32>
      %and3A_3511 = arith.andi %and3A_3507, %le3A_3510 : vector<16xi1>
      %jit3A_3512 = arith.constant 1.000000e+00 : f32
      %jit3A_3513 = arith.constant 0.000000e+00 : f32
      %broadcast_in_dim3A_3514 = vector.broadcast %jit3A_3512 : f32 to vector<16xf32>
      %broadcast_in_dim3A_3515 = vector.broadcast %jit3A_3513 : f32 to vector<16xf32>
      %select_n3A_3516 = arith.select %and3A_3511, %broadcast_in_dim3A_3514, %broadcast_in_dim3A_3515 : vector<16xi1>, vector<16xf32>
      %add3A_3517 = arith.constant 1 : i32
      %add3A_3518 = vector.broadcast %add3A_3517 : i32 to vector<16xi32>
      %add3A_3519 = arith.addi %sub3A_3479, %add3A_3518 : vector<16xi32>
      %add3A_3520 = arith.constant 1 : i32
      %add3A_3521 = vector.broadcast %add3A_3520 : i32 to vector<16xi32>
      %add3A_3522 = arith.addi %sub3A_3486, %add3A_3521 : vector<16xi32>
      %ge3A_3523 = arith.constant 0 : i32
      %ge3A_3524 = vector.broadcast %ge3A_3523 : i32 to vector<16xi32>
      %ge3A_3525 = arith.cmpi sge, %sub3A_3479, %ge3A_3524 : vector<16xi32>
      %le3A_3526 = arith.constant 255 : i32
      %le3A_3527 = vector.broadcast %le3A_3526 : i32 to vector<16xi32>
      %le3A_3528 = arith.cmpi sle, %sub3A_3479, %le3A_3527 : vector<16xi32>
      %and3A_3529 = arith.andi %ge3A_3525, %le3A_3528 : vector<16xi1>
      %jit3A_3530 = arith.constant 1.000000e+00 : f32
      %jit3A_3531 = arith.constant 0.000000e+00 : f32
      %broadcast_in_dim3A_3532 = vector.broadcast %jit3A_3530 : f32 to vector<16xf32>
      %broadcast_in_dim3A_3533 = vector.broadcast %jit3A_3531 : f32 to vector<16xf32>
      %select_n3A_3534 = arith.select %and3A_3529, %broadcast_in_dim3A_3532, %broadcast_in_dim3A_3533 : vector<16xi1>, vector<16xf32>
      %ge3A_3535 = arith.constant 0 : i32
      %ge3A_3536 = vector.broadcast %ge3A_3535 : i32 to vector<16xi32>
      %ge3A_3537 = arith.cmpi sge, %add3A_3519, %ge3A_3536 : vector<16xi32>
      %le3A_3538 = arith.constant 255 : i32
      %le3A_3539 = vector.broadcast %le3A_3538 : i32 to vector<16xi32>
      %le3A_3540 = arith.cmpi sle, %add3A_3519, %le3A_3539 : vector<16xi32>
      %and3A_3541 = arith.andi %ge3A_3537, %le3A_3540 : vector<16xi1>
      %jit3A_3542 = arith.constant 1.000000e+00 : f32
      %jit3A_3543 = arith.constant 0.000000e+00 : f32
      %broadcast_in_dim3A_3544 = vector.broadcast %jit3A_3542 : f32 to vector<16xf32>
      %broadcast_in_dim3A_3545 = vector.broadcast %jit3A_3543 : f32 to vector<16xf32>
      %select_n3A_3546 = arith.select %and3A_3541, %broadcast_in_dim3A_3544, %broadcast_in_dim3A_3545 : vector<16xi1>, vector<16xf32>
      %ge3A_3547 = arith.constant 0 : i32
      %ge3A_3548 = vector.broadcast %ge3A_3547 : i32 to vector<16xi32>
      %ge3A_3549 = arith.cmpi sge, %sub3A_3486, %ge3A_3548 : vector<16xi32>
      %le3A_3550 = arith.constant 16383 : i32
      %le3A_3551 = vector.broadcast %le3A_3550 : i32 to vector<16xi32>
      %le3A_3552 = arith.cmpi sle, %sub3A_3486, %le3A_3551 : vector<16xi32>
      %and3A_3553 = arith.andi %ge3A_3549, %le3A_3552 : vector<16xi1>
      %jit3A_3554 = arith.constant 0.000000e+00 : f32
      %broadcast_in_dim3A_3555 = vector.broadcast %jit3A_3554 : f32 to vector<16xf32>
      %select_n3A_3556 = arith.select %and3A_3553, %select_n3A_3516, %broadcast_in_dim3A_3555 : vector<16xi1>, vector<16xf32>
      %ge3A_3557 = arith.constant 0 : i32
      %ge3A_3558 = vector.broadcast %ge3A_3557 : i32 to vector<16xi32>
      %ge3A_3559 = arith.cmpi sge, %add3A_3522, %ge3A_3558 : vector<16xi32>
      %le3A_3560 = arith.constant 16383 : i32
      %le3A_3561 = vector.broadcast %le3A_3560 : i32 to vector<16xi32>
      %le3A_3562 = arith.cmpi sle, %add3A_3522, %le3A_3561 : vector<16xi32>
      %and3A_3563 = arith.andi %ge3A_3559, %le3A_3562 : vector<16xi1>
      %jit3A_3564 = arith.constant 0.000000e+00 : f32
      %broadcast_in_dim3A_3565 = vector.broadcast %jit3A_3564 : f32 to vector<16xf32>
      %select_n3A_3566 = arith.select %and3A_3563, %select_n3A_3516, %broadcast_in_dim3A_3565 : vector<16xi1>, vector<16xf32>
      %mul3A_3567 = arith.mulf %sub3A_3491, %select_n3A_3534 : vector<16xf32>
      %mul3A_3568 = arith.mulf %sub3A_3488, %select_n3A_3546 : vector<16xf32>
      %mul3A_3569 = arith.mulf %sub3A_3496, %select_n3A_3556 : vector<16xf32>
      %mul3A_3570 = arith.mulf %sub3A_3493, %select_n3A_3566 : vector<16xf32>
      %max3A_3571 = arith.constant 0 : i32
      %max3A_3572 = vector.broadcast %max3A_3571 : i32 to vector<16xi32>
      %max3A_3573 = arith.maxsi %sub3A_3479, %max3A_3572 : vector<16xi32>
      %min3A_3574 = arith.constant 255 : i32
      %min3A_3575 = vector.broadcast %min3A_3574 : i32 to vector<16xi32>
      %min3A_3576 = arith.minsi %max3A_3573, %min3A_3575 : vector<16xi32>
      %max3A_3577 = arith.constant 0 : i32
      %max3A_3578 = vector.broadcast %max3A_3577 : i32 to vector<16xi32>
      %max3A_3579 = arith.maxsi %add3A_3519, %max3A_3578 : vector<16xi32>
      %min3A_3580 = arith.constant 255 : i32
      %min3A_3581 = vector.broadcast %min3A_3580 : i32 to vector<16xi32>
      %min3A_3582 = arith.minsi %max3A_3579, %min3A_3581 : vector<16xi32>
      %max3A_3583 = arith.constant 0 : i32
      %max3A_3584 = vector.broadcast %max3A_3583 : i32 to vector<16xi32>
      %max3A_3585 = arith.maxsi %sub3A_3486, %max3A_3584 : vector<16xi32>
      %min3A_3586 = arith.constant 16383 : i32
      %min3A_3587 = vector.broadcast %min3A_3586 : i32 to vector<16xi32>
      %min3A_3588 = arith.minsi %max3A_3585, %min3A_3587 : vector<16xi32>
      %mul3A_3589 = arith.constant 256 : i32
      %mul3A_3590 = vector.broadcast %mul3A_3589 : i32 to vector<16xi32>
      %mul3A_3591 = arith.muli %min3A_3588, %mul3A_3590 : vector<16xi32>
      %max3A_3592 = arith.constant 0 : i32
      %max3A_3593 = vector.broadcast %max3A_3592 : i32 to vector<16xi32>
      %max3A_3594 = arith.maxsi %add3A_3522, %max3A_3593 : vector<16xi32>
      %min3A_3595 = arith.constant 16383 : i32
      %min3A_3596 = vector.broadcast %min3A_3595 : i32 to vector<16xi32>
      %min3A_3597 = arith.minsi %max3A_3594, %min3A_3596 : vector<16xi32>
      %mul3A_3598 = arith.constant 256 : i32
      %mul3A_3599 = vector.broadcast %mul3A_3598 : i32 to vector<16xi32>
      %mul3A_3600 = arith.muli %min3A_3597, %mul3A_3599 : vector<16xi32>
      %add3A_3601 = arith.addi %mul3A_3591, %min3A_3576 : vector<16xi32>
      %swap3A_3602 = arith.constant 80 : index
      %swap3A_3603 = tpu.vector_load %arg22[%swap3A_3602] {strides = array<i32>} : memref<128xi32, #tpu.memory_space<vmem>>, vector<16xi32>,
      %swap3A_3604 = vector.shape_cast %swap3A_3603 : vector<16xi32> to vector<16xi32>
      %swap3A_3605 = vector.shape_cast %add3A_3601 : vector<16xi32> to vector<16xi32>
      tpu.vector_store %arg22[%swap3A_3602], %swap3A_3605 {strides = array<i32>} : memref<128xi32, #tpu.memory_space<vmem>>, vector<16xi32>,
      %add3A_3606 = arith.addi %mul3A_3591, %min3A_3582 : vector<16xi32>
      %swap3A_3607 = arith.constant 80 : index
      %swap3A_3608 = tpu.vector_load %arg23[%swap3A_3607] {strides = array<i32>} : memref<128xi32, #tpu.memory_space<vmem>>, vector<16xi32>,
      %swap3A_3609 = vector.shape_cast %swap3A_3608 : vector<16xi32> to vector<16xi32>
      %swap3A_3610 = vector.shape_cast %add3A_3606 : vector<16xi32> to vector<16xi32>
      tpu.vector_store %arg23[%swap3A_3607], %swap3A_3610 {strides = array<i32>} : memref<128xi32, #tpu.memory_space<vmem>>, vector<16xi32>,
      %add3A_3611 = arith.addi %mul3A_3600, %min3A_3576 : vector<16xi32>
      %swap3A_3612 = arith.constant 80 : index
      %swap3A_3613 = tpu.vector_load %arg24[%swap3A_3612] {strides = array<i32>} : memref<128xi32, #tpu.memory_space<vmem>>, vector<16xi32>,
      %swap3A_3614 = vector.shape_cast %swap3A_3613 : vector<16xi32> to vector<16xi32>
      %swap3A_3615 = vector.shape_cast %add3A_3611 : vector<16xi32> to vector<16xi32>
      tpu.vector_store %arg24[%swap3A_3612], %swap3A_3615 {strides = array<i32>} : memref<128xi32, #tpu.memory_space<vmem>>, vector<16xi32>,
      %add3A_3616 = arith.addi %mul3A_3600, %min3A_3582 : vector<16xi32>
      %swap3A_3617 = arith.constant 80 : index
      %swap3A_3618 = tpu.vector_load %arg25[%swap3A_3617] {strides = array<i32>} : memref<128xi32, #tpu.memory_space<vmem>>, vector<16xi32>,
      %swap3A_3619 = vector.shape_cast %swap3A_3618 : vector<16xi32> to vector<16xi32>
      %swap3A_3620 = vector.shape_cast %add3A_3616 : vector<16xi32> to vector<16xi32>
      tpu.vector_store %arg25[%swap3A_3617], %swap3A_3620 {strides = array<i32>} : memref<128xi32, #tpu.memory_space<vmem>>, vector<16xi32>,
      %mul3A_3621 = arith.mulf %mul3A_3567, %mul3A_3569 : vector<16xf32>
      %swap3A_3622 = arith.constant 80 : index
      %swap3A_3623 = tpu.vector_load %arg26[%swap3A_3622] {strides = array<i32>} : memref<144xf32, #tpu.memory_space<vmem>>, vector<16xf32>,
      %swap3A_3624 = vector.shape_cast %swap3A_3623 : vector<16xf32> to vector<16xf32>
      %swap3A_3625 = vector.shape_cast %mul3A_3621 : vector<16xf32> to vector<16xf32>
      tpu.vector_store %arg26[%swap3A_3622], %swap3A_3625 {strides = array<i32>} : memref<144xf32, #tpu.memory_space<vmem>>, vector<16xf32>,
      %mul3A_3626 = arith.mulf %mul3A_3568, %mul3A_3569 : vector<16xf32>
      %swap3A_3627 = arith.constant 80 : index
      %swap3A_3628 = tpu.vector_load %arg27[%swap3A_3627] {strides = array<i32>} : memref<144xf32, #tpu.memory_space<vmem>>, vector<16xf32>,
      %swap3A_3629 = vector.shape_cast %swap3A_3628 : vector<16xf32> to vector<16xf32>
      %swap3A_3630 = vector.shape_cast %mul3A_3626 : vector<16xf32> to vector<16xf32>
      tpu.vector_store %arg27[%swap3A_3627], %swap3A_3630 {strides = array<i32>} : memref<144xf32, #tpu.memory_space<vmem>>, vector<16xf32>,
      %mul3A_3631 = arith.mulf %mul3A_3567, %mul3A_3570 : vector<16xf32>
      %swap3A_3632 = arith.constant 80 : index
      %swap3A_3633 = tpu.vector_load %arg28[%swap3A_3632] {strides = array<i32>} : memref<144xf32, #tpu.memory_space<vmem>>, vector<16xf32>,
      %swap3A_3634 = vector.shape_cast %swap3A_3633 : vector<16xf32> to vector<16xf32>
      %swap3A_3635 = vector.shape_cast %mul3A_3631 : vector<16xf32> to vector<16xf32>
      tpu.vector_store %arg28[%swap3A_3632], %swap3A_3635 {strides = array<i32>} : memref<144xf32, #tpu.memory_space<vmem>>, vector<16xf32>,
      %mul3A_3636 = arith.mulf %mul3A_3568, %mul3A_3570 : vector<16xf32>
      %swap3A_3637 = arith.constant 80 : index
      %swap3A_3638 = tpu.vector_load %arg29[%swap3A_3637] {strides = array<i32>} : memref<144xf32, #tpu.memory_space<vmem>>, vector<16xf32>,
      %swap3A_3639 = vector.shape_cast %swap3A_3638 : vector<16xf32> to vector<16xf32>
      %swap3A_3640 = vector.shape_cast %mul3A_3636 : vector<16xf32> to vector<16xf32>
      tpu.vector_store %arg29[%swap3A_3637], %swap3A_3640 {strides = array<i32>} : memref<144xf32, #tpu.memory_space<vmem>>, vector<16xf32>,
      %get3A_3641 = arith.constant 96 : index
      %get3A_3642 = tpu.vector_load %arg7[%get3A_3641] {strides = array<i32>} : memref<128xf32, #tpu.memory_space<vmem>>, vector<16xf32>,
      %get3A_3643 = vector.shape_cast %get3A_3642 : vector<16xf32> to vector<16xf32>
      %get3A_3644 = arith.constant 96 : index
      %get3A_3645 = tpu.vector_load %arg8[%get3A_3644] {strides = array<i32>} : memref<128xf32, #tpu.memory_space<vmem>>, vector<16xf32>,
      %get3A_3646 = vector.shape_cast %get3A_3645 : vector<16xf32> to vector<16xf32>
      %get3A_3647 = arith.constant 96 : index
      %get3A_3648 = tpu.vector_load %arg9[%get3A_3647] {strides = array<i32>} : memref<128xf32, #tpu.memory_space<vmem>>, vector<16xf32>,
      %get3A_3649 = vector.shape_cast %get3A_3648 : vector<16xf32> to vector<16xf32>
      %max3A_3650 = arith.constant 0.000000e+00 : f32
      %max3A_3651 = vector.broadcast %max3A_3650 : f32 to vector<16xf32>
      %max3A_3652 = arith.maximumf %get3A_3643, %max3A_3651 : vector<16xf32>
      %min3A_3653 = arith.constant 1.000000e+00 : f32
      %min3A_3654 = vector.broadcast %min3A_3653 : f32 to vector<16xf32>
      %min3A_3655 = arith.minimumf %max3A_3652, %min3A_3654 : vector<16xf32>
      %max3A_3656 = arith.constant 0.000000e+00 : f32
      %max3A_3657 = vector.broadcast %max3A_3656 : f32 to vector<16xf32>
      %max3A_3658 = arith.maximumf %get3A_3646, %max3A_3657 : vector<16xf32>
      %min3A_3659 = arith.constant 1.000000e+00 : f32
      %min3A_3660 = vector.broadcast %min3A_3659 : f32 to vector<16xf32>
      %min3A_3661 = arith.minimumf %max3A_3658, %min3A_3660 : vector<16xf32>
      %max3A_3662 = arith.constant 0.000000e+00 : f32
      %max3A_3663 = vector.broadcast %max3A_3662 : f32 to vector<16xf32>
      %max3A_3664 = arith.maximumf %get3A_3649, %max3A_3663 : vector<16xf32>
      %min3A_3665 = arith.constant 1.000000e+00 : f32
      %min3A_3666 = vector.broadcast %min3A_3665 : f32 to vector<16xf32>
      %min3A_3667 = arith.minimumf %max3A_3664, %min3A_3666 : vector<16xf32>
      %mul3A_3668 = arith.constant 4.000000e+00 : f32
      %mul3A_3669 = vector.broadcast %mul3A_3668 : f32 to vector<16xf32>
      %mul3A_3670 = arith.mulf %min3A_3655, %mul3A_3669 : vector<16xf32>
      %convert_element_type3A_3671 = arith.fptosi %mul3A_3670 : vector<16xf32> to vector<16xi32>
      %min3A_3672 = arith.constant 3 : i32
      %min3A_3673 = vector.broadcast %min3A_3672 : i32 to vector<16xi32>
      %min3A_3674 = arith.minsi %convert_element_type3A_3671, %min3A_3673 : vector<16xi32>
      %mul3A_3675 = arith.constant 4.000000e+00 : f32
      %mul3A_3676 = vector.broadcast %mul3A_3675 : f32 to vector<16xf32>
      %mul3A_3677 = arith.mulf %min3A_3661, %mul3A_3676 : vector<16xf32>
      %convert_element_type3A_3678 = arith.fptosi %mul3A_3677 : vector<16xf32> to vector<16xi32>
      %min3A_3679 = arith.constant 3 : i32
      %min3A_3680 = vector.broadcast %min3A_3679 : i32 to vector<16xi32>
      %min3A_3681 = arith.minsi %convert_element_type3A_3678, %min3A_3680 : vector<16xi32>
      %mul3A_3682 = arith.constant 4.000000e+00 : f32
      %mul3A_3683 = vector.broadcast %mul3A_3682 : f32 to vector<16xf32>
      %mul3A_3684 = arith.mulf %min3A_3667, %mul3A_3683 : vector<16xf32>
      %convert_element_type3A_3685 = arith.fptosi %mul3A_3684 : vector<16xf32> to vector<16xi32>
      %min3A_3686 = arith.constant 3 : i32
      %min3A_3687 = vector.broadcast %min3A_3686 : i32 to vector<16xi32>
      %min3A_3688 = arith.minsi %convert_element_type3A_3685, %min3A_3687 : vector<16xi32>
      %mul3A_3689 = arith.constant 16 : i32
      %mul3A_3690 = vector.broadcast %mul3A_3689 : i32 to vector<16xi32>
      %mul3A_3691 = arith.muli %min3A_3688, %mul3A_3690 : vector<16xi32>
      %mul3A_3692 = arith.constant 4 : i32
      %mul3A_3693 = vector.broadcast %mul3A_3692 : i32 to vector<16xi32>
      %mul3A_3694 = arith.muli %min3A_3681, %mul3A_3693 : vector<16xi32>
      %add3A_3695 = arith.addi %mul3A_3691, %mul3A_3694 : vector<16xi32>
      %add3A_3696 = arith.addi %add3A_3695, %min3A_3674 : vector<16xi32>
      %mul3A_3697 = arith.constant 1.024000e+03 : f32
      %mul3A_3698 = vector.broadcast %mul3A_3697 : f32 to vector<16xf32>
      %mul3A_3699 = arith.mulf %get3A_3643, %mul3A_3698 : vector<16xf32>
      %mul3A_3700 = arith.constant 1.024000e+03 : f32
      %mul3A_3701 = vector.broadcast %mul3A_3700 : f32 to vector<16xf32>
      %mul3A_3702 = arith.mulf %get3A_3646, %mul3A_3701 : vector<16xf32>
      %mul3A_3703 = arith.constant 3.906250e-03 : f32
      %mul3A_3704 = vector.broadcast %mul3A_3703 : f32 to vector<16xf32>
      %mul3A_3705 = arith.mulf %mul3A_3699, %mul3A_3704 : vector<16xf32>
      %convert_element_type3A_3706 = arith.fptosi %mul3A_3705 : vector<16xf32> to vector<16xi32>
      %convert_element_type3A_3707 = arith.sitofp %convert_element_type3A_3706 : vector<16xi32> to vector<16xf32>
      %mul3A_3708 = arith.constant 2.560000e+02 : f32
      %mul3A_3709 = vector.broadcast %mul3A_3708 : f32 to vector<16xf32>
      %mul3A_3710 = arith.mulf %convert_element_type3A_3707, %mul3A_3709 : vector<16xf32>
      %sub3A_3711 = arith.subf %mul3A_3699, %mul3A_3710 : vector<16xf32>
      %mul3A_3712 = arith.constant 3.906250e-03 : f32
      %mul3A_3713 = vector.broadcast %mul3A_3712 : f32 to vector<16xf32>
      %mul3A_3714 = arith.mulf %mul3A_3702, %mul3A_3713 : vector<16xf32>
      %convert_element_type3A_3715 = arith.fptosi %mul3A_3714 : vector<16xf32> to vector<16xi32>
      %convert_element_type3A_3716 = arith.sitofp %convert_element_type3A_3715 : vector<16xi32> to vector<16xf32>
      %mul3A_3717 = arith.constant 2.560000e+02 : f32
      %mul3A_3718 = vector.broadcast %mul3A_3717 : f32 to vector<16xf32>
      %mul3A_3719 = arith.mulf %convert_element_type3A_3716, %mul3A_3718 : vector<16xf32>
      %sub3A_3720 = arith.subf %mul3A_3702, %mul3A_3719 : vector<16xf32>
      %sub3A_3721 = arith.constant 5.000000e-01 : f32
      %sub3A_3722 = vector.broadcast %sub3A_3721 : f32 to vector<16xf32>
      %sub3A_3723 = arith.subf %sub3A_3711, %sub3A_3722 : vector<16xf32>
      %convert_element_type3A_3724 = arith.sitofp %add3A_3696 : vector<16xi32> to vector<16xf32>
      %mul3A_3725 = arith.constant 2.560000e+02 : f32
      %mul3A_3726 = vector.broadcast %mul3A_3725 : f32 to vector<16xf32>
      %mul3A_3727 = arith.mulf %convert_element_type3A_3724, %mul3A_3726 : vector<16xf32>
      %add3A_3728 = arith.addf %sub3A_3720, %mul3A_3727 : vector<16xf32>
      %sub3A_3729 = arith.constant 5.000000e-01 : f32
      %sub3A_3730 = vector.broadcast %sub3A_3729 : f32 to vector<16xf32>
      %sub3A_3731 = arith.subf %add3A_3728, %sub3A_3730 : vector<16xf32>
      %add3A_3732 = arith.constant 1.000000e+00 : f32
      %add3A_3733 = vector.broadcast %add3A_3732 : f32 to vector<16xf32>
      %add3A_3734 = arith.addf %sub3A_3723, %add3A_3733 : vector<16xf32>
      %convert_element_type3A_3735 = arith.fptosi %add3A_3734 : vector<16xf32> to vector<16xi32>
      %sub3A_3736 = arith.constant 1 : i32
      %sub3A_3737 = vector.broadcast %sub3A_3736 : i32 to vector<16xi32>
      %sub3A_3738 = arith.subi %convert_element_type3A_3735, %sub3A_3737 : vector<16xi32>
      %add3A_3739 = arith.constant 1.000000e+00 : f32
      %add3A_3740 = vector.broadcast %add3A_3739 : f32 to vector<16xf32>
      %add3A_3741 = arith.addf %sub3A_3731, %add3A_3740 : vector<16xf32>
      %convert_element_type3A_3742 = arith.fptosi %add3A_3741 : vector<16xf32> to vector<16xi32>
      %sub3A_3743 = arith.constant 1 : i32
      %sub3A_3744 = vector.broadcast %sub3A_3743 : i32 to vector<16xi32>
      %sub3A_3745 = arith.subi %convert_element_type3A_3742, %sub3A_3744 : vector<16xi32>
      %convert_element_type3A_3746 = arith.sitofp %sub3A_3738 : vector<16xi32> to vector<16xf32>
      %sub3A_3747 = arith.subf %sub3A_3723, %convert_element_type3A_3746 : vector<16xf32>
      %sub3A_3748 = arith.constant 1.000000e+00 : f32
      %sub3A_3749 = vector.broadcast %sub3A_3748 : f32 to vector<16xf32>
      %sub3A_3750 = arith.subf %sub3A_3749, %sub3A_3747 : vector<16xf32>
      %convert_element_type3A_3751 = arith.sitofp %sub3A_3745 : vector<16xi32> to vector<16xf32>
      %sub3A_3752 = arith.subf %sub3A_3731, %convert_element_type3A_3751 : vector<16xf32>
      %sub3A_3753 = arith.constant 1.000000e+00 : f32
      %sub3A_3754 = vector.broadcast %sub3A_3753 : f32 to vector<16xf32>
      %sub3A_3755 = arith.subf %sub3A_3754, %sub3A_3752 : vector<16xf32>
      %ge3A_3756 = arith.constant 0.000000e+00 : f32
      %ge3A_3757 = vector.broadcast %ge3A_3756 : f32 to vector<16xf32>
      %ge3A_3758 = arith.cmpf oge, %get3A_3643, %ge3A_3757 : vector<16xf32>
      %le3A_3759 = arith.constant 1.000000e+00 : f32
      %le3A_3760 = vector.broadcast %le3A_3759 : f32 to vector<16xf32>
      %le3A_3761 = arith.cmpf ole, %get3A_3643, %le3A_3760 : vector<16xf32>
      %and3A_3762 = arith.andi %ge3A_3758, %le3A_3761 : vector<16xi1>
      %ge3A_3763 = arith.constant 0.000000e+00 : f32
      %ge3A_3764 = vector.broadcast %ge3A_3763 : f32 to vector<16xf32>
      %ge3A_3765 = arith.cmpf oge, %get3A_3646, %ge3A_3764 : vector<16xf32>
      %and3A_3766 = arith.andi %and3A_3762, %ge3A_3765 : vector<16xi1>
      %le3A_3767 = arith.constant 1.000000e+00 : f32
      %le3A_3768 = vector.broadcast %le3A_3767 : f32 to vector<16xf32>
      %le3A_3769 = arith.cmpf ole, %get3A_3646, %le3A_3768 : vector<16xf32>
      %and3A_3770 = arith.andi %and3A_3766, %le3A_3769 : vector<16xi1>
      %jit3A_3771 = arith.constant 1.000000e+00 : f32
      %jit3A_3772 = arith.constant 0.000000e+00 : f32
      %broadcast_in_dim3A_3773 = vector.broadcast %jit3A_3771 : f32 to vector<16xf32>
      %broadcast_in_dim3A_3774 = vector.broadcast %jit3A_3772 : f32 to vector<16xf32>
      %select_n3A_3775 = arith.select %and3A_3770, %broadcast_in_dim3A_3773, %broadcast_in_dim3A_3774 : vector<16xi1>, vector<16xf32>
      %add3A_3776 = arith.constant 1 : i32
      %add3A_3777 = vector.broadcast %add3A_3776 : i32 to vector<16xi32>
      %add3A_3778 = arith.addi %sub3A_3738, %add3A_3777 : vector<16xi32>
      %add3A_3779 = arith.constant 1 : i32
      %add3A_3780 = vector.broadcast %add3A_3779 : i32 to vector<16xi32>
      %add3A_3781 = arith.addi %sub3A_3745, %add3A_3780 : vector<16xi32>
      %ge3A_3782 = arith.constant 0 : i32
      %ge3A_3783 = vector.broadcast %ge3A_3782 : i32 to vector<16xi32>
      %ge3A_3784 = arith.cmpi sge, %sub3A_3738, %ge3A_3783 : vector<16xi32>
      %le3A_3785 = arith.constant 255 : i32
      %le3A_3786 = vector.broadcast %le3A_3785 : i32 to vector<16xi32>
      %le3A_3787 = arith.cmpi sle, %sub3A_3738, %le3A_3786 : vector<16xi32>
      %and3A_3788 = arith.andi %ge3A_3784, %le3A_3787 : vector<16xi1>
      %jit3A_3789 = arith.constant 1.000000e+00 : f32
      %jit3A_3790 = arith.constant 0.000000e+00 : f32
      %broadcast_in_dim3A_3791 = vector.broadcast %jit3A_3789 : f32 to vector<16xf32>
      %broadcast_in_dim3A_3792 = vector.broadcast %jit3A_3790 : f32 to vector<16xf32>
      %select_n3A_3793 = arith.select %and3A_3788, %broadcast_in_dim3A_3791, %broadcast_in_dim3A_3792 : vector<16xi1>, vector<16xf32>
      %ge3A_3794 = arith.constant 0 : i32
      %ge3A_3795 = vector.broadcast %ge3A_3794 : i32 to vector<16xi32>
      %ge3A_3796 = arith.cmpi sge, %add3A_3778, %ge3A_3795 : vector<16xi32>
      %le3A_3797 = arith.constant 255 : i32
      %le3A_3798 = vector.broadcast %le3A_3797 : i32 to vector<16xi32>
      %le3A_3799 = arith.cmpi sle, %add3A_3778, %le3A_3798 : vector<16xi32>
      %and3A_3800 = arith.andi %ge3A_3796, %le3A_3799 : vector<16xi1>
      %jit3A_3801 = arith.constant 1.000000e+00 : f32
      %jit3A_3802 = arith.constant 0.000000e+00 : f32
      %broadcast_in_dim3A_3803 = vector.broadcast %jit3A_3801 : f32 to vector<16xf32>
      %broadcast_in_dim3A_3804 = vector.broadcast %jit3A_3802 : f32 to vector<16xf32>
      %select_n3A_3805 = arith.select %and3A_3800, %broadcast_in_dim3A_3803, %broadcast_in_dim3A_3804 : vector<16xi1>, vector<16xf32>
      %ge3A_3806 = arith.constant 0 : i32
      %ge3A_3807 = vector.broadcast %ge3A_3806 : i32 to vector<16xi32>
      %ge3A_3808 = arith.cmpi sge, %sub3A_3745, %ge3A_3807 : vector<16xi32>
      %le3A_3809 = arith.constant 16383 : i32
      %le3A_3810 = vector.broadcast %le3A_3809 : i32 to vector<16xi32>
      %le3A_3811 = arith.cmpi sle, %sub3A_3745, %le3A_3810 : vector<16xi32>
      %and3A_3812 = arith.andi %ge3A_3808, %le3A_3811 : vector<16xi1>
      %jit3A_3813 = arith.constant 0.000000e+00 : f32
      %broadcast_in_dim3A_3814 = vector.broadcast %jit3A_3813 : f32 to vector<16xf32>
      %select_n3A_3815 = arith.select %and3A_3812, %select_n3A_3775, %broadcast_in_dim3A_3814 : vector<16xi1>, vector<16xf32>
      %ge3A_3816 = arith.constant 0 : i32
      %ge3A_3817 = vector.broadcast %ge3A_3816 : i32 to vector<16xi32>
      %ge3A_3818 = arith.cmpi sge, %add3A_3781, %ge3A_3817 : vector<16xi32>
      %le3A_3819 = arith.constant 16383 : i32
      %le3A_3820 = vector.broadcast %le3A_3819 : i32 to vector<16xi32>
      %le3A_3821 = arith.cmpi sle, %add3A_3781, %le3A_3820 : vector<16xi32>
      %and3A_3822 = arith.andi %ge3A_3818, %le3A_3821 : vector<16xi1>
      %jit3A_3823 = arith.constant 0.000000e+00 : f32
      %broadcast_in_dim3A_3824 = vector.broadcast %jit3A_3823 : f32 to vector<16xf32>
      %select_n3A_3825 = arith.select %and3A_3822, %select_n3A_3775, %broadcast_in_dim3A_3824 : vector<16xi1>, vector<16xf32>
      %mul3A_3826 = arith.mulf %sub3A_3750, %select_n3A_3793 : vector<16xf32>
      %mul3A_3827 = arith.mulf %sub3A_3747, %select_n3A_3805 : vector<16xf32>
      %mul3A_3828 = arith.mulf %sub3A_3755, %select_n3A_3815 : vector<16xf32>
      %mul3A_3829 = arith.mulf %sub3A_3752, %select_n3A_3825 : vector<16xf32>
      %max3A_3830 = arith.constant 0 : i32
      %max3A_3831 = vector.broadcast %max3A_3830 : i32 to vector<16xi32>
      %max3A_3832 = arith.maxsi %sub3A_3738, %max3A_3831 : vector<16xi32>
      %min3A_3833 = arith.constant 255 : i32
      %min3A_3834 = vector.broadcast %min3A_3833 : i32 to vector<16xi32>
      %min3A_3835 = arith.minsi %max3A_3832, %min3A_3834 : vector<16xi32>
      %max3A_3836 = arith.constant 0 : i32
      %max3A_3837 = vector.broadcast %max3A_3836 : i32 to vector<16xi32>
      %max3A_3838 = arith.maxsi %add3A_3778, %max3A_3837 : vector<16xi32>
      %min3A_3839 = arith.constant 255 : i32
      %min3A_3840 = vector.broadcast %min3A_3839 : i32 to vector<16xi32>
      %min3A_3841 = arith.minsi %max3A_3838, %min3A_3840 : vector<16xi32>
      %max3A_3842 = arith.constant 0 : i32
      %max3A_3843 = vector.broadcast %max3A_3842 : i32 to vector<16xi32>
      %max3A_3844 = arith.maxsi %sub3A_3745, %max3A_3843 : vector<16xi32>
      %min3A_3845 = arith.constant 16383 : i32
      %min3A_3846 = vector.broadcast %min3A_3845 : i32 to vector<16xi32>
      %min3A_3847 = arith.minsi %max3A_3844, %min3A_3846 : vector<16xi32>
      %mul3A_3848 = arith.constant 256 : i32
      %mul3A_3849 = vector.broadcast %mul3A_3848 : i32 to vector<16xi32>
      %mul3A_3850 = arith.muli %min3A_3847, %mul3A_3849 : vector<16xi32>
      %max3A_3851 = arith.constant 0 : i32
      %max3A_3852 = vector.broadcast %max3A_3851 : i32 to vector<16xi32>
      %max3A_3853 = arith.maxsi %add3A_3781, %max3A_3852 : vector<16xi32>
      %min3A_3854 = arith.constant 16383 : i32
      %min3A_3855 = vector.broadcast %min3A_3854 : i32 to vector<16xi32>
      %min3A_3856 = arith.minsi %max3A_3853, %min3A_3855 : vector<16xi32>
      %mul3A_3857 = arith.constant 256 : i32
      %mul3A_3858 = vector.broadcast %mul3A_3857 : i32 to vector<16xi32>
      %mul3A_3859 = arith.muli %min3A_3856, %mul3A_3858 : vector<16xi32>
      %add3A_3860 = arith.addi %mul3A_3850, %min3A_3835 : vector<16xi32>
      %swap3A_3861 = arith.constant 96 : index
      %swap3A_3862 = tpu.vector_load %arg22[%swap3A_3861] {strides = array<i32>} : memref<128xi32, #tpu.memory_space<vmem>>, vector<16xi32>,
      %swap3A_3863 = vector.shape_cast %swap3A_3862 : vector<16xi32> to vector<16xi32>
      %swap3A_3864 = vector.shape_cast %add3A_3860 : vector<16xi32> to vector<16xi32>
      tpu.vector_store %arg22[%swap3A_3861], %swap3A_3864 {strides = array<i32>} : memref<128xi32, #tpu.memory_space<vmem>>, vector<16xi32>,
      %add3A_3865 = arith.addi %mul3A_3850, %min3A_3841 : vector<16xi32>
      %swap3A_3866 = arith.constant 96 : index
      %swap3A_3867 = tpu.vector_load %arg23[%swap3A_3866] {strides = array<i32>} : memref<128xi32, #tpu.memory_space<vmem>>, vector<16xi32>,
      %swap3A_3868 = vector.shape_cast %swap3A_3867 : vector<16xi32> to vector<16xi32>
      %swap3A_3869 = vector.shape_cast %add3A_3865 : vector<16xi32> to vector<16xi32>
      tpu.vector_store %arg23[%swap3A_3866], %swap3A_3869 {strides = array<i32>} : memref<128xi32, #tpu.memory_space<vmem>>, vector<16xi32>,
      %add3A_3870 = arith.addi %mul3A_3859, %min3A_3835 : vector<16xi32>
      %swap3A_3871 = arith.constant 96 : index
      %swap3A_3872 = tpu.vector_load %arg24[%swap3A_3871] {strides = array<i32>} : memref<128xi32, #tpu.memory_space<vmem>>, vector<16xi32>,
      %swap3A_3873 = vector.shape_cast %swap3A_3872 : vector<16xi32> to vector<16xi32>
      %swap3A_3874 = vector.shape_cast %add3A_3870 : vector<16xi32> to vector<16xi32>
      tpu.vector_store %arg24[%swap3A_3871], %swap3A_3874 {strides = array<i32>} : memref<128xi32, #tpu.memory_space<vmem>>, vector<16xi32>,
      %add3A_3875 = arith.addi %mul3A_3859, %min3A_3841 : vector<16xi32>
      %swap3A_3876 = arith.constant 96 : index
      %swap3A_3877 = tpu.vector_load %arg25[%swap3A_3876] {strides = array<i32>} : memref<128xi32, #tpu.memory_space<vmem>>, vector<16xi32>,
      %swap3A_3878 = vector.shape_cast %swap3A_3877 : vector<16xi32> to vector<16xi32>
      %swap3A_3879 = vector.shape_cast %add3A_3875 : vector<16xi32> to vector<16xi32>
      tpu.vector_store %arg25[%swap3A_3876], %swap3A_3879 {strides = array<i32>} : memref<128xi32, #tpu.memory_space<vmem>>, vector<16xi32>,
      %mul3A_3880 = arith.mulf %mul3A_3826, %mul3A_3828 : vector<16xf32>
      %swap3A_3881 = arith.constant 96 : index
      %swap3A_3882 = tpu.vector_load %arg26[%swap3A_3881] {strides = array<i32>} : memref<144xf32, #tpu.memory_space<vmem>>, vector<16xf32>,
      %swap3A_3883 = vector.shape_cast %swap3A_3882 : vector<16xf32> to vector<16xf32>
      %swap3A_3884 = vector.shape_cast %mul3A_3880 : vector<16xf32> to vector<16xf32>
      tpu.vector_store %arg26[%swap3A_3881], %swap3A_3884 {strides = array<i32>} : memref<144xf32, #tpu.memory_space<vmem>>, vector<16xf32>,
      %mul3A_3885 = arith.mulf %mul3A_3827, %mul3A_3828 : vector<16xf32>
      %swap3A_3886 = arith.constant 96 : index
      %swap3A_3887 = tpu.vector_load %arg27[%swap3A_3886] {strides = array<i32>} : memref<144xf32, #tpu.memory_space<vmem>>, vector<16xf32>,
      %swap3A_3888 = vector.shape_cast %swap3A_3887 : vector<16xf32> to vector<16xf32>
      %swap3A_3889 = vector.shape_cast %mul3A_3885 : vector<16xf32> to vector<16xf32>
      tpu.vector_store %arg27[%swap3A_3886], %swap3A_3889 {strides = array<i32>} : memref<144xf32, #tpu.memory_space<vmem>>, vector<16xf32>,
      %mul3A_3890 = arith.mulf %mul3A_3826, %mul3A_3829 : vector<16xf32>
      %swap3A_3891 = arith.constant 96 : index
      %swap3A_3892 = tpu.vector_load %arg28[%swap3A_3891] {strides = array<i32>} : memref<144xf32, #tpu.memory_space<vmem>>, vector<16xf32>,
      %swap3A_3893 = vector.shape_cast %swap3A_3892 : vector<16xf32> to vector<16xf32>
      %swap3A_3894 = vector.shape_cast %mul3A_3890 : vector<16xf32> to vector<16xf32>
      tpu.vector_store %arg28[%swap3A_3891], %swap3A_3894 {strides = array<i32>} : memref<144xf32, #tpu.memory_space<vmem>>, vector<16xf32>,
      %mul3A_3895 = arith.mulf %mul3A_3827, %mul3A_3829 : vector<16xf32>
      %swap3A_3896 = arith.constant 96 : index
      %swap3A_3897 = tpu.vector_load %arg29[%swap3A_3896] {strides = array<i32>} : memref<144xf32, #tpu.memory_space<vmem>>, vector<16xf32>,
      %swap3A_3898 = vector.shape_cast %swap3A_3897 : vector<16xf32> to vector<16xf32>
      %swap3A_3899 = vector.shape_cast %mul3A_3895 : vector<16xf32> to vector<16xf32>
      tpu.vector_store %arg29[%swap3A_3896], %swap3A_3899 {strides = array<i32>} : memref<144xf32, #tpu.memory_space<vmem>>, vector<16xf32>,
      %get3A_3900 = arith.constant 112 : index
      %get3A_3901 = tpu.vector_load %arg7[%get3A_3900] {strides = array<i32>} : memref<128xf32, #tpu.memory_space<vmem>>, vector<16xf32>,
      %get3A_3902 = vector.shape_cast %get3A_3901 : vector<16xf32> to vector<16xf32>
      %get3A_3903 = arith.constant 112 : index
      %get3A_3904 = tpu.vector_load %arg8[%get3A_3903] {strides = array<i32>} : memref<128xf32, #tpu.memory_space<vmem>>, vector<16xf32>,
      %get3A_3905 = vector.shape_cast %get3A_3904 : vector<16xf32> to vector<16xf32>
      %get3A_3906 = arith.constant 112 : index
      %get3A_3907 = tpu.vector_load %arg9[%get3A_3906] {strides = array<i32>} : memref<128xf32, #tpu.memory_space<vmem>>, vector<16xf32>,
      %get3A_3908 = vector.shape_cast %get3A_3907 : vector<16xf32> to vector<16xf32>
      %max3A_3909 = arith.constant 0.000000e+00 : f32
      %max3A_3910 = vector.broadcast %max3A_3909 : f32 to vector<16xf32>
      %max3A_3911 = arith.maximumf %get3A_3902, %max3A_3910 : vector<16xf32>
      %min3A_3912 = arith.constant 1.000000e+00 : f32
      %min3A_3913 = vector.broadcast %min3A_3912 : f32 to vector<16xf32>
      %min3A_3914 = arith.minimumf %max3A_3911, %min3A_3913 : vector<16xf32>
      %max3A_3915 = arith.constant 0.000000e+00 : f32
      %max3A_3916 = vector.broadcast %max3A_3915 : f32 to vector<16xf32>
      %max3A_3917 = arith.maximumf %get3A_3905, %max3A_3916 : vector<16xf32>
      %min3A_3918 = arith.constant 1.000000e+00 : f32
      %min3A_3919 = vector.broadcast %min3A_3918 : f32 to vector<16xf32>
      %min3A_3920 = arith.minimumf %max3A_3917, %min3A_3919 : vector<16xf32>
      %max3A_3921 = arith.constant 0.000000e+00 : f32
      %max3A_3922 = vector.broadcast %max3A_3921 : f32 to vector<16xf32>
      %max3A_3923 = arith.maximumf %get3A_3908, %max3A_3922 : vector<16xf32>
      %min3A_3924 = arith.constant 1.000000e+00 : f32
      %min3A_3925 = vector.broadcast %min3A_3924 : f32 to vector<16xf32>
      %min3A_3926 = arith.minimumf %max3A_3923, %min3A_3925 : vector<16xf32>
      %mul3A_3927 = arith.constant 4.000000e+00 : f32
      %mul3A_3928 = vector.broadcast %mul3A_3927 : f32 to vector<16xf32>
      %mul3A_3929 = arith.mulf %min3A_3914, %mul3A_3928 : vector<16xf32>
      %convert_element_type3A_3930 = arith.fptosi %mul3A_3929 : vector<16xf32> to vector<16xi32>
      %min3A_3931 = arith.constant 3 : i32
      %min3A_3932 = vector.broadcast %min3A_3931 : i32 to vector<16xi32>
      %min3A_3933 = arith.minsi %convert_element_type3A_3930, %min3A_3932 : vector<16xi32>
      %mul3A_3934 = arith.constant 4.000000e+00 : f32
      %mul3A_3935 = vector.broadcast %mul3A_3934 : f32 to vector<16xf32>
      %mul3A_3936 = arith.mulf %min3A_3920, %mul3A_3935 : vector<16xf32>
      %convert_element_type3A_3937 = arith.fptosi %mul3A_3936 : vector<16xf32> to vector<16xi32>
      %min3A_3938 = arith.constant 3 : i32
      %min3A_3939 = vector.broadcast %min3A_3938 : i32 to vector<16xi32>
      %min3A_3940 = arith.minsi %convert_element_type3A_3937, %min3A_3939 : vector<16xi32>
      %mul3A_3941 = arith.constant 4.000000e+00 : f32
      %mul3A_3942 = vector.broadcast %mul3A_3941 : f32 to vector<16xf32>
      %mul3A_3943 = arith.mulf %min3A_3926, %mul3A_3942 : vector<16xf32>
      %convert_element_type3A_3944 = arith.fptosi %mul3A_3943 : vector<16xf32> to vector<16xi32>
      %min3A_3945 = arith.constant 3 : i32
      %min3A_3946 = vector.broadcast %min3A_3945 : i32 to vector<16xi32>
      %min3A_3947 = arith.minsi %convert_element_type3A_3944, %min3A_3946 : vector<16xi32>
      %mul3A_3948 = arith.constant 16 : i32
      %mul3A_3949 = vector.broadcast %mul3A_3948 : i32 to vector<16xi32>
      %mul3A_3950 = arith.muli %min3A_3947, %mul3A_3949 : vector<16xi32>
      %mul3A_3951 = arith.constant 4 : i32
      %mul3A_3952 = vector.broadcast %mul3A_3951 : i32 to vector<16xi32>
      %mul3A_3953 = arith.muli %min3A_3940, %mul3A_3952 : vector<16xi32>
      %add3A_3954 = arith.addi %mul3A_3950, %mul3A_3953 : vector<16xi32>
      %add3A_3955 = arith.addi %add3A_3954, %min3A_3933 : vector<16xi32>
      %mul3A_3956 = arith.constant 1.024000e+03 : f32
      %mul3A_3957 = vector.broadcast %mul3A_3956 : f32 to vector<16xf32>
      %mul3A_3958 = arith.mulf %get3A_3902, %mul3A_3957 : vector<16xf32>
      %mul3A_3959 = arith.constant 1.024000e+03 : f32
      %mul3A_3960 = vector.broadcast %mul3A_3959 : f32 to vector<16xf32>
      %mul3A_3961 = arith.mulf %get3A_3905, %mul3A_3960 : vector<16xf32>
      %mul3A_3962 = arith.constant 3.906250e-03 : f32
      %mul3A_3963 = vector.broadcast %mul3A_3962 : f32 to vector<16xf32>
      %mul3A_3964 = arith.mulf %mul3A_3958, %mul3A_3963 : vector<16xf32>
      %convert_element_type3A_3965 = arith.fptosi %mul3A_3964 : vector<16xf32> to vector<16xi32>
      %convert_element_type3A_3966 = arith.sitofp %convert_element_type3A_3965 : vector<16xi32> to vector<16xf32>
      %mul3A_3967 = arith.constant 2.560000e+02 : f32
      %mul3A_3968 = vector.broadcast %mul3A_3967 : f32 to vector<16xf32>
      %mul3A_3969 = arith.mulf %convert_element_type3A_3966, %mul3A_3968 : vector<16xf32>
      %sub3A_3970 = arith.subf %mul3A_3958, %mul3A_3969 : vector<16xf32>
      %mul3A_3971 = arith.constant 3.906250e-03 : f32
      %mul3A_3972 = vector.broadcast %mul3A_3971 : f32 to vector<16xf32>
      %mul3A_3973 = arith.mulf %mul3A_3961, %mul3A_3972 : vector<16xf32>
      %convert_element_type3A_3974 = arith.fptosi %mul3A_3973 : vector<16xf32> to vector<16xi32>
      %convert_element_type3A_3975 = arith.sitofp %convert_element_type3A_3974 : vector<16xi32> to vector<16xf32>
      %mul3A_3976 = arith.constant 2.560000e+02 : f32
      %mul3A_3977 = vector.broadcast %mul3A_3976 : f32 to vector<16xf32>
      %mul3A_3978 = arith.mulf %convert_element_type3A_3975, %mul3A_3977 : vector<16xf32>
      %sub3A_3979 = arith.subf %mul3A_3961, %mul3A_3978 : vector<16xf32>
      %sub3A_3980 = arith.constant 5.000000e-01 : f32
      %sub3A_3981 = vector.broadcast %sub3A_3980 : f32 to vector<16xf32>
      %sub3A_3982 = arith.subf %sub3A_3970, %sub3A_3981 : vector<16xf32>
      %convert_element_type3A_3983 = arith.sitofp %add3A_3955 : vector<16xi32> to vector<16xf32>
      %mul3A_3984 = arith.constant 2.560000e+02 : f32
      %mul3A_3985 = vector.broadcast %mul3A_3984 : f32 to vector<16xf32>
      %mul3A_3986 = arith.mulf %convert_element_type3A_3983, %mul3A_3985 : vector<16xf32>
      %add3A_3987 = arith.addf %sub3A_3979, %mul3A_3986 : vector<16xf32>
      %sub3A_3988 = arith.constant 5.000000e-01 : f32
      %sub3A_3989 = vector.broadcast %sub3A_3988 : f32 to vector<16xf32>
      %sub3A_3990 = arith.subf %add3A_3987, %sub3A_3989 : vector<16xf32>
      %add3A_3991 = arith.constant 1.000000e+00 : f32
      %add3A_3992 = vector.broadcast %add3A_3991 : f32 to vector<16xf32>
      %add3A_3993 = arith.addf %sub3A_3982, %add3A_3992 : vector<16xf32>
      %convert_element_type3A_3994 = arith.fptosi %add3A_3993 : vector<16xf32> to vector<16xi32>
      %sub3A_3995 = arith.constant 1 : i32
      %sub3A_3996 = vector.broadcast %sub3A_3995 : i32 to vector<16xi32>
      %sub3A_3997 = arith.subi %convert_element_type3A_3994, %sub3A_3996 : vector<16xi32>
      %add3A_3998 = arith.constant 1.000000e+00 : f32
      %add3A_3999 = vector.broadcast %add3A_3998 : f32 to vector<16xf32>
      %add3A_4000 = arith.addf %sub3A_3990, %add3A_3999 : vector<16xf32>
      %convert_element_type3A_4001 = arith.fptosi %add3A_4000 : vector<16xf32> to vector<16xi32>
      %sub3A_4002 = arith.constant 1 : i32
      %sub3A_4003 = vector.broadcast %sub3A_4002 : i32 to vector<16xi32>
      %sub3A_4004 = arith.subi %convert_element_type3A_4001, %sub3A_4003 : vector<16xi32>
      %convert_element_type3A_4005 = arith.sitofp %sub3A_3997 : vector<16xi32> to vector<16xf32>
      %sub3A_4006 = arith.subf %sub3A_3982, %convert_element_type3A_4005 : vector<16xf32>
      %sub3A_4007 = arith.constant 1.000000e+00 : f32
      %sub3A_4008 = vector.broadcast %sub3A_4007 : f32 to vector<16xf32>
      %sub3A_4009 = arith.subf %sub3A_4008, %sub3A_4006 : vector<16xf32>
      %convert_element_type3A_4010 = arith.sitofp %sub3A_4004 : vector<16xi32> to vector<16xf32>
      %sub3A_4011 = arith.subf %sub3A_3990, %convert_element_type3A_4010 : vector<16xf32>
      %sub3A_4012 = arith.constant 1.000000e+00 : f32
      %sub3A_4013 = vector.broadcast %sub3A_4012 : f32 to vector<16xf32>
      %sub3A_4014 = arith.subf %sub3A_4013, %sub3A_4011 : vector<16xf32>
      %ge3A_4015 = arith.constant 0.000000e+00 : f32
      %ge3A_4016 = vector.broadcast %ge3A_4015 : f32 to vector<16xf32>
      %ge3A_4017 = arith.cmpf oge, %get3A_3902, %ge3A_4016 : vector<16xf32>
      %le3A_4018 = arith.constant 1.000000e+00 : f32
      %le3A_4019 = vector.broadcast %le3A_4018 : f32 to vector<16xf32>
      %le3A_4020 = arith.cmpf ole, %get3A_3902, %le3A_4019 : vector<16xf32>
      %and3A_4021 = arith.andi %ge3A_4017, %le3A_4020 : vector<16xi1>
      %ge3A_4022 = arith.constant 0.000000e+00 : f32
      %ge3A_4023 = vector.broadcast %ge3A_4022 : f32 to vector<16xf32>
      %ge3A_4024 = arith.cmpf oge, %get3A_3905, %ge3A_4023 : vector<16xf32>
      %and3A_4025 = arith.andi %and3A_4021, %ge3A_4024 : vector<16xi1>
      %le3A_4026 = arith.constant 1.000000e+00 : f32
      %le3A_4027 = vector.broadcast %le3A_4026 : f32 to vector<16xf32>
      %le3A_4028 = arith.cmpf ole, %get3A_3905, %le3A_4027 : vector<16xf32>
      %and3A_4029 = arith.andi %and3A_4025, %le3A_4028 : vector<16xi1>
      %jit3A_4030 = arith.constant 1.000000e+00 : f32
      %jit3A_4031 = arith.constant 0.000000e+00 : f32
      %broadcast_in_dim3A_4032 = vector.broadcast %jit3A_4030 : f32 to vector<16xf32>
      %broadcast_in_dim3A_4033 = vector.broadcast %jit3A_4031 : f32 to vector<16xf32>
      %select_n3A_4034 = arith.select %and3A_4029, %broadcast_in_dim3A_4032, %broadcast_in_dim3A_4033 : vector<16xi1>, vector<16xf32>
      %add3A_4035 = arith.constant 1 : i32
      %add3A_4036 = vector.broadcast %add3A_4035 : i32 to vector<16xi32>
      %add3A_4037 = arith.addi %sub3A_3997, %add3A_4036 : vector<16xi32>
      %add3A_4038 = arith.constant 1 : i32
      %add3A_4039 = vector.broadcast %add3A_4038 : i32 to vector<16xi32>
      %add3A_4040 = arith.addi %sub3A_4004, %add3A_4039 : vector<16xi32>
      %ge3A_4041 = arith.constant 0 : i32
      %ge3A_4042 = vector.broadcast %ge3A_4041 : i32 to vector<16xi32>
      %ge3A_4043 = arith.cmpi sge, %sub3A_3997, %ge3A_4042 : vector<16xi32>
      %le3A_4044 = arith.constant 255 : i32
      %le3A_4045 = vector.broadcast %le3A_4044 : i32 to vector<16xi32>
      %le3A_4046 = arith.cmpi sle, %sub3A_3997, %le3A_4045 : vector<16xi32>
      %and3A_4047 = arith.andi %ge3A_4043, %le3A_4046 : vector<16xi1>
      %jit3A_4048 = arith.constant 1.000000e+00 : f32
      %jit3A_4049 = arith.constant 0.000000e+00 : f32
      %broadcast_in_dim3A_4050 = vector.broadcast %jit3A_4048 : f32 to vector<16xf32>
      %broadcast_in_dim3A_4051 = vector.broadcast %jit3A_4049 : f32 to vector<16xf32>
      %select_n3A_4052 = arith.select %and3A_4047, %broadcast_in_dim3A_4050, %broadcast_in_dim3A_4051 : vector<16xi1>, vector<16xf32>
      %ge3A_4053 = arith.constant 0 : i32
      %ge3A_4054 = vector.broadcast %ge3A_4053 : i32 to vector<16xi32>
      %ge3A_4055 = arith.cmpi sge, %add3A_4037, %ge3A_4054 : vector<16xi32>
      %le3A_4056 = arith.constant 255 : i32
      %le3A_4057 = vector.broadcast %le3A_4056 : i32 to vector<16xi32>
      %le3A_4058 = arith.cmpi sle, %add3A_4037, %le3A_4057 : vector<16xi32>
      %and3A_4059 = arith.andi %ge3A_4055, %le3A_4058 : vector<16xi1>
      %jit3A_4060 = arith.constant 1.000000e+00 : f32
      %jit3A_4061 = arith.constant 0.000000e+00 : f32
      %broadcast_in_dim3A_4062 = vector.broadcast %jit3A_4060 : f32 to vector<16xf32>
      %broadcast_in_dim3A_4063 = vector.broadcast %jit3A_4061 : f32 to vector<16xf32>
      %select_n3A_4064 = arith.select %and3A_4059, %broadcast_in_dim3A_4062, %broadcast_in_dim3A_4063 : vector<16xi1>, vector<16xf32>
      %ge3A_4065 = arith.constant 0 : i32
      %ge3A_4066 = vector.broadcast %ge3A_4065 : i32 to vector<16xi32>
      %ge3A_4067 = arith.cmpi sge, %sub3A_4004, %ge3A_4066 : vector<16xi32>
      %le3A_4068 = arith.constant 16383 : i32
      %le3A_4069 = vector.broadcast %le3A_4068 : i32 to vector<16xi32>
      %le3A_4070 = arith.cmpi sle, %sub3A_4004, %le3A_4069 : vector<16xi32>
      %and3A_4071 = arith.andi %ge3A_4067, %le3A_4070 : vector<16xi1>
      %jit3A_4072 = arith.constant 0.000000e+00 : f32
      %broadcast_in_dim3A_4073 = vector.broadcast %jit3A_4072 : f32 to vector<16xf32>
      %select_n3A_4074 = arith.select %and3A_4071, %select_n3A_4034, %broadcast_in_dim3A_4073 : vector<16xi1>, vector<16xf32>
      %ge3A_4075 = arith.constant 0 : i32
      %ge3A_4076 = vector.broadcast %ge3A_4075 : i32 to vector<16xi32>
      %ge3A_4077 = arith.cmpi sge, %add3A_4040, %ge3A_4076 : vector<16xi32>
      %le3A_4078 = arith.constant 16383 : i32
      %le3A_4079 = vector.broadcast %le3A_4078 : i32 to vector<16xi32>
      %le3A_4080 = arith.cmpi sle, %add3A_4040, %le3A_4079 : vector<16xi32>
      %and3A_4081 = arith.andi %ge3A_4077, %le3A_4080 : vector<16xi1>
      %jit3A_4082 = arith.constant 0.000000e+00 : f32
      %broadcast_in_dim3A_4083 = vector.broadcast %jit3A_4082 : f32 to vector<16xf32>
      %select_n3A_4084 = arith.select %and3A_4081, %select_n3A_4034, %broadcast_in_dim3A_4083 : vector<16xi1>, vector<16xf32>
      %mul3A_4085 = arith.mulf %sub3A_4009, %select_n3A_4052 : vector<16xf32>
      %mul3A_4086 = arith.mulf %sub3A_4006, %select_n3A_4064 : vector<16xf32>
      %mul3A_4087 = arith.mulf %sub3A_4014, %select_n3A_4074 : vector<16xf32>
      %mul3A_4088 = arith.mulf %sub3A_4011, %select_n3A_4084 : vector<16xf32>
      %max3A_4089 = arith.constant 0 : i32
      %max3A_4090 = vector.broadcast %max3A_4089 : i32 to vector<16xi32>
      %max3A_4091 = arith.maxsi %sub3A_3997, %max3A_4090 : vector<16xi32>
      %min3A_4092 = arith.constant 255 : i32
      %min3A_4093 = vector.broadcast %min3A_4092 : i32 to vector<16xi32>
      %min3A_4094 = arith.minsi %max3A_4091, %min3A_4093 : vector<16xi32>
      %max3A_4095 = arith.constant 0 : i32
      %max3A_4096 = vector.broadcast %max3A_4095 : i32 to vector<16xi32>
      %max3A_4097 = arith.maxsi %add3A_4037, %max3A_4096 : vector<16xi32>
      %min3A_4098 = arith.constant 255 : i32
      %min3A_4099 = vector.broadcast %min3A_4098 : i32 to vector<16xi32>
      %min3A_4100 = arith.minsi %max3A_4097, %min3A_4099 : vector<16xi32>
      %max3A_4101 = arith.constant 0 : i32
      %max3A_4102 = vector.broadcast %max3A_4101 : i32 to vector<16xi32>
      %max3A_4103 = arith.maxsi %sub3A_4004, %max3A_4102 : vector<16xi32>
      %min3A_4104 = arith.constant 16383 : i32
      %min3A_4105 = vector.broadcast %min3A_4104 : i32 to vector<16xi32>
      %min3A_4106 = arith.minsi %max3A_4103, %min3A_4105 : vector<16xi32>
      %mul3A_4107 = arith.constant 256 : i32
      %mul3A_4108 = vector.broadcast %mul3A_4107 : i32 to vector<16xi32>
      %mul3A_4109 = arith.muli %min3A_4106, %mul3A_4108 : vector<16xi32>
      %max3A_4110 = arith.constant 0 : i32
      %max3A_4111 = vector.broadcast %max3A_4110 : i32 to vector<16xi32>
      %max3A_4112 = arith.maxsi %add3A_4040, %max3A_4111 : vector<16xi32>
      %min3A_4113 = arith.constant 16383 : i32
      %min3A_4114 = vector.broadcast %min3A_4113 : i32 to vector<16xi32>
      %min3A_4115 = arith.minsi %max3A_4112, %min3A_4114 : vector<16xi32>
      %mul3A_4116 = arith.constant 256 : i32
      %mul3A_4117 = vector.broadcast %mul3A_4116 : i32 to vector<16xi32>
      %mul3A_4118 = arith.muli %min3A_4115, %mul3A_4117 : vector<16xi32>
      %add3A_4119 = arith.addi %mul3A_4109, %min3A_4094 : vector<16xi32>
      %swap3A_4120 = arith.constant 112 : index
      %swap3A_4121 = tpu.vector_load %arg22[%swap3A_4120] {strides = array<i32>} : memref<128xi32, #tpu.memory_space<vmem>>, vector<16xi32>,
      %swap3A_4122 = vector.shape_cast %swap3A_4121 : vector<16xi32> to vector<16xi32>
      %swap3A_4123 = vector.shape_cast %add3A_4119 : vector<16xi32> to vector<16xi32>
      tpu.vector_store %arg22[%swap3A_4120], %swap3A_4123 {strides = array<i32>} : memref<128xi32, #tpu.memory_space<vmem>>, vector<16xi32>,
      %add3A_4124 = arith.addi %mul3A_4109, %min3A_4100 : vector<16xi32>
      %swap3A_4125 = arith.constant 112 : index
      %swap3A_4126 = tpu.vector_load %arg23[%swap3A_4125] {strides = array<i32>} : memref<128xi32, #tpu.memory_space<vmem>>, vector<16xi32>,
      %swap3A_4127 = vector.shape_cast %swap3A_4126 : vector<16xi32> to vector<16xi32>
      %swap3A_4128 = vector.shape_cast %add3A_4124 : vector<16xi32> to vector<16xi32>
      tpu.vector_store %arg23[%swap3A_4125], %swap3A_4128 {strides = array<i32>} : memref<128xi32, #tpu.memory_space<vmem>>, vector<16xi32>,
      %add3A_4129 = arith.addi %mul3A_4118, %min3A_4094 : vector<16xi32>
      %swap3A_4130 = arith.constant 112 : index
      %swap3A_4131 = tpu.vector_load %arg24[%swap3A_4130] {strides = array<i32>} : memref<128xi32, #tpu.memory_space<vmem>>, vector<16xi32>,
      %swap3A_4132 = vector.shape_cast %swap3A_4131 : vector<16xi32> to vector<16xi32>
      %swap3A_4133 = vector.shape_cast %add3A_4129 : vector<16xi32> to vector<16xi32>
      tpu.vector_store %arg24[%swap3A_4130], %swap3A_4133 {strides = array<i32>} : memref<128xi32, #tpu.memory_space<vmem>>, vector<16xi32>,
      %add3A_4134 = arith.addi %mul3A_4118, %min3A_4100 : vector<16xi32>
      %swap3A_4135 = arith.constant 112 : index
      %swap3A_4136 = tpu.vector_load %arg25[%swap3A_4135] {strides = array<i32>} : memref<128xi32, #tpu.memory_space<vmem>>, vector<16xi32>,
      %swap3A_4137 = vector.shape_cast %swap3A_4136 : vector<16xi32> to vector<16xi32>
      %swap3A_4138 = vector.shape_cast %add3A_4134 : vector<16xi32> to vector<16xi32>
      tpu.vector_store %arg25[%swap3A_4135], %swap3A_4138 {strides = array<i32>} : memref<128xi32, #tpu.memory_space<vmem>>, vector<16xi32>,
      %mul3A_4139 = arith.mulf %mul3A_4085, %mul3A_4087 : vector<16xf32>
      %swap3A_4140 = arith.constant 112 : index
      %swap3A_4141 = tpu.vector_load %arg26[%swap3A_4140] {strides = array<i32>} : memref<144xf32, #tpu.memory_space<vmem>>, vector<16xf32>,
      %swap3A_4142 = vector.shape_cast %swap3A_4141 : vector<16xf32> to vector<16xf32>
      %swap3A_4143 = vector.shape_cast %mul3A_4139 : vector<16xf32> to vector<16xf32>
      tpu.vector_store %arg26[%swap3A_4140], %swap3A_4143 {strides = array<i32>} : memref<144xf32, #tpu.memory_space<vmem>>, vector<16xf32>,
      %mul3A_4144 = arith.mulf %mul3A_4086, %mul3A_4087 : vector<16xf32>
      %swap3A_4145 = arith.constant 112 : index
      %swap3A_4146 = tpu.vector_load %arg27[%swap3A_4145] {strides = array<i32>} : memref<144xf32, #tpu.memory_space<vmem>>, vector<16xf32>,
      %swap3A_4147 = vector.shape_cast %swap3A_4146 : vector<16xf32> to vector<16xf32>
      %swap3A_4148 = vector.shape_cast %mul3A_4144 : vector<16xf32> to vector<16xf32>
      tpu.vector_store %arg27[%swap3A_4145], %swap3A_4148 {strides = array<i32>} : memref<144xf32, #tpu.memory_space<vmem>>, vector<16xf32>,
      %mul3A_4149 = arith.mulf %mul3A_4085, %mul3A_4088 : vector<16xf32>
      %swap3A_4150 = arith.constant 112 : index
      %swap3A_4151 = tpu.vector_load %arg28[%swap3A_4150] {strides = array<i32>} : memref<144xf32, #tpu.memory_space<vmem>>, vector<16xf32>,
      %swap3A_4152 = vector.shape_cast %swap3A_4151 : vector<16xf32> to vector<16xf32>
      %swap3A_4153 = vector.shape_cast %mul3A_4149 : vector<16xf32> to vector<16xf32>
      tpu.vector_store %arg28[%swap3A_4150], %swap3A_4153 {strides = array<i32>} : memref<144xf32, #tpu.memory_space<vmem>>, vector<16xf32>,
      %mul3A_4154 = arith.mulf %mul3A_4086, %mul3A_4088 : vector<16xf32>
      %swap3A_4155 = arith.constant 112 : index
      %swap3A_4156 = tpu.vector_load %arg29[%swap3A_4155] {strides = array<i32>} : memref<144xf32, #tpu.memory_space<vmem>>, vector<16xf32>,
      %swap3A_4157 = vector.shape_cast %swap3A_4156 : vector<16xf32> to vector<16xf32>
      %swap3A_4158 = vector.shape_cast %mul3A_4154 : vector<16xf32> to vector<16xf32>
      tpu.vector_store %arg29[%swap3A_4155], %swap3A_4158 {strides = array<i32>} : memref<144xf32, #tpu.memory_space<vmem>>, vector<16xf32>,
      %dma_start3A_4159 = arith.constant 0 : i32
      %dma_start3A_4160 = arith.constant 0 : i32
      %dma_start3A_4161 = tpu.memref_slice %arg5[%dma_start3A_4159, %dma_start3A_4160] : memref<4194304x16xf32, #tpu.memory_space<hbm>> -> memref<4194304x16xf32, #tpu.memory_space<hbm>>
      tpu.enqueue_indirect_dma source(%dma_start3A_4161 : memref<4194304x16xf32, #tpu.memory_space<hbm>>) target(%arg30 : memref<128x16xf32, #tpu.memory_space<vmem>>) offsets(%arg22 : memref<128xi32, #tpu.memory_space<vmem>>) semaphore(%arg36 : memref<!tpu.dma_semaphore, #tpu.memory_space<semaphore_mem>>)
      %dma_start3A_4162 = arith.constant 0 : i32
      %dma_start3A_4163 = arith.constant 0 : i32
      %dma_start3A_4164 = tpu.memref_slice %arg5[%dma_start3A_4162, %dma_start3A_4163] : memref<4194304x16xf32, #tpu.memory_space<hbm>> -> memref<4194304x16xf32, #tpu.memory_space<hbm>>
      tpu.enqueue_indirect_dma source(%dma_start3A_4164 : memref<4194304x16xf32, #tpu.memory_space<hbm>>) target(%arg31 : memref<128x16xf32, #tpu.memory_space<vmem>>) offsets(%arg23 : memref<128xi32, #tpu.memory_space<vmem>>) semaphore(%arg36 : memref<!tpu.dma_semaphore, #tpu.memory_space<semaphore_mem>>)
      %dma_start3A_4165 = arith.constant 0 : i32
      %dma_start3A_4166 = arith.constant 0 : i32
      %dma_start3A_4167 = tpu.memref_slice %arg5[%dma_start3A_4165, %dma_start3A_4166] : memref<4194304x16xf32, #tpu.memory_space<hbm>> -> memref<4194304x16xf32, #tpu.memory_space<hbm>>
      tpu.enqueue_indirect_dma source(%dma_start3A_4167 : memref<4194304x16xf32, #tpu.memory_space<hbm>>) target(%arg32 : memref<128x16xf32, #tpu.memory_space<vmem>>) offsets(%arg24 : memref<128xi32, #tpu.memory_space<vmem>>) semaphore(%arg36 : memref<!tpu.dma_semaphore, #tpu.memory_space<semaphore_mem>>)
      %dma_start3A_4168 = arith.constant 0 : i32
      %dma_start3A_4169 = arith.constant 0 : i32
      %dma_start3A_4170 = tpu.memref_slice %arg5[%dma_start3A_4168, %dma_start3A_4169] : memref<4194304x16xf32, #tpu.memory_space<hbm>> -> memref<4194304x16xf32, #tpu.memory_space<hbm>>
      tpu.enqueue_indirect_dma source(%dma_start3A_4170 : memref<4194304x16xf32, #tpu.memory_space<hbm>>) target(%arg33 : memref<128x16xf32, #tpu.memory_space<vmem>>) offsets(%arg25 : memref<128xi32, #tpu.memory_space<vmem>>) semaphore(%arg36 : memref<!tpu.dma_semaphore, #tpu.memory_space<semaphore_mem>>)
      %dma_wait3A = arith.constant 0 : i32
      %dma_wait3A_4171 = arith.constant 0 : i32
      %dma_wait3A_4172 = tpu.memref_slice %arg5[%dma_wait3A, %dma_wait3A_4171] : memref<4194304x16xf32, #tpu.memory_space<hbm>> -> memref<4194304x16xf32, #tpu.memory_space<hbm>>
      tpu.wait_indirect_dma semaphore(%arg35 : memref<!tpu.dma_semaphore, #tpu.memory_space<semaphore_mem>>) src(%dma_wait3A_4172 : memref<4194304x16xf32, #tpu.memory_space<hbm>>) dst(%arg18 : memref<128x16xf32, #tpu.memory_space<vmem>>)
      %dma_wait3A_4173 = arith.constant 0 : i32
      %dma_wait3A_4174 = arith.constant 0 : i32
      %dma_wait3A_4175 = tpu.memref_slice %arg5[%dma_wait3A_4173, %dma_wait3A_4174] : memref<4194304x16xf32, #tpu.memory_space<hbm>> -> memref<4194304x16xf32, #tpu.memory_space<hbm>>
      tpu.wait_indirect_dma semaphore(%arg35 : memref<!tpu.dma_semaphore, #tpu.memory_space<semaphore_mem>>) src(%dma_wait3A_4175 : memref<4194304x16xf32, #tpu.memory_space<hbm>>) dst(%arg19 : memref<128x16xf32, #tpu.memory_space<vmem>>)
      %dma_wait3A_4176 = arith.constant 0 : i32
      %dma_wait3A_4177 = arith.constant 0 : i32
      %dma_wait3A_4178 = tpu.memref_slice %arg5[%dma_wait3A_4176, %dma_wait3A_4177] : memref<4194304x16xf32, #tpu.memory_space<hbm>> -> memref<4194304x16xf32, #tpu.memory_space<hbm>>
      tpu.wait_indirect_dma semaphore(%arg35 : memref<!tpu.dma_semaphore, #tpu.memory_space<semaphore_mem>>) src(%dma_wait3A_4178 : memref<4194304x16xf32, #tpu.memory_space<hbm>>) dst(%arg20 : memref<128x16xf32, #tpu.memory_space<vmem>>)
      %dma_wait3A_4179 = arith.constant 0 : i32
      %dma_wait3A_4180 = arith.constant 0 : i32
      %dma_wait3A_4181 = tpu.memref_slice %arg5[%dma_wait3A_4179, %dma_wait3A_4180] : memref<4194304x16xf32, #tpu.memory_space<hbm>> -> memref<4194304x16xf32, #tpu.memory_space<hbm>>
      tpu.wait_indirect_dma semaphore(%arg35 : memref<!tpu.dma_semaphore, #tpu.memory_space<semaphore_mem>>) src(%dma_wait3A_4181 : memref<4194304x16xf32, #tpu.memory_space<hbm>>) dst(%arg21 : memref<128x16xf32, #tpu.memory_space<vmem>>)
      %scan3A_4182 = arith.constant 0 : i32
      %scan3A_4183 = arith.constant 0 : i32
      %scan3A_4184 = arith.constant 128 : i32
      %scan3A_4185 = arith.addi %scan3A_4183, %scan3A_4184 : i32
      %scan3A_4186 = arith.constant 4 : i32
      scf.for %scan3A_4206 = %scan3A_4183 to %scan3A_4185 step %scan3A_4186  : i32 {
        %get3A_4207 = arith.index_cast %scan3A_4206 : i32 to index
        %get3A_4208 = arith.constant 0 : index
        %get3A_4209 = tpu.vector_load %arg18[%get3A_4207, %get3A_4208] {strides = array<i32>} : memref<128x16xf32, #tpu.memory_space<vmem>>, vector<1x16xf32>,
        %get3A_4210 = vector.shape_cast %get3A_4209 : vector<1x16xf32> to vector<16xf32>
        %get3A_4211 = arith.index_cast %scan3A_4206 : i32 to index
        %get3A_4212 = tpu.vector_load %arg14[%get3A_4211] {strides = array<i32>} : memref<144xf32, #tpu.memory_space<vmem>>, vector<16xf32>,
        %get3A_4213 = vector.shape_cast %get3A_4212 : vector<16xf32> to vector<16xf32>
        %slice3A = vector.extract_strided_slice %get3A_4213 {offsets = [0], sizes = [1], strides = [1]} : vector<16xf32> to vector<1xf32>
        %squeeze3A = vector.extract %slice3A[0] : f32 from vector<1xf32>
        %mul3A_4214 = vector.broadcast %squeeze3A : f32 to vector<16xf32>
        %mul3A_4215 = arith.mulf %get3A_4210, %mul3A_4214 : vector<16xf32>
        %get3A_4216 = arith.index_cast %scan3A_4206 : i32 to index
        %get3A_4217 = arith.constant 0 : index
        %get3A_4218 = tpu.vector_load %arg19[%get3A_4216, %get3A_4217] {strides = array<i32>} : memref<128x16xf32, #tpu.memory_space<vmem>>, vector<1x16xf32>,
        %get3A_4219 = vector.shape_cast %get3A_4218 : vector<1x16xf32> to vector<16xf32>
        %get3A_4220 = arith.index_cast %scan3A_4206 : i32 to index
        %get3A_4221 = tpu.vector_load %arg15[%get3A_4220] {strides = array<i32>} : memref<144xf32, #tpu.memory_space<vmem>>, vector<16xf32>,
        %get3A_4222 = vector.shape_cast %get3A_4221 : vector<16xf32> to vector<16xf32>
        %slice3A_4223 = vector.extract_strided_slice %get3A_4222 {offsets = [0], sizes = [1], strides = [1]} : vector<16xf32> to vector<1xf32>
        %squeeze3A_4224 = vector.extract %slice3A_4223[0] : f32 from vector<1xf32>
        %mul3A_4225 = vector.broadcast %squeeze3A_4224 : f32 to vector<16xf32>
        %mul3A_4226 = arith.mulf %get3A_4219, %mul3A_4225 : vector<16xf32>
        %add3A_4227 = arith.addf %mul3A_4215, %mul3A_4226 : vector<16xf32>
        %get3A_4228 = arith.index_cast %scan3A_4206 : i32 to index
        %get3A_4229 = arith.constant 0 : index
        %get3A_4230 = tpu.vector_load %arg20[%get3A_4228, %get3A_4229] {strides = array<i32>} : memref<128x16xf32, #tpu.memory_space<vmem>>, vector<1x16xf32>,
        %get3A_4231 = vector.shape_cast %get3A_4230 : vector<1x16xf32> to vector<16xf32>
        %get3A_4232 = arith.index_cast %scan3A_4206 : i32 to index
        %get3A_4233 = tpu.vector_load %arg16[%get3A_4232] {strides = array<i32>} : memref<144xf32, #tpu.memory_space<vmem>>, vector<16xf32>,
        %get3A_4234 = vector.shape_cast %get3A_4233 : vector<16xf32> to vector<16xf32>
        %slice3A_4235 = vector.extract_strided_slice %get3A_4234 {offsets = [0], sizes = [1], strides = [1]} : vector<16xf32> to vector<1xf32>
        %squeeze3A_4236 = vector.extract %slice3A_4235[0] : f32 from vector<1xf32>
        %mul3A_4237 = vector.broadcast %squeeze3A_4236 : f32 to vector<16xf32>
        %mul3A_4238 = arith.mulf %get3A_4231, %mul3A_4237 : vector<16xf32>
        %add3A_4239 = arith.addf %add3A_4227, %mul3A_4238 : vector<16xf32>
        %get3A_4240 = arith.index_cast %scan3A_4206 : i32 to index
        %get3A_4241 = arith.constant 0 : index
        %get3A_4242 = tpu.vector_load %arg21[%get3A_4240, %get3A_4241] {strides = array<i32>} : memref<128x16xf32, #tpu.memory_space<vmem>>, vector<1x16xf32>,
        %get3A_4243 = vector.shape_cast %get3A_4242 : vector<1x16xf32> to vector<16xf32>
        %get3A_4244 = arith.index_cast %scan3A_4206 : i32 to index
        %get3A_4245 = tpu.vector_load %arg17[%get3A_4244] {strides = array<i32>} : memref<144xf32, #tpu.memory_space<vmem>>, vector<16xf32>,
        %get3A_4246 = vector.shape_cast %get3A_4245 : vector<16xf32> to vector<16xf32>
        %slice3A_4247 = vector.extract_strided_slice %get3A_4246 {offsets = [0], sizes = [1], strides = [1]} : vector<16xf32> to vector<1xf32>
        %squeeze3A_4248 = vector.extract %slice3A_4247[0] : f32 from vector<1xf32>
        %mul3A_4249 = vector.broadcast %squeeze3A_4248 : f32 to vector<16xf32>
        %mul3A_4250 = arith.mulf %get3A_4243, %mul3A_4249 : vector<16xf32>
        %add3A_4251 = arith.addf %add3A_4239, %mul3A_4250 : vector<16xf32>
        %swap3A_4252 = arith.index_cast %scan3A_4206 : i32 to index
        %swap3A_4253 = arith.constant 0 : index
        %swap3A_4254 = tpu.vector_load %arg34[%swap3A_4252, %swap3A_4253] {strides = array<i32>} : memref<128x16xf32, #tpu.memory_space<vmem>>, vector<1x16xf32>,
        %swap3A_4255 = vector.shape_cast %swap3A_4254 : vector<1x16xf32> to vector<16xf32>
        %swap3A_4256 = vector.shape_cast %add3A_4251 : vector<16xf32> to vector<1x16xf32>
        tpu.vector_store %arg34[%swap3A_4252, %swap3A_4253], %swap3A_4256 {strides = array<i32>} : memref<128x16xf32, #tpu.memory_space<vmem>>, vector<1x16xf32>,
        %scan3A_4257 = arith.constant 1 : i32
        %scan3A_4258 = arith.addi %scan3A_4206, %scan3A_4257 : i32
        %get3A_4259 = arith.index_cast %scan3A_4258 : i32 to index
        %get3A_4260 = arith.constant 0 : index
        %get3A_4261 = tpu.vector_load %arg18[%get3A_4259, %get3A_4260] {strides = array<i32>} : memref<128x16xf32, #tpu.memory_space<vmem>>, vector<1x16xf32>,
        %get3A_4262 = vector.shape_cast %get3A_4261 : vector<1x16xf32> to vector<16xf32>
        %get3A_4263 = arith.index_cast %scan3A_4258 : i32 to index
        %get3A_4264 = tpu.vector_load %arg14[%get3A_4263] {strides = array<i32>} : memref<144xf32, #tpu.memory_space<vmem>>, vector<16xf32>,
        %get3A_4265 = vector.shape_cast %get3A_4264 : vector<16xf32> to vector<16xf32>
        %slice3A_4266 = vector.extract_strided_slice %get3A_4265 {offsets = [0], sizes = [1], strides = [1]} : vector<16xf32> to vector<1xf32>
        %squeeze3A_4267 = vector.extract %slice3A_4266[0] : f32 from vector<1xf32>
        %mul3A_4268 = vector.broadcast %squeeze3A_4267 : f32 to vector<16xf32>
        %mul3A_4269 = arith.mulf %get3A_4262, %mul3A_4268 : vector<16xf32>
        %get3A_4270 = arith.index_cast %scan3A_4258 : i32 to index
        %get3A_4271 = arith.constant 0 : index
        %get3A_4272 = tpu.vector_load %arg19[%get3A_4270, %get3A_4271] {strides = array<i32>} : memref<128x16xf32, #tpu.memory_space<vmem>>, vector<1x16xf32>,
        %get3A_4273 = vector.shape_cast %get3A_4272 : vector<1x16xf32> to vector<16xf32>
        %get3A_4274 = arith.index_cast %scan3A_4258 : i32 to index
        %get3A_4275 = tpu.vector_load %arg15[%get3A_4274] {strides = array<i32>} : memref<144xf32, #tpu.memory_space<vmem>>, vector<16xf32>,
        %get3A_4276 = vector.shape_cast %get3A_4275 : vector<16xf32> to vector<16xf32>
        %slice3A_4277 = vector.extract_strided_slice %get3A_4276 {offsets = [0], sizes = [1], strides = [1]} : vector<16xf32> to vector<1xf32>
        %squeeze3A_4278 = vector.extract %slice3A_4277[0] : f32 from vector<1xf32>
        %mul3A_4279 = vector.broadcast %squeeze3A_4278 : f32 to vector<16xf32>
        %mul3A_4280 = arith.mulf %get3A_4273, %mul3A_4279 : vector<16xf32>
        %add3A_4281 = arith.addf %mul3A_4269, %mul3A_4280 : vector<16xf32>
        %get3A_4282 = arith.index_cast %scan3A_4258 : i32 to index
        %get3A_4283 = arith.constant 0 : index
        %get3A_4284 = tpu.vector_load %arg20[%get3A_4282, %get3A_4283] {strides = array<i32>} : memref<128x16xf32, #tpu.memory_space<vmem>>, vector<1x16xf32>,
        %get3A_4285 = vector.shape_cast %get3A_4284 : vector<1x16xf32> to vector<16xf32>
        %get3A_4286 = arith.index_cast %scan3A_4258 : i32 to index
        %get3A_4287 = tpu.vector_load %arg16[%get3A_4286] {strides = array<i32>} : memref<144xf32, #tpu.memory_space<vmem>>, vector<16xf32>,
        %get3A_4288 = vector.shape_cast %get3A_4287 : vector<16xf32> to vector<16xf32>
        %slice3A_4289 = vector.extract_strided_slice %get3A_4288 {offsets = [0], sizes = [1], strides = [1]} : vector<16xf32> to vector<1xf32>
        %squeeze3A_4290 = vector.extract %slice3A_4289[0] : f32 from vector<1xf32>
        %mul3A_4291 = vector.broadcast %squeeze3A_4290 : f32 to vector<16xf32>
        %mul3A_4292 = arith.mulf %get3A_4285, %mul3A_4291 : vector<16xf32>
        %add3A_4293 = arith.addf %add3A_4281, %mul3A_4292 : vector<16xf32>
        %get3A_4294 = arith.index_cast %scan3A_4258 : i32 to index
        %get3A_4295 = arith.constant 0 : index
        %get3A_4296 = tpu.vector_load %arg21[%get3A_4294, %get3A_4295] {strides = array<i32>} : memref<128x16xf32, #tpu.memory_space<vmem>>, vector<1x16xf32>,
        %get3A_4297 = vector.shape_cast %get3A_4296 : vector<1x16xf32> to vector<16xf32>
        %get3A_4298 = arith.index_cast %scan3A_4258 : i32 to index
        %get3A_4299 = tpu.vector_load %arg17[%get3A_4298] {strides = array<i32>} : memref<144xf32, #tpu.memory_space<vmem>>, vector<16xf32>,
        %get3A_4300 = vector.shape_cast %get3A_4299 : vector<16xf32> to vector<16xf32>
        %slice3A_4301 = vector.extract_strided_slice %get3A_4300 {offsets = [0], sizes = [1], strides = [1]} : vector<16xf32> to vector<1xf32>
        %squeeze3A_4302 = vector.extract %slice3A_4301[0] : f32 from vector<1xf32>
        %mul3A_4303 = vector.broadcast %squeeze3A_4302 : f32 to vector<16xf32>
        %mul3A_4304 = arith.mulf %get3A_4297, %mul3A_4303 : vector<16xf32>
        %add3A_4305 = arith.addf %add3A_4293, %mul3A_4304 : vector<16xf32>
        %swap3A_4306 = arith.index_cast %scan3A_4258 : i32 to index
        %swap3A_4307 = arith.constant 0 : index
        %swap3A_4308 = tpu.vector_load %arg34[%swap3A_4306, %swap3A_4307] {strides = array<i32>} : memref<128x16xf32, #tpu.memory_space<vmem>>, vector<1x16xf32>,
        %swap3A_4309 = vector.shape_cast %swap3A_4308 : vector<1x16xf32> to vector<16xf32>
        %swap3A_4310 = vector.shape_cast %add3A_4305 : vector<16xf32> to vector<1x16xf32>
        tpu.vector_store %arg34[%swap3A_4306, %swap3A_4307], %swap3A_4310 {strides = array<i32>} : memref<128x16xf32, #tpu.memory_space<vmem>>, vector<1x16xf32>,
        %scan3A_4311 = arith.constant 2 : i32
        %scan3A_4312 = arith.addi %scan3A_4206, %scan3A_4311 : i32
        %get3A_4313 = arith.index_cast %scan3A_4312 : i32 to index
        %get3A_4314 = arith.constant 0 : index
        %get3A_4315 = tpu.vector_load %arg18[%get3A_4313, %get3A_4314] {strides = array<i32>} : memref<128x16xf32, #tpu.memory_space<vmem>>, vector<1x16xf32>,
        %get3A_4316 = vector.shape_cast %get3A_4315 : vector<1x16xf32> to vector<16xf32>
        %get3A_4317 = arith.index_cast %scan3A_4312 : i32 to index
        %get3A_4318 = tpu.vector_load %arg14[%get3A_4317] {strides = array<i32>} : memref<144xf32, #tpu.memory_space<vmem>>, vector<16xf32>,
        %get3A_4319 = vector.shape_cast %get3A_4318 : vector<16xf32> to vector<16xf32>
        %slice3A_4320 = vector.extract_strided_slice %get3A_4319 {offsets = [0], sizes = [1], strides = [1]} : vector<16xf32> to vector<1xf32>
        %squeeze3A_4321 = vector.extract %slice3A_4320[0] : f32 from vector<1xf32>
        %mul3A_4322 = vector.broadcast %squeeze3A_4321 : f32 to vector<16xf32>
        %mul3A_4323 = arith.mulf %get3A_4316, %mul3A_4322 : vector<16xf32>
        %get3A_4324 = arith.index_cast %scan3A_4312 : i32 to index
        %get3A_4325 = arith.constant 0 : index
        %get3A_4326 = tpu.vector_load %arg19[%get3A_4324, %get3A_4325] {strides = array<i32>} : memref<128x16xf32, #tpu.memory_space<vmem>>, vector<1x16xf32>,
        %get3A_4327 = vector.shape_cast %get3A_4326 : vector<1x16xf32> to vector<16xf32>
        %get3A_4328 = arith.index_cast %scan3A_4312 : i32 to index
        %get3A_4329 = tpu.vector_load %arg15[%get3A_4328] {strides = array<i32>} : memref<144xf32, #tpu.memory_space<vmem>>, vector<16xf32>,
        %get3A_4330 = vector.shape_cast %get3A_4329 : vector<16xf32> to vector<16xf32>
        %slice3A_4331 = vector.extract_strided_slice %get3A_4330 {offsets = [0], sizes = [1], strides = [1]} : vector<16xf32> to vector<1xf32>
        %squeeze3A_4332 = vector.extract %slice3A_4331[0] : f32 from vector<1xf32>
        %mul3A_4333 = vector.broadcast %squeeze3A_4332 : f32 to vector<16xf32>
        %mul3A_4334 = arith.mulf %get3A_4327, %mul3A_4333 : vector<16xf32>
        %add3A_4335 = arith.addf %mul3A_4323, %mul3A_4334 : vector<16xf32>
        %get3A_4336 = arith.index_cast %scan3A_4312 : i32 to index
        %get3A_4337 = arith.constant 0 : index
        %get3A_4338 = tpu.vector_load %arg20[%get3A_4336, %get3A_4337] {strides = array<i32>} : memref<128x16xf32, #tpu.memory_space<vmem>>, vector<1x16xf32>,
        %get3A_4339 = vector.shape_cast %get3A_4338 : vector<1x16xf32> to vector<16xf32>
        %get3A_4340 = arith.index_cast %scan3A_4312 : i32 to index
        %get3A_4341 = tpu.vector_load %arg16[%get3A_4340] {strides = array<i32>} : memref<144xf32, #tpu.memory_space<vmem>>, vector<16xf32>,
        %get3A_4342 = vector.shape_cast %get3A_4341 : vector<16xf32> to vector<16xf32>
        %slice3A_4343 = vector.extract_strided_slice %get3A_4342 {offsets = [0], sizes = [1], strides = [1]} : vector<16xf32> to vector<1xf32>
        %squeeze3A_4344 = vector.extract %slice3A_4343[0] : f32 from vector<1xf32>
        %mul3A_4345 = vector.broadcast %squeeze3A_4344 : f32 to vector<16xf32>
        %mul3A_4346 = arith.mulf %get3A_4339, %mul3A_4345 : vector<16xf32>
        %add3A_4347 = arith.addf %add3A_4335, %mul3A_4346 : vector<16xf32>
        %get3A_4348 = arith.index_cast %scan3A_4312 : i32 to index
        %get3A_4349 = arith.constant 0 : index
        %get3A_4350 = tpu.vector_load %arg21[%get3A_4348, %get3A_4349] {strides = array<i32>} : memref<128x16xf32, #tpu.memory_space<vmem>>, vector<1x16xf32>,
        %get3A_4351 = vector.shape_cast %get3A_4350 : vector<1x16xf32> to vector<16xf32>
        %get3A_4352 = arith.index_cast %scan3A_4312 : i32 to index
        %get3A_4353 = tpu.vector_load %arg17[%get3A_4352] {strides = array<i32>} : memref<144xf32, #tpu.memory_space<vmem>>, vector<16xf32>,
        %get3A_4354 = vector.shape_cast %get3A_4353 : vector<16xf32> to vector<16xf32>
        %slice3A_4355 = vector.extract_strided_slice %get3A_4354 {offsets = [0], sizes = [1], strides = [1]} : vector<16xf32> to vector<1xf32>
        %squeeze3A_4356 = vector.extract %slice3A_4355[0] : f32 from vector<1xf32>
        %mul3A_4357 = vector.broadcast %squeeze3A_4356 : f32 to vector<16xf32>
        %mul3A_4358 = arith.mulf %get3A_4351, %mul3A_4357 : vector<16xf32>
        %add3A_4359 = arith.addf %add3A_4347, %mul3A_4358 : vector<16xf32>
        %swap3A_4360 = arith.index_cast %scan3A_4312 : i32 to index
        %swap3A_4361 = arith.constant 0 : index
        %swap3A_4362 = tpu.vector_load %arg34[%swap3A_4360, %swap3A_4361] {strides = array<i32>} : memref<128x16xf32, #tpu.memory_space<vmem>>, vector<1x16xf32>,
        %swap3A_4363 = vector.shape_cast %swap3A_4362 : vector<1x16xf32> to vector<16xf32>
        %swap3A_4364 = vector.shape_cast %add3A_4359 : vector<16xf32> to vector<1x16xf32>
        tpu.vector_store %arg34[%swap3A_4360, %swap3A_4361], %swap3A_4364 {strides = array<i32>} : memref<128x16xf32, #tpu.memory_space<vmem>>, vector<1x16xf32>,
        %scan3A_4365 = arith.constant 3 : i32
        %scan3A_4366 = arith.addi %scan3A_4206, %scan3A_4365 : i32
        %get3A_4367 = arith.index_cast %scan3A_4366 : i32 to index
        %get3A_4368 = arith.constant 0 : index
        %get3A_4369 = tpu.vector_load %arg18[%get3A_4367, %get3A_4368] {strides = array<i32>} : memref<128x16xf32, #tpu.memory_space<vmem>>, vector<1x16xf32>,
        %get3A_4370 = vector.shape_cast %get3A_4369 : vector<1x16xf32> to vector<16xf32>
        %get3A_4371 = arith.index_cast %scan3A_4366 : i32 to index
        %get3A_4372 = tpu.vector_load %arg14[%get3A_4371] {strides = array<i32>} : memref<144xf32, #tpu.memory_space<vmem>>, vector<16xf32>,
        %get3A_4373 = vector.shape_cast %get3A_4372 : vector<16xf32> to vector<16xf32>
        %slice3A_4374 = vector.extract_strided_slice %get3A_4373 {offsets = [0], sizes = [1], strides = [1]} : vector<16xf32> to vector<1xf32>
        %squeeze3A_4375 = vector.extract %slice3A_4374[0] : f32 from vector<1xf32>
        %mul3A_4376 = vector.broadcast %squeeze3A_4375 : f32 to vector<16xf32>
        %mul3A_4377 = arith.mulf %get3A_4370, %mul3A_4376 : vector<16xf32>
        %get3A_4378 = arith.index_cast %scan3A_4366 : i32 to index
        %get3A_4379 = arith.constant 0 : index
        %get3A_4380 = tpu.vector_load %arg19[%get3A_4378, %get3A_4379] {strides = array<i32>} : memref<128x16xf32, #tpu.memory_space<vmem>>, vector<1x16xf32>,
        %get3A_4381 = vector.shape_cast %get3A_4380 : vector<1x16xf32> to vector<16xf32>
        %get3A_4382 = arith.index_cast %scan3A_4366 : i32 to index
        %get3A_4383 = tpu.vector_load %arg15[%get3A_4382] {strides = array<i32>} : memref<144xf32, #tpu.memory_space<vmem>>, vector<16xf32>,
        %get3A_4384 = vector.shape_cast %get3A_4383 : vector<16xf32> to vector<16xf32>
        %slice3A_4385 = vector.extract_strided_slice %get3A_4384 {offsets = [0], sizes = [1], strides = [1]} : vector<16xf32> to vector<1xf32>
        %squeeze3A_4386 = vector.extract %slice3A_4385[0] : f32 from vector<1xf32>
        %mul3A_4387 = vector.broadcast %squeeze3A_4386 : f32 to vector<16xf32>
        %mul3A_4388 = arith.mulf %get3A_4381, %mul3A_4387 : vector<16xf32>
        %add3A_4389 = arith.addf %mul3A_4377, %mul3A_4388 : vector<16xf32>
        %get3A_4390 = arith.index_cast %scan3A_4366 : i32 to index
        %get3A_4391 = arith.constant 0 : index
        %get3A_4392 = tpu.vector_load %arg20[%get3A_4390, %get3A_4391] {strides = array<i32>} : memref<128x16xf32, #tpu.memory_space<vmem>>, vector<1x16xf32>,
        %get3A_4393 = vector.shape_cast %get3A_4392 : vector<1x16xf32> to vector<16xf32>
        %get3A_4394 = arith.index_cast %scan3A_4366 : i32 to index
        %get3A_4395 = tpu.vector_load %arg16[%get3A_4394] {strides = array<i32>} : memref<144xf32, #tpu.memory_space<vmem>>, vector<16xf32>,
        %get3A_4396 = vector.shape_cast %get3A_4395 : vector<16xf32> to vector<16xf32>
        %slice3A_4397 = vector.extract_strided_slice %get3A_4396 {offsets = [0], sizes = [1], strides = [1]} : vector<16xf32> to vector<1xf32>
        %squeeze3A_4398 = vector.extract %slice3A_4397[0] : f32 from vector<1xf32>
        %mul3A_4399 = vector.broadcast %squeeze3A_4398 : f32 to vector<16xf32>
        %mul3A_4400 = arith.mulf %get3A_4393, %mul3A_4399 : vector<16xf32>
        %add3A_4401 = arith.addf %add3A_4389, %mul3A_4400 : vector<16xf32>
        %get3A_4402 = arith.index_cast %scan3A_4366 : i32 to index
        %get3A_4403 = arith.constant 0 : index
        %get3A_4404 = tpu.vector_load %arg21[%get3A_4402, %get3A_4403] {strides = array<i32>} : memref<128x16xf32, #tpu.memory_space<vmem>>, vector<1x16xf32>,
        %get3A_4405 = vector.shape_cast %get3A_4404 : vector<1x16xf32> to vector<16xf32>
        %get3A_4406 = arith.index_cast %scan3A_4366 : i32 to index
        %get3A_4407 = tpu.vector_load %arg17[%get3A_4406] {strides = array<i32>} : memref<144xf32, #tpu.memory_space<vmem>>, vector<16xf32>,
        %get3A_4408 = vector.shape_cast %get3A_4407 : vector<16xf32> to vector<16xf32>
        %slice3A_4409 = vector.extract_strided_slice %get3A_4408 {offsets = [0], sizes = [1], strides = [1]} : vector<16xf32> to vector<1xf32>
        %squeeze3A_4410 = vector.extract %slice3A_4409[0] : f32 from vector<1xf32>
        %mul3A_4411 = vector.broadcast %squeeze3A_4410 : f32 to vector<16xf32>
        %mul3A_4412 = arith.mulf %get3A_4405, %mul3A_4411 : vector<16xf32>
        %add3A_4413 = arith.addf %add3A_4401, %mul3A_4412 : vector<16xf32>
        %swap3A_4414 = arith.index_cast %scan3A_4366 : i32 to index
        %swap3A_4415 = arith.constant 0 : index
        %swap3A_4416 = tpu.vector_load %arg34[%swap3A_4414, %swap3A_4415] {strides = array<i32>} : memref<128x16xf32, #tpu.memory_space<vmem>>, vector<1x16xf32>,
        %swap3A_4417 = vector.shape_cast %swap3A_4416 : vector<1x16xf32> to vector<16xf32>
        %swap3A_4418 = vector.shape_cast %add3A_4413 : vector<16xf32> to vector<1x16xf32>
        tpu.vector_store %arg34[%swap3A_4414, %swap3A_4415], %swap3A_4418 {strides = array<i32>} : memref<128x16xf32, #tpu.memory_space<vmem>>, vector<1x16xf32>,
      }
      %scan3A_4187 = arith.constant 128 : i32
      "tpu.region"() ({
        %run_scoped3A = tpu.sem_alloc : memref<!tpu.dma_semaphore, #tpu.memory_space<semaphore_mem>>
        %dma_start3A_4206 = arith.constant 0 : i32
        %dma_start3A_4207 = tpu.memref_slice %arg6[%add3A_13, %dma_start3A_4206] : memref<1048576x16xf32, #tpu.memory_space<hbm>> -> memref<128x16xf32, #tpu.memory_space<hbm>>
        %dma_start3A_4208 = arith.constant 0 : i32
        %dma_start3A_4209 = tpu.memref_slice %arg6[%add3A_13, %dma_start3A_4208] : memref<1048576x16xf32, #tpu.memory_space<hbm>> -> memref<128x16xf32, #tpu.memory_space<hbm>>
        tpu.enqueue_dma source(%arg34 : memref<128x16xf32, #tpu.memory_space<vmem>>) target(%dma_start3A_4209 : memref<128x16xf32, #tpu.memory_space<hbm>>) target_semaphore(%run_scoped3A : memref<!tpu.dma_semaphore, #tpu.memory_space<semaphore_mem>>)
        %dma_wait3A_4210 = arith.constant 0 : i32
        %dma_wait3A_4211 = tpu.memref_slice %arg6[%add3A_13, %dma_wait3A_4210] : memref<1048576x16xf32, #tpu.memory_space<hbm>> -> memref<128x16xf32, #tpu.memory_space<hbm>>
        %dma_wait3A_4212 = arith.constant 0 : i32
        %dma_wait3A_4213 = tpu.memref_slice %arg6[%add3A_13, %dma_wait3A_4212] : memref<1048576x16xf32, #tpu.memory_space<hbm>> -> memref<128x16xf32, #tpu.memory_space<hbm>>
        tpu.wait_dma2 semaphore(%run_scoped3A : memref<!tpu.dma_semaphore, #tpu.memory_space<semaphore_mem>>) src(%arg34 : memref<128x16xf32, #tpu.memory_space<vmem>>) dst(%dma_wait3A_4213 : memref<128x16xf32, #tpu.memory_space<hbm>>)
        tpu.yield
      }) : () -> ()
      %dma_wait3A_4188 = arith.constant 0 : i32
      %dma_wait3A_4189 = arith.constant 0 : i32
      %dma_wait3A_4190 = tpu.memref_slice %arg5[%dma_wait3A_4188, %dma_wait3A_4189] : memref<4194304x16xf32, #tpu.memory_space<hbm>> -> memref<4194304x16xf32, #tpu.memory_space<hbm>>
      tpu.wait_indirect_dma semaphore(%arg36 : memref<!tpu.dma_semaphore, #tpu.memory_space<semaphore_mem>>) src(%dma_wait3A_4190 : memref<4194304x16xf32, #tpu.memory_space<hbm>>) dst(%arg30 : memref<128x16xf32, #tpu.memory_space<vmem>>)
      %dma_wait3A_4191 = arith.constant 0 : i32
      %dma_wait3A_4192 = arith.constant 0 : i32
      %dma_wait3A_4193 = tpu.memref_slice %arg5[%dma_wait3A_4191, %dma_wait3A_4192] : memref<4194304x16xf32, #tpu.memory_space<hbm>> -> memref<4194304x16xf32, #tpu.memory_space<hbm>>
      tpu.wait_indirect_dma semaphore(%arg36 : memref<!tpu.dma_semaphore, #tpu.memory_space<semaphore_mem>>) src(%dma_wait3A_4193 : memref<4194304x16xf32, #tpu.memory_space<hbm>>) dst(%arg31 : memref<128x16xf32, #tpu.memory_space<vmem>>)
      %dma_wait3A_4194 = arith.constant 0 : i32
      %dma_wait3A_4195 = arith.constant 0 : i32
      %dma_wait3A_4196 = tpu.memref_slice %arg5[%dma_wait3A_4194, %dma_wait3A_4195] : memref<4194304x16xf32, #tpu.memory_space<hbm>> -> memref<4194304x16xf32, #tpu.memory_space<hbm>>
      tpu.wait_indirect_dma semaphore(%arg36 : memref<!tpu.dma_semaphore, #tpu.memory_space<semaphore_mem>>) src(%dma_wait3A_4196 : memref<4194304x16xf32, #tpu.memory_space<hbm>>) dst(%arg32 : memref<128x16xf32, #tpu.memory_space<vmem>>)
      %dma_wait3A_4197 = arith.constant 0 : i32
      %dma_wait3A_4198 = arith.constant 0 : i32
      %dma_wait3A_4199 = tpu.memref_slice %arg5[%dma_wait3A_4197, %dma_wait3A_4198] : memref<4194304x16xf32, #tpu.memory_space<hbm>> -> memref<4194304x16xf32, #tpu.memory_space<hbm>>
      tpu.wait_indirect_dma semaphore(%arg36 : memref<!tpu.dma_semaphore, #tpu.memory_space<semaphore_mem>>) src(%dma_wait3A_4199 : memref<4194304x16xf32, #tpu.memory_space<hbm>>) dst(%arg33 : memref<128x16xf32, #tpu.memory_space<vmem>>)
      %scan3A_4200 = arith.constant 0 : i32
      %scan3A_4201 = arith.constant 0 : i32
      %scan3A_4202 = arith.constant 128 : i32
      %scan3A_4203 = arith.addi %scan3A_4201, %scan3A_4202 : i32
      %scan3A_4204 = arith.constant 4 : i32
      scf.for %scan3A_4206 = %scan3A_4201 to %scan3A_4203 step %scan3A_4204  : i32 {
        %get3A_4207 = arith.index_cast %scan3A_4206 : i32 to index
        %get3A_4208 = arith.constant 0 : index
        %get3A_4209 = tpu.vector_load %arg30[%get3A_4207, %get3A_4208] {strides = array<i32>} : memref<128x16xf32, #tpu.memory_space<vmem>>, vector<1x16xf32>,
        %get3A_4210 = vector.shape_cast %get3A_4209 : vector<1x16xf32> to vector<16xf32>
        %get3A_4211 = arith.index_cast %scan3A_4206 : i32 to index
        %get3A_4212 = tpu.vector_load %arg26[%get3A_4211] {strides = array<i32>} : memref<144xf32, #tpu.memory_space<vmem>>, vector<16xf32>,
        %get3A_4213 = vector.shape_cast %get3A_4212 : vector<16xf32> to vector<16xf32>
        %slice3A = vector.extract_strided_slice %get3A_4213 {offsets = [0], sizes = [1], strides = [1]} : vector<16xf32> to vector<1xf32>
        %squeeze3A = vector.extract %slice3A[0] : f32 from vector<1xf32>
        %mul3A_4214 = vector.broadcast %squeeze3A : f32 to vector<16xf32>
        %mul3A_4215 = arith.mulf %get3A_4210, %mul3A_4214 : vector<16xf32>
        %get3A_4216 = arith.index_cast %scan3A_4206 : i32 to index
        %get3A_4217 = arith.constant 0 : index
        %get3A_4218 = tpu.vector_load %arg31[%get3A_4216, %get3A_4217] {strides = array<i32>} : memref<128x16xf32, #tpu.memory_space<vmem>>, vector<1x16xf32>,
        %get3A_4219 = vector.shape_cast %get3A_4218 : vector<1x16xf32> to vector<16xf32>
        %get3A_4220 = arith.index_cast %scan3A_4206 : i32 to index
        %get3A_4221 = tpu.vector_load %arg27[%get3A_4220] {strides = array<i32>} : memref<144xf32, #tpu.memory_space<vmem>>, vector<16xf32>,
        %get3A_4222 = vector.shape_cast %get3A_4221 : vector<16xf32> to vector<16xf32>
        %slice3A_4223 = vector.extract_strided_slice %get3A_4222 {offsets = [0], sizes = [1], strides = [1]} : vector<16xf32> to vector<1xf32>
        %squeeze3A_4224 = vector.extract %slice3A_4223[0] : f32 from vector<1xf32>
        %mul3A_4225 = vector.broadcast %squeeze3A_4224 : f32 to vector<16xf32>
        %mul3A_4226 = arith.mulf %get3A_4219, %mul3A_4225 : vector<16xf32>
        %add3A_4227 = arith.addf %mul3A_4215, %mul3A_4226 : vector<16xf32>
        %get3A_4228 = arith.index_cast %scan3A_4206 : i32 to index
        %get3A_4229 = arith.constant 0 : index
        %get3A_4230 = tpu.vector_load %arg32[%get3A_4228, %get3A_4229] {strides = array<i32>} : memref<128x16xf32, #tpu.memory_space<vmem>>, vector<1x16xf32>,
        %get3A_4231 = vector.shape_cast %get3A_4230 : vector<1x16xf32> to vector<16xf32>
        %get3A_4232 = arith.index_cast %scan3A_4206 : i32 to index
        %get3A_4233 = tpu.vector_load %arg28[%get3A_4232] {strides = array<i32>} : memref<144xf32, #tpu.memory_space<vmem>>, vector<16xf32>,
        %get3A_4234 = vector.shape_cast %get3A_4233 : vector<16xf32> to vector<16xf32>
        %slice3A_4235 = vector.extract_strided_slice %get3A_4234 {offsets = [0], sizes = [1], strides = [1]} : vector<16xf32> to vector<1xf32>
        %squeeze3A_4236 = vector.extract %slice3A_4235[0] : f32 from vector<1xf32>
        %mul3A_4237 = vector.broadcast %squeeze3A_4236 : f32 to vector<16xf32>
        %mul3A_4238 = arith.mulf %get3A_4231, %mul3A_4237 : vector<16xf32>
        %add3A_4239 = arith.addf %add3A_4227, %mul3A_4238 : vector<16xf32>
        %get3A_4240 = arith.index_cast %scan3A_4206 : i32 to index
        %get3A_4241 = arith.constant 0 : index
        %get3A_4242 = tpu.vector_load %arg33[%get3A_4240, %get3A_4241] {strides = array<i32>} : memref<128x16xf32, #tpu.memory_space<vmem>>, vector<1x16xf32>,
        %get3A_4243 = vector.shape_cast %get3A_4242 : vector<1x16xf32> to vector<16xf32>
        %get3A_4244 = arith.index_cast %scan3A_4206 : i32 to index
        %get3A_4245 = tpu.vector_load %arg29[%get3A_4244] {strides = array<i32>} : memref<144xf32, #tpu.memory_space<vmem>>, vector<16xf32>,
        %get3A_4246 = vector.shape_cast %get3A_4245 : vector<16xf32> to vector<16xf32>
        %slice3A_4247 = vector.extract_strided_slice %get3A_4246 {offsets = [0], sizes = [1], strides = [1]} : vector<16xf32> to vector<1xf32>
        %squeeze3A_4248 = vector.extract %slice3A_4247[0] : f32 from vector<1xf32>
        %mul3A_4249 = vector.broadcast %squeeze3A_4248 : f32 to vector<16xf32>
        %mul3A_4250 = arith.mulf %get3A_4243, %mul3A_4249 : vector<16xf32>
        %add3A_4251 = arith.addf %add3A_4239, %mul3A_4250 : vector<16xf32>
        %swap3A_4252 = arith.index_cast %scan3A_4206 : i32 to index
        %swap3A_4253 = arith.constant 0 : index
        %swap3A_4254 = tpu.vector_load %arg34[%swap3A_4252, %swap3A_4253] {strides = array<i32>} : memref<128x16xf32, #tpu.memory_space<vmem>>, vector<1x16xf32>,
        %swap3A_4255 = vector.shape_cast %swap3A_4254 : vector<1x16xf32> to vector<16xf32>
        %swap3A_4256 = vector.shape_cast %add3A_4251 : vector<16xf32> to vector<1x16xf32>
        tpu.vector_store %arg34[%swap3A_4252, %swap3A_4253], %swap3A_4256 {strides = array<i32>} : memref<128x16xf32, #tpu.memory_space<vmem>>, vector<1x16xf32>,
        %scan3A_4257 = arith.constant 1 : i32
        %scan3A_4258 = arith.addi %scan3A_4206, %scan3A_4257 : i32
        %get3A_4259 = arith.index_cast %scan3A_4258 : i32 to index
        %get3A_4260 = arith.constant 0 : index
        %get3A_4261 = tpu.vector_load %arg30[%get3A_4259, %get3A_4260] {strides = array<i32>} : memref<128x16xf32, #tpu.memory_space<vmem>>, vector<1x16xf32>,
        %get3A_4262 = vector.shape_cast %get3A_4261 : vector<1x16xf32> to vector<16xf32>
        %get3A_4263 = arith.index_cast %scan3A_4258 : i32 to index
        %get3A_4264 = tpu.vector_load %arg26[%get3A_4263] {strides = array<i32>} : memref<144xf32, #tpu.memory_space<vmem>>, vector<16xf32>,
        %get3A_4265 = vector.shape_cast %get3A_4264 : vector<16xf32> to vector<16xf32>
        %slice3A_4266 = vector.extract_strided_slice %get3A_4265 {offsets = [0], sizes = [1], strides = [1]} : vector<16xf32> to vector<1xf32>
        %squeeze3A_4267 = vector.extract %slice3A_4266[0] : f32 from vector<1xf32>
        %mul3A_4268 = vector.broadcast %squeeze3A_4267 : f32 to vector<16xf32>
        %mul3A_4269 = arith.mulf %get3A_4262, %mul3A_4268 : vector<16xf32>
        %get3A_4270 = arith.index_cast %scan3A_4258 : i32 to index
        %get3A_4271 = arith.constant 0 : index
        %get3A_4272 = tpu.vector_load %arg31[%get3A_4270, %get3A_4271] {strides = array<i32>} : memref<128x16xf32, #tpu.memory_space<vmem>>, vector<1x16xf32>,
        %get3A_4273 = vector.shape_cast %get3A_4272 : vector<1x16xf32> to vector<16xf32>
        %get3A_4274 = arith.index_cast %scan3A_4258 : i32 to index
        %get3A_4275 = tpu.vector_load %arg27[%get3A_4274] {strides = array<i32>} : memref<144xf32, #tpu.memory_space<vmem>>, vector<16xf32>,
        %get3A_4276 = vector.shape_cast %get3A_4275 : vector<16xf32> to vector<16xf32>
        %slice3A_4277 = vector.extract_strided_slice %get3A_4276 {offsets = [0], sizes = [1], strides = [1]} : vector<16xf32> to vector<1xf32>
        %squeeze3A_4278 = vector.extract %slice3A_4277[0] : f32 from vector<1xf32>
        %mul3A_4279 = vector.broadcast %squeeze3A_4278 : f32 to vector<16xf32>
        %mul3A_4280 = arith.mulf %get3A_4273, %mul3A_4279 : vector<16xf32>
        %add3A_4281 = arith.addf %mul3A_4269, %mul3A_4280 : vector<16xf32>
        %get3A_4282 = arith.index_cast %scan3A_4258 : i32 to index
        %get3A_4283 = arith.constant 0 : index
        %get3A_4284 = tpu.vector_load %arg32[%get3A_4282, %get3A_4283] {strides = array<i32>} : memref<128x16xf32, #tpu.memory_space<vmem>>, vector<1x16xf32>,
        %get3A_4285 = vector.shape_cast %get3A_4284 : vector<1x16xf32> to vector<16xf32>
        %get3A_4286 = arith.index_cast %scan3A_4258 : i32 to index
        %get3A_4287 = tpu.vector_load %arg28[%get3A_4286] {strides = array<i32>} : memref<144xf32, #tpu.memory_space<vmem>>, vector<16xf32>,
        %get3A_4288 = vector.shape_cast %get3A_4287 : vector<16xf32> to vector<16xf32>
        %slice3A_4289 = vector.extract_strided_slice %get3A_4288 {offsets = [0], sizes = [1], strides = [1]} : vector<16xf32> to vector<1xf32>
        %squeeze3A_4290 = vector.extract %slice3A_4289[0] : f32 from vector<1xf32>
        %mul3A_4291 = vector.broadcast %squeeze3A_4290 : f32 to vector<16xf32>
        %mul3A_4292 = arith.mulf %get3A_4285, %mul3A_4291 : vector<16xf32>
        %add3A_4293 = arith.addf %add3A_4281, %mul3A_4292 : vector<16xf32>
        %get3A_4294 = arith.index_cast %scan3A_4258 : i32 to index
        %get3A_4295 = arith.constant 0 : index
        %get3A_4296 = tpu.vector_load %arg33[%get3A_4294, %get3A_4295] {strides = array<i32>} : memref<128x16xf32, #tpu.memory_space<vmem>>, vector<1x16xf32>,
        %get3A_4297 = vector.shape_cast %get3A_4296 : vector<1x16xf32> to vector<16xf32>
        %get3A_4298 = arith.index_cast %scan3A_4258 : i32 to index
        %get3A_4299 = tpu.vector_load %arg29[%get3A_4298] {strides = array<i32>} : memref<144xf32, #tpu.memory_space<vmem>>, vector<16xf32>,
        %get3A_4300 = vector.shape_cast %get3A_4299 : vector<16xf32> to vector<16xf32>
        %slice3A_4301 = vector.extract_strided_slice %get3A_4300 {offsets = [0], sizes = [1], strides = [1]} : vector<16xf32> to vector<1xf32>
        %squeeze3A_4302 = vector.extract %slice3A_4301[0] : f32 from vector<1xf32>
        %mul3A_4303 = vector.broadcast %squeeze3A_4302 : f32 to vector<16xf32>
        %mul3A_4304 = arith.mulf %get3A_4297, %mul3A_4303 : vector<16xf32>
        %add3A_4305 = arith.addf %add3A_4293, %mul3A_4304 : vector<16xf32>
        %swap3A_4306 = arith.index_cast %scan3A_4258 : i32 to index
        %swap3A_4307 = arith.constant 0 : index
        %swap3A_4308 = tpu.vector_load %arg34[%swap3A_4306, %swap3A_4307] {strides = array<i32>} : memref<128x16xf32, #tpu.memory_space<vmem>>, vector<1x16xf32>,
        %swap3A_4309 = vector.shape_cast %swap3A_4308 : vector<1x16xf32> to vector<16xf32>
        %swap3A_4310 = vector.shape_cast %add3A_4305 : vector<16xf32> to vector<1x16xf32>
        tpu.vector_store %arg34[%swap3A_4306, %swap3A_4307], %swap3A_4310 {strides = array<i32>} : memref<128x16xf32, #tpu.memory_space<vmem>>, vector<1x16xf32>,
        %scan3A_4311 = arith.constant 2 : i32
        %scan3A_4312 = arith.addi %scan3A_4206, %scan3A_4311 : i32
        %get3A_4313 = arith.index_cast %scan3A_4312 : i32 to index
        %get3A_4314 = arith.constant 0 : index
        %get3A_4315 = tpu.vector_load %arg30[%get3A_4313, %get3A_4314] {strides = array<i32>} : memref<128x16xf32, #tpu.memory_space<vmem>>, vector<1x16xf32>,
        %get3A_4316 = vector.shape_cast %get3A_4315 : vector<1x16xf32> to vector<16xf32>
        %get3A_4317 = arith.index_cast %scan3A_4312 : i32 to index
        %get3A_4318 = tpu.vector_load %arg26[%get3A_4317] {strides = array<i32>} : memref<144xf32, #tpu.memory_space<vmem>>, vector<16xf32>,
        %get3A_4319 = vector.shape_cast %get3A_4318 : vector<16xf32> to vector<16xf32>
        %slice3A_4320 = vector.extract_strided_slice %get3A_4319 {offsets = [0], sizes = [1], strides = [1]} : vector<16xf32> to vector<1xf32>
        %squeeze3A_4321 = vector.extract %slice3A_4320[0] : f32 from vector<1xf32>
        %mul3A_4322 = vector.broadcast %squeeze3A_4321 : f32 to vector<16xf32>
        %mul3A_4323 = arith.mulf %get3A_4316, %mul3A_4322 : vector<16xf32>
        %get3A_4324 = arith.index_cast %scan3A_4312 : i32 to index
        %get3A_4325 = arith.constant 0 : index
        %get3A_4326 = tpu.vector_load %arg31[%get3A_4324, %get3A_4325] {strides = array<i32>} : memref<128x16xf32, #tpu.memory_space<vmem>>, vector<1x16xf32>,
        %get3A_4327 = vector.shape_cast %get3A_4326 : vector<1x16xf32> to vector<16xf32>
        %get3A_4328 = arith.index_cast %scan3A_4312 : i32 to index
        %get3A_4329 = tpu.vector_load %arg27[%get3A_4328] {strides = array<i32>} : memref<144xf32, #tpu.memory_space<vmem>>, vector<16xf32>,
        %get3A_4330 = vector.shape_cast %get3A_4329 : vector<16xf32> to vector<16xf32>
        %slice3A_4331 = vector.extract_strided_slice %get3A_4330 {offsets = [0], sizes = [1], strides = [1]} : vector<16xf32> to vector<1xf32>
        %squeeze3A_4332 = vector.extract %slice3A_4331[0] : f32 from vector<1xf32>
        %mul3A_4333 = vector.broadcast %squeeze3A_4332 : f32 to vector<16xf32>
        %mul3A_4334 = arith.mulf %get3A_4327, %mul3A_4333 : vector<16xf32>
        %add3A_4335 = arith.addf %mul3A_4323, %mul3A_4334 : vector<16xf32>
        %get3A_4336 = arith.index_cast %scan3A_4312 : i32 to index
        %get3A_4337 = arith.constant 0 : index
        %get3A_4338 = tpu.vector_load %arg32[%get3A_4336, %get3A_4337] {strides = array<i32>} : memref<128x16xf32, #tpu.memory_space<vmem>>, vector<1x16xf32>,
        %get3A_4339 = vector.shape_cast %get3A_4338 : vector<1x16xf32> to vector<16xf32>
        %get3A_4340 = arith.index_cast %scan3A_4312 : i32 to index
        %get3A_4341 = tpu.vector_load %arg28[%get3A_4340] {strides = array<i32>} : memref<144xf32, #tpu.memory_space<vmem>>, vector<16xf32>,
        %get3A_4342 = vector.shape_cast %get3A_4341 : vector<16xf32> to vector<16xf32>
        %slice3A_4343 = vector.extract_strided_slice %get3A_4342 {offsets = [0], sizes = [1], strides = [1]} : vector<16xf32> to vector<1xf32>
        %squeeze3A_4344 = vector.extract %slice3A_4343[0] : f32 from vector<1xf32>
        %mul3A_4345 = vector.broadcast %squeeze3A_4344 : f32 to vector<16xf32>
        %mul3A_4346 = arith.mulf %get3A_4339, %mul3A_4345 : vector<16xf32>
        %add3A_4347 = arith.addf %add3A_4335, %mul3A_4346 : vector<16xf32>
        %get3A_4348 = arith.index_cast %scan3A_4312 : i32 to index
        %get3A_4349 = arith.constant 0 : index
        %get3A_4350 = tpu.vector_load %arg33[%get3A_4348, %get3A_4349] {strides = array<i32>} : memref<128x16xf32, #tpu.memory_space<vmem>>, vector<1x16xf32>,
        %get3A_4351 = vector.shape_cast %get3A_4350 : vector<1x16xf32> to vector<16xf32>
        %get3A_4352 = arith.index_cast %scan3A_4312 : i32 to index
        %get3A_4353 = tpu.vector_load %arg29[%get3A_4352] {strides = array<i32>} : memref<144xf32, #tpu.memory_space<vmem>>, vector<16xf32>,
        %get3A_4354 = vector.shape_cast %get3A_4353 : vector<16xf32> to vector<16xf32>
        %slice3A_4355 = vector.extract_strided_slice %get3A_4354 {offsets = [0], sizes = [1], strides = [1]} : vector<16xf32> to vector<1xf32>
        %squeeze3A_4356 = vector.extract %slice3A_4355[0] : f32 from vector<1xf32>
        %mul3A_4357 = vector.broadcast %squeeze3A_4356 : f32 to vector<16xf32>
        %mul3A_4358 = arith.mulf %get3A_4351, %mul3A_4357 : vector<16xf32>
        %add3A_4359 = arith.addf %add3A_4347, %mul3A_4358 : vector<16xf32>
        %swap3A_4360 = arith.index_cast %scan3A_4312 : i32 to index
        %swap3A_4361 = arith.constant 0 : index
        %swap3A_4362 = tpu.vector_load %arg34[%swap3A_4360, %swap3A_4361] {strides = array<i32>} : memref<128x16xf32, #tpu.memory_space<vmem>>, vector<1x16xf32>,
        %swap3A_4363 = vector.shape_cast %swap3A_4362 : vector<1x16xf32> to vector<16xf32>
        %swap3A_4364 = vector.shape_cast %add3A_4359 : vector<16xf32> to vector<1x16xf32>
        tpu.vector_store %arg34[%swap3A_4360, %swap3A_4361], %swap3A_4364 {strides = array<i32>} : memref<128x16xf32, #tpu.memory_space<vmem>>, vector<1x16xf32>,
        %scan3A_4365 = arith.constant 3 : i32
        %scan3A_4366 = arith.addi %scan3A_4206, %scan3A_4365 : i32
        %get3A_4367 = arith.index_cast %scan3A_4366 : i32 to index
        %get3A_4368 = arith.constant 0 : index
        %get3A_4369 = tpu.vector_load %arg30[%get3A_4367, %get3A_4368] {strides = array<i32>} : memref<128x16xf32, #tpu.memory_space<vmem>>, vector<1x16xf32>,
        %get3A_4370 = vector.shape_cast %get3A_4369 : vector<1x16xf32> to vector<16xf32>
        %get3A_4371 = arith.index_cast %scan3A_4366 : i32 to index
        %get3A_4372 = tpu.vector_load %arg26[%get3A_4371] {strides = array<i32>} : memref<144xf32, #tpu.memory_space<vmem>>, vector<16xf32>,
        %get3A_4373 = vector.shape_cast %get3A_4372 : vector<16xf32> to vector<16xf32>
        %slice3A_4374 = vector.extract_strided_slice %get3A_4373 {offsets = [0], sizes = [1], strides = [1]} : vector<16xf32> to vector<1xf32>
        %squeeze3A_4375 = vector.extract %slice3A_4374[0] : f32 from vector<1xf32>
        %mul3A_4376 = vector.broadcast %squeeze3A_4375 : f32 to vector<16xf32>
        %mul3A_4377 = arith.mulf %get3A_4370, %mul3A_4376 : vector<16xf32>
        %get3A_4378 = arith.index_cast %scan3A_4366 : i32 to index
        %get3A_4379 = arith.constant 0 : index
        %get3A_4380 = tpu.vector_load %arg31[%get3A_4378, %get3A_4379] {strides = array<i32>} : memref<128x16xf32, #tpu.memory_space<vmem>>, vector<1x16xf32>,
        %get3A_4381 = vector.shape_cast %get3A_4380 : vector<1x16xf32> to vector<16xf32>
        %get3A_4382 = arith.index_cast %scan3A_4366 : i32 to index
        %get3A_4383 = tpu.vector_load %arg27[%get3A_4382] {strides = array<i32>} : memref<144xf32, #tpu.memory_space<vmem>>, vector<16xf32>,
        %get3A_4384 = vector.shape_cast %get3A_4383 : vector<16xf32> to vector<16xf32>
        %slice3A_4385 = vector.extract_strided_slice %get3A_4384 {offsets = [0], sizes = [1], strides = [1]} : vector<16xf32> to vector<1xf32>
        %squeeze3A_4386 = vector.extract %slice3A_4385[0] : f32 from vector<1xf32>
        %mul3A_4387 = vector.broadcast %squeeze3A_4386 : f32 to vector<16xf32>
        %mul3A_4388 = arith.mulf %get3A_4381, %mul3A_4387 : vector<16xf32>
        %add3A_4389 = arith.addf %mul3A_4377, %mul3A_4388 : vector<16xf32>
        %get3A_4390 = arith.index_cast %scan3A_4366 : i32 to index
        %get3A_4391 = arith.constant 0 : index
        %get3A_4392 = tpu.vector_load %arg32[%get3A_4390, %get3A_4391] {strides = array<i32>} : memref<128x16xf32, #tpu.memory_space<vmem>>, vector<1x16xf32>,
        %get3A_4393 = vector.shape_cast %get3A_4392 : vector<1x16xf32> to vector<16xf32>
        %get3A_4394 = arith.index_cast %scan3A_4366 : i32 to index
        %get3A_4395 = tpu.vector_load %arg28[%get3A_4394] {strides = array<i32>} : memref<144xf32, #tpu.memory_space<vmem>>, vector<16xf32>,
        %get3A_4396 = vector.shape_cast %get3A_4395 : vector<16xf32> to vector<16xf32>
        %slice3A_4397 = vector.extract_strided_slice %get3A_4396 {offsets = [0], sizes = [1], strides = [1]} : vector<16xf32> to vector<1xf32>
        %squeeze3A_4398 = vector.extract %slice3A_4397[0] : f32 from vector<1xf32>
        %mul3A_4399 = vector.broadcast %squeeze3A_4398 : f32 to vector<16xf32>
        %mul3A_4400 = arith.mulf %get3A_4393, %mul3A_4399 : vector<16xf32>
        %add3A_4401 = arith.addf %add3A_4389, %mul3A_4400 : vector<16xf32>
        %get3A_4402 = arith.index_cast %scan3A_4366 : i32 to index
        %get3A_4403 = arith.constant 0 : index
        %get3A_4404 = tpu.vector_load %arg33[%get3A_4402, %get3A_4403] {strides = array<i32>} : memref<128x16xf32, #tpu.memory_space<vmem>>, vector<1x16xf32>,
        %get3A_4405 = vector.shape_cast %get3A_4404 : vector<1x16xf32> to vector<16xf32>
        %get3A_4406 = arith.index_cast %scan3A_4366 : i32 to index
        %get3A_4407 = tpu.vector_load %arg29[%get3A_4406] {strides = array<i32>} : memref<144xf32, #tpu.memory_space<vmem>>, vector<16xf32>,
        %get3A_4408 = vector.shape_cast %get3A_4407 : vector<16xf32> to vector<16xf32>
        %slice3A_4409 = vector.extract_strided_slice %get3A_4408 {offsets = [0], sizes = [1], strides = [1]} : vector<16xf32> to vector<1xf32>
        %squeeze3A_4410 = vector.extract %slice3A_4409[0] : f32 from vector<1xf32>
        %mul3A_4411 = vector.broadcast %squeeze3A_4410 : f32 to vector<16xf32>
        %mul3A_4412 = arith.mulf %get3A_4405, %mul3A_4411 : vector<16xf32>
        %add3A_4413 = arith.addf %add3A_4401, %mul3A_4412 : vector<16xf32>
        %swap3A_4414 = arith.index_cast %scan3A_4366 : i32 to index
        %swap3A_4415 = arith.constant 0 : index
        %swap3A_4416 = tpu.vector_load %arg34[%swap3A_4414, %swap3A_4415] {strides = array<i32>} : memref<128x16xf32, #tpu.memory_space<vmem>>, vector<1x16xf32>,
        %swap3A_4417 = vector.shape_cast %swap3A_4416 : vector<1x16xf32> to vector<16xf32>
        %swap3A_4418 = vector.shape_cast %add3A_4413 : vector<16xf32> to vector<1x16xf32>
        tpu.vector_store %arg34[%swap3A_4414, %swap3A_4415], %swap3A_4418 {strides = array<i32>} : memref<128x16xf32, #tpu.memory_space<vmem>>, vector<1x16xf32>,
      }
      %scan3A_4205 = arith.constant 128 : i32
      "tpu.region"() ({
        %run_scoped3A = tpu.sem_alloc : memref<!tpu.dma_semaphore, #tpu.memory_space<semaphore_mem>>
        %dma_start3A_4206 = arith.constant 0 : i32
        %dma_start3A_4207 = tpu.memref_slice %arg6[%add3A_15, %dma_start3A_4206] : memref<1048576x16xf32, #tpu.memory_space<hbm>> -> memref<128x16xf32, #tpu.memory_space<hbm>>
        %dma_start3A_4208 = arith.constant 0 : i32
        %dma_start3A_4209 = tpu.memref_slice %arg6[%add3A_15, %dma_start3A_4208] : memref<1048576x16xf32, #tpu.memory_space<hbm>> -> memref<128x16xf32, #tpu.memory_space<hbm>>
        tpu.enqueue_dma source(%arg34 : memref<128x16xf32, #tpu.memory_space<vmem>>) target(%dma_start3A_4209 : memref<128x16xf32, #tpu.memory_space<hbm>>) target_semaphore(%run_scoped3A : memref<!tpu.dma_semaphore, #tpu.memory_space<semaphore_mem>>)
        %dma_wait3A_4210 = arith.constant 0 : i32
        %dma_wait3A_4211 = tpu.memref_slice %arg6[%add3A_15, %dma_wait3A_4210] : memref<1048576x16xf32, #tpu.memory_space<hbm>> -> memref<128x16xf32, #tpu.memory_space<hbm>>
        %dma_wait3A_4212 = arith.constant 0 : i32
        %dma_wait3A_4213 = tpu.memref_slice %arg6[%add3A_15, %dma_wait3A_4212] : memref<1048576x16xf32, #tpu.memory_space<hbm>> -> memref<128x16xf32, #tpu.memory_space<hbm>>
        tpu.wait_dma2 semaphore(%run_scoped3A : memref<!tpu.dma_semaphore, #tpu.memory_space<semaphore_mem>>) src(%arg34 : memref<128x16xf32, #tpu.memory_space<vmem>>) dst(%dma_wait3A_4213 : memref<128x16xf32, #tpu.memory_space<hbm>>)
        tpu.yield
      }) : () -> ()
    }
    %scan3A_7 = arith.constant 128 : i32
    return
  }
}

</mosaic_0001>

<sc_bundles>
// kernel: _run.3.cloned.1.call-start
scs
__scs_entry_jumppad:
0x0: {  	(pc) =	sbr.rel $0x88, $3  }
0x1: {  	(tag) =	ssettag $0x0;
	lr =	simm.s32 $0x1  }
0x2: {  	[smem:$0x3F9D] =	sst lr;
	_ =	strace $0xD0000000  }
0x3: {  	_ = 	snop  }
0x4: {  	_ = 	snop  }
0x5: {  	_ = 	snop  }
0x6: {  	_ = 	snop  }
0x7: {  	_ = 	snop  }
__scs_overlays_trampoline_lowered:
0x8: {  	[smem:$0x3FAC] =	sst s0  }
0x9: {  	[smem:$0x3FAD] =	sst s1  }
0xa: {  	[smem:$0x3FAE] =	sst s2  }
0xb: {  	[smem:$0x3FAF] =	sst s3  }
0xc: {  	[smem:$0x3FB0] =	sst s4  }
0xd: {  	[smem:$0x3FB1] =	sst s5  }
0xe: {  	[smem:$0x3FB2] =	sst s6  }
0xf: {  	[smem:$0x3FB3] =	sst s7  }
0x10: {  	[smem:$0x3FB4] =	sst s8  }
0x11: {  	[smem:$0x3FB5] =	sst s9;
	s0 =	simm.s32 @!p0 $0x0  }
0x12: {  	s1 =	sld [smem:$0x3F9B];
	s0 =	simm.s32 @p0 $0x1  }
0x13: {  	[smem:$0x3FB6] =	sst s0;
	s0 =	simm.s32 @!p1 $0x0  }
0x14: {  	s2 =	sld [smem:$0x3F9A];
	s0 =	simm.s32 @p1 $0x1  }
0x15: {  	[smem:$0x3FB7] =	sst s0;
	s0 =	simm.s32 @!p2 $0x0  }
0x16: {  	s3 =	sld [smem:$0x3FDB];
	s0 =	simm.s32 @p2 $0x1  }
0x17: {  	s4 =	simm.s32 $0x1BF5;
	[smem:$0x3FB9] =	sst s0  }
0x18: {  	s0 =	sld [smem:$0x3F9C];
	_ =	swait.ge [sflag:s4], $0x0  }
0x19: {  	s7 =	sld [smem:$0x3F9D]  }
0x1a: {  	s8 =	sadd.s32 $0xFFFFE003, lr  }
0x1b: {  	s9 =	sadd.s32 $0xFFFFFEF7, lr;
	s5 =	simm.s32 $0xFFFFFFFF;
	p2 =	slt.u32 s8, $0xFFFFF086  }
0x1c: {  	p1 =	slt.u32 s9, $0xF7A;
	s5 =	simm.s32 @!p2 $0x0  }
0x1d: {  	s5 =	simm.s32 @p1 $0x1;
	p0 =	seq.s32 s7, s2  }
0x1e: {  	s7 =	smul.u32 @!p0 $0xF7A, s2;
	p2 =	seq.s32 @!p0 s5, $0x0  }
0x1f: {  	s9 =	smul.u32 $0xF7A, s1;
	s8 =	simm.s32 @!p0 $0x1BF5;
	p2 =	por !p2, p0  }
0x20: {  	[sflag:s8] =	ssyncset.s32 @!p0 $0xFFFFF086;
	s6 =	sadd.s32 @!p0 s3, s7;
	s7 =	simm.s32 @!p0 $0x108  }
0x21: {  	s3 =	sadd.s32 s3, s9;
	s6 =	sadd.s32 @!p0 $0x88, s6;
	s7 =	simm.s32 @p2 $0x1082  }
0x22: {  	[simem:s7], [sflag:s8] =	dma.local @!p0 [hbm:s6], $0xF7A  }
0x23: {  	s9 =	sor.u32 $0xD0000000, s2;
	s6 =	simm.s32 $0x108;
	_ =	swait.ge @!p0 [sflag:s8], $0x0  }
0x24: {  	s3 =	sadd.s32 $0x88, s3;
	s6 =	simm.s32 @!p1 $0x1082;
	[sflag:s4] =	ssyncset.s32 $0xFFFFF086  }
0x25: {  	[simem:s6], [sflag:s4] =	dma.local [hbm:s3], $0xF7A  }
0x26: {  	[smem:$0x3F9D] =	sst s1;
	(tag) =	ssettag s2;
	_ =	strace s9  }
0x27: {  	s1 =	sld [smem:$0x3FAD]  }
0x28: {  	s2 =	sld [smem:$0x3FAE]  }
0x29: {  	s4 =	sld [smem:$0x3FB0]  }
0x2a: {  	p0 =	seq.s32 s5, $0x0;
	s5 =	sld [smem:$0x3FB1]  }
0x2b: {  	s6 =	sld [smem:$0x3FB2]  }
0x2c: {  	s7 =	sld [smem:$0x3FB3]  }
0x2d: {  	s3 =	simm.s32 $0x108;
	s8 =	sld [smem:$0x3FB4]  }
0x2e: {  	s3 =	simm.s32 @!p0 $0x1082;
	s9 =	sld [smem:$0x3FB5]  }
0x2f: {  	lr =	sadd.s32 s0, s3;
	s0 =	sld [smem:$0x3FAC]  }
0x30: {  	s3 =	sld [smem:$0x3FAF]  }
0x31: {  	[smem:$0x3FB8] =	sst s10  }
0x32: {  	s10 =	sld [smem:$0x3FB6];
	_ =	sdelay $0x3  }
0x33: {  	p0 =	seq.s32 s10, $0x1;
	s10 =	sld [smem:$0x3FB8];
	_ =	sdelay $0x3  }
0x34: {  	[smem:$0x3FB8] =	sst s10  }
0x35: {  	s10 =	sld [smem:$0x3FB7];
	_ =	sdelay $0x3  }
0x36: {  	p1 =	seq.s32 s10, $0x1;
	s10 =	sld [smem:$0x3FB8];
	_ =	sdelay $0x3  }
0x37: {  	[smem:$0x3FB8] =	sst s10  }
0x38: {  	s10 =	sld [smem:$0x3FB9]  }
0x39: {  	_ = 	snop;
	(pc) =	sbr.ind lr, $3  }
0x3a: {  	_ = 	snop  }
0x3b: {  	_ = 	snop  }
0x3c: {  	p2 =	seq.s32 s10, $0x1;
	s10 =	sld [smem:$0x3FB8]  }
0x3d: {  	_ =	shalt  }
0x3e: {  	_ =	shalt  }
0x3f: {  	_ =	shalt  }
0x40: {  	_ =	shalt  }
0x41: {  	_ =	shalt  }
0x42: {  	_ =	shalt  }
0x43: {  	_ =	shalt  }
0x44: {  	_ =	shalt  }
0x45: {  	_ =	shalt  }
0x46: {  	_ =	shalt  }
0x47: {  	_ =	shalt  }
0x48: {  	_ =	shalt  }
0x49: {  	_ =	shalt  }
0x4a: {  	_ =	shalt  }
0x4b: {  	_ =	shalt  }
0x4c: {  	_ =	shalt  }
0x4d: {  	_ =	shalt  }
0x4e: {  	_ =	shalt  }
0x4f: {  	_ =	shalt  }
0x50: {  	_ =	shalt  }
0x51: {  	_ =	shalt  }
0x52: {  	_ =	shalt  }
0x53: {  	_ =	shalt  }
0x54: {  	_ =	shalt  }
0x55: {  	_ =	shalt  }
0x56: {  	_ =	shalt  }
0x57: {  	_ =	shalt  }
0x58: {  	_ =	shalt  }
0x59: {  	_ =	shalt  }
0x5a: {  	_ =	shalt  }
0x5b: {  	_ =	shalt  }
0x5c: {  	_ =	shalt  }
0x5d: {  	_ =	shalt  }
0x5e: {  	_ =	shalt  }
0x5f: {  	_ =	shalt  }
0x60: {  	_ =	shalt  }
0x61: {  	_ =	shalt  }
0x62: {  	_ =	shalt  }
0x63: {  	_ =	shalt  }
0x64: {  	_ =	shalt  }
0x65: {  	_ =	shalt  }
0x66: {  	_ =	shalt  }
0x67: {  	_ =	shalt  }
0x68: {  	_ =	shalt  }
0x69: {  	_ =	shalt  }
0x6a: {  	_ =	shalt  }
0x6b: {  	_ =	shalt  }
0x6c: {  	_ =	shalt  }
0x6d: {  	_ =	shalt  }
0x6e: {  	_ =	shalt  }
0x6f: {  	_ =	shalt  }
0x70: {  	_ =	shalt  }
0x71: {  	_ =	shalt  }
0x72: {  	_ =	shalt  }
0x73: {  	_ =	shalt  }
0x74: {  	_ =	shalt  }
0x75: {  	_ =	shalt  }
0x76: {  	_ =	shalt  }
0x77: {  	_ =	shalt  }
0x78: {  	_ =	shalt  }
0x79: {  	_ =	shalt  }
0x7a: {  	_ =	shalt  }
0x7b: {  	_ =	shalt  }
0x7c: {  	_ =	shalt  }
0x7d: {  	_ =	shalt  }
0x7e: {  	_ =	shalt  }
0x7f: {  	_ =	shalt  }
0x80: {  	_ =	shalt  }
0x81: {  	_ =	shalt  }
0x82: {  	_ =	shalt  }
0x83: {  	_ =	shalt  }
0x84: {  	_ =	shalt  }
0x85: {  	_ =	shalt  }
0x86: {  	_ =	shalt  }
0x87: {  	_ =	shalt  }
.Lfunc_end0:
.L_simem_size_0:
called_computation.1_lowered:
.L_overlay_start_0:
0x88: {  	s2 =	sld [smem:$0x3FD9]  }
0x89: {  	s3 =	sld [smem:$0x3FFE];
	_ =	sdelay $0x1  }
0x8a: {  	s1 =	srdreg.scid  }
0x8b: {  	s0 =	sand.u32 $0x1, s1  }
0x8c: {  	s17 =	sshll.u32 s0, $0xA;
	s2 =	sadd.s32 s3, s2  }
0x8d: {  	s2 =	sadd.s32 s2, s17  }
0x8e: {  	[smem:$0x3FC4] =	sst s2  }
0x8f: {  	_ = 	snop  }
0x90: {  	s2 =	sld [smem:$0x3FC9]  }
0x91: {  	s18 =	sld [smem:$0x3FC8]  }
0x92: {  	s4 =	sld [smem:$0x3FC7]  }
0x93: {  	s5 =	sld [smem:$0x3FD0];
	(tm) =	ssettm $0x1  }
0x94: {  	s6 =	sld [smem:$0x3FFB];
	_ =	sdelay $0x3  }
0x95: {  	_ =	strace s6  }
0x96: {  	s6 =	sld [smem:$0x3FFC];
	_ =	sdelay $0x3  }
0x97: {  	_ =	strace s6  }
0x98: {  	s6 =	sld [smem:$0x3FFD];
	_ =	sdelay $0x3  }
0x99: {  	_ =	strace s6  }
0x9a: {  	_ =	strace $0x8FFFFFFF  }
0x9b: {  	s19 =	sld [smem:$0x3FDB];
	_ =	sdelay $0x1  }
0x9c: {  	s7 =	simm.s32 $_scs_section_size  }
0x9d: {  	s8 =	simm.s32 $_size__tile_overlayer_lowered;
	s9 =	simm.s32 $_tile_overlayer_lowered  }
0x9e: {  	s22 =	simm.s32 $0x1BFF;
	s21 =	sshll.u32 s9, $0x1;
	s6 =	sadd.s32 s7, s19  }
0x9f: {  	s10 =	simm.s32 $0x0;
	s20 =	sshll.u32 s8, $0x1;
	s8 =	sadd.s32 s21, s6  }
0xa0: {  	[timem:s10], [sflag:s22] =	dma.local [hbm:s8], s20  }
0xa1: {  	_ =	swait.ge [sflag:s22], s20  }
0xa2: {  	s7 =	ssub.s32 $0x0, s20;
	[sflag:s22] =	ssyncset.done $0x0  }
0xa3: {  	[sflag:s22] =	ssyncadd.s32 s7;
	_ =	sdelay $0x1  }
0xa4: {  	s23 =	simm.s32 $0x1B8B  }
0xa5: {  	_ =	swait.ge [sflag:s23], $0x1  }
0xa6: {  	[sflag:s23] =	ssyncset.done $0x0  }
0xa7: {  	s25 =	simm.s32 $0x1B8E;
	s24 =	sld [smem:$0x3FFE];
	[sflag:s23] =	ssyncadd.s32 $0xFFFFFFFF  }
0xa8: {  	s26 =	simm.s32 $execute0_lowered;
	[smem:$0x3FD2] =	sst s25  }
0xa9: {  	s8 =	sshll.u32 s26, $0x1;
	_ =	strace $0x80000046;
	[dreg:$0x1] =	wrdreg $0xFFFFFFFF  }
0xaa: {  	s28 =	simm.s32 $_size_execute0_lowered;
	s6 =	sadd.s32 s6, s8;
	[dreg:$0x0] =	wrdreg $0x0  }
0xab: {  	s8 =	sshll.u32 s28, $0x1;
	[dreg:$0x2] =	wrdreg s6  }
0xac: {  	[dreg:$0x3] =	wrdreg s8  }
0xad: {  	[dreg:$0x4] =	wrdreg $0xC0  }
0xae: {  	_ =	task [dreg:s10], $0x5FFFF  }
0xaf: {  	[dreg:$0x1] =	wrdreg $0xFFFFFFFF  }
0xb0: {  	[dreg:$0x0] =	wrdreg $0x60  }
0xb1: {  	[dreg:$0x2] =	wrdreg s2  }
0xb2: {  	[dreg:$0x3] =	wrdreg s18  }
0xb3: {  	[dreg:$0x4] =	wrdreg s4  }
0xb4: {  	[dreg:$0x5] =	wrdreg s24  }
0xb5: {  	[dreg:$0x6] =	wrdreg s5  }
0xb6: {  	[dreg:$0x7] =	wrdreg $0x9  }
0xb7: {  	_ =	task.clear_ibuf [dreg:s10], $0x8FFFF;
	_ =	strace $0x90000046  }
0xb8: {  	s29 =	simm.s32 $0x9;
	_ =	strace $0x80000048  }
0xb9: {  	_ =	swait.ge [sflag:s29], $0x1  }
0xba: {  	[sflag:s29] =	ssyncadd.s32 $0xFFFFFFFF  }
0xbb: {  	_ =	strace $0x90000048  }
0xbc: {  	_ =	sfence  }
0xbd: {  	s30 =	sld [smem:$0x0];
	_ =	sdelay $0x2  }
0xbe: {  	s31 =	sshll.u32 s1, $0xD;
	s1 =	sshrl.u32 s1, $0x2  }
0xbf: {  	s3 =	sand.u32 $0x4000, s31;
	s1 =	sadd.s32 s1, s30  }
0xc0: {  	s0 =	sor.u32 s3, s0;
	s1 =	sshll.u32 s1, $0x11  }
0xc1: {  	s0 =	sor.u32 s1, s0  }
0xc2: {  	s0 =	sadd.s32 $0x8F2B, s0  }
0xc3: {  	[sflag:s0] =	ssyncadd.remote.s32 $0x1  }
0xc4: {  	_ =	sfence.sel $0xFFFF  }
0xc5: {  	[dreg:$0x0] =	wrdreg $0xFFFFFFFF;
	(pc) =	sbr.abs _section_cstart, $3  }
0xc6: {  	[dreg:$0x1] =	wrdreg $0xFFFFFFFF  }
0xc7: {  	_ =	task.clear_ibuf [dreg:s10], $0x2FFFF;
	_ =	strace $0x9FFFFFFF  }
0xc8: {  	(tm) =	ssettm $0x7FFFFFFF  }
0xc9: {  	_ =	shalt  }
tec
execute0_lowered:
.L_overlay_start_1:
0x0: {  	(tag) =	ssettag $0x1  }
0x1: {  	s0 =	rddreg [dreg:$0x3]  }
0x2: {  	s8 =	rddreg [dreg:$0x4];
	s5 =	simm.s32 $0x0;
	s1 =	srdreg.scid  }
0x3: {  	s4 =	stileid.u32;
	s10 =	simm.s32 $0x3;
	s11 =	simm.s32 $0x80  }
0x4: {  	s12 =	simm.s32 $0x100;
	s30 =	simm.s32 $0x1;
	s1 =	sand.u32 $0x1, s1  }
0x5: {  	s31 =	simm.s32 $0x4A00;
	[smem:$0x7FF] =	sst s5;
	s2 =	ssub.s32 $0x2, s1  }
0x6: {  	s4 =	sshll.u32 s4, $0x10;
	s1 =	sshll.u32 s1, $0xF;
	s3 =	sshrl.u32 s2, $0x1  }
0x7: {  	s7 =	sadd.s32 $0x4000800, s0;
	s1 =	sor.u32 s1, s4;
	s29 =	ssub.s32 s2, s3  }
0x8: {  	_ =	strace $0x80000047;
	[dreg:$0x6] =	wrdreg s1;
	s0 =	smax.u32 s29, $0x1  }
0x9: {  	v0 =	vimm.f32 $0.0e+00;
	s2 =	simm.s32 $0x0;
	[dreg:$0x7] =	wrdreg s0;
	s0 =	simm.s32 $0x2  }
.LBB2_1:
0xa: {  	[dreg:$0x8] =	wrdreg s2;
	s9 =	simm.s32 $0x0  }
.LBB2_2:
0xb: {  	s1 =	sshll.u32 s9, $0x8;
	s2 =	rddreg [dreg:$0x6]  }
0xc: {  	s6 =	sadd.s32 s2, s1  }
0xd: {  	s3 =	rddreg [dreg:$0x0];
	s1 =	sshrl.u32 s6, $0x3  }
0xe: {  	s19 =	sadd.s32 s3, s1  }
0xf: {  	[tilespmem:s5], [sflag:$0x3] =	stream.linear.gather [hbm4b:s19+s5], $0x80, $0x38;
	[tilespmem:$0x5200] =	vst v63  }
0x10: {  	_ =	swait.ge [sflag:s10], $0x80  }
0x11: {  	[sflag:s10] =	ssyncset.done $0x0  }
0x12: {  	[sflag:s10] =	ssyncadd.s32 $0xFFFFFF80  }
0x13: {  	s4 =	rddreg [dreg:$0x1]  }
0x14: {  	s20 =	sadd.s32 s4, s1  }
0x15: {  	[tilespmem:s11], [sflag:$0x3] =	stream.linear.gather [hbm4b:s20+s5], $0x80, $0x38;
	[tilespmem:$0x5200] =	vst v63  }
0x16: {  	_ =	swait.ge [sflag:s10], $0x80  }
0x17: {  	[sflag:s10] =	ssyncset.done $0x0  }
0x18: {  	[sflag:s10] =	ssyncadd.s32 $0xFFFFFF80  }
0x19: {  	s14 =	rddreg [dreg:$0x2]  }
0x1a: {  	s1 =	sadd.s32 s14, s1  }
0x1b: {  	[tilespmem:s12], [sflag:$0x3] =	stream.linear.gather [hbm4b:s1+s5], $0x80, $0x38;
	[tilespmem:$0x5200] =	vst v63  }
0x1c: {  	_ =	swait.ge [sflag:s10], $0x80  }
0x1d: {  	[sflag:s10] =	ssyncset.done $0x0  }
0x1e: {  	[sflag:s10] =	ssyncadd.s32 $0xFFFFFF80  }
0x1f: {  	v1 =	vld [tilespmem:$0x0]  }
0x20: {  	v2 =	vld [tilespmem:$0x80]  }
0x21: {  	v3 =	vld [tilespmem:$0x100]  }
0x22: {  	v11 =	vld [tilespmem:$0x10]  }
0x23: {  	v49 =	vld [tilespmem:$0x90];
	_ =	sdelay $0x2  }
0x24: {  	v4 =	vmax.f32 v1, $0.0e+00;
	v5 =	vmax.f32 v2, $0.0e+00;
	v3 =	vmax.f32 v3, $0.0e+00  }
0x25: {  	v6 =	vmul.f32 $1.024000000e+03, v2;
	v7 =	vmul.f32 $1.024000000e+03, v1;
	vm9 =	vge.f32 v2, $0.0e+00  }
0x26: {  	vm10 =	vle.f32 v2, $1.000000000e+00;
	v2 =	vmax.f32 v11, $0.0e+00;
	v13 =	vmax.f32 v49, $0.0e+00  }
0x27: {  	v17 =	vmul.f32 $1.024000000e+03, v49;
	v18 =	vmul.f32 $1.024000000e+03, v11;
	v4 =	vmin.f32 v4, $1.000000000e+00  }
0x28: {  	v5 =	vmin.f32 v5, $1.000000000e+00;
	v3 =	vmin.f32 v3, $1.000000000e+00;
	v4 =	vmul.f32 $4.000000000e+00, v4  }
0x29: {  	v2 =	vmin.f32 v2, $1.000000000e+00;
	v5 =	vmul.f32 $4.000000000e+00, v5;
	v3 =	vmul.f32 $4.000000000e+00, v3  }
0x2a: {  	v13 =	vmin.f32 v13, $1.000000000e+00;
	v8 =	vmul.f32 $3.906250000e-03, v6;
	v9 =	vmul.f32 $3.906250000e-03, v7  }
0x2b: {  	v2 =	vmul.f32 $4.000000000e+00, v2;
	v13 =	vmul.f32 $4.000000000e+00, v13  }
0x2c: {  	v19 =	vmul.f32 $3.906250000e-03, v17;
	v20 =	vmul.f32 $3.906250000e-03, v18  }
0x2d: {  	v4 =	vtrunc.f32 v4;
	v5 =	vtrunc.f32 v5  }
0x2e: {  	v33 =	vld [tilespmem:$0xA0];
	vm8 =	vge.f32 v1, $0.0e+00;
	v3 =	vtrunc.f32 v3;
	v8 =	vtrunc.f32 v8  }
0x2f: {  	vm2 =	vle.f32 v1, $1.000000000e+00;
	v1 =	vld [tilespmem:$0x110];
	v9 =	vtrunc.f32 v9;
	v2 =	vtrunc.f32 v2  }
0x30: {  	v13 =	vtrunc.f32 v13;
	v19 =	vtrunc.f32 v19  }
0x31: {  	v20 =	vtrunc.f32 v20;
	v4 =	vcvt.f32.s32 v4  }
0x32: {  	v5 =	vcvt.f32.s32 v5;
	v3 =	vcvt.f32.s32 v3  }
0x33: {  	v23 =	vmax.f32 v33, $0.0e+00;
	v8 =	vcvt.f32.s32 v8;
	v9 =	vcvt.f32.s32 v9  }
0x34: {  	v41 =	vld [tilespmem:$0x120];
	v1 =	vmax.f32 v1, $0.0e+00;
	v2 =	vcvt.f32.s32 v2;
	v13 =	vcvt.f32.s32 v13  }
0x35: {  	v19 =	vcvt.f32.s32 v19;
	v20 =	vcvt.f32.s32 v20;
	v1 =	vmin.f32 v1, $1.000000000e+00  }
0x36: {  	vm0 =	vlt.s32 v4, $0x3;
	vm1 =	vlt.s32 v5, $0x3;
	v42 =	vcvt.s32.f32 v8  }
0x37: {  	vm7 =	vlt.s32 v3, $0x3;
	v43 =	vcvt.s32.f32 v9;
	v1 =	vmul.f32 $4.000000000e+00, v1  }
0x38: {  	vm14 =	vlt.s32 v2, $0x3;
	vm15 =	vlt.s32 v13, $0x3;
	v51 =	vcvt.s32.f32 v19  }
0x39: {  	v9 =	vmax.f32 v41, $0.0e+00;
	v4 =	vnsel vm0, $0x3, v4;
	v5 =	vnsel vm1, $0x3, v5  }
0x3a: {  	v3 =	vnsel vm7, $0x3, v3;
	vm0 =	vmand vm8, vm9;
	v2 =	vnsel vm14, $0x3, v2  }
0x3b: {  	v13 =	vnsel vm15, $0x3, v13;
	v9 =	vmin.f32 v9, $1.000000000e+00;
	v5 =	vshll.u32 v5, $0x2  }
0x3c: {  	v3 =	vshll.u32 v3, $0x4;
	vm0 =	vmand vm0, vm2;
	v1 =	vtrunc.f32 v1  }
0x3d: {  	v13 =	vshll.u32 v13, $0x2;
	v9 =	vmul.f32 $4.000000000e+00, v9;
	v4 =	vadd.s32 v4, v5  }
0x3e: {  	v1 =	vcvt.f32.s32 v1;
	v3 =	vadd.s32 v3, v4;
	v4 =	vmul.f32 $2.560000000e+02, v43  }
0x3f: {  	v22 =	vld [tilespmem:$0x20];
	v5 =	vmul.f32 $2.560000000e+02, v42;
	vm0 =	vmand vm10, vm0;
	v3 =	vcvt.s32.f32 v3  }
0x40: {  	v2 =	vadd.s32 v2, v13;
	vm4 =	vlt.s32 v1, $0x3;
	v4 =	vsub.f32 v7, v4  }
0x41: {  	v5 =	vsub.f32 v6, v5;
	v1 =	vnsel vm4, $0x3, v1;
	v3 =	vmul.f32 $2.560000000e+02, v3  }
0x42: {  	v13 =	vmul.f32 $2.560000000e+02, v51;
	v1 =	vshll.u32 v1, $0x4;
	v4 =	vadd.f32 $-5.000000000e-01, v4  }
0x43: {  	v1 =	vadd.s32 v1, v2;
	v2 =	vcvt.s32.f32 v20;
	v3 =	vadd.f32 v3, v5  }
0x44: {  	vm10 =	vge.f32 v11, $0.0e+00;
	v42 =	vmax.f32 v22, $0.0e+00;
	v1 =	vcvt.s32.f32 v1  }
0x45: {  	v44 =	vadd.f32 $1.000000000e+00, v4;
	v2 =	vmul.f32 $2.560000000e+02, v2;
	v3 =	vadd.f32 $-5.000000000e-01, v3  }
0x46: {  	v9 =	vtrunc.f32 v9;
	v54 =	vsub.f32 v17, v13;
	v1 =	vmul.f32 $2.560000000e+02, v1  }
0x47: {  	v5 =	vtrunc.f32 v44;
	v2 =	vsub.f32 v18, v2;
	v45 =	vadd.f32 $1.000000000e+00, v3  }
0x48: {  	v14 =	vsel vm0, $0x3F800000, v0;
	v9 =	vcvt.f32.s32 v9;
	v5 =	vcvt.f32.s32 v5  }
0x49: {  	v1 =	vadd.f32 v1, v54;
	v56 =	vadd.f32 $-5.000000000e-01, v2;
	v6 =	vtrunc.f32 v45  }
0x4a: {  	v46 =	vadd.s32 $0xFFFFFFFF, v5;
	vm12 =	vlt.u32 v5, $0x100;
	vm7 =	vgt.s32 v5, $0x0  }
0x4b: {  	v57 =	vadd.f32 $-5.000000000e-01, v1;
	v45 =	vmin.f32 v23, $1.000000000e+00;
	v6 =	vcvt.f32.s32 v6  }
0x4c: {  	v48 =	vcvt.s32.f32 v46;
	vm11 =	vlt.u32 v46, $0x100;
	v16 =	vsel vm12, $0x3F800000, v0  }
0x4d: {  	vm6 =	vgt.s32 v46, $0x0;
	v2 =	vnsel vm7, $0x0, v5;
	v58 =	vadd.f32 $1.000000000e+00, v56  }
0x4e: {  	vm12 =	vle.f32 v11, $1.000000000e+00;
	v13 =	vmul.f32 $4.000000000e+00, v45;
	v15 =	vsel vm11, $0x3F800000, v0  }
0x4f: {  	v1 =	vmin.u32 v2, $0xFF;
	v59 =	vadd.f32 $1.000000000e+00, v57;
	vm11 =	vge.f32 v49, $0.0e+00  }
0x50: {  	v47 =	vadd.s32 $0xFFFFFFFF, v6;
	v4 =	vsub.f32 v4, v48;
	vm5 =	vlt.u32 v6, $0x4000  }
0x51: {  	vm9 =	vgt.s32 v6, $0x0;
	vm0 =	vmand vm10, vm11;
	v13 =	vtrunc.f32 v13  }
0x52: {  	v48 =	vmul.f32 $1.024000000e+03, v22;
	v10 =	vcvt.s32.f32 v47;
	vm13 =	vlt.u32 v47, $0x4000  }
0x53: {  	vm8 =	vgt.s32 v47, $0x0;
	v6 =	vnsel vm9, $0x0, v6;
	v61 =	vtrunc.f32 v59  }
0x54: {  	vm0 =	vmand vm0, vm12;
	v13 =	vcvt.f32.s32 v13;
	v50 =	vsub.f32 $1.000000000e+00, v4  }
0x55: {  	v52 =	vnsel vm13, $0x0, v14;
	v14 =	vnsel vm5, $0x0, v14;
	v53 =	vmul.f32 v4, v16  }
0x56: {  	v2 =	vnsel vm8, $0x0, v47;
	v4 =	vtrunc.f32 v58;
	v6 =	vmin.u32 v6, $0x3FFF  }
0x57: {  	v62 =	vcvt.f32.s32 v61;
	vm13 =	vle.f32 v49, $1.000000000e+00;
	v26 =	vmul.f32 $3.906250000e-03, v48  }
0x58: {  	vm8 =	vlt.s32 v9, $0x3;
	v3 =	vsub.f32 v3, v10;
	v2 =	vmin.u32 v2, $0x3FFF  }
0x59: {  	v60 =	vcvt.f32.s32 v4;
	v6 =	vshll.u32 v6, $0x8;
	vm0 =	vmand vm13, vm0  }
0x5a: {  	vm7 =	vlt.s32 v13, $0x3;
	v9 =	vnsel vm8, $0x3, v9;
	vm13 =	vge.f32 v22, $0.0e+00  }
0x5b: {  	v10 =	vmul.f32 v50, v15;
	v2 =	vshll.u32 v2, $0x8;
	v30 =	vadd.s32 $0xFFFFFFFF, v62  }
0x5c: {  	v43 =	vsel vm0, $0x3F800000, v0;
	v50 =	vmul.f32 $1.024000000e+03, v33;
	vm5 =	vlt.u32 v62, $0x4000  }
0x5d: {  	v26 =	vtrunc.f32 v26;
	v13 =	vnsel vm7, $0x3, v13;
	v9 =	vshll.u32 v9, $0x4  }
0x5e: {  	vm12 =	vgt.s32 v62, $0x0;
	v12 =	vsub.f32 $1.000000000e+00, v3;
	v55 =	vmul.f32 v3, v14  }
0x5f: {  	v3 =	vnsel vm6, $0x0, v46;
	v7 =	vor.u32 v1, v2;
	v63 =	vadd.s32 $0xFFFFFFFF, v60  }
0x60: {  	v31 =	vcvt.s32.f32 v30;
	v14 =	vmin.f32 v42, $1.000000000e+00;
	vm15 =	vlt.u32 v60, $0x100  }
0x61: {  	v29 =	vld [tilespmem:$0x30];
	vm4 =	vlt.u32 v30, $0x4000;
	v26 =	vcvt.f32.s32 v26;
	v13 =	vshll.u32 v13, $0x2  }
0x62: {  	v15 =	vnsel vm5, $0x0, v43;
	vm10 =	vgt.s32 v60, $0x0;
	vm11 =	vgt.s32 v30, $0x0  }
0x63: {  	v62 =	vnsel vm12, $0x0, v62;
	v3 =	vmin.u32 v3, $0xFF;
	v21 =	vcvt.s32.f32 v63  }
0x64: {  	vm14 =	vlt.u32 v63, $0x100;
	v14 =	vmul.f32 $4.000000000e+00, v14;
	v24 =	vsel vm15, $0x3F800000, v0  }
0x65: {  	v49 =	vnsel vm4, $0x0, v43;
	v27 =	vmul.f32 $3.906250000e-03, v50;
	vm9 =	vgt.s32 v63, $0x0  }
0x66: {  	v58 =	vnsel vm11, $0x0, v30;
	vm15 =	vle.f32 v22, $1.000000000e+00;
	v43 =	vmax.f32 v29, $0.0e+00  }
0x67: {  	vm4 =	vle.f32 v33, $1.000000000e+00;
	v12 =	vmul.f32 v12, v52;
	v8 =	vor.u32 v3, v2  }
0x68: {  	v5 =	vor.u32 v3, v6;
	v6 =	vor.u32 v1, v6;
	v2 =	vmul.f32 v55, v10  }
0x69: {  	v1 =	vmul.f32 v55, v53;
	v44 =	vsel vm14, $0x3F800000, v0;
	v26 =	vcvt.s32.f32 v26  }
0x6a: {  	v54 =	vnsel vm9, $0x0, v63;
	vm14 =	vge.f32 v33, $0.0e+00;
	v33 =	vmul.f32 $1.024000000e+03, v29  }
0x6b: {  	v42 =	vld [tilespmem:$0x130];
	v32 =	vsub.f32 v56, v21;
	v14 =	vtrunc.f32 v14;
	v27 =	vtrunc.f32 v27  }
0x6c: {  	v56 =	vnsel vm10, $0x0, v60;
	vm0 =	vmand vm13, vm14;
	v3 =	vmul.f32 v12, v10  }
0x6d: {  	v4 =	vmul.f32 v12, v53;
	v12 =	vsub.f32 v57, v31;
	v47 =	vcvt.f32.s32 v14  }
0x6e: {  	v27 =	vcvt.f32.s32 v27;
	v52 =	vmul.f32 $2.560000000e+02, v26;
	v57 =	vmin.u32 v56, $0xFF  }
0x6f: {  	vm0 =	vmand vm0, vm15;
	v39 =	vsub.f32 $1.000000000e+00, v32;
	v46 =	vmul.f32 v32, v24  }
0x70: {  	vm0 =	vmand vm4, vm0;
	v22 =	vmax.f32 v42, $0.0e+00;
	vm4 =	vge.f32 v29, $0.0e+00  }
0x71: {  	v40 =	vsub.f32 $1.000000000e+00, v12;
	vm6 =	vlt.s32 v47, $0x3;
	v51 =	vcvt.s32.f32 v27  }
0x72: {  	v53 =	vmul.f32 v12, v15;
	v12 =	vmin.u32 v54, $0xFF;
	v30 =	vsel vm0, $0x3F800000, v0  }
0x73: {  	v22 =	vmin.f32 v22, $1.000000000e+00;
	v25 =	vmul.f32 v39, v44;
	v10 =	vnsel vm6, $0x3, v47  }
0x74: {  	v44 =	vmin.f32 v43, $1.000000000e+00;
	v22 =	vmul.f32 $4.000000000e+00, v22;
	v11 =	vmul.f32 v40, v49  }
0x75: {  	v10 =	vadd.s32 v10, v13;
	v13 =	vmul.f32 $2.560000000e+02, v51;
	v21 =	vmul.f32 $4.000000000e+00, v44  }
0x76: {  	v9 =	vadd.s32 v9, v10;
	v10 =	vsub.f32 v48, v52;
	v22 =	vtrunc.f32 v22  }
0x77: {  	v9 =	vcvt.s32.f32 v9;
	v13 =	vsub.f32 v50, v13;
	v21 =	vtrunc.f32 v21  }
0x78: {  	v22 =	vcvt.f32.s32 v22;
	v55 =	vadd.f32 $-5.000000000e-01, v10;
	v10 =	vmin.u32 v58, $0x3FFF  }
0x79: {  	v21 =	vcvt.f32.s32 v21;
	v9 =	vmul.f32 $2.560000000e+02, v9;
	v61 =	vshll.u32 v10, $0x8  }
0x7a: {  	v10 =	vmin.u32 v62, $0x3FFF;
	vm9 =	vlt.s32 v22, $0x3;
	v59 =	vadd.f32 $1.000000000e+00, v55  }
0x7b: {  	v35 =	vshll.u32 v10, $0x8;
	v16 =	vor.u32 v12, v61;
	v10 =	vmul.f32 v11, v25  }
0x7c: {  	vm7 =	vlt.s32 v21, $0x3;
	v22 =	vnsel vm9, $0x3, v22;
	v9 =	vadd.f32 v9, v13  }
0x7d: {  	v15 =	vor.u32 v12, v35;
	v13 =	vor.u32 v57, v35;
	v12 =	vmul.f32 v11, v46  }
0x7e: {  	v11 =	vmul.f32 v53, v25;
	v25 =	vld [tilespmem:$0xB0];
	v35 =	vmul.f32 $3.906250000e-03, v33;
	v21 =	vnsel vm7, $0x3, v21  }
0x7f: {  	v22 =	vshll.u32 v22, $0x4;
	v14 =	vtrunc.f32 v59;
	v60 =	vadd.f32 $-5.000000000e-01, v9  }
0x80: {  	v63 =	vcvt.f32.s32 v14;
	v14 =	vor.u32 v57, v61;
	v35 =	vtrunc.f32 v35  }
0x81: {  	v9 =	vmul.f32 v53, v46;
	v35 =	vcvt.f32.s32 v35;
	v34 =	vadd.f32 $1.000000000e+00, v60  }
0x82: {  	v36 =	vadd.s32 $0xFFFFFFFF, v63;
	vm6 =	vlt.u32 v63, $0x100;
	vm13 =	vgt.s32 v63, $0x0  }
0x83: {  	v28 =	vcvt.s32.f32 v36;
	v45 =	vmax.f32 v25, $0.0e+00;
	vm5 =	vlt.u32 v36, $0x100  }
0x84: {  	v32 =	vmul.f32 $1.024000000e+03, v25;
	v48 =	vsel vm6, $0x3F800000, v0;
	v49 =	vcvt.s32.f32 v35  }
0x85: {  	vm12 =	vgt.s32 v36, $0x0;
	v18 =	vnsel vm13, $0x0, v63;
	vm6 =	vle.f32 v29, $1.000000000e+00  }
0x86: {  	vm7 =	vle.f32 v25, $1.000000000e+00;
	v37 =	vtrunc.f32 v34;
	v23 =	vmin.f32 v45, $1.000000000e+00  }
0x87: {  	v31 =	vsel vm5, $0x3F800000, v0;
	v53 =	vnsel vm12, $0x0, v36;
	v18 =	vmin.u32 v18, $0xFF  }
0x88: {  	vm5 =	vge.f32 v25, $0.0e+00;
	v38 =	vcvt.f32.s32 v37;
	v19 =	vsub.f32 v55, v28  }
0x89: {  	v23 =	vmul.f32 $4.000000000e+00, v23;
	v34 =	vmul.f32 $3.906250000e-03, v32;
	vm0 =	vmand vm4, vm5  }
0x8a: {  	v55 =	vmin.u32 v53, $0xFF;
	vm0 =	vmand vm0, vm6;
	v39 =	vadd.s32 $0xFFFFFFFF, v38  }
0x8b: {  	v41 =	vsub.f32 $1.000000000e+00, v19;
	v23 =	vtrunc.f32 v23;
	v34 =	vtrunc.f32 v34  }
0x8c: {  	vm11 =	vlt.u32 v38, $0x4000;
	v51 =	vmul.f32 v19, v48;
	vm15 =	vgt.s32 v38, $0x0  }
0x8d: {  	vm0 =	vmand vm7, vm0;
	v40 =	vcvt.s32.f32 v39;
	v23 =	vcvt.f32.s32 v23  }
0x8e: {  	v34 =	vcvt.f32.s32 v34;
	vm10 =	vlt.u32 v39, $0x4000;
	vm14 =	vgt.s32 v39, $0x0  }
0x8f: {  	v59 =	vnsel vm15, $0x0, v38;
	v50 =	vnsel vm10, $0x0, v30;
	v30 =	vnsel vm11, $0x0, v30  }
0x90: {  	v26 =	vmul.f32 v41, v31;
	v20 =	vnsel vm14, $0x0, v39;
	vm8 =	vlt.s32 v23, $0x3  }
0x91: {  	v38 =	vld [tilespmem:$0x40];
	v61 =	vmin.u32 v59, $0x3FFF;
	v17 =	vsub.f32 v60, v40;
	v23 =	vnsel vm8, $0x3, v23  }
0x92: {  	v47 =	vcvt.s32.f32 v34;
	v20 =	vmin.u32 v20, $0x3FFF;
	v23 =	vshll.u32 v23, $0x2  }
0x93: {  	v62 =	vshll.u32 v61, $0x8;
	v46 =	vsub.f32 $1.000000000e+00, v17;
	v21 =	vadd.s32 v21, v23  }
0x94: {  	v17 =	vmul.f32 v17, v30;
	v21 =	vadd.s32 v22, v21;
	v22 =	vmul.f32 $2.560000000e+02, v49  }
0x95: {  	v20 =	vshll.u32 v20, $0x8;
	v23 =	vmul.f32 $2.560000000e+02, v47;
	v21 =	vcvt.s32.f32 v21  }
0x96: {  	v24 =	vor.u32 v55, v20;
	v42 =	vmul.f32 $1.024000000e+03, v38;
	v52 =	vsub.f32 v33, v22  }
0x97: {  	v28 =	vmul.f32 v46, v50;
	v23 =	vsub.f32 v32, v23;
	v21 =	vmul.f32 $2.560000000e+02, v21  }
0x98: {  	vm7 =	vge.f32 v38, $0.0e+00;
	v44 =	vmul.f32 $3.906250000e-03, v42;
	v54 =	vadd.f32 $-5.000000000e-01, v52  }
0x99: {  	v19 =	vmul.f32 v28, v51;
	v52 =	vmax.f32 v38, $0.0e+00;
	v21 =	vadd.f32 v21, v23  }
0x9a: {  	v44 =	vtrunc.f32 v44;
	v25 =	vmin.f32 v52, $1.000000000e+00;
	v57 =	vadd.f32 $1.000000000e+00, v54  }
0x9b: {  	v44 =	vcvt.f32.s32 v44;
	v25 =	vmul.f32 $4.000000000e+00, v25;
	v56 =	vadd.f32 $-5.000000000e-01, v21  }
0x9c: {  	v23 =	vor.u32 v18, v20;
	v20 =	vmul.f32 v28, v26;
	v21 =	vtrunc.f32 v57  }
0x9d: {  	v25 =	vtrunc.f32 v25;
	v57 =	vcvt.s32.f32 v44;
	v58 =	vadd.f32 $1.000000000e+00, v56  }
0x9e: {  	v27 =	vcvt.f32.s32 v21;
	v21 =	vor.u32 v18, v62;
	v18 =	vmul.f32 v17, v26  }
0x9f: {  	v22 =	vor.u32 v55, v62;
	v17 =	vmul.f32 v17, v51;
	v25 =	vcvt.f32.s32 v25  }
0xa0: {  	v60 =	vtrunc.f32 v58;
	v63 =	vadd.s32 $0xFFFFFFFF, v27;
	vm9 =	vlt.u32 v27, $0x100  }
0xa1: {  	v51 =	vld [tilespmem:$0x140];
	vm11 =	vlt.s32 v25, $0x3;
	vm4 =	vgt.s32 v27, $0x0;
	v33 =	vcvt.f32.s32 v60  }
0xa2: {  	v36 =	vcvt.s32.f32 v63;
	vm8 =	vlt.u32 v63, $0x100;
	v40 =	vsel vm9, $0x3F800000, v0  }
0xa3: {  	v25 =	vnsel vm11, $0x3, v25;
	vm15 =	vgt.s32 v63, $0x0;
	v27 =	vnsel vm4, $0x0, v27  }
0xa4: {  	vm9 =	vle.f32 v38, $1.000000000e+00;
	v39 =	vsel vm8, $0x3F800000, v0;
	v60 =	vnsel vm15, $0x0, v63  }
0xa5: {  	v63 =	vmin.u32 v27, $0xFF;
	v35 =	vadd.s32 $0xFFFFFFFF, v33;
	v48 =	vsub.f32 v54, v36;
	v36 =	vld [tilespmem:$0xC0]  }
0xa6: {  	v54 =	vsel vm0, $0x3F800000, v0;
	v29 =	vmax.f32 v51, $0.0e+00;
	vm14 =	vlt.u32 v33, $0x4000  }
0xa7: {  	v26 =	vmin.u32 v60, $0xFF;
	vm6 =	vgt.s32 v33, $0x0;
	v37 =	vcvt.s32.f32 v35  }
0xa8: {  	v29 =	vmin.f32 v29, $1.000000000e+00;
	vm10 =	vlt.u32 v35, $0x4000;
	vm5 =	vgt.s32 v35, $0x0  }
0xa9: {  	v51 =	vnsel vm6, $0x0, v33;
	v30 =	vsub.f32 $1.000000000e+00, v48;
	v29 =	vmul.f32 $4.000000000e+00, v29  }
0xaa: {  	v40 =	vmul.f32 v48, v40;
	v48 =	vnsel vm5, $0x0, v35;
	v53 =	vmax.f32 v36, $0.0e+00  }
0xab: {  	v49 =	vsub.f32 v56, v37;
	v56 =	vnsel vm10, $0x0, v54;
	v32 =	vmin.f32 v53, $1.000000000e+00  }
0xac: {  	v37 =	vnsel vm14, $0x0, v54;
	v29 =	vtrunc.f32 v29;
	v32 =	vmul.f32 $4.000000000e+00, v32  }
0xad: {  	v27 =	vmin.u32 v48, $0x3FFF;
	v39 =	vmul.f32 v30, v39;
	v41 =	vmul.f32 $1.024000000e+03, v36  }
0xae: {  	v27 =	vshll.u32 v27, $0x8;
	v30 =	vmin.u32 v51, $0x3FFF;
	v32 =	vtrunc.f32 v32  }
0xaf: {  	v50 =	vsub.f32 $1.000000000e+00, v49;
	v43 =	vmul.f32 $3.906250000e-03, v41;
	v32 =	vcvt.f32.s32 v32  }
0xb0: {  	v29 =	vcvt.f32.s32 v29;
	v37 =	vmul.f32 v49, v37;
	v30 =	vshll.u32 v30, $0x8  }
0xb1: {  	v31 =	vor.u32 v63, v27;
	v43 =	vtrunc.f32 v43;
	vm12 =	vlt.s32 v32, $0x3  }
0xb2: {  	vm13 =	vlt.s32 v29, $0x3;
	v43 =	vcvt.f32.s32 v43;
	v32 =	vnsel vm12, $0x3, v32  }
0xb3: {  	v46 =	vld [tilespmem:$0x50];
	vm8 =	vge.f32 v36, $0.0e+00;
	v29 =	vnsel vm13, $0x3, v29;
	v32 =	vshll.u32 v32, $0x2  }
0xb4: {  	v29 =	vshll.u32 v29, $0x4;
	v55 =	vcvt.s32.f32 v43;
	v25 =	vadd.s32 v25, v32  }
0xb5: {  	vm10 =	vle.f32 v36, $1.000000000e+00;
	v25 =	vadd.s32 v29, v25;
	v29 =	vmul.f32 $2.560000000e+02, v57  }
0xb6: {  	vm0 =	vmand vm7, vm8;
	v32 =	vmul.f32 $2.560000000e+02, v55;
	v25 =	vcvt.s32.f32 v25  }
0xb7: {  	v59 =	vmul.f32 v50, v56;
	vm0 =	vmand vm0, vm9;
	v29 =	vsub.f32 v42, v29  }
0xb8: {  	v56 =	vmax.f32 v46, $0.0e+00;
	v58 =	vsub.f32 v41, v32;
	v41 =	vld [tilespmem:$0xD0];
	v25 =	vmul.f32 $2.560000000e+02, v25  }
0xb9: {  	vm0 =	vmand vm10, vm0;
	vm10 =	vge.f32 v46, $0.0e+00;
	v61 =	vadd.f32 $-5.000000000e-01, v29  }
0xba: {  	v57 =	vsel vm0, $0x3F800000, v0;
	v32 =	vor.u32 v26, v27;
	v25 =	vadd.f32 v25, v58  }
0xbb: {  	v55 =	vld [tilespmem:$0x150];
	v27 =	vmul.f32 v59, v39;
	v29 =	vor.u32 v26, v30;
	v49 =	vadd.f32 $1.000000000e+00, v61  }
0xbc: {  	v30 =	vor.u32 v63, v30;
	v26 =	vmul.f32 v37, v39;
	v62 =	vadd.f32 $-5.000000000e-01, v25  }
0xbd: {  	v47 =	vmax.f32 v41, $0.0e+00;
	v25 =	vmul.f32 v37, v40;
	v28 =	vtrunc.f32 v49  }
0xbe: {  	v49 =	vmul.f32 $1.024000000e+03, v41;
	v50 =	vadd.f32 $1.000000000e+00, v62;
	v33 =	vcvt.f32.s32 v28  }
0xbf: {  	v28 =	vmul.f32 v59, v40;
	v40 =	vmin.f32 v56, $1.000000000e+00;
	v59 =	vmin.f32 v47, $1.000000000e+00  }
0xc0: {  	v60 =	vmax.f32 v55, $0.0e+00;
	v40 =	vmul.f32 $4.000000000e+00, v40;
	v39 =	vmul.f32 $4.000000000e+00, v59  }
0xc1: {  	v51 =	vmul.f32 $3.906250000e-03, v49;
	v52 =	vtrunc.f32 v50;
	v43 =	vadd.s32 $0xFFFFFFFF, v33  }
0xc2: {  	vm12 =	vlt.u32 v33, $0x100;
	vm7 =	vgt.s32 v33, $0x0;
	v35 =	vcvt.f32.s32 v52  }
0xc3: {  	v45 =	vcvt.s32.f32 v43;
	vm11 =	vlt.u32 v43, $0x100;
	v40 =	vtrunc.f32 v40  }
0xc4: {  	v48 =	vsel vm12, $0x3F800000, v0;
	v39 =	vtrunc.f32 v39;
	v51 =	vtrunc.f32 v51  }
0xc5: {  	vm6 =	vgt.s32 v43, $0x0;
	v33 =	vnsel vm7, $0x0, v33;
	vm12 =	vle.f32 v46, $1.000000000e+00  }
0xc6: {  	v58 =	vsel vm11, $0x3F800000, v0;
	v39 =	vcvt.f32.s32 v39;
	v51 =	vcvt.f32.s32 v51  }
0xc7: {  	v33 =	vmin.u32 v33, $0xFF;
	vm11 =	vge.f32 v41, $0.0e+00;
	v44 =	vadd.s32 $0xFFFFFFFF, v35  }
0xc8: {  	v34 =	vsub.f32 v61, v45;
	v61 =	vcvt.f32.s32 v40;
	vm14 =	vlt.u32 v35, $0x4000  }
0xc9: {  	vm9 =	vgt.s32 v35, $0x0;
	vm0 =	vmand vm10, vm11;
	v53 =	vcvt.s32.f32 v44  }
0xca: {  	v54 =	vsub.f32 $1.000000000e+00, v34;
	v47 =	vmul.f32 v34, v48;
	v34 =	vmin.f32 v60, $1.000000000e+00  }
0xcb: {  	v37 =	vsub.f32 v62, v53;
	v62 =	vmul.f32 $1.024000000e+03, v46;
	v34 =	vmul.f32 $4.000000000e+00, v34  }
0xcc: {  	vm13 =	vlt.u32 v44, $0x4000;
	vm4 =	vlt.s32 v39, $0x3;
	v56 =	vnsel vm14, $0x0, v57  }
0xcd: {  	vm8 =	vgt.s32 v44, $0x0;
	v50 =	vmul.f32 $3.906250000e-03, v62;
	v34 =	vtrunc.f32 v34  }
0xce: {  	v35 =	vnsel vm9, $0x0, v35;
	vm15 =	vlt.s32 v61, $0x3;
	v34 =	vcvt.f32.s32 v34  }
0xcf: {  	v39 =	vnsel vm4, $0x3, v39;
	v36 =	vnsel vm15, $0x3, v61;
	v50 =	vtrunc.f32 v50  }
0xd0: {  	v39 =	vshll.u32 v39, $0x2;
	v50 =	vcvt.f32.s32 v50;
	vm5 =	vlt.s32 v34, $0x3  }
0xd1: {  	v45 =	vmul.f32 v54, v58;
	v54 =	vcvt.s32.f32 v51;
	v34 =	vnsel vm5, $0x3, v34  }
0xd2: {  	v36 =	vadd.s32 v36, v39;
	v50 =	vcvt.s32.f32 v50;
	v34 =	vshll.u32 v34, $0x4  }
0xd3: {  	v63 =	vnsel vm13, $0x0, v57;
	v39 =	vmul.f32 $2.560000000e+02, v54;
	v34 =	vadd.s32 v34, v36  }
0xd4: {  	v57 =	vnsel vm6, $0x0, v43;
	v55 =	vmul.f32 $2.560000000e+02, v50;
	v34 =	vcvt.s32.f32 v34  }
0xd5: {  	v35 =	vmin.u32 v35, $0x3FFF;
	v59 =	vmin.u32 v57, $0xFF;
	v38 =	vsub.f32 $1.000000000e+00, v37  }
0xd6: {  	v58 =	vsub.f32 v49, v39;
	v36 =	vsub.f32 v62, v55;
	v34 =	vmul.f32 $2.560000000e+02, v34  }
0xd7: {  	v61 =	vnsel vm8, $0x0, v44;
	v35 =	vshll.u32 v35, $0x8;
	v42 =	vmul.f32 v37, v56  }
0xd8: {  	v48 =	vmul.f32 v38, v63;
	v60 =	vadd.f32 $-5.000000000e-01, v36;
	v34 =	vadd.f32 v34, v58  }
0xd9: {  	v38 =	vor.u32 v59, v35;
	v39 =	vor.u32 v33, v35;
	v36 =	vmin.u32 v61, $0x3FFF  }
0xda: {  	v57 =	vld [tilespmem:$0x160];
	v53 =	vshll.u32 v36, $0x8;
	v62 =	vadd.f32 $1.000000000e+00, v60;
	v63 =	vadd.f32 $-5.000000000e-01, v34  }
0xdb: {  	v35 =	vmul.f32 v42, v45;
	v40 =	vor.u32 v59, v53;
	v37 =	vor.u32 v33, v53;
	v53 =	vld [tilespmem:$0x60]  }
0xdc: {  	v34 =	vmul.f32 v48, v45;
	v45 =	vld [tilespmem:$0xE0];
	v54 =	vtrunc.f32 v62;
	v55 =	vadd.f32 $1.000000000e+00, v63  }
0xdd: {  	vm0 =	vmand vm0, vm12;
	vm13 =	vle.f32 v41, $1.000000000e+00;
	v49 =	vcvt.f32.s32 v54  }
0xde: {  	vm0 =	vmand vm13, vm0;
	v36 =	vtrunc.f32 v55  }
0xdf: {  	v33 =	vmul.f32 v42, v47;
	v50 =	vadd.s32 $0xFFFFFFFF, v49;
	v51 =	vcvt.f32.s32 v36  }
0xe0: {  	v36 =	vmul.f32 v48, v47;
	v58 =	vmax.f32 v53, $0.0e+00;
	v48 =	vmax.f32 v57, $0.0e+00  }
0xe1: {  	vm15 =	vlt.u32 v49, $0x100;
	v54 =	vmul.f32 $1.024000000e+03, v45;
	v55 =	vmul.f32 $1.024000000e+03, v53  }
0xe2: {  	vm10 =	vgt.s32 v49, $0x0;
	vm13 =	vge.f32 v53, $0.0e+00;
	v52 =	vcvt.s32.f32 v50  }
0xe3: {  	v59 =	vmin.f32 v58, $1.000000000e+00;
	vm14 =	vlt.u32 v50, $0x100;
	v48 =	vmin.f32 v48, $1.000000000e+00  }
0xe4: {  	v62 =	vsel vm15, $0x3F800000, v0;
	vm9 =	vgt.s32 v50, $0x0;
	vm15 =	vle.f32 v53, $1.000000000e+00  }
0xe5: {  	v42 =	vadd.s32 $0xFFFFFFFF, v51;
	v41 =	vmul.f32 $4.000000000e+00, v59;
	v61 =	vsel vm14, $0x3F800000, v0  }
0xe6: {  	v48 =	vmul.f32 $4.000000000e+00, v48;
	vm8 =	vlt.u32 v51, $0x4000;
	vm12 =	vgt.s32 v51, $0x0  }
0xe7: {  	vm14 =	vge.f32 v45, $0.0e+00;
	v43 =	vsub.f32 v60, v52;
	v56 =	vcvt.s32.f32 v42  }
0xe8: {  	v53 =	vld [tilespmem:$0x170];
	v60 =	vmax.f32 v45, $0.0e+00;
	vm7 =	vlt.u32 v42, $0x4000;
	vm11 =	vgt.s32 v42, $0x0  }
0xe9: {  	v46 =	vmin.f32 v60, $1.000000000e+00;
	v41 =	vtrunc.f32 v41;
	v48 =	vtrunc.f32 v48  }
0xea: {  	v59 =	vnsel vm12, $0x0, v51;
	v46 =	vmul.f32 $4.000000000e+00, v46;
	v41 =	vcvt.f32.s32 v41  }
0xeb: {  	v52 =	vsub.f32 $1.000000000e+00, v43;
	v48 =	vcvt.f32.s32 v48;
	v43 =	vmul.f32 v43, v62  }
0xec: {  	v44 =	vsub.f32 v63, v56;
	v63 =	vmul.f32 $3.906250000e-03, v54;
	v56 =	vmul.f32 $3.906250000e-03, v55  }
0xed: {  	[tilespmem:$0x290] =	vst v15;
	v15 =	vmax.f32 v53, $0.0e+00;
	v47 =	vmul.f32 v52, v61;
	v46 =	vtrunc.f32 v46  }
0xee: {  	vm4 =	vlt.s32 v41, $0x3;
	vm6 =	vlt.s32 v48, $0x3;
	v52 =	vtrunc.f32 v63  }
0xef: {  	v56 =	vtrunc.f32 v56;
	v57 =	vsub.f32 $1.000000000e+00, v44;
	v61 =	vsel vm0, $0x3F800000, v0  }
0xf0: {  	vm0 =	vmand vm13, vm14;
	v15 =	vmin.f32 v15, $1.000000000e+00;
	v46 =	vcvt.f32.s32 v46  }
0xf1: {  	[tilespmem:$0x280] =	vst v5;
	v5 =	vld [tilespmem:$0x70];
	v41 =	vnsel vm4, $0x3, v41;
	v48 =	vnsel vm6, $0x3, v48;
	v52 =	vcvt.f32.s32 v52  }
0xf2: {  	v60 =	vcvt.f32.s32 v56;
	v62 =	vnsel vm7, $0x0, v61;
	v63 =	vnsel vm8, $0x0, v61  }
0xf3: {  	v56 =	vnsel vm10, $0x0, v49;
	v61 =	vmin.u32 v59, $0x3FFF;
	vm0 =	vmand vm0, vm15  }
0xf4: {  	vm4 =	vle.f32 v45, $1.000000000e+00;
	v15 =	vmul.f32 $4.000000000e+00, v15;
	v48 =	vshll.u32 v48, $0x4  }
0xf5: {  	v44 =	vmul.f32 v44, v63;
	v49 =	vmin.u32 v56, $0xFF;
	vm5 =	vlt.s32 v46, $0x3  }
0xf6: {  	vm0 =	vmand vm4, vm0;
	v56 =	vmax.f32 v5, $0.0e+00;
	v46 =	vnsel vm5, $0x3, v46  }
0xf7: {  	[tilespmem:$0x200] =	vst v7;
	v52 =	vcvt.s32.f32 v52;
	v15 =	vtrunc.f32 v15;
	v46 =	vshll.u32 v46, $0x2  }
0xf8: {  	[tilespmem:$0x530] =	vst v1;
	v1 =	vmul.f32 v44, v47;
	v15 =	vcvt.f32.s32 v15;
	v41 =	vadd.s32 v41, v46  }
0xf9: {  	[tilespmem:$0x180] =	vst v8;
	v52 =	vmul.f32 $2.560000000e+02, v52;
	v46 =	vcvt.s32.f32 v60;
	v41 =	vadd.s32 v48, v41  }
0xfa: {  	[tilespmem:$0x300] =	vst v6;
	vm4 =	vge.f32 v5, $0.0e+00;
	v48 =	vmul.f32 v57, v62;
	v41 =	vcvt.s32.f32 v41  }
0xfb: {  	[tilespmem:$0x4A0] =	vst v2;
	v52 =	vsub.f32 v54, v52;
	v57 =	vnsel vm11, $0x0, v42;
	v46 =	vmul.f32 $2.560000000e+02, v46  }
0xfc: {  	[tilespmem:$0x380] =	vst v3;
	v42 =	vshll.u32 v61, $0x8;
	v54 =	vsel vm0, $0x3F800000, v0;
	v41 =	vmul.f32 $2.560000000e+02, v41  }
0xfd: {  	[tilespmem:$0x410] =	vst v4;
	vm11 =	vlt.s32 v15, $0x3;
	v3 =	vmin.u32 v57, $0x3FFF;
	v46 =	vsub.f32 v55, v46  }
0xfe: {  	[tilespmem:$0x190] =	vst v16;
	v57 =	vmin.f32 v56, $1.000000000e+00;
	v15 =	vnsel vm11, $0x3, v15;
	v41 =	vadd.f32 v41, v52  }
0xff: {  	[tilespmem:$0x310] =	vst v13;
	v3 =	vshll.u32 v3, $0x8;
	v4 =	vmul.f32 v48, v47;
	v46 =	vadd.f32 $-5.000000000e-01, v46  }
0x100: {  	v6 =	vld [tilespmem:$0xF0];
	[tilespmem:$0x1A0] =	vst v24;
	v24 =	vmul.f32 $4.000000000e+00, v57;
	v15 =	vshll.u32 v15, $0x4;
	v41 =	vadd.f32 $-5.000000000e-01, v41  }
0x101: {  	[tilespmem:$0x390] =	vst v10;
	v55 =	vnsel vm9, $0x0, v50;
	v7 =	vor.u32 v49, v3;
	v58 =	vadd.f32 $1.000000000e+00, v46  }
0x102: {  	[tilespmem:$0x420] =	vst v12;
	v50 =	vmin.u32 v55, $0xFF;
	v61 =	vtrunc.f32 v24;
	v60 =	vadd.f32 $1.000000000e+00, v41  }
0x103: {  	[tilespmem:$0x4B0] =	vst v11;
	v8 =	vor.u32 v50, v3;
	v3 =	vmul.f32 v44, v43;
	v62 =	vtrunc.f32 v58  }
0x104: {  	[tilespmem:$0x210] =	vst v14;
	v14 =	vor.u32 v50, v42;
	v51 =	vcvt.f32.s32 v62;
	v2 =	vtrunc.f32 v60  }
0x105: {  	[tilespmem:$0x540] =	vst v9;
	v58 =	vmax.f32 v6, $0.0e+00;
	v62 =	vcvt.f32.s32 v61;
	v52 =	vcvt.f32.s32 v2  }
0x106: {  	[tilespmem:$0x2A0] =	vst v22;
	v2 =	vmul.f32 v48, v43;
	v16 =	vadd.s32 $0xFFFFFFFF, v51;
	vm6 =	vlt.u32 v51, $0x100  }
0x107: {  	[tilespmem:$0x430] =	vst v19;
	v43 =	vmin.f32 v58, $1.000000000e+00;
	vm9 =	vlt.s32 v62, $0x3;
	vm13 =	vgt.s32 v51, $0x0  }
0x108: {  	[tilespmem:$0x220] =	vst v23;
	v63 =	vcvt.s32.f32 v16;
	vm5 =	vlt.u32 v16, $0x100;
	v59 =	vsel vm6, $0x3F800000, v0  }
0x109: {  	[tilespmem:$0x3A0] =	vst v20;
	v60 =	vmul.f32 $4.000000000e+00, v43;
	v20 =	vnsel vm9, $0x3, v62;
	vm12 =	vgt.s32 v16, $0x0  }
0x10a: {  	[tilespmem:$0x320] =	vst v21;
	vm6 =	vle.f32 v5, $1.000000000e+00;
	v47 =	vadd.s32 $0xFFFFFFFF, v52;
	v55 =	vsel vm5, $0x3F800000, v0  }
0x10b: {  	[tilespmem:$0x4C0] =	vst v18;
	vm8 =	vlt.u32 v52, $0x4000;
	v16 =	vnsel vm12, $0x0, v16;
	vm15 =	vgt.s32 v52, $0x0  }
0x10c: {  	[tilespmem:$0x550] =	vst v17;
	vm5 =	vge.f32 v6, $0.0e+00;
	v44 =	vcvt.s32.f32 v47;
	v46 =	vsub.f32 v46, v63  }
0x10d: {  	[tilespmem:$0x230] =	vst v31;
	vm7 =	vlt.u32 v47, $0x4000;
	v63 =	vtrunc.f32 v60;
	v9 =	vnsel vm8, $0x0, v54  }
0x10e: {  	[tilespmem:$0x1B0] =	vst v32;
	v16 =	vmin.u32 v16, $0xFF;
	v10 =	vsub.f32 v41, v44;
	v41 =	vmul.f32 $1.024000000e+03, v6  }
0x10f: {  	[tilespmem:$0x3B0] =	vst v27;
	vm14 =	vgt.s32 v47, $0x0;
	v57 =	vnsel vm15, $0x0, v52;
	v44 =	vmul.f32 $1.024000000e+03, v5  }
0x110: {  	[tilespmem:$0x2B0] =	vst v29;
	vm0 =	vmand vm4, vm5;
	v43 =	vcvt.f32.s32 v63;
	v45 =	vmul.f32 $3.906250000e-03, v41  }
0x111: {  	[tilespmem:$0x330] =	vst v30;
	v48 =	vsub.f32 $1.000000000e+00, v46;
	v13 =	vmul.f32 v46, v59;
	v46 =	vmul.f32 $3.906250000e-03, v44  }
0x112: {  	[tilespmem:$0x4D0] =	vst v26;
	v24 =	vnsel vm7, $0x0, v54;
	vm10 =	vlt.s32 v43, $0x3;
	v17 =	vtrunc.f32 v45  }
0x113: {  	[tilespmem:$0x560] =	vst v25;
	v18 =	vnsel vm10, $0x3, v43;
	v23 =	vtrunc.f32 v46;
	v17 =	vcvt.f32.s32 v17  }
0x114: {  	[tilespmem:$0x440] =	vst v28;
	v54 =	vnsel vm13, $0x0, v51;
	v18 =	vshll.u32 v18, $0x2;
	v23 =	vcvt.f32.s32 v23  }
0x115: {  	[tilespmem:$0x2C0] =	vst v38;
	vm0 =	vmand vm0, vm6;
	v18 =	vadd.s32 v20, v18;
	v17 =	vcvt.s32.f32 v17  }
0x116: {  	[tilespmem:$0x340] =	vst v39;
	v12 =	vmul.f32 v48, v55;
	v15 =	vadd.s32 v15, v18;
	v48 =	vcvt.s32.f32 v23  }
0x117: {  	[tilespmem:$0x4E0] =	vst v35;
	vm7 =	vle.f32 v6, $1.000000000e+00;
	v15 =	vcvt.s32.f32 v15;
	v17 =	vmul.f32 $2.560000000e+02, v17  }
0x118: {  	[tilespmem:$0x1C0] =	vst v40;
	v56 =	vnsel vm14, $0x0, v47;
	vm0 =	vmand vm7, vm0;
	v53 =	vmul.f32 $2.560000000e+02, v48  }
0x119: {  	[tilespmem:$0x240] =	vst v37;
	v50 =	vsub.f32 $1.000000000e+00, v10;
	v15 =	vmul.f32 $2.560000000e+02, v15;
	v17 =	vsub.f32 v41, v17  }
0x11a: {  	[tilespmem:$0x3C0] =	vst v34;
	v34 =	vsel vm0, $0x3F800000, v0;
	v9 =	vmul.f32 v10, v9;
	v10 =	vsub.f32 v44, v53  }
0x11b: {  	[tilespmem:$0x570] =	vst v33;
	v55 =	vmin.u32 v54, $0xFF;
	v11 =	vmul.f32 v50, v24;
	v15 =	vadd.f32 v15, v17  }
0x11c: {  	[tilespmem:$0x450] =	vst v36;
	v50 =	vor.u32 v49, v42;
	v20 =	vmin.u32 v57, $0x3FFF;
	v10 =	vadd.f32 $-5.000000000e-01, v10  }
0x11d: {  	[tilespmem:$0x580] =	vst v3;
	v3 =	vmul.f32 v9, v13;
	v18 =	vmin.u32 v56, $0x3FFF;
	v15 =	vadd.f32 $-5.000000000e-01, v15  }
0x11e: {  	[tilespmem:$0x4F0] =	vst v1;
	v20 =	vshll.u32 v20, $0x8;
	v18 =	vshll.u32 v18, $0x8;
	v58 =	vadd.f32 $1.000000000e+00, v10  }
0x11f: {  	[tilespmem:$0x250] =	vst v7;
	v27 =	vmul.f32 v11, v12;
	v11 =	vmul.f32 v11, v13;
	v59 =	vadd.f32 $1.000000000e+00, v15  }
0x120: {  	[tilespmem:$0x3D0] =	vst v4;
	v24 =	vor.u32 v16, v20;
	v12 =	vmul.f32 v9, v12;
	v21 =	vtrunc.f32 v58  }
0x121: {  	[tilespmem:$0x1D0] =	vst v8;
	v25 =	vor.u32 v55, v20;
	v62 =	vcvt.f32.s32 v21;
	v63 =	vtrunc.f32 v59  }
0x122: {  	[tilespmem:$0x2D0] =	vst v14;
	v60 =	vor.u32 v16, v18;
	v61 =	vor.u32 v55, v18;
	v26 =	vcvt.f32.s32 v63  }
0x123: {  	[tilespmem:$0x460] =	vst v2;
	v28 =	vadd.s32 $0xFFFFFFFF, v62;
	vm9 =	vlt.u32 v62, $0x100;
	vm14 =	vgt.s32 v62, $0x0  }
0x124: {  	[tilespmem:$0x350] =	vst v50;
	v30 =	vcvt.s32.f32 v28;
	vm8 =	vlt.u32 v28, $0x100;
	v36 =	vsel vm9, $0x3F800000, v0  }
0x125: {  	[tilespmem:$0x590] =	vst v3;
	vm11 =	vgt.s32 v28, $0x0;
	v41 =	vnsel vm14, $0x0, v62;
	v29 =	vadd.s32 $0xFFFFFFFF, v26  }
0x126: {  	[tilespmem:$0x2E0] =	vst v24;
	v35 =	vsel vm8, $0x3F800000, v0;
	vm12 =	vlt.u32 v26, $0x4000;
	v38 =	vnsel vm11, $0x0, v28  }
0x127: {  	[tilespmem:$0x360] =	vst v25;
	vm15 =	vgt.s32 v26, $0x0;
	v3 =	vmin.u32 v41, $0xFF;
	v31 =	vcvt.s32.f32 v29  }
0x128: {  	[tilespmem:$0x1E0] =	vst v60;
	v2 =	vsub.f32 v10, v30;
	vm10 =	vlt.u32 v29, $0x4000;
	vm13 =	vgt.s32 v29, $0x0  }
0x129: {  	[tilespmem:$0x260] =	vst v61;
	v39 =	vmin.u32 v38, $0xFF;
	v42 =	vnsel vm15, $0x0, v26;
	v1 =	vsub.f32 v15, v31  }
0x12a: {  	[tilespmem:$0x3E0] =	vst v27;
	v40 =	vnsel vm13, $0x0, v29;
	v43 =	vmin.u32 v42, $0x3FFF;
	v32 =	vsub.f32 $1.000000000e+00, v2  }
0x12b: {  	[tilespmem:$0x470] =	vst v11;
	v10 =	vmin.u32 v40, $0x3FFF;
	v45 =	vshll.u32 v43, $0x8;
	v33 =	vsub.f32 $1.000000000e+00, v1  }
0x12c: {  	[tilespmem:$0x500] =	vst v12;
	v37 =	vnsel vm10, $0x0, v34;
	v10 =	vshll.u32 v10, $0x8;
	v46 =	vor.u32 v39, v45  }
0x12d: {  	v4 =	vmul.f32 v32, v35;
	v44 =	vor.u32 v39, v10;
	[tilespmem:$0x2F0] =	vst v46;
	v5 =	vmul.f32 v33, v37  }
0x12e: {  	v6 =	vnsel vm12, $0x0, v34;
	v2 =	vmul.f32 v2, v36;
	v10 =	vor.u32 v3, v10;
	[tilespmem:$0x1F0] =	vst v44  }
0x12f: {  	v1 =	vmul.f32 v1, v6;
	v3 =	vor.u32 v3, v45;
	[tilespmem:$0x270] =	vst v10;
	v47 =	vmul.f32 v5, v4  }
0x130: {  	[tilespmem:$0x370] =	vst v3;
	v3 =	vmul.f32 v5, v2  }
0x131: {  	v4 =	vmul.f32 v1, v4;
	[tilespmem:$0x3F0] =	vst v47  }
0x132: {  	v1 =	vmul.f32 v1, v2;
	[tilespmem:$0x480] =	vst v3  }
0x133: {  	[tilespmem:$0x510] =	vst v4  }
0x134: {  	s21 =	simm.s32 $0x180;
	s22 =	simm.s32 $0x5C0;
	[tilespmem:$0x5A0] =	vst v1  }
0x135: {  	[tilespmem:s22], [sflag:$0x1] =	stream.indirect.gather [hbm4b:s7+s11], $0x10, s21, s11, $0xb8;
	[tilespmem:$0x5200] =	vst v63  }
0x136: {  	s23 =	simm.s32 $0x200;
	s24 =	simm.s32 $0xDC0  }
0x137: {  	[tilespmem:s24], [sflag:$0x1] =	stream.indirect.gather [hbm4b:s7+s11], $0x10, s23, s11, $0xb8;
	[tilespmem:$0x5200] =	vst v63  }
0x138: {  	s25 =	simm.s32 $0x280;
	s26 =	simm.s32 $0x15C0;
	s13 =	sor.u32 $0x80, s6  }
0x139: {  	[tilespmem:s26], [sflag:$0x1] =	stream.indirect.gather [hbm4b:s7+s11], $0x10, s25, s11, $0xb8;
	[tilespmem:$0x5200] =	vst v63  }
0x13a: {  	s15 =	simm.s32 $0x1DC0;
	s2 =	simm.s32 $0x300;
	s16 =	sshrl.u32 s13, $0x3  }
0x13b: {  	[tilespmem:s15], [sflag:$0x1] =	stream.indirect.gather [hbm4b:s7+s11], $0x10, s2, s11, $0xb8;
	[tilespmem:$0x5200] =	vst v63  }
0x13c: {  	s17 =	sadd.s32 s3, s16  }
0x13d: {  	[tilespmem:s5], [sflag:$0x3] =	stream.linear.gather [hbm4b:s17+s5], $0x80, $0x38;
	[tilespmem:$0x5200] =	vst v63  }
0x13e: {  	_ =	swait.ge [sflag:s10], $0x80  }
0x13f: {  	[sflag:s10] =	ssyncset.done $0x0  }
0x140: {  	s18 =	sadd.s32 s4, s16;
	[sflag:s10] =	ssyncadd.s32 $0xFFFFFF80  }
0x141: {  	[tilespmem:s11], [sflag:$0x3] =	stream.linear.gather [hbm4b:s18+s5], $0x80, $0x38;
	[tilespmem:$0x5200] =	vst v63  }
0x142: {  	_ =	swait.ge [sflag:s10], $0x80  }
0x143: {  	[sflag:s10] =	ssyncset.done $0x0  }
0x144: {  	s1 =	sadd.s32 s14, s16;
	[sflag:s10] =	ssyncadd.s32 $0xFFFFFF80  }
0x145: {  	[tilespmem:s12], [sflag:$0x3] =	stream.linear.gather [hbm4b:s1+s5], $0x80, $0x38;
	[tilespmem:$0x5200] =	vst v63  }
0x146: {  	_ =	swait.ge [sflag:s10], $0x80  }
0x147: {  	[sflag:s10] =	ssyncset.done $0x0  }
0x148: {  	[sflag:s10] =	ssyncadd.s32 $0xFFFFFF80  }
0x149: {  	v1 =	vld [tilespmem:$0x0]  }
0x14a: {  	v2 =	vld [tilespmem:$0x80]  }
0x14b: {  	v3 =	vld [tilespmem:$0x100]  }
0x14c: {  	v62 =	vld [tilespmem:$0x10]  }
0x14d: {  	v63 =	vld [tilespmem:$0x90];
	_ =	sdelay $0x2  }
0x14e: {  	v48 =	vmax.f32 v1, $0.0e+00;
	v49 =	vmax.f32 v2, $0.0e+00  }
0x14f: {  	v3 =	vmax.f32 v3, $0.0e+00;
	v50 =	vmul.f32 $1.024000000e+03, v2;
	v51 =	vmul.f32 $1.024000000e+03, v1  }
0x150: {  	v24 =	vmax.f32 v62, $0.0e+00;
	v25 =	vmax.f32 v63, $0.0e+00;
	v32 =	vmul.f32 $1.024000000e+03, v63  }
0x151: {  	v33 =	vmul.f32 $1.024000000e+03, v62;
	v4 =	vmin.f32 v48, $1.000000000e+00;
	v5 =	vmin.f32 v49, $1.000000000e+00  }
0x152: {  	v3 =	vmin.f32 v3, $1.000000000e+00;
	v4 =	vmul.f32 $4.000000000e+00, v4;
	v5 =	vmul.f32 $4.000000000e+00, v5  }
0x153: {  	v14 =	vmin.f32 v24, $1.000000000e+00;
	v3 =	vmul.f32 $4.000000000e+00, v3;
	v52 =	vmul.f32 $3.906250000e-03, v50  }
0x154: {  	v21 =	vld [tilespmem:$0x110];
	v15 =	vmin.f32 v25, $1.000000000e+00;
	v53 =	vmul.f32 $3.906250000e-03, v51;
	v14 =	vmul.f32 $4.000000000e+00, v14  }
0x155: {  	vm7 =	vge.f32 v1, $0.0e+00;
	v27 =	vmul.f32 $4.000000000e+00, v15;
	v34 =	vmul.f32 $3.906250000e-03, v32  }
0x156: {  	vm8 =	vge.f32 v2, $0.0e+00;
	v35 =	vmul.f32 $3.906250000e-03, v33;
	v4 =	vtrunc.f32 v4  }
0x157: {  	vm9 =	vle.f32 v1, $1.000000000e+00;
	v5 =	vtrunc.f32 v5;
	v3 =	vtrunc.f32 v3  }
0x158: {  	vm10 =	vle.f32 v2, $1.000000000e+00;
	v8 =	vtrunc.f32 v52;
	v9 =	vtrunc.f32 v53  }
0x159: {  	v29 =	vmax.f32 v21, $0.0e+00;
	v30 =	vtrunc.f32 v14;
	v13 =	vtrunc.f32 v27  }
0x15a: {  	vm0 =	vmand vm7, vm8;
	v4 =	vcvt.f32.s32 v4;
	v5 =	vcvt.f32.s32 v5  }
0x15b: {  	vm0 =	vmand vm0, vm9;
	v3 =	vcvt.f32.s32 v3;
	v9 =	vcvt.f32.s32 v9  }
0x15c: {  	v8 =	vcvt.f32.s32 v8;
	vm4 =	vlt.s32 v4, $0x3;
	vm5 =	vlt.s32 v5, $0x3  }
0x15d: {  	vm6 =	vlt.s32 v3, $0x3;
	v55 =	vcvt.s32.f32 v9;
	v5 =	vnsel vm5, $0x3, v5  }
0x15e: {  	v4 =	vnsel vm4, $0x3, v4;
	v3 =	vnsel vm6, $0x3, v3;
	v5 =	vshll.u32 v5, $0x2  }
0x15f: {  	v54 =	vcvt.s32.f32 v8;
	v3 =	vshll.u32 v3, $0x4;
	v4 =	vadd.s32 v4, v5  }
0x160: {  	v18 =	vtrunc.f32 v34;
	v3 =	vadd.s32 v3, v4;
	v4 =	vmul.f32 $2.560000000e+02, v55  }
0x161: {  	vm0 =	vmand vm10, vm0;
	v5 =	vmul.f32 $2.560000000e+02, v54;
	v3 =	vcvt.s32.f32 v3  }
0x162: {  	v19 =	vtrunc.f32 v35;
	v10 =	vcvt.f32.s32 v30;
	v4 =	vsub.f32 v51, v4  }
0x163: {  	v13 =	vcvt.f32.s32 v13;
	v5 =	vsub.f32 v50, v5;
	v3 =	vmul.f32 $2.560000000e+02, v3  }
0x164: {  	v18 =	vcvt.f32.s32 v18;
	v19 =	vcvt.f32.s32 v19;
	v4 =	vadd.f32 $-5.000000000e-01, v4  }
0x165: {  	vm15 =	vlt.s32 v10, $0x3;
	vm4 =	vlt.s32 v13, $0x3;
	v3 =	vadd.f32 v3, v5  }
0x166: {  	v36 =	vcvt.s32.f32 v18;
	v13 =	vnsel vm4, $0x3, v13;
	v56 =	vadd.f32 $1.000000000e+00, v4  }
0x167: {  	v10 =	vnsel vm15, $0x3, v10;
	v13 =	vshll.u32 v13, $0x2;
	v3 =	vadd.f32 $-5.000000000e-01, v3  }
0x168: {  	v10 =	vadd.s32 v10, v13;
	v13 =	vmul.f32 $2.560000000e+02, v36;
	v5 =	vtrunc.f32 v56  }
0x169: {  	vm10 =	vge.f32 v62, $0.0e+00;
	v57 =	vadd.f32 $1.000000000e+00, v3;
	v5 =	vcvt.f32.s32 v5  }
0x16a: {  	v22 =	vsel vm0, $0x3F800000, v0;
	v37 =	vcvt.s32.f32 v19;
	v38 =	vsub.f32 v32, v13  }
0x16b: {  	v6 =	vtrunc.f32 v57;
	v58 =	vadd.s32 $0xFFFFFFFF, v5;
	vm12 =	vlt.u32 v5, $0x100  }
0x16c: {  	vm7 =	vgt.s32 v5, $0x0;
	v6 =	vcvt.f32.s32 v6;
	v60 =	vcvt.s32.f32 v58  }
0x16d: {  	v53 =	vld [tilespmem:$0xA0];
	vm11 =	vlt.u32 v58, $0x100;
	v26 =	vsel vm12, $0x3F800000, v0;
	vm6 =	vgt.s32 v58, $0x0  }
0x16e: {  	v5 =	vnsel vm7, $0x0, v5;
	vm12 =	vle.f32 v62, $1.000000000e+00;
	v23 =	vsel vm11, $0x3F800000, v0  }
0x16f: {  	v7 =	vnsel vm6, $0x0, v58;
	v40 =	vmin.u32 v5, $0xFF;
	vm11 =	vge.f32 v63, $0.0e+00  }
0x170: {  	v59 =	vadd.s32 $0xFFFFFFFF, v6;
	v4 =	vsub.f32 v4, v60;
	vm14 =	vlt.u32 v6, $0x4000  }
0x171: {  	v39 =	vmin.u32 v7, $0xFF;
	vm9 =	vgt.s32 v6, $0x0;
	vm0 =	vmand vm10, vm11  }
0x172: {  	v60 =	vmax.f32 v53, $0.0e+00;
	v61 =	vcvt.s32.f32 v59;
	vm13 =	vlt.u32 v59, $0x4000  }
0x173: {  	v12 =	vnsel vm14, $0x0, v22;
	vm8 =	vgt.s32 v59, $0x0;
	v43 =	vnsel vm9, $0x0, v6  }
0x174: {  	vm0 =	vmand vm0, vm12;
	v1 =	vsub.f32 $1.000000000e+00, v4;
	v28 =	vmul.f32 v4, v26  }
0x175: {  	v51 =	vld [tilespmem:$0x20];
	v4 =	vmin.f32 v29, $1.000000000e+00;
	v31 =	vnsel vm13, $0x0, v22;
	vm13 =	vle.f32 v63, $1.000000000e+00  }
0x176: {  	v22 =	vmin.f32 v60, $1.000000000e+00;
	v63 =	vmul.f32 $1.024000000e+03, v53;
	v4 =	vmul.f32 $4.000000000e+00, v4  }
0x177: {  	v3 =	vsub.f32 v3, v61;
	v22 =	vmul.f32 $4.000000000e+00, v22;
	v1 =	vmul.f32 v1, v23  }
0x178: {  	vm0 =	vmand vm13, vm0;
	v34 =	vmul.f32 $3.906250000e-03, v63;
	v4 =	vtrunc.f32 v4  }
0x179: {  	v2 =	vsub.f32 $1.000000000e+00, v3;
	v12 =	vmul.f32 v3, v12;
	v3 =	vmul.f32 $2.560000000e+02, v37  }
0x17a: {  	vm13 =	vge.f32 v51, $0.0e+00;
	v22 =	vtrunc.f32 v22;
	v4 =	vcvt.f32.s32 v4  }
0x17b: {  	v58 =	vsel vm0, $0x3F800000, v0;
	v22 =	vcvt.f32.s32 v22;
	v27 =	vtrunc.f32 v34  }
0x17c: {  	v2 =	vmul.f32 v2, v31;
	v3 =	vsub.f32 v33, v3;
	v6 =	vmul.f32 v12, v28  }
0x17d: {  	v33 =	vmul.f32 $1.024000000e+03, v51;
	v27 =	vcvt.f32.s32 v27;
	vm5 =	vlt.s32 v4, $0x3  }
0x17e: {  	vm6 =	vlt.s32 v22, $0x3;
	v4 =	vnsel vm5, $0x3, v4;
	v41 =	vadd.f32 $-5.000000000e-01, v3  }
0x17f: {  	v3 =	vnsel vm8, $0x0, v59;
	v59 =	vmax.f32 v51, $0.0e+00;
	v35 =	vmul.f32 $3.906250000e-03, v33  }
0x180: {  	v22 =	vnsel vm6, $0x3, v22;
	v4 =	vshll.u32 v4, $0x4;
	v20 =	vmin.f32 v59, $1.000000000e+00  }
0x181: {  	v4 =	vadd.s32 v4, v10;
	v44 =	vadd.f32 $1.000000000e+00, v41;
	v20 =	vmul.f32 $4.000000000e+00, v20  }
0x182: {  	v36 =	vcvt.s32.f32 v27;
	v3 =	vmin.u32 v3, $0x3FFF;
	v4 =	vcvt.s32.f32 v4  }
0x183: {  	v22 =	vshll.u32 v22, $0x2;
	v5 =	vtrunc.f32 v44;
	v20 =	vtrunc.f32 v20  }
0x184: {  	v3 =	vshll.u32 v3, $0x8;
	v4 =	vmul.f32 $2.560000000e+02, v4;
	v46 =	vcvt.f32.s32 v5  }
0x185: {  	v8 =	vor.u32 v39, v3;
	v7 =	vor.u32 v40, v3;
	v20 =	vcvt.f32.s32 v20  }
0x186: {  	v4 =	vadd.f32 v4, v38;
	v48 =	vadd.s32 $0xFFFFFFFF, v46;
	vm15 =	vlt.u32 v46, $0x100  }
0x187: {  	vm5 =	vlt.s32 v20, $0x3;
	v38 =	vmul.f32 $2.560000000e+02, v36;
	vm10 =	vgt.s32 v46, $0x0  }
0x188: {  	v50 =	vcvt.s32.f32 v48;
	vm14 =	vlt.u32 v48, $0x100;
	v62 =	vsel vm15, $0x3F800000, v0  }
0x189: {  	v20 =	vnsel vm5, $0x3, v20;
	vm9 =	vgt.s32 v48, $0x0;
	vm15 =	vle.f32 v51, $1.000000000e+00  }
0x18a: {  	v42 =	vadd.f32 $-5.000000000e-01, v4;
	v4 =	vmin.u32 v43, $0x3FFF;
	v61 =	vsel vm14, $0x3F800000, v0  }
0x18b: {  	v20 =	vadd.s32 v20, v22;
	v13 =	vnsel vm9, $0x0, v48;
	vm14 =	vge.f32 v53, $0.0e+00  }
0x18c: {  	v56 =	vld [tilespmem:$0x120];
	v4 =	vshll.u32 v4, $0x8;
	v14 =	vsub.f32 v41, v50;
	v45 =	vadd.f32 $1.000000000e+00, v42  }
0x18d: {  	v29 =	vld [tilespmem:$0x30];
	v41 =	vnsel vm10, $0x0, v46;
	vm0 =	vmand vm13, vm14;
	v5 =	vor.u32 v39, v4  }
0x18e: {  	v4 =	vor.u32 v40, v4;
	v40 =	vsub.f32 v63, v38;
	v3 =	vtrunc.f32 v45  }
0x18f: {  	v55 =	vsub.f32 $1.000000000e+00, v14;
	v24 =	vmul.f32 v14, v62;
	v47 =	vcvt.f32.s32 v3  }
0x190: {  	v17 =	vmin.u32 v41, $0xFF;
	v3 =	vmul.f32 v2, v1;
	v2 =	vmul.f32 v2, v28  }
0x191: {  	vm0 =	vmand vm0, vm15;
	v1 =	vmul.f32 v12, v1;
	v9 =	vmul.f32 v55, v61  }
0x192: {  	v12 =	vmax.f32 v56, $0.0e+00;
	v28 =	vtrunc.f32 v35;
	v61 =	vmul.f32 $1.024000000e+03, v29  }
0x193: {  	v12 =	vmin.f32 v12, $1.000000000e+00;
	v28 =	vcvt.f32.s32 v28;
	v49 =	vadd.s32 $0xFFFFFFFF, v47  }
0x194: {  	v12 =	vmul.f32 $4.000000000e+00, v12;
	vm8 =	vlt.u32 v47, $0x4000;
	vm12 =	vgt.s32 v47, $0x0  }
0x195: {  	v63 =	vmul.f32 $3.906250000e-03, v61;
	v52 =	vcvt.s32.f32 v49;
	vm4 =	vlt.u32 v49, $0x4000  }
0x196: {  	v37 =	vcvt.s32.f32 v28;
	v16 =	vnsel vm8, $0x0, v58;
	vm11 =	vgt.s32 v49, $0x0  }
0x197: {  	v10 =	vnsel vm12, $0x0, v47;
	v32 =	vnsel vm4, $0x0, v58;
	v12 =	vtrunc.f32 v12  }
0x198: {  	v45 =	vnsel vm11, $0x0, v49;
	v10 =	vmin.u32 v10, $0x3FFF;
	vm4 =	vle.f32 v53, $1.000000000e+00  }
0x199: {  	v54 =	vsub.f32 v42, v52;
	v12 =	vcvt.f32.s32 v12;
	v14 =	vmul.f32 $2.560000000e+02, v37  }
0x19a: {  	v42 =	vmin.u32 v13, $0xFF;
	v10 =	vshll.u32 v10, $0x8;
	v52 =	vld [tilespmem:$0x130];
	vm0 =	vmand vm4, vm0  }
0x19b: {  	v37 =	vtrunc.f32 v63;
	v57 =	vsub.f32 $1.000000000e+00, v54;
	vm7 =	vlt.s32 v12, $0x3  }
0x19c: {  	v39 =	vmul.f32 v54, v16;
	v14 =	vsub.f32 v33, v14;
	v54 =	vmax.f32 v29, $0.0e+00  }
0x19d: {  	v37 =	vcvt.f32.s32 v37;
	v12 =	vnsel vm7, $0x3, v12;
	v23 =	vmin.f32 v54, $1.000000000e+00  }
0x19e: {  	v12 =	vshll.u32 v12, $0x4;
	v15 =	vmul.f32 v57, v32;
	v43 =	vadd.f32 $-5.000000000e-01, v14  }
0x19f: {  	v23 =	vmul.f32 $4.000000000e+00, v23;
	v12 =	vadd.s32 v12, v20;
	v21 =	vmax.f32 v52, $0.0e+00  }
0x1a0: {  	v12 =	vcvt.s32.f32 v12;
	v46 =	vadd.f32 $1.000000000e+00, v43;
	v21 =	vmin.f32 v21, $1.000000000e+00  }
0x1a1: {  	vm4 =	vge.f32 v29, $0.0e+00;
	v23 =	vtrunc.f32 v23;
	v21 =	vmul.f32 $4.000000000e+00, v21  }
0x1a2: {  	v55 =	vsel vm0, $0x3F800000, v0;
	v12 =	vmul.f32 $2.560000000e+02, v12;
	v13 =	vtrunc.f32 v46  }
0x1a3: {  	v23 =	vcvt.f32.s32 v23;
	v18 =	vcvt.f32.s32 v13;
	v13 =	vor.u32 v42, v10  }
0x1a4: {  	v21 =	vtrunc.f32 v21;
	v11 =	vadd.f32 v12, v40;
	v12 =	vmul.f32 v15, v9  }
0x1a5: {  	vm8 =	vlt.s32 v23, $0x3;
	v9 =	vmul.f32 v39, v9;
	v21 =	vcvt.f32.s32 v21  }
0x1a6: {  	v23 =	vnsel vm8, $0x3, v23;
	v26 =	vadd.s32 $0xFFFFFFFF, v18;
	vm6 =	vlt.u32 v18, $0x100  }
0x1a7: {  	vm13 =	vgt.s32 v18, $0x0;
	v44 =	vadd.f32 $-5.000000000e-01, v11;
	v11 =	vmin.u32 v45, $0x3FFF  }
0x1a8: {  	v49 =	vcvt.s32.f32 v26;
	vm5 =	vlt.u32 v26, $0x100;
	v58 =	vsel vm6, $0x3F800000, v0  }
0x1a9: {  	vm10 =	vlt.s32 v21, $0x3;
	vm12 =	vgt.s32 v26, $0x0;
	v11 =	vshll.u32 v11, $0x8  }
0x1aa: {  	v18 =	vnsel vm13, $0x0, v18;
	v47 =	vadd.f32 $1.000000000e+00, v44;
	v16 =	vor.u32 v42, v11  }
0x1ab: {  	v14 =	vor.u32 v17, v11;
	v11 =	vmul.f32 v15, v24;
	v15 =	vor.u32 v17, v10  }
0x1ac: {  	v10 =	vmul.f32 v39, v24;
	v24 =	vld [tilespmem:$0xB0];
	v20 =	vsub.f32 v43, v49;
	v42 =	vcvt.s32.f32 v37  }
0x1ad: {  	vm6 =	vle.f32 v29, $1.000000000e+00;
	v57 =	vsel vm5, $0x3F800000, v0;
	v21 =	vnsel vm10, $0x3, v21  }
0x1ae: {  	v48 =	vtrunc.f32 v47;
	v51 =	vsub.f32 $1.000000000e+00, v20;
	v45 =	vmul.f32 $2.560000000e+02, v42  }
0x1af: {  	v33 =	vmin.u32 v18, $0xFF;
	v21 =	vshll.u32 v21, $0x4;
	v25 =	vcvt.f32.s32 v48  }
0x1b0: {  	v49 =	vnsel vm12, $0x0, v26;
	v31 =	vmul.f32 v51, v57;
	v48 =	vsub.f32 v61, v45  }
0x1b1: {  	v27 =	vadd.s32 $0xFFFFFFFF, v25;
	v56 =	vmax.f32 v24, $0.0e+00;
	v59 =	vmul.f32 $1.024000000e+03, v24  }
0x1b2: {  	vm11 =	vlt.u32 v25, $0x4000;
	vm15 =	vgt.s32 v25, $0x0;
	vm5 =	vge.f32 v24, $0.0e+00  }
0x1b3: {  	v50 =	vcvt.s32.f32 v27;
	v30 =	vmin.f32 v56, $1.000000000e+00;
	vm7 =	vlt.u32 v27, $0x4000  }
0x1b4: {  	v28 =	vnsel vm11, $0x0, v55;
	v51 =	vadd.f32 $-5.000000000e-01, v48;
	vm14 =	vgt.s32 v27, $0x0  }
0x1b5: {  	vm0 =	vmand vm4, vm5;
	v30 =	vmul.f32 $4.000000000e+00, v30;
	v60 =	vnsel vm7, $0x0, v55  }
0x1b6: {  	v62 =	vmul.f32 $3.906250000e-03, v59;
	v55 =	vnsel vm15, $0x0, v25;
	vm0 =	vmand vm0, vm6  }
0x1b7: {  	vm7 =	vle.f32 v24, $1.000000000e+00;
	v17 =	vsub.f32 v44, v50;
	v44 =	vmul.f32 v20, v58  }
0x1b8: {  	v50 =	vmin.u32 v49, $0xFF;
	v54 =	vadd.f32 $1.000000000e+00, v51;
	v30 =	vtrunc.f32 v30  }
0x1b9: {  	vm0 =	vmand vm7, vm0;
	v36 =	vtrunc.f32 v62;
	v30 =	vcvt.f32.s32 v30  }
0x1ba: {  	v63 =	vsel vm0, $0x3F800000, v0;
	v53 =	vsub.f32 $1.000000000e+00, v17;
	v36 =	vcvt.f32.s32 v36  }
0x1bb: {  	v62 =	vld [tilespmem:$0x140];
	v28 =	vmul.f32 v17, v28;
	v18 =	vtrunc.f32 v54;
	vm9 =	vlt.s32 v30, $0x3  }
0x1bc: {  	v40 =	vcvt.s32.f32 v36;
	v46 =	vmul.f32 v53, v60;
	v53 =	vnsel vm14, $0x0, v27  }
0x1bd: {  	v27 =	vcvt.f32.s32 v18;
	v18 =	vmul.f32 v28, v44;
	v30 =	vnsel vm9, $0x3, v30  }
0x1be: {  	v17 =	vmin.u32 v53, $0x3FFF;
	v30 =	vshll.u32 v30, $0x2;
	v43 =	vmul.f32 $2.560000000e+02, v40  }
0x1bf: {  	v17 =	vshll.u32 v17, $0x8;
	v20 =	vmul.f32 v46, v31;
	v32 =	vadd.s32 $0xFFFFFFFF, v27  }
0x1c0: {  	vm9 =	vlt.u32 v27, $0x100;
	v49 =	vmax.f32 v62, $0.0e+00;
	vm4 =	vgt.s32 v27, $0x0  }
0x1c1: {  	v23 =	vadd.s32 v23, v30;
	v22 =	vor.u32 v50, v17;
	v58 =	vcvt.s32.f32 v32;
	v30 =	vld [tilespmem:$0x40]  }
0x1c2: {  	vm8 =	vlt.u32 v32, $0x100;
	vm15 =	vgt.s32 v32, $0x0;
	v41 =	vadd.s32 v21, v23  }
0x1c3: {  	v27 =	vnsel vm4, $0x0, v27;
	v47 =	vsub.f32 v59, v43;
	v19 =	vcvt.s32.f32 v41  }
0x1c4: {  	v21 =	vor.u32 v33, v17;
	v17 =	vmul.f32 v28, v31;
	v26 =	vsub.f32 v51, v58  }
0x1c5: {  	v32 =	vnsel vm15, $0x0, v32;
	v27 =	vmin.u32 v27, $0xFF;
	v19 =	vmul.f32 $2.560000000e+02, v19  }
0x1c6: {  	v36 =	vld [tilespmem:$0xC0];
	v60 =	vsub.f32 $1.000000000e+00, v26;
	v45 =	vmax.f32 v30, $0.0e+00;
	v53 =	vmul.f32 $1.024000000e+03, v30  }
0x1c7: {  	vm7 =	vge.f32 v30, $0.0e+00;
	v19 =	vadd.f32 v19, v47;
	v39 =	vmin.f32 v45, $1.000000000e+00  }
0x1c8: {  	v47 =	vsel vm9, $0x3F800000, v0;
	vm9 =	vle.f32 v30, $1.000000000e+00;
	v39 =	vmul.f32 $4.000000000e+00, v39  }
0x1c9: {  	v52 =	vadd.f32 $-5.000000000e-01, v19;
	v19 =	vmin.u32 v55, $0x3FFF;
	v55 =	vmul.f32 $3.906250000e-03, v53  }
0x1ca: {  	v25 =	vshll.u32 v19, $0x8;
	v19 =	vmul.f32 v46, v44;
	v44 =	vsel vm8, $0x3F800000, v0  }
0x1cb: {  	v46 =	vmax.f32 v36, $0.0e+00;
	vm8 =	vge.f32 v36, $0.0e+00;
	v23 =	vor.u32 v50, v25  }
0x1cc: {  	v40 =	vmin.f32 v46, $1.000000000e+00;
	v38 =	vmul.f32 v60, v44;
	v50 =	vtrunc.f32 v39  }
0x1cd: {  	v56 =	vadd.f32 $1.000000000e+00, v52;
	v44 =	vtrunc.f32 v55;
	v48 =	vmul.f32 $4.000000000e+00, v40  }
0x1ce: {  	v60 =	vmin.u32 v32, $0xFF;
	v40 =	vmul.f32 v26, v47;
	v29 =	vcvt.f32.s32 v50  }
0x1cf: {  	v26 =	vmin.f32 v49, $1.000000000e+00;
	v44 =	vcvt.f32.s32 v44;
	v57 =	vtrunc.f32 v56  }
0x1d0: {  	vm0 =	vmand vm7, vm8;
	v26 =	vmul.f32 $4.000000000e+00, v26;
	v35 =	vcvt.f32.s32 v57  }
0x1d1: {  	vm0 =	vmand vm0, vm9;
	v28 =	vtrunc.f32 v48;
	v57 =	vcvt.s32.f32 v44  }
0x1d2: {  	vm12 =	vlt.s32 v29, $0x3;
	v28 =	vcvt.f32.s32 v28;
	v26 =	vtrunc.f32 v26  }
0x1d3: {  	v29 =	vnsel vm12, $0x3, v29;
	v31 =	vadd.s32 $0xFFFFFFFF, v35;
	vm11 =	vlt.u32 v35, $0x4000  }
0x1d4: {  	v26 =	vcvt.f32.s32 v26;
	vm6 =	vgt.s32 v35, $0x0;
	v59 =	vcvt.s32.f32 v31  }
0x1d5: {  	vm10 =	vlt.u32 v31, $0x4000;
	vm13 =	vlt.s32 v28, $0x3;
	v37 =	vnsel vm11, $0x0, v63  }
0x1d6: {  	vm5 =	vgt.s32 v31, $0x0;
	v47 =	vnsel vm6, $0x0, v35;
	v51 =	vnsel vm10, $0x0, v63  }
0x1d7: {  	v45 =	vld [tilespmem:$0xD0];
	v28 =	vnsel vm13, $0x3, v28;
	vm14 =	vlt.s32 v26, $0x3;
	v62 =	vnsel vm5, $0x0, v31  }
0x1d8: {  	vm10 =	vle.f32 v36, $1.000000000e+00;
	v34 =	vsub.f32 v52, v59;
	v52 =	vmul.f32 $1.024000000e+03, v36  }
0x1d9: {  	v26 =	vnsel vm14, $0x3, v26;
	v28 =	vshll.u32 v28, $0x2;
	v59 =	vmul.f32 $2.560000000e+02, v57  }
0x1da: {  	v26 =	vshll.u32 v26, $0x4;
	v28 =	vadd.s32 v29, v28;
	v61 =	vsub.f32 $1.000000000e+00, v34  }
0x1db: {  	v54 =	vmul.f32 $3.906250000e-03, v52;
	v26 =	vadd.s32 v26, v28;
	v28 =	vor.u32 v33, v25  }
0x1dc: {  	v58 =	vmul.f32 v34, v37;
	v25 =	vsub.f32 v53, v59;
	v59 =	vmul.f32 $1.024000000e+03, v45  }
0x1dd: {  	vm0 =	vmand vm10, vm0;
	v26 =	vcvt.s32.f32 v26;
	v43 =	vtrunc.f32 v54  }
0x1de: {  	v42 =	vsel vm0, $0x3F800000, v0;
	v24 =	vmul.f32 v61, v51;
	v54 =	vld [tilespmem:$0x150];
	v43 =	vcvt.f32.s32 v43  }
0x1df: {  	v61 =	vadd.f32 $-5.000000000e-01, v25;
	v25 =	vmin.u32 v62, $0x3FFF;
	v30 =	vmul.f32 v58, v40  }
0x1e0: {  	v62 =	vmul.f32 $3.906250000e-03, v59;
	v25 =	vshll.u32 v25, $0x8;
	v56 =	vcvt.s32.f32 v43;
	v43 =	vld [tilespmem:$0x50]  }
0x1e1: {  	v26 =	vmul.f32 $2.560000000e+02, v26;
	v48 =	vadd.f32 $1.000000000e+00, v61;
	v32 =	vor.u32 v60, v25  }
0x1e2: {  	v31 =	vor.u32 v27, v25;
	v29 =	vmul.f32 $2.560000000e+02, v56;
	v56 =	vmax.f32 v45, $0.0e+00  }
0x1e3: {  	v25 =	vmul.f32 v24, v40;
	v36 =	vmax.f32 v54, $0.0e+00;
	v46 =	vmin.f32 v56, $1.000000000e+00  }
0x1e4: {  	v36 =	vmin.f32 v36, $1.000000000e+00;
	v29 =	vsub.f32 v52, v29;
	v46 =	vmul.f32 $4.000000000e+00, v46  }
0x1e5: {  	v36 =	vmul.f32 $4.000000000e+00, v36;
	v55 =	vmax.f32 v43, $0.0e+00;
	vm10 =	vge.f32 v43, $0.0e+00  }
0x1e6: {  	v26 =	vadd.f32 v26, v29;
	v29 =	vtrunc.f32 v48;
	v46 =	vtrunc.f32 v46  }
0x1e7: {  	v44 =	vmin.f32 v55, $1.000000000e+00;
	v36 =	vtrunc.f32 v36;
	v41 =	vcvt.f32.s32 v29  }
0x1e8: {  	v44 =	vmul.f32 $4.000000000e+00, v44;
	v63 =	vadd.f32 $-5.000000000e-01, v26;
	v26 =	vmin.u32 v47, $0x3FFF  }
0x1e9: {  	v46 =	vcvt.f32.s32 v46;
	v36 =	vcvt.f32.s32 v36;
	v26 =	vshll.u32 v26, $0x8  }
0x1ea: {  	v35 =	vadd.s32 $0xFFFFFFFF, v41;
	vm12 =	vlt.u32 v41, $0x100;
	v44 =	vtrunc.f32 v44  }
0x1eb: {  	vm15 =	vlt.s32 v46, $0x3;
	vm4 =	vlt.s32 v36, $0x3;
	vm7 =	vgt.s32 v41, $0x0  }
0x1ec: {  	v29 =	vor.u32 v60, v26;
	v27 =	vor.u32 v27, v26;
	v26 =	vmul.f32 v24, v38  }
0x1ed: {  	v49 =	vadd.f32 $1.000000000e+00, v63;
	v24 =	vmul.f32 v58, v38;
	v51 =	vcvt.s32.f32 v35  }
0x1ee: {  	vm11 =	vlt.u32 v35, $0x100;
	v58 =	vsel vm12, $0x3F800000, v0;
	v44 =	vcvt.f32.s32 v44  }
0x1ef: {  	v46 =	vnsel vm15, $0x3, v46;
	v36 =	vnsel vm4, $0x3, v36;
	vm6 =	vgt.s32 v35, $0x0  }
0x1f0: {  	vm12 =	vge.f32 v45, $0.0e+00;
	v57 =	vsel vm11, $0x3F800000, v0;
	v46 =	vshll.u32 v46, $0x2  }
0x1f1: {  	v36 =	vshll.u32 v36, $0x4;
	v35 =	vnsel vm6, $0x0, v35;
	vm11 =	vle.f32 v43, $1.000000000e+00  }
0x1f2: {  	vm0 =	vmand vm10, vm12;
	v50 =	vtrunc.f32 v49;
	v37 =	vsub.f32 v61, v51  }
0x1f3: {  	v61 =	vmul.f32 $1.024000000e+03, v43;
	vm14 =	vlt.s32 v44, $0x3;
	v51 =	vtrunc.f32 v62  }
0x1f4: {  	v35 =	vmin.u32 v35, $0xFF;
	vm0 =	vmand vm0, vm11;
	v34 =	vcvt.f32.s32 v50  }
0x1f5: {  	v44 =	vnsel vm14, $0x3, v44;
	v51 =	vcvt.f32.s32 v51;
	v53 =	vsub.f32 $1.000000000e+00, v37  }
0x1f6: {  	v44 =	vadd.s32 v44, v46;
	v48 =	vmul.f32 v37, v58;
	v58 =	vnsel vm7, $0x0, v41  }
0x1f7: {  	v38 =	vadd.s32 $0xFFFFFFFF, v34;
	v36 =	vadd.s32 v36, v44;
	vm5 =	vlt.u32 v34, $0x4000  }
0x1f8: {  	v50 =	vld [tilespmem:$0x60];
	vm9 =	vgt.s32 v34, $0x0;
	v52 =	vcvt.s32.f32 v38;
	v33 =	vmul.f32 v53, v57  }
0x1f9: {  	v41 =	vld [tilespmem:$0xE0];
	vm13 =	vlt.u32 v38, $0x4000;
	v53 =	vcvt.s32.f32 v51;
	v36 =	vcvt.s32.f32 v36  }
0x1fa: {  	vm8 =	vgt.s32 v38, $0x0;
	v34 =	vnsel vm9, $0x0, v34;
	v60 =	vnsel vm13, $0x0, v42  }
0x1fb: {  	v42 =	vnsel vm5, $0x0, v42;
	v34 =	vmin.u32 v34, $0x3FFF;
	vm13 =	vle.f32 v45, $1.000000000e+00  }
0x1fc: {  	v39 =	vsub.f32 v63, v52;
	v63 =	vmul.f32 $3.906250000e-03, v61;
	v55 =	vmul.f32 $2.560000000e+02, v53  }
0x1fd: {  	v36 =	vmul.f32 $2.560000000e+02, v36;
	v34 =	vshll.u32 v34, $0x8;
	vm0 =	vmand vm13, vm0  }
0x1fe: {  	vm13 =	vge.f32 v50, $0.0e+00;
	v53 =	vmax.f32 v41, $0.0e+00;
	v40 =	vsub.f32 $1.000000000e+00, v39  }
0x1ff: {  	v52 =	vtrunc.f32 v63;
	v42 =	vmul.f32 v39, v42;
	v57 =	vsub.f32 v59, v55  }
0x200: {  	v55 =	vmin.f32 v53, $1.000000000e+00;
	v53 =	vmul.f32 $1.024000000e+03, v41;
	v52 =	vcvt.f32.s32 v52  }
0x201: {  	v59 =	vmin.u32 v58, $0xFF;
	v43 =	vmul.f32 $4.000000000e+00, v55;
	v56 =	vmul.f32 v40, v60  }
0x202: {  	v36 =	vadd.f32 v36, v57;
	v60 =	vnsel vm8, $0x0, v38;
	v58 =	vmul.f32 $3.906250000e-03, v53  }
0x203: {  	v38 =	vor.u32 v35, v34;
	v54 =	vcvt.s32.f32 v52;
	v43 =	vtrunc.f32 v43  }
0x204: {  	v49 =	vadd.f32 $-5.000000000e-01, v36;
	v36 =	vmin.u32 v60, $0x3FFF;
	v43 =	vcvt.f32.s32 v43  }
0x205: {  	v37 =	vmul.f32 $2.560000000e+02, v54;
	v36 =	vshll.u32 v36, $0x8;
	v54 =	vtrunc.f32 v58  }
0x206: {  	v40 =	vor.u32 v35, v36;
	v39 =	vor.u32 v59, v36;
	v36 =	vmul.f32 v56, v33  }
0x207: {  	v54 =	vcvt.f32.s32 v54;
	v37 =	vsub.f32 v61, v37;
	v61 =	vadd.f32 $1.000000000e+00, v49  }
0x208: {  	v58 =	vsel vm0, $0x3F800000, v0;
	v35 =	vmul.f32 v42, v33;
	v33 =	vmul.f32 v42, v48  }
0x209: {  	vm15 =	vlt.s32 v43, $0x3;
	v54 =	vcvt.s32.f32 v54;
	v62 =	vtrunc.f32 v61  }
0x20a: {  	v43 =	vnsel vm15, $0x3, v43;
	v47 =	vadd.f32 $-5.000000000e-01, v37;
	v52 =	vcvt.f32.s32 v62  }
0x20b: {  	v60 =	vld [tilespmem:$0x160];
	vm15 =	vle.f32 v50, $1.000000000e+00;
	v43 =	vshll.u32 v43, $0x2;
	v54 =	vmul.f32 $2.560000000e+02, v54  }
0x20c: {  	v62 =	vmax.f32 v50, $0.0e+00;
	v37 =	vadd.f32 $1.000000000e+00, v47;
	v46 =	vadd.s32 $0xFFFFFFFF, v52  }
0x20d: {  	v53 =	vsub.f32 v53, v54;
	vm8 =	vlt.u32 v52, $0x4000;
	vm12 =	vgt.s32 v52, $0x0  }
0x20e: {  	v37 =	vtrunc.f32 v37;
	v61 =	vcvt.s32.f32 v46;
	vm7 =	vlt.u32 v46, $0x4000  }
0x20f: {  	vm11 =	vgt.s32 v46, $0x0;
	v51 =	vcvt.f32.s32 v37;
	v37 =	vor.u32 v59, v34  }
0x210: {  	v34 =	vmul.f32 v56, v48;
	v56 =	vmax.f32 v60, $0.0e+00;
	v48 =	vsub.f32 v49, v61  }
0x211: {  	v49 =	vmin.f32 v56, $1.000000000e+00;
	v56 =	vnsel vm11, $0x0, v46;
	v44 =	vadd.s32 $0xFFFFFFFF, v51  }
0x212: {  	v49 =	vmul.f32 $4.000000000e+00, v49;
	vm6 =	vlt.u32 v51, $0x100;
	v63 =	vcvt.s32.f32 v44  }
0x213: {  	vm10 =	vgt.s32 v51, $0x0;
	vm5 =	vlt.u32 v44, $0x100;
	vm9 =	vgt.s32 v44, $0x0  }
0x214: {  	v57 =	vtrunc.f32 v49;
	v49 =	vmul.f32 $1.024000000e+03, v50;
	v42 =	vsub.f32 v47, v63  }
0x215: {  	v63 =	vmin.f32 v62, $1.000000000e+00;
	v45 =	vcvt.f32.s32 v57;
	v57 =	vsub.f32 $1.000000000e+00, v48  }
0x216: {  	[tilespmem:$0x2970] =	vst v6;
	v6 =	vld [tilespmem:$0xF0];
	v47 =	vmul.f32 $4.000000000e+00, v63;
	v59 =	vmul.f32 $3.906250000e-03, v49;
	v63 =	vsel vm5, $0x3F800000, v0  }
0x217: {  	vm5 =	vle.f32 v41, $1.000000000e+00;
	vm4 =	vlt.s32 v45, $0x3;
	v61 =	vsub.f32 $1.000000000e+00, v42  }
0x218: {  	v47 =	vtrunc.f32 v47;
	v55 =	vtrunc.f32 v59;
	v45 =	vnsel vm4, $0x3, v45  }
0x219: {  	v59 =	vsel vm6, $0x3F800000, v0;
	v47 =	vcvt.f32.s32 v47;
	v60 =	vcvt.f32.s32 v55  }
0x21a: {  	v45 =	vshll.u32 v45, $0x4;
	v42 =	vmul.f32 v42, v59;
	v55 =	vnsel vm10, $0x0, v51  }
0x21b: {  	[tilespmem:$0x25D0] =	vst v16;
	v59 =	vnsel vm12, $0x0, v52;
	v51 =	vmax.f32 v6, $0.0e+00;
	v16 =	vmin.u32 v55, $0xFF  }
0x21c: {  	[tilespmem:$0x26C0] =	vst v5;
	v5 =	vld [tilespmem:$0x70];
	v52 =	vmin.f32 v51, $1.000000000e+00;
	v55 =	vmul.f32 $1.024000000e+03, v6;
	vm14 =	vlt.s32 v47, $0x3  }
0x21d: {  	[tilespmem:$0x2980] =	vst v10;
	v62 =	vcvt.s32.f32 v60;
	v10 =	vmul.f32 $4.000000000e+00, v52;
	v47 =	vnsel vm14, $0x3, v47  }
0x21e: {  	v60 =	vnsel vm7, $0x0, v58;
	vm14 =	vge.f32 v41, $0.0e+00;
	v43 =	vadd.s32 v47, v43  }
0x21f: {  	v47 =	vmul.f32 v61, v63;
	vm0 =	vmand vm13, vm14;
	v10 =	vtrunc.f32 v10  }
0x220: {  	v43 =	vadd.s32 v45, v43;
	v45 =	vmul.f32 $2.560000000e+02, v62;
	v62 =	vnsel vm9, $0x0, v44  }
0x221: {  	[tilespmem:$0x25C0] =	vst v8;
	vm0 =	vmand vm0, vm15;
	v44 =	vmax.f32 v5, $0.0e+00;
	v10 =	vcvt.f32.s32 v10  }
0x222: {  	[tilespmem:$0x2640] =	vst v7;
	v43 =	vcvt.s32.f32 v43;
	v50 =	vmin.f32 v44, $1.000000000e+00;
	vm0 =	vmand vm5, vm0  }
0x223: {  	[tilespmem:$0x2740] =	vst v4;
	vm5 =	vge.f32 v6, $0.0e+00;
	v45 =	vsub.f32 v49, v45;
	v49 =	vnsel vm8, $0x0, v58  }
0x224: {  	[tilespmem:$0x2860] =	vst v11;
	v11 =	vmul.f32 $4.000000000e+00, v50;
	vm8 =	vlt.s32 v10, $0x3;
	v43 =	vmul.f32 $2.560000000e+02, v43  }
0x225: {  	[tilespmem:$0x27C0] =	vst v3;
	v48 =	vmul.f32 v48, v49;
	v49 =	vmin.u32 v62, $0xFF;
	v10 =	vnsel vm8, $0x3, v10  }
0x226: {  	[tilespmem:$0x2850] =	vst v2;
	v45 =	vadd.f32 $-5.000000000e-01, v45;
	v11 =	vtrunc.f32 v11;
	v10 =	vshll.u32 v10, $0x2  }
0x227: {  	[tilespmem:$0x28E0] =	vst v1;
	v43 =	vadd.f32 v43, v53;
	v53 =	vmul.f32 v57, v60;
	v1 =	vmul.f32 v48, v47  }
0x228: {  	[tilespmem:$0x26D0] =	vst v13;
	v3 =	vmul.f32 v48, v42;
	v60 =	vmin.u32 v56, $0x3FFF;
	v61 =	vadd.f32 $1.000000000e+00, v45  }
0x229: {  	[tilespmem:$0x27D0] =	vst v12;
	v11 =	vcvt.f32.s32 v11;
	v56 =	vmul.f32 $1.024000000e+03, v5;
	v43 =	vadd.f32 $-5.000000000e-01, v43  }
0x22a: {  	[tilespmem:$0x28F0] =	vst v9;
	v13 =	vshll.u32 v60, $0x8;
	v4 =	vmul.f32 v53, v47;
	v8 =	vtrunc.f32 v61  }
0x22b: {  	[tilespmem:$0x2650] =	vst v14;
	vm7 =	vlt.s32 v11, $0x3;
	v63 =	vadd.f32 $1.000000000e+00, v43;
	v8 =	vcvt.f32.s32 v8  }
0x22c: {  	[tilespmem:$0x2750] =	vst v15;
	v2 =	vmul.f32 v53, v42;
	v11 =	vnsel vm7, $0x3, v11;
	vm7 =	vle.f32 v6, $1.000000000e+00  }
0x22d: {  	[tilespmem:$0x2990] =	vst v18;
	v61 =	vld [tilespmem:$0x170];
	v10 =	vadd.s32 v11, v10;
	v54 =	vtrunc.f32 v63;
	v46 =	vadd.s32 $0xFFFFFFFF, v8  }
0x22e: {  	[tilespmem:$0x25E0] =	vst v22;
	vm6 =	vlt.u32 v8, $0x100;
	vm13 =	vgt.s32 v8, $0x0;
	v7 =	vcvt.f32.s32 v54  }
0x22f: {  	[tilespmem:$0x27E0] =	vst v20;
	v57 =	vcvt.s32.f32 v46;
	vm4 =	vlt.u32 v46, $0x100;
	v41 =	vsel vm6, $0x3F800000, v0  }
0x230: {  	[tilespmem:$0x2660] =	vst v21;
	v54 =	vmin.u32 v59, $0x3FFF;
	v59 =	vor.u32 v49, v13;
	v13 =	vor.u32 v16, v13  }
0x231: {  	[tilespmem:$0x2900] =	vst v17;
	vm12 =	vgt.s32 v46, $0x0;
	v8 =	vnsel vm13, $0x0, v8;
	vm6 =	vle.f32 v5, $1.000000000e+00  }
0x232: {  	[tilespmem:$0x26E0] =	vst v23;
	v63 =	vsel vm4, $0x3F800000, v0;
	v53 =	vmax.f32 v61, $0.0e+00;
	v21 =	vshll.u32 v54, $0x8  }
0x233: {  	[tilespmem:$0x2770] =	vst v27;
	v27 =	vnsel vm12, $0x0, v46;
	v8 =	vmin.u32 v8, $0xFF;
	vm4 =	vge.f32 v5, $0.0e+00  }
0x234: {  	[tilespmem:$0x2870] =	vst v19;
	v47 =	vadd.s32 $0xFFFFFFFF, v7;
	v45 =	vsub.f32 v45, v57;
	v15 =	vmin.f32 v53, $1.000000000e+00  }
0x235: {  	[tilespmem:$0x2760] =	vst v28;
	v57 =	vmul.f32 $3.906250000e-03, v55;
	v60 =	vor.u32 v49, v21;
	v16 =	vor.u32 v16, v21  }
0x236: {  	[tilespmem:$0x29A0] =	vst v30;
	vm11 =	vlt.u32 v7, $0x4000;
	vm15 =	vgt.s32 v7, $0x0;
	v15 =	vmul.f32 $4.000000000e+00, v15  }
0x237: {  	[tilespmem:$0x25F0] =	vst v32;
	v58 =	vcvt.s32.f32 v47;
	vm10 =	vlt.u32 v47, $0x4000;
	vm14 =	vgt.s32 v47, $0x0  }
0x238: {  	[tilespmem:$0x2670] =	vst v31;
	v7 =	vnsel vm15, $0x0, v7;
	v62 =	vsub.f32 $1.000000000e+00, v45;
	v15 =	vtrunc.f32 v15  }
0x239: {  	[tilespmem:$0x2880] =	vst v25;
	v14 =	vsub.f32 v43, v58;
	v58 =	vmul.f32 $3.906250000e-03, v56;
	v15 =	vcvt.f32.s32 v15  }
0x23a: {  	[tilespmem:$0x26F0] =	vst v29;
	v48 =	vmul.f32 v45, v41;
	v17 =	vtrunc.f32 v57;
	v28 =	vnsel vm14, $0x0, v47  }
0x23b: {  	[tilespmem:$0x27F0] =	vst v26;
	v17 =	vcvt.f32.s32 v17;
	v18 =	vtrunc.f32 v58;
	vm9 =	vlt.s32 v15, $0x3  }
0x23c: {  	[tilespmem:$0x2910] =	vst v24;
	v7 =	vmin.u32 v7, $0x3FFF;
	v18 =	vcvt.f32.s32 v18;
	v15 =	vnsel vm9, $0x3, v15  }
0x23d: {  	[tilespmem:$0x2700] =	vst v38;
	v19 =	vmin.u32 v28, $0x3FFF;
	v17 =	vcvt.s32.f32 v17;
	v15 =	vshll.u32 v15, $0x4  }
0x23e: {  	[tilespmem:$0x2600] =	vst v40;
	v12 =	vmul.f32 v62, v63;
	v18 =	vcvt.s32.f32 v18;
	v10 =	vadd.s32 v15, v10  }
0x23f: {  	[tilespmem:$0x2680] =	vst v39;
	v7 =	vshll.u32 v7, $0x8;
	v17 =	vmul.f32 $2.560000000e+02, v17;
	v10 =	vcvt.s32.f32 v10  }
0x240: {  	[tilespmem:$0x2800] =	vst v36;
	v62 =	vsel vm0, $0x3F800000, v0;
	v19 =	vshll.u32 v19, $0x8;
	v18 =	vmul.f32 $2.560000000e+02, v18  }
0x241: {  	[tilespmem:$0x2920] =	vst v35;
	vm0 =	vmand vm4, vm5;
	v17 =	vsub.f32 v55, v17;
	v10 =	vmul.f32 $2.560000000e+02, v10  }
0x242: {  	[tilespmem:$0x29B0] =	vst v33;
	v61 =	vsub.f32 $1.000000000e+00, v14;
	v63 =	vnsel vm10, $0x0, v62;
	v18 =	vsub.f32 v56, v18  }
0x243: {  	[tilespmem:$0x2780] =	vst v37;
	v26 =	vnsel vm11, $0x0, v62;
	v32 =	vor.u32 v8, v19;
	v10 =	vadd.f32 v10, v17  }
0x244: {  	[tilespmem:$0x2890] =	vst v34;
	vm0 =	vmand vm0, vm6;
	v14 =	vmul.f32 v14, v26;
	v18 =	vadd.f32 $-5.000000000e-01, v18  }
0x245: {  	[tilespmem:$0x2930] =	vst v1;
	vm0 =	vmand vm7, vm0;
	v15 =	vmul.f32 v61, v63;
	v10 =	vadd.f32 $-5.000000000e-01, v10  }
0x246: {  	[tilespmem:$0x29C0] =	vst v3;
	v42 =	vsel vm0, $0x3F800000, v0;
	v39 =	vmul.f32 v14, v12;
	v29 =	vadd.f32 $1.000000000e+00, v18  }
0x247: {  	[tilespmem:$0x2810] =	vst v4;
	v9 =	vmul.f32 v14, v48;
	v34 =	vmul.f32 v15, v12;
	v30 =	vadd.f32 $1.000000000e+00, v10  }
0x248: {  	[tilespmem:$0x28A0] =	vst v2;
	v37 =	vmul.f32 v15, v48;
	v17 =	vmin.u32 v27, $0xFF;
	v20 =	vtrunc.f32 v29  }
0x249: {  	[tilespmem:$0x2610] =	vst v59;
	v31 =	vor.u32 v17, v19;
	v20 =	vcvt.f32.s32 v20;
	v21 =	vtrunc.f32 v30  }
0x24a: {  	[tilespmem:$0x2690] =	vst v13;
	v17 =	vor.u32 v17, v7;
	v7 =	vor.u32 v8, v7;
	v21 =	vcvt.f32.s32 v21  }
0x24b: {  	[tilespmem:$0x2710] =	vst v60;
	v33 =	vadd.s32 $0xFFFFFFFF, v20;
	vm10 =	vlt.u32 v20, $0x100;
	vm11 =	vgt.s32 v20, $0x0  }
0x24c: {  	[tilespmem:$0x2790] =	vst v16;
	v36 =	vcvt.s32.f32 v33;
	vm8 =	vlt.u32 v33, $0x100;
	vm9 =	vgt.s32 v33, $0x0  }
0x24d: {  	[tilespmem:$0x26A0] =	vst v32;
	v44 =	vnsel vm11, $0x0, v20;
	v47 =	vsel vm10, $0x3F800000, v0;
	v35 =	vadd.s32 $0xFFFFFFFF, v21  }
0x24e: {  	[tilespmem:$0x2940] =	vst v39;
	v41 =	vsel vm8, $0x3F800000, v0;
	v43 =	vnsel vm9, $0x0, v33;
	vm13 =	vgt.s32 v21, $0x0  }
0x24f: {  	[tilespmem:$0x27A0] =	vst v7;
	vm15 =	vlt.u32 v21, $0x4000;
	v7 =	vmin.u32 v44, $0xFF;
	v38 =	vcvt.s32.f32 v35  }
0x250: {  	[tilespmem:$0x29D0] =	vst v9;
	v40 =	vsub.f32 v18, v36;
	vm12 =	vgt.s32 v35, $0x0;
	vm14 =	vlt.u32 v35, $0x4000  }
0x251: {  	[tilespmem:$0x2820] =	vst v34;
	v46 =	vnsel vm13, $0x0, v21;
	v6 =	vmin.u32 v43, $0xFF;
	v2 =	vsub.f32 v10, v38  }
0x252: {  	[tilespmem:$0x28B0] =	vst v37;
	v45 =	vnsel vm12, $0x0, v35;
	v49 =	vmin.u32 v46, $0x3FFF;
	v1 =	vsub.f32 $1.000000000e+00, v40  }
0x253: {  	[tilespmem:$0x2620] =	vst v31;
	v10 =	vmin.u32 v45, $0x3FFF;
	v51 =	vshll.u32 v49, $0x8;
	v3 =	vsub.f32 $1.000000000e+00, v2  }
0x254: {  	[tilespmem:$0x2720] =	vst v17;
	v48 =	vnsel vm14, $0x0, v42;
	v10 =	vshll.u32 v10, $0x8;
	v4 =	vor.u32 v7, v51  }
0x255: {  	v1 =	vmul.f32 v1, v41;
	v50 =	vor.u32 v6, v10;
	[tilespmem:$0x27B0] =	vst v4;
	v3 =	vmul.f32 v3, v48  }
0x256: {  	v5 =	vnsel vm15, $0x0, v42;
	v8 =	vmul.f32 v40, v47;
	v52 =	vor.u32 v7, v10;
	[tilespmem:$0x2630] =	vst v50  }
0x257: {  	v6 =	vor.u32 v6, v51;
	v2 =	vmul.f32 v2, v5;
	[tilespmem:$0x26B0] =	vst v52;
	v53 =	vmul.f32 v3, v1  }
0x258: {  	[tilespmem:$0x2730] =	vst v6;
	v3 =	vmul.f32 v3, v8  }
0x259: {  	v1 =	vmul.f32 v2, v1;
	[tilespmem:$0x2830] =	vst v53  }
0x25a: {  	v2 =	vmul.f32 v2, v8;
	[tilespmem:$0x28C0] =	vst v3  }
0x25b: {  	[tilespmem:$0x2950] =	vst v1  }
0x25c: {  	s19 =	simm.s32 $0x25C0;
	s20 =	simm.s32 $0x2A00;
	[tilespmem:$0x29E0] =	vst v2  }
0x25d: {  	[tilespmem:s20], [sflag:$0x2] =	stream.indirect.gather [hbm4b:s7+s11], $0x10, s19, s11, $0xb8;
	[tilespmem:$0x5200] =	vst v63  }
0x25e: {  	s21 =	simm.s32 $0x2640;
	s22 =	simm.s32 $0x3200  }
0x25f: {  	[tilespmem:s22], [sflag:$0x2] =	stream.indirect.gather [hbm4b:s7+s11], $0x10, s21, s11, $0xb8;
	[tilespmem:$0x5200] =	vst v63  }
0x260: {  	s23 =	simm.s32 $0x26C0;
	s24 =	simm.s32 $0x3A00  }
0x261: {  	[tilespmem:s24], [sflag:$0x2] =	stream.indirect.gather [hbm4b:s7+s11], $0x10, s23, s11, $0xb8;
	[tilespmem:$0x5200] =	vst v63  }
0x262: {  	s25 =	simm.s32 $0x2740;
	s26 =	simm.s32 $0x4200  }
0x263: {  	[tilespmem:s26], [sflag:$0x2] =	stream.indirect.gather [hbm4b:s7+s11], $0x10, s25, s11, $0xb8;
	[tilespmem:$0x5200] =	vst v63  }
0x264: {  	_ =	swait.ge [sflag:s30], $0x800  }
0x265: {  	[sflag:s30] =	ssyncset.done $0x0  }
0x266: {  	[sflag:s30] =	ssyncadd.s32 $0xFFFFF800  }
0x267: {  	_ =	swait.ge [sflag:s30], $0x800  }
0x268: {  	[sflag:s30] =	ssyncset.done $0x0  }
0x269: {  	[sflag:s30] =	ssyncadd.s32 $0xFFFFF800  }
0x26a: {  	_ =	swait.ge [sflag:s30], $0x800  }
0x26b: {  	[sflag:s30] =	ssyncset.done $0x0  }
0x26c: {  	[sflag:s30] =	ssyncadd.s32 $0xFFFFF800  }
0x26d: {  	_ =	swait.ge [sflag:s30], $0x800  }
0x26e: {  	[sflag:s30] =	ssyncset.done $0x0  }
0x26f: {  	s16 =	simm.s32 $0x382;
	[sflag:s30] =	ssyncadd.s32 $0xFFFFF800  }
0x270: {  	s14 =	simm.s32 $0x412;
	v1 =	vld.msk [tilespmem:s16+$0xFFFFFFFE ss:$0x0], $0xffff  }
0x271: {  	s15 =	simm.s32 $0xDE0;
	v2 =	vld.msk [tilespmem:s14+$0xFFFFFFFE ss:$0x0], $0xffff  }
0x272: {  	s18 =	simm.s32 $0x5E0;
	v3 =	vld [tilespmem:s15+$0xFFFFFFE0]  }
0x273: {  	s17 =	simm.s32 $0x4A2;
	v54 =	vld [tilespmem:s18+$0xFFFFFFE0]  }
0x274: {  	s19 =	simm.s32 $0x15E0;
	v55 =	vld.msk [tilespmem:s17+$0xFFFFFFFE ss:$0x0], $0xffff  }
0x275: {  	s20 =	simm.s32 $0x532;
	v56 =	vld [tilespmem:s19+$0xFFFFFFE0]  }
0x276: {  	s21 =	simm.s32 $0x1DE0;
	v57 =	vld.msk [tilespmem:s20+$0xFFFFFFFE ss:$0x0], $0xffff  }
0x277: {  	v58 =	vld [tilespmem:s21+$0xFFFFFFE0]  }
0x278: {  	v2 =	vmul.f32 v2, v3;
	v1 =	vmul.f32 v1, v54;
	_ =	sdelay $0x1  }
0x279: {  	v3 =	vmul.f32 v55, v56;
	v1 =	vadd.f32 v2, v1;
	_ =	sdelay $0x1  }
0x27a: {  	v2 =	vmul.f32 v57, v58;
	v1 =	vadd.f32 v3, v1;
	_ =	sdelay $0x1  }
0x27b: {  	v1 =	vadd.f32 v2, v1  }
0x27c: {  	s23 =	simm.s32 $0x4A20  }
0x27d: {  	[tilespmem:s23+$0xFFFFFFE0] =	vst v1  }
0x27e: {  	v1 =	vld.msk [tilespmem:s16+$0xFFFFFFFF ss:$0x0], $0xffff  }
0x27f: {  	v2 =	vld [tilespmem:s15+$0xFFFFFFF0]  }
0x280: {  	v3 =	vld.msk [tilespmem:s14+$0xFFFFFFFF ss:$0x0], $0xffff  }
0x281: {  	v59 =	vld [tilespmem:s18+$0xFFFFFFF0]  }
0x282: {  	v60 =	vld.msk [tilespmem:s17+$0xFFFFFFFF ss:$0x0], $0xffff  }
0x283: {  	v61 =	vld [tilespmem:s19+$0xFFFFFFF0]  }
0x284: {  	v62 =	vld.msk [tilespmem:s20+$0xFFFFFFFF ss:$0x0], $0xffff  }
0x285: {  	v63 =	vld [tilespmem:s21+$0xFFFFFFF0]  }
0x286: {  	v1 =	vmul.f32 v1, v59;
	v2 =	vmul.f32 v3, v2;
	_ =	sdelay $0x1  }
0x287: {  	v1 =	vadd.f32 v2, v1;
	v2 =	vmul.f32 v60, v61;
	_ =	sdelay $0x1  }
0x288: {  	v1 =	vadd.f32 v2, v1;
	v2 =	vmul.f32 v62, v63  }
0x289: {  	s28 =	simm.s32 $0x416  }
0x28a: {  	s29 =	simm.s32 $0x4A6;
	s3 =	simm.s32 $0xE20;
	s4 =	simm.s32 $0x386;
	v1 =	vadd.f32 v2, v1  }
0x28b: {  	s2 =	simm.s32 $0x1620;
	s1 =	simm.s32 $0x536;
	s22 =	simm.s32 $0x4A20  }
0x28c: {  	s24 =	simm.s32 $0x1DE0;
	s25 =	simm.s32 $0x0;
	s26 =	simm.s32 $0x620;
	[tilespmem:s23+$0xFFFFFFF0] =	vst v1  }
.LBB2_3:
0x28d: {  	s25 =	sadd.s32 $0x4, s25;
	v1 =	vld.msk [tilespmem:s14+$0x0 ss:$0x0], $0xffff;
	s23 =	sadd.s32 $0x40, s23;
	s21 =	sadd.s32 $0x40, s21  }
0x28e: {  	p0 =	slt.u32 s25, $0x7C;
	v2 =	vld [tilespmem:s15+$0x0]  }
0x28f: {  	v3 =	vld.msk [tilespmem:s16+$0x0 ss:$0x0], $0xffff  }
0x290: {  	v4 =	vld [tilespmem:s18+$0x0]  }
0x291: {  	v5 =	vld.msk [tilespmem:s17+$0x0 ss:$0x0], $0xffff  }
0x292: {  	v6 =	vld [tilespmem:s19+$0x0]  }
0x293: {  	v7 =	vld.msk [tilespmem:s20+$0x0 ss:$0x0], $0xffff  }
0x294: {  	v8 =	vld [tilespmem:s24+$0x0]  }
0x295: {  	v1 =	vmul.f32 v1, v2;
	v3 =	vmul.f32 v3, v4;
	_ =	sdelay $0x1  }
0x296: {  	v1 =	vadd.f32 v1, v3;
	v2 =	vmul.f32 v5, v6;
	_ =	sdelay $0x1  }
0x297: {  	v1 =	vadd.f32 v2, v1;
	v2 =	vmul.f32 v7, v8;
	_ =	sdelay $0x1  }
0x298: {  	v1 =	vadd.f32 v2, v1;
	_ =	sdelay $0x1  }
0x299: {  	[tilespmem:s22+$0x0] =	vst v1  }
0x29a: {  	v1 =	vld.msk [tilespmem:s16+$0x1 ss:$0x0], $0xffff;
	s16 =	smov.u32 s4  }
0x29b: {  	v2 =	vld [tilespmem:s18+$0x10];
	s18 =	smov.u32 s26  }
0x29c: {  	v3 =	vld.msk [tilespmem:s14+$0x1 ss:$0x0], $0xffff;
	s14 =	smov.u32 s28  }
0x29d: {  	v4 =	vld [tilespmem:s15+$0x10];
	s15 =	smov.u32 s3  }
0x29e: {  	v5 =	vld.msk [tilespmem:s17+$0x1 ss:$0x0], $0xffff;
	s17 =	smov.u32 s29  }
0x29f: {  	v6 =	vld [tilespmem:s19+$0x10];
	s19 =	smov.u32 s2  }
0x2a0: {  	v1 =	vmul.f32 v1, v2;
	v2 =	vld.msk [tilespmem:s20+$0x1 ss:$0x0], $0xffff;
	s20 =	smov.u32 s1  }
0x2a1: {  	v7 =	vld [tilespmem:s24+$0x10];
	s24 =	smov.u32 s21  }
0x2a2: {  	v3 =	vmul.f32 v3, v4;
	_ =	sdelay $0x1  }
0x2a3: {  	v1 =	vadd.f32 v3, v1;
	v3 =	vmul.f32 v5, v6;
	_ =	sdelay $0x1  }
0x2a4: {  	v1 =	vadd.f32 v3, v1;
	v2 =	vmul.f32 v2, v7;
	_ =	sdelay $0x1  }
0x2a5: {  	v1 =	vadd.f32 v2, v1;
	_ =	sdelay $0x1  }
0x2a6: {  	[tilespmem:s22+$0x10] =	vst v1;
	s22 =	smov.u32 s23  }
0x2a7: {  	v1 =	vld.msk [tilespmem:s29+$0xFFFFFFFE ss:$0x0], $0xffff  }
0x2a8: {  	v2 =	vld.msk [tilespmem:s4+$0xFFFFFFFE ss:$0x0], $0xffff  }
0x2a9: {  	v3 =	vld.msk [tilespmem:s28+$0xFFFFFFFE ss:$0x0], $0xffff  }
0x2aa: {  	v4 =	vld [tilespmem:s3+$0xFFFFFFE0]  }
0x2ab: {  	v5 =	vld [tilespmem:s26+$0xFFFFFFE0]  }
0x2ac: {  	v6 =	vld [tilespmem:s2+$0xFFFFFFE0];
	_ =	sdelay $0x2  }
0x2ad: {  	v7 =	vld.msk [tilespmem:s1+$0xFFFFFFFE ss:$0x0], $0xffff  }
0x2ae: {  	v3 =	vmul.f32 v3, v4;
	v4 =	vld [tilespmem:s21+$0xFFFFFFE0]  }
0x2af: {  	v2 =	vmul.f32 v2, v5;
	v1 =	vmul.f32 v1, v6;
	_ =	sdelay $0x1  }
0x2b0: {  	v2 =	vadd.f32 v3, v2;
	_ =	sdelay $0x1  }
0x2b1: {  	v1 =	vadd.f32 v1, v2;
	v2 =	vmul.f32 v7, v4;
	_ =	sdelay $0x1  }
0x2b2: {  	v1 =	vadd.f32 v2, v1;
	_ =	sdelay $0x1  }
0x2b3: {  	[tilespmem:s23+$0xFFFFFFE0] =	vst v1  }
0x2b4: {  	v1 =	vld.msk [tilespmem:s4+$0xFFFFFFFF ss:$0x0], $0xffff;
	_ =	sdelay $0x1  }
0x2b5: {  	v2 =	vld [tilespmem:s3+$0xFFFFFFF0]  }
0x2b6: {  	v3 =	vld.msk [tilespmem:s28+$0xFFFFFFFF ss:$0x0], $0xffff  }
0x2b7: {  	v4 =	vld [tilespmem:s26+$0xFFFFFFF0]  }
0x2b8: {  	v5 =	vld.msk [tilespmem:s29+$0xFFFFFFFF ss:$0x0], $0xffff  }
0x2b9: {  	v6 =	vld [tilespmem:s2+$0xFFFFFFF0]  }
0x2ba: {  	v7 =	vld.msk [tilespmem:s1+$0xFFFFFFFF ss:$0x0], $0xffff  }
0x2bb: {  	v8 =	vld [tilespmem:s21+$0xFFFFFFF0]  }
0x2bc: {  	v2 =	vmul.f32 v3, v2;
	v1 =	vmul.f32 v1, v4;
	_ =	sdelay $0x1  }
0x2bd: {  	v1 =	vadd.f32 v2, v1;
	v2 =	vmul.f32 v5, v6;
	_ =	sdelay $0x1  }
.Ltmp0:
0x2be: {  	v1 =	vadd.f32 v2, v1;
	v2 =	vmul.f32 v7, v8;
	(pc) =	sbr.rel @p0 .LBB2_3-.Ltmp0, $4  }
0x2bf: {  	_ = 	snop  }
0x2c0: {  	s26 =	sadd.s32 $0x40, s26;
	v1 =	vadd.f32 v2, v1  }
0x2c1: {  	s28 =	sadd.s32 $0x4, s28;
	s29 =	sadd.s32 $0x4, s29;
	s1 =	sadd.s32 $0x4, s1  }
0x2c2: {  	s4 =	sadd.s32 $0x4, s4;
	s3 =	sadd.s32 $0x40, s3;
	s2 =	sadd.s32 $0x40, s2;
	[tilespmem:s23+$0xFFFFFFF0] =	vst v1  }
0x2c3: {  	v1 =	vld.msk [tilespmem:s14+$0x0 ss:$0x0], $0xffff  }
0x2c4: {  	v2 =	vld [tilespmem:s15+$0x0]  }
0x2c5: {  	v3 =	vld.msk [tilespmem:s16+$0x0 ss:$0x0], $0xffff  }
0x2c6: {  	v4 =	vld [tilespmem:s18+$0x0]  }
0x2c7: {  	v5 =	vld.msk [tilespmem:s17+$0x0 ss:$0x0], $0xffff  }
0x2c8: {  	v6 =	vld [tilespmem:s19+$0x0]  }
0x2c9: {  	v7 =	vld.msk [tilespmem:s20+$0x0 ss:$0x0], $0xffff  }
0x2ca: {  	v8 =	vld [tilespmem:s24+$0x0]  }
0x2cb: {  	v3 =	vmul.f32 v3, v4;
	v1 =	vmul.f32 v1, v2;
	_ =	sdelay $0x1  }
0x2cc: {  	v2 =	vmul.f32 v5, v6;
	v1 =	vadd.f32 v1, v3;
	_ =	sdelay $0x1  }
0x2cd: {  	v1 =	vadd.f32 v2, v1;
	v2 =	vmul.f32 v7, v8;
	_ =	sdelay $0x1  }
0x2ce: {  	v1 =	vadd.f32 v2, v1;
	_ =	sdelay $0x1  }
0x2cf: {  	[tilespmem:s22+$0x0] =	vst v1  }
0x2d0: {  	v1 =	vld.msk [tilespmem:s16+$0x1 ss:$0x0], $0xffff  }
0x2d1: {  	v2 =	vld [tilespmem:s18+$0x10]  }
0x2d2: {  	v3 =	vld.msk [tilespmem:s14+$0x1 ss:$0x0], $0xffff  }
0x2d3: {  	v49 =	vld [tilespmem:s15+$0x10]  }
0x2d4: {  	v50 =	vld.msk [tilespmem:s17+$0x1 ss:$0x0], $0xffff  }
0x2d5: {  	v51 =	vld [tilespmem:s19+$0x10]  }
0x2d6: {  	v52 =	vld.msk [tilespmem:s20+$0x1 ss:$0x0], $0xffff  }
0x2d7: {  	v53 =	vld [tilespmem:s24+$0x10]  }
0x2d8: {  	v1 =	vmul.f32 v1, v2;
	v2 =	vmul.f32 v3, v49;
	_ =	sdelay $0x1  }
0x2d9: {  	v1 =	vadd.f32 v2, v1;
	v2 =	vmul.f32 v50, v51;
	_ =	sdelay $0x1  }
0x2da: {  	v1 =	vadd.f32 v2, v1;
	v2 =	vmul.f32 v52, v53;
	_ =	sdelay $0x1  }
0x2db: {  	v1 =	vadd.f32 v2, v1  }
0x2dc: {  	s1 =	sshll.u32 s6, $0x1  }
0x2dd: {  	s1 =	sadd.s32 s8, s1;
	[tilespmem:s22+$0x10] =	vst v1  }
0x2de: {  	[hbm4b:s1+s5] =	stream.linear.scatter [tilespmem:s31], [sflag:$0x3], $0x800, $0x38;
	[tilespmem:$0x5200] =	vst v63  }
0x2df: {  	_ =	swait.ge [sflag:s10], $0x800  }
0x2e0: {  	[sflag:s10] =	ssyncset.done $0x0  }
0x2e1: {  	[sflag:s10] =	ssyncadd.s32 $0xFFFFF800  }
0x2e2: {  	_ =	swait.ge [sflag:s0], $0x800  }
0x2e3: {  	[sflag:s0] =	ssyncset.done $0x0  }
0x2e4: {  	[sflag:s0] =	ssyncadd.s32 $0xFFFFF800  }
0x2e5: {  	_ =	swait.ge [sflag:s0], $0x800  }
0x2e6: {  	[sflag:s0] =	ssyncset.done $0x0  }
0x2e7: {  	[sflag:s0] =	ssyncadd.s32 $0xFFFFF800  }
0x2e8: {  	_ =	swait.ge [sflag:s0], $0x800  }
0x2e9: {  	[sflag:s0] =	ssyncset.done $0x0  }
0x2ea: {  	[sflag:s0] =	ssyncadd.s32 $0xFFFFF800  }
0x2eb: {  	_ =	swait.ge [sflag:s0], $0x800  }
0x2ec: {  	[sflag:s0] =	ssyncset.done $0x0  }
0x2ed: {  	s15 =	simm.s32 $0x27C2;
	[sflag:s0] =	ssyncadd.s32 $0xFFFFF800  }
0x2ee: {  	s6 =	simm.s32 $0x2852;
	v1 =	vld.msk [tilespmem:s15+$0xFFFFFFFE ss:$0x0], $0xffff  }
0x2ef: {  	s14 =	simm.s32 $0x3220;
	v2 =	vld.msk [tilespmem:s6+$0xFFFFFFFE ss:$0x0], $0xffff  }
0x2f0: {  	s17 =	simm.s32 $0x2A20;
	v3 =	vld [tilespmem:s14+$0xFFFFFFE0]  }
0x2f1: {  	s16 =	simm.s32 $0x28E2;
	v54 =	vld [tilespmem:s17+$0xFFFFFFE0]  }
0x2f2: {  	s18 =	simm.s32 $0x3A20;
	v55 =	vld.msk [tilespmem:s16+$0xFFFFFFFE ss:$0x0], $0xffff  }
0x2f3: {  	s19 =	simm.s32 $0x2972;
	v56 =	vld [tilespmem:s18+$0xFFFFFFE0]  }
0x2f4: {  	s20 =	simm.s32 $0x4220;
	v57 =	vld.msk [tilespmem:s19+$0xFFFFFFFE ss:$0x0], $0xffff  }
0x2f5: {  	v58 =	vld [tilespmem:s20+$0xFFFFFFE0]  }
0x2f6: {  	v2 =	vmul.f32 v2, v3;
	v1 =	vmul.f32 v1, v54;
	_ =	sdelay $0x1  }
0x2f7: {  	v3 =	vmul.f32 v55, v56;
	v1 =	vadd.f32 v2, v1;
	_ =	sdelay $0x1  }
0x2f8: {  	v2 =	vmul.f32 v57, v58;
	v1 =	vadd.f32 v3, v1;
	_ =	sdelay $0x1  }
0x2f9: {  	v1 =	vadd.f32 v2, v1  }
0x2fa: {  	s22 =	simm.s32 $0x4A20  }
0x2fb: {  	[tilespmem:s22+$0xFFFFFFE0] =	vst v1  }
0x2fc: {  	v1 =	vld.msk [tilespmem:s15+$0xFFFFFFFF ss:$0x0], $0xffff  }
0x2fd: {  	v2 =	vld [tilespmem:s14+$0xFFFFFFF0]  }
0x2fe: {  	v3 =	vld.msk [tilespmem:s6+$0xFFFFFFFF ss:$0x0], $0xffff  }
0x2ff: {  	v59 =	vld [tilespmem:s17+$0xFFFFFFF0]  }
0x300: {  	v60 =	vld.msk [tilespmem:s16+$0xFFFFFFFF ss:$0x0], $0xffff  }
0x301: {  	v61 =	vld [tilespmem:s18+$0xFFFFFFF0]  }
0x302: {  	v62 =	vld.msk [tilespmem:s19+$0xFFFFFFFF ss:$0x0], $0xffff  }
0x303: {  	v63 =	vld [tilespmem:s20+$0xFFFFFFF0]  }
0x304: {  	v1 =	vmul.f32 v1, v59;
	v2 =	vmul.f32 v3, v2;
	_ =	sdelay $0x1  }
0x305: {  	v1 =	vadd.f32 v2, v1;
	v2 =	vmul.f32 v60, v61;
	_ =	sdelay $0x1  }
0x306: {  	v1 =	vadd.f32 v2, v1;
	v2 =	vmul.f32 v62, v63  }
0x307: {  	s25 =	simm.s32 $0x2A60  }
0x308: {  	s26 =	simm.s32 $0x2856;
	s28 =	simm.s32 $0x28E6;
	s2 =	simm.s32 $0x3A60;
	v1 =	vadd.f32 v2, v1  }
0x309: {  	s3 =	simm.s32 $0x3260;
	s4 =	simm.s32 $0x27C6;
	s23 =	simm.s32 $0x4220  }
0x30a: {  	s21 =	simm.s32 $0x4A20;
	s24 =	simm.s32 $0x0;
	s1 =	simm.s32 $0x2976;
	[tilespmem:s22+$0xFFFFFFF0] =	vst v1  }
.LBB2_5:
0x30b: {  	s24 =	sadd.s32 $0x4, s24;
	v1 =	vld.msk [tilespmem:s6+$0x0 ss:$0x0], $0xffff;
	s22 =	sadd.s32 $0x40, s22;
	s20 =	sadd.s32 $0x40, s20  }
0x30c: {  	p0 =	slt.u32 s24, $0x7C;
	v2 =	vld [tilespmem:s14+$0x0]  }
0x30d: {  	v3 =	vld.msk [tilespmem:s15+$0x0 ss:$0x0], $0xffff  }
0x30e: {  	v4 =	vld [tilespmem:s17+$0x0]  }
0x30f: {  	v5 =	vld.msk [tilespmem:s16+$0x0 ss:$0x0], $0xffff  }
0x310: {  	v6 =	vld [tilespmem:s18+$0x0]  }
0x311: {  	v7 =	vld.msk [tilespmem:s19+$0x0 ss:$0x0], $0xffff  }
0x312: {  	v8 =	vld [tilespmem:s23+$0x0]  }
0x313: {  	v1 =	vmul.f32 v1, v2;
	v3 =	vmul.f32 v3, v4;
	_ =	sdelay $0x1  }
0x314: {  	v1 =	vadd.f32 v1, v3;
	v2 =	vmul.f32 v5, v6;
	_ =	sdelay $0x1  }
0x315: {  	v1 =	vadd.f32 v2, v1;
	v2 =	vmul.f32 v7, v8;
	_ =	sdelay $0x1  }
0x316: {  	v1 =	vadd.f32 v2, v1;
	_ =	sdelay $0x1  }
0x317: {  	[tilespmem:s21+$0x0] =	vst v1  }
0x318: {  	v1 =	vld.msk [tilespmem:s15+$0x1 ss:$0x0], $0xffff;
	s15 =	smov.u32 s4  }
0x319: {  	v2 =	vld [tilespmem:s17+$0x10];
	s17 =	smov.u32 s25  }
0x31a: {  	v3 =	vld.msk [tilespmem:s6+$0x1 ss:$0x0], $0xffff;
	s6 =	smov.u32 s26  }
0x31b: {  	v4 =	vld [tilespmem:s14+$0x10];
	s14 =	smov.u32 s3  }
0x31c: {  	v5 =	vld.msk [tilespmem:s16+$0x1 ss:$0x0], $0xffff;
	s16 =	smov.u32 s28  }
0x31d: {  	v6 =	vld [tilespmem:s18+$0x10];
	s18 =	smov.u32 s2  }
0x31e: {  	v1 =	vmul.f32 v1, v2;
	v2 =	vld.msk [tilespmem:s19+$0x1 ss:$0x0], $0xffff;
	s19 =	smov.u32 s1  }
0x31f: {  	v7 =	vld [tilespmem:s23+$0x10];
	s23 =	smov.u32 s20  }
0x320: {  	v3 =	vmul.f32 v3, v4;
	_ =	sdelay $0x1  }
0x321: {  	v1 =	vadd.f32 v3, v1;
	v3 =	vmul.f32 v5, v6;
	_ =	sdelay $0x1  }
0x322: {  	v1 =	vadd.f32 v3, v1;
	v2 =	vmul.f32 v2, v7;
	_ =	sdelay $0x1  }
0x323: {  	v1 =	vadd.f32 v2, v1;
	_ =	sdelay $0x1  }
0x324: {  	[tilespmem:s21+$0x10] =	vst v1;
	s21 =	smov.u32 s22  }
0x325: {  	v1 =	vld.msk [tilespmem:s28+$0xFFFFFFFE ss:$0x0], $0xffff  }
0x326: {  	v2 =	vld.msk [tilespmem:s4+$0xFFFFFFFE ss:$0x0], $0xffff  }
0x327: {  	v3 =	vld.msk [tilespmem:s26+$0xFFFFFFFE ss:$0x0], $0xffff  }
0x328: {  	v4 =	vld [tilespmem:s3+$0xFFFFFFE0]  }
0x329: {  	v5 =	vld [tilespmem:s25+$0xFFFFFFE0]  }
0x32a: {  	v6 =	vld [tilespmem:s2+$0xFFFFFFE0];
	_ =	sdelay $0x2  }
0x32b: {  	v7 =	vld.msk [tilespmem:s1+$0xFFFFFFFE ss:$0x0], $0xffff  }
0x32c: {  	v3 =	vmul.f32 v3, v4;
	v4 =	vld [tilespmem:s20+$0xFFFFFFE0]  }
0x32d: {  	v2 =	vmul.f32 v2, v5;
	v1 =	vmul.f32 v1, v6;
	_ =	sdelay $0x1  }
0x32e: {  	v2 =	vadd.f32 v3, v2;
	_ =	sdelay $0x1  }
0x32f: {  	v1 =	vadd.f32 v1, v2;
	v2 =	vmul.f32 v7, v4;
	_ =	sdelay $0x1  }
0x330: {  	v1 =	vadd.f32 v2, v1;
	_ =	sdelay $0x1  }
0x331: {  	[tilespmem:s22+$0xFFFFFFE0] =	vst v1  }
0x332: {  	v1 =	vld.msk [tilespmem:s4+$0xFFFFFFFF ss:$0x0], $0xffff;
	_ =	sdelay $0x1  }
0x333: {  	v2 =	vld [tilespmem:s3+$0xFFFFFFF0]  }
0x334: {  	v3 =	vld.msk [tilespmem:s26+$0xFFFFFFFF ss:$0x0], $0xffff  }
0x335: {  	v4 =	vld [tilespmem:s25+$0xFFFFFFF0]  }
0x336: {  	v5 =	vld.msk [tilespmem:s28+$0xFFFFFFFF ss:$0x0], $0xffff  }
0x337: {  	v6 =	vld [tilespmem:s2+$0xFFFFFFF0]  }
0x338: {  	v7 =	vld.msk [tilespmem:s1+$0xFFFFFFFF ss:$0x0], $0xffff  }
0x339: {  	v8 =	vld [tilespmem:s20+$0xFFFFFFF0]  }
0x33a: {  	v2 =	vmul.f32 v3, v2;
	v1 =	vmul.f32 v1, v4;
	_ =	sdelay $0x1  }
0x33b: {  	v1 =	vadd.f32 v2, v1;
	v2 =	vmul.f32 v5, v6;
	_ =	sdelay $0x1  }
.Ltmp1:
0x33c: {  	v1 =	vadd.f32 v2, v1;
	v2 =	vmul.f32 v7, v8;
	(pc) =	sbr.rel @p0 .LBB2_5-.Ltmp1, $4  }
0x33d: {  	_ = 	snop  }
0x33e: {  	s25 =	sadd.s32 $0x40, s25;
	v1 =	vadd.f32 v2, v1  }
0x33f: {  	s26 =	sadd.s32 $0x4, s26;
	s28 =	sadd.s32 $0x4, s28;
	s1 =	sadd.s32 $0x4, s1  }
0x340: {  	s4 =	sadd.s32 $0x4, s4;
	s3 =	sadd.s32 $0x40, s3;
	s2 =	sadd.s32 $0x40, s2;
	[tilespmem:s22+$0xFFFFFFF0] =	vst v1  }
0x341: {  	v1 =	vld.msk [tilespmem:s6+$0x0 ss:$0x0], $0xffff  }
0x342: {  	v2 =	vld [tilespmem:s14+$0x0]  }
0x343: {  	v3 =	vld.msk [tilespmem:s15+$0x0 ss:$0x0], $0xffff  }
0x344: {  	v4 =	vld [tilespmem:s17+$0x0]  }
0x345: {  	v5 =	vld.msk [tilespmem:s16+$0x0 ss:$0x0], $0xffff  }
0x346: {  	v6 =	vld [tilespmem:s18+$0x0]  }
0x347: {  	v7 =	vld.msk [tilespmem:s19+$0x0 ss:$0x0], $0xffff  }
0x348: {  	v8 =	vld [tilespmem:s23+$0x0]  }
0x349: {  	v3 =	vmul.f32 v3, v4;
	v1 =	vmul.f32 v1, v2;
	_ =	sdelay $0x1  }
0x34a: {  	v2 =	vmul.f32 v5, v6;
	v1 =	vadd.f32 v1, v3;
	_ =	sdelay $0x1  }
0x34b: {  	v1 =	vadd.f32 v2, v1;
	v2 =	vmul.f32 v7, v8;
	_ =	sdelay $0x1  }
0x34c: {  	v1 =	vadd.f32 v2, v1;
	_ =	sdelay $0x1  }
0x34d: {  	[tilespmem:s21+$0x0] =	vst v1  }
0x34e: {  	v1 =	vld.msk [tilespmem:s15+$0x1 ss:$0x0], $0xffff  }
0x34f: {  	v2 =	vld [tilespmem:s17+$0x10]  }
0x350: {  	v3 =	vld.msk [tilespmem:s6+$0x1 ss:$0x0], $0xffff  }
0x351: {  	v59 =	vld [tilespmem:s14+$0x10]  }
0x352: {  	v60 =	vld.msk [tilespmem:s16+$0x1 ss:$0x0], $0xffff  }
0x353: {  	v61 =	vld [tilespmem:s18+$0x10]  }
0x354: {  	v62 =	vld.msk [tilespmem:s19+$0x1 ss:$0x0], $0xffff  }
0x355: {  	v63 =	vld [tilespmem:s23+$0x10]  }
0x356: {  	v1 =	vmul.f32 v1, v2;
	v2 =	vmul.f32 v3, v59;
	_ =	sdelay $0x1  }
0x357: {  	v1 =	vadd.f32 v2, v1;
	v2 =	vmul.f32 v60, v61;
	_ =	sdelay $0x1  }
0x358: {  	v1 =	vadd.f32 v2, v1;
	v2 =	vmul.f32 v62, v63;
	_ =	sdelay $0x1  }
0x359: {  	s1 =	sshll.u32 s13, $0x1;
	s9 =	sadd.s32 $0x1, s9;
	v1 =	vadd.f32 v2, v1  }
0x35a: {  	s1 =	sand.u32 $0x1FFFFF00, s1;
	p0 =	sne.s32 s9, $0x80  }
.Ltmp2:
0x35b: {  	s1 =	sadd.s32 s8, s1;
	[tilespmem:s21+$0x10] =	vst v1;
	(pc) =	sbr.rel @p0 .LBB2_2-.Ltmp2, $4  }
0x35c: {  	[hbm4b:s1+s5] =	stream.linear.scatter [tilespmem:s31], [sflag:$0x3], $0x800, $0x38;
	[tilespmem:$0x5200] =	vst v63  }
0x35d: {  	_ =	swait.ge [sflag:s10], $0x800  }
0x35e: {  	[sflag:s10] =	ssyncset.done $0x0  }
0x35f: {  	[sflag:s10] =	ssyncadd.s32 $0xFFFFF800  }
0x360: {  	s2 =	rddreg [dreg:$0x8]  }
0x361: {  	s1 =	rddreg [dreg:$0x7];
	s2 =	sadd.s32 $0x1, s2  }
0x362: {  	p0 =	sne.s32 s2, s1  }
.Ltmp3:
0x363: {  	_ = 	snop;
	(pc) =	sbr.rel @p0 .LBB2_1-.Ltmp3, $1  }
0x364: {  	_ =	sdelay $0x3  }
0x365: {  	_ =	sfence.sel $0x180000  }
0x366: {  	[bflag:$0x0] =	sbarrier.arrive $0xFFFF  }
0x367: {  	_ =	strace $0x90000047  }
0x368: {  	s0 =	stileid.u32;
	[bflag:$0x2] =	sbarrier.arrive $0xFFFF  }
0x369: {  	p0 =	sne.s32 s0, $0x0;
	s0 =	rddreg [dreg:$0x5]  }
0x36a: {  	s0 =	sadd.s32 @!p0 $0x100000, s0  }
0x36b: {  	[sflag:s0] =	ssyncadd.tile.s32 @!p0 $0x1;
	_ =	shalt  }
.Lfunc_end2:
_tile_overlayer_lowered:
.L_overlay_start_2:
0x36c: {  	(tag) =	ssettag $0x2  }
0x36d: {  	s0 =	rddreg [dreg:$0x0];
	s2 =	stileid.u32  }
0x36e: {  	s1 =	rddreg [dreg:$0x1];
	p0 =	sne.s32 s2, $0x0  }
0x36f: {  	s3 =	rddreg [dreg:$0x2];
	[bflag:$0x3] =	sbarrier.arrive $0xFFFF;
	s2 =	simm.s32 @!p0 $0x1C03  }
0x370: {  	[timem:s3], [sflag:s2] =	dma.local @!p0 [hbm:s0], s1  }
0x371: {  	s0 =	simm.s32 @!p0 $0x3  }
0x372: {  	_ =	swait.ge @!p0 [sflag:s0], s1  }
0x373: {  	s1 =	ssub.s32 @!p0 $0x0, s1;
	[sflag:s0] =	ssyncset.done @!p0 $0x0  }
0x374: {  	[sflag:s0] =	ssyncadd.s32 @!p0 s1  }
0x375: {  	[bflag:$0x3] =	sbarrier.arrive $0xFFFF  }
0x376: {  	_ =	shalt  }

// kernel: sparse-core-data-format-call.cloned.1.call-start
scs
called_computation_lowered:
.L_overlay_start_0:
0x0: {  	s2 =	sld [smem:$0x3FD9]  }
0x1: {  	s3 =	sld [smem:$0x3FFE];
	_ =	sdelay $0x1  }
0x2: {  	s1 =	srdreg.scid  }
0x3: {  	s0 =	sand.u32 $0x1, s1  }
0x4: {  	s18 =	sshll.u32 s0, $0xA;
	s2 =	sadd.s32 s3, s2  }
0x5: {  	s2 =	sadd.s32 s2, s18  }
0x6: {  	[smem:$0x3FC4] =	sst s2  }
0x7: {  	_ = 	snop  }
0x8: {  	s2 =	sld [smem:$0x3FD0];
	(tm) =	ssettm $0x1  }
0x9: {  	s19 =	sld [smem:$0x3FFB];
	_ =	sdelay $0x3  }
0xa: {  	_ =	strace s19  }
0xb: {  	s3 =	sld [smem:$0x3FFC];
	_ =	sdelay $0x3  }
0xc: {  	_ =	strace s3  }
0xd: {  	s3 =	sld [smem:$0x3FFD];
	_ =	sdelay $0x3  }
0xe: {  	_ =	strace s3  }
0xf: {  	_ =	strace $0x8FFFFFFF  }
0x10: {  	s20 =	sld [smem:$0x3FDB];
	_ =	sdelay $0x1  }
0x11: {  	s4 =	simm.s32 $_scs_section_size  }
0x12: {  	s5 =	simm.s32 $_size__tile_overlayer_lowered;
	s6 =	simm.s32 $_tile_overlayer_lowered  }
0x13: {  	s23 =	simm.s32 $0x1BFF;
	s22 =	sshll.u32 s6, $0x1;
	s3 =	sadd.s32 s4, s20  }
0x14: {  	s7 =	simm.s32 $0x0;
	s21 =	sshll.u32 s5, $0x1;
	s5 =	sadd.s32 s22, s3  }
0x15: {  	[timem:s7], [sflag:s23] =	dma.local [hbm:s5], s21  }
0x16: {  	_ =	swait.ge [sflag:s23], s21  }
0x17: {  	s4 =	ssub.s32 $0x0, s21;
	[sflag:s23] =	ssyncset.done $0x0  }
0x18: {  	[sflag:s23] =	ssyncadd.s32 s4;
	_ =	sdelay $0x1  }
0x19: {  	s24 =	simm.s32 $0x1B8B  }
0x1a: {  	_ =	swait.ge [sflag:s24], $0x1  }
0x1b: {  	[sflag:s24] =	ssyncset.done $0x0  }
0x1c: {  	s26 =	simm.s32 $0x1B8E;
	s25 =	sld [smem:$0x3FFE];
	[sflag:s24] =	ssyncadd.s32 $0xFFFFFFFF  }
0x1d: {  	s27 =	simm.s32 $execute0_lowered;
	[smem:$0x3FD2] =	sst s26  }
0x1e: {  	s5 =	sshll.u32 s27, $0x1;
	_ =	strace $0x80000049;
	[dreg:$0x1] =	wrdreg $0xFFFFFFFF  }
0x1f: {  	s28 =	simm.s32 $_size_execute0_lowered;
	s3 =	sadd.s32 s3, s5;
	[dreg:$0x0] =	wrdreg $0x0  }
0x20: {  	s5 =	sshll.u32 s28, $0x1;
	[dreg:$0x2] =	wrdreg s3  }
0x21: {  	[dreg:$0x3] =	wrdreg s5  }
0x22: {  	[dreg:$0x4] =	wrdreg $0xC0  }
0x23: {  	_ =	task [dreg:s7], $0x5FFFF  }
0x24: {  	[dreg:$0x1] =	wrdreg $0xFFFFFFFF  }
0x25: {  	[dreg:$0x0] =	wrdreg $0x60  }
0x26: {  	[dreg:$0x2] =	wrdreg s25  }
0x27: {  	[dreg:$0x3] =	wrdreg s2  }
0x28: {  	[dreg:$0x4] =	wrdreg $0x9  }
0x29: {  	_ =	task.clear_ibuf [dreg:s7], $0x5FFFF;
	_ =	strace $0x90000049  }
0x2a: {  	s29 =	simm.s32 $0x9;
	_ =	strace $0x8000004B  }
0x2b: {  	_ =	swait.ge [sflag:s29], $0x1  }
0x2c: {  	[sflag:s29] =	ssyncadd.s32 $0xFFFFFFFF  }
0x2d: {  	_ =	strace $0x9000004B  }
0x2e: {  	_ =	sfence  }
0x2f: {  	s30 =	sld [smem:$0x0];
	_ =	sdelay $0x2  }
0x30: {  	s31 =	sshll.u32 s1, $0xD;
	s1 =	sshrl.u32 s1, $0x2  }
0x31: {  	s3 =	sand.u32 $0x4000, s31;
	s1 =	sadd.s32 s1, s30  }
0x32: {  	s0 =	sor.u32 s3, s0;
	s1 =	sshll.u32 s1, $0x11  }
0x33: {  	s0 =	sor.u32 s1, s0  }
0x34: {  	s0 =	sadd.s32 $0x8F2B, s0  }
0x35: {  	[sflag:s0] =	ssyncadd.remote.s32 $0x1  }
0x36: {  	_ =	sfence.sel $0xFFFF  }
0x37: {  	[dreg:$0x0] =	wrdreg $0xFFFFFFFF;
	(pc) =	sbr.abs _section_cstart, $3  }
0x38: {  	[dreg:$0x1] =	wrdreg $0xFFFFFFFF  }
0x39: {  	_ =	task.clear_ibuf [dreg:s7], $0x2FFFF;
	_ =	strace $0x9FFFFFFF  }
0x3a: {  	(tm) =	ssettm $0x7FFFFFFF  }
0x3b: {  	_ =	shalt  }
tec
execute0_lowered:
.L_overlay_start_1:
0x0: {  	(tag) =	ssettag $0x1  }
0x1: {  	s0 =	srdreg.scid  }
0x2: {  	s1 =	sshll.u32 s0, $0x4  }
0x3: {  	s4 =	rddreg [dreg:$0x0];
	s0 =	stileid.u32;
	s1 =	sand.u32 $0x10, s1  }
0x4: {  	s2 =	rddreg [dreg:$0x1];
	s7 =	simm.s32 $0x1;
	s1 =	sor.u32 s0, s1  }
0x5: {  	s8 =	simm.s32 $0x2;
	s11 =	simm.s32 $0x0;
	s3 =	sshll.u32 s1, $0x7  }
0x6: {  	s10 =	simm.s32 $0x0;
	s4 =	sadd.s32 $0x800, s4;
	s6 =	ssub.s32 $0x100000, s3  }
.Ltmp0:
0x7: {  	s1 =	rddreg [dreg:$0x2];
	s5 =	sand.u32 $0xF80, s6;
	(pc) =	sbr.rel .LBB1_1-.Ltmp0, $4  }
0x8: {  	_ =	strace $0x8000004A;
	s9 =	smov.u32 s3;
	p0 =	sne.s32 s5, $0x0  }
0x9: {  	s6 =	sshrl.u32 s6, $0xC;
	s5 =	simm.s32 $0x1;
	s7 =	simm.s32 @!p0 $0x0  }
0xa: {  	[sflag:s5] =	ssyncpa.u1 $0x0;
	p0 =	por $0x0, $0x0;
	s6 =	sadd.s32 s7, s6  }
0xb: {  	[sflag:s8] =	ssyncpa.u1 $0x0;
	s8 =	simm.s32 $0x800000;
	s7 =	sadd.s32 $0x1, s6  }
.LBB1_4:
0xc: {  	[tilespmem:s12+$0xFFFFFFFC ss:$0x81] =	vst.msk $0xffff, v2;
	s14 =	sshll.u32 s11, $0x3  }
0xd: {  	[tilespmem:s12+$0xFFFFFFFD ss:$0x81] =	vst.msk $0xffff, v3;
	s15 =	sand.u32 $0x78, s11;
	s14 =	sand.u32 $0xFFC00, s14  }
0xe: {  	[tilespmem:s12+$0xFFFFFFFE ss:$0x81] =	vst.msk $0xffff, v1;
	s29 =	sand.u32 $0x1E0000, s11;
	s30 =	sand.u32 $0x7, s11;
	s14 =	sor.u32 s15, s14  }
0xf: {  	[tilespmem:s12+$0xFFFFFFFF ss:$0x81] =	vst.msk $0xffff, v4;
	s11 =	sshll.u32 s30, $0x12;
	s15 =	sadd.s32 s2, s29;
	s14 =	sshrl.u32 s14, $0x3  }
0x10: {  	[tilespmem:s12+$0xFFFFFFF9 ss:$0x81] =	vst.msk $0xffff, v0;
	s11 =	sor.u32 $0x400, s11;
	s31 =	sadd.s32 s14, s15  }
0x11: {  	[hbm4b:s31+s11] =	stream.strided.scatter [tilespmem:s13], [sflag:$0x2], $0x800, s8, s11, $0x20;
	[tilespmem:$0x2020] =	vst v63  }
.LBB1_5:
0x12: {  	s13 =	sadd.s32 $0x1000, s9  }
0x13: {  	p2 =	sgt.s32 s13, $0xFFFFF  }
0x14: {  	s13 =	smov.u32 @p2 s3;
	p2 =	sne.s32 s10, s7  }
.Ltmp1:
0x15: {  	p1 =	slt.u32 s10, $0x2;
	(pc) =	sbr.rel @!p2 .LBB1_6-.Ltmp1, $4  }
0x16: {  	s12 =	simm.s32 @!p1 $0x2  }
0x17: {  	s14 =	sadd.s32 $0x1, s10;
	_ =	swait.ge @!p1 [sflag:s12], $0x800  }
0x18: {  	s11 =	smov.u32 s9;
	p0 =	por !p0, !p0;
	[sflag:s12] =	ssyncset.done @!p1 $0x0  }
0x19: {  	s10 =	smov.u32 s14;
	s9 =	smov.u32 s13;
	[sflag:s12] =	ssyncadd.s32 @!p1 $0xFFFFF800  }
.LBB1_1:
0x1a: {  	p1 =	sge.u32 s10, s6  }
0x1b: {  	s31 =	sadd.s32 $0xFFFFFFFF, s10;
	s12 =	sxor.u32 @!p1 $0xFFFFFFFF, s10;
	s13 =	sshll.u32 @!p1 s9, $0x4  }
0x1c: {  	s14 =	simm.s32 @!p1 $0x10;
	s12 =	sshll.u32 @!p1 s12, $0xB;
	s13 =	sand.u32 @!p1 $0xFFFFF0, s13  }
0x1d: {  	s15 =	simm.s32 @!p1 $0x80;
	s12 =	sand.u32 @!p1 $0x800, s12;
	s13 =	sadd.s32 @!p1 s4, s13  }
0x1e: {  	[tilespmem:s12], [sflag:$0x1] =	stream.strided.gather @!p1 [hbm4b:s13+s14], $0x800, s15, s14, $0x38;
	[tilespmem:$0x2020] =	vst v63  }
0x1f: {  	p1 =	sge.u32 s31, s6  }
.Ltmp2:
0x20: {  	_ = 	snop;
	(pc) =	sbr.rel @p1 .LBB1_5-.Ltmp2, $1  }
0x21: {  	_ =	sdelay $0x3  }
0x22: {  	s12 =	simm.s32 $0x1  }
0x23: {  	_ =	swait.ge [sflag:s5], $0x800;
	s12 =	simm.s32 @!p0 $0x0  }
0x24: {  	[sflag:s5] =	ssyncset.done $0x0;
	s13 =	sshll.u32 s12, $0xB  }
0x25: {  	[sflag:s5] =	ssyncadd.s32 $0xFFFFF800;
	s15 =	sor.u32 $0x40, s13  }
0x26: {  	v0 =	vld [tilespmem:s15+$0x30]  }
0x27: {  	s12 =	smul.u32 $0x2040, s12;
	v4 =	vld [tilespmem:s15+$0xFFFFFFD0]  }
0x28: {  	v5 =	vld [tilespmem:s15+$0xFFFFFFE0]  }
0x29: {  	s31 =	sand.u32 $0x1, s10;
	s12 =	sshrl.u32 s12, $0x2;
	v2 =	vld [tilespmem:s15+$0xFFFFFFF0]  }
0x2a: {  	s13 =	smul.u32 $0x2040, s31;
	v3 =	vld [tilespmem:s15+$0x0];
	s12 =	sor.u32 $0x1007, s12  }
0x2b: {  	v1 =	vld [tilespmem:s15+$0x10];
	[tilespmem:s12+$0x0 ss:$0x81] =	vst.msk $0xffff, v0  }
0x2c: {  	s13 =	sshrl.u32 s13, $0x2;
	[tilespmem:s12+$0xFFFFFFFA ss:$0x81] =	vst.msk $0xffff, v4;
	v4 =	vld [tilespmem:s15+$0x20]  }
0x2d: {  	s14 =	simm.s32 $0x0;
	s13 =	sor.u32 $0x1000, s13;
	v0 =	vld [tilespmem:s15+$0xFFFFFFC0];
	[tilespmem:s12+$0xFFFFFFFB ss:$0x81] =	vst.msk $0xffff, v5;
	s15 =	sadd.s32 $0x80, s15  }
.LBB1_3:
0x2e: {  	v5 =	vld [tilespmem:s15+$0x30];
	s14 =	sadd.s32 $0x8, s14;
	[tilespmem:s12+$0xFFFFFFFC ss:$0x81] =	vst.msk $0xffff, v2  }
0x2f: {  	v6 =	vld [tilespmem:s15+$0xFFFFFFD0];
	p1 =	slt.u32 s14, $0x78;
	[tilespmem:s12+$0xFFFFFFFD ss:$0x81] =	vst.msk $0xffff, v3  }
0x30: {  	v7 =	vld [tilespmem:s15+$0xFFFFFFE0];
	[tilespmem:s12+$0xFFFFFFFE ss:$0x81] =	vst.msk $0xffff, v1  }
.Ltmp3:
0x31: {  	v2 =	vld [tilespmem:s15+$0xFFFFFFF0];
	[tilespmem:s12+$0xFFFFFFFF ss:$0x81] =	vst.msk $0xffff, v4;
	(pc) =	sbr.rel @p1 .LBB1_3-.Ltmp3, $4  }
0x32: {  	v3 =	vld [tilespmem:s15+$0x0];
	[tilespmem:s12+$0xFFFFFFF9 ss:$0x81] =	vst.msk $0xffff, v0;
	s12 =	sadd.s32 $0x8, s12  }
0x33: {  	v1 =	vld [tilespmem:s15+$0x10];
	[tilespmem:s12+$0x0 ss:$0x81] =	vst.msk $0xffff, v5  }
0x34: {  	[tilespmem:s12+$0xFFFFFFFA ss:$0x81] =	vst.msk $0xffff, v6;
	v4 =	vld [tilespmem:s15+$0x20]  }
0x35: {  	v0 =	vld [tilespmem:s15+$0xFFFFFFC0];
	[tilespmem:s12+$0xFFFFFFFB ss:$0x81] =	vst.msk $0xffff, v7;
	s15 =	sadd.s32 $0x80, s15  }
.Ltmp4:
0x36: {  	_ = 	snop;
	(pc) =	sbr.rel .LBB1_4-.Ltmp4, $1  }
0x37: {  	_ =	sdelay $0x3  }
.LBB1_6:
0x38: {  	_ =	sfence.sel $0x180000  }
0x39: {  	s2 =	simm.s32 $0x1;
	[bflag:$0x0] =	sbarrier.arrive $0xFFFF  }
0x3a: {  	s31 =	simm.s32 $0x2;
	[sflag:s2] =	ssyncpa.u1 $0x1  }
0x3b: {  	[sflag:s31] =	ssyncpa.u1 $0x1  }
0x3c: {  	p0 =	sne.s32 s0, $0x0;
	_ =	strace $0x9000004A  }
0x3d: {  	s0 =	sadd.s32 @!p0 $0x100000, s1;
	[bflag:$0x2] =	sbarrier.arrive $0xFFFF  }
0x3e: {  	[sflag:s0] =	ssyncadd.tile.s32 @!p0 $0x1;
	_ =	shalt  }
.Lfunc_end1:
_tile_overlayer_lowered:
.L_overlay_start_2:
0x3f: {  	(tag) =	ssettag $0x2  }
0x40: {  	s0 =	rddreg [dreg:$0x0];
	s2 =	stileid.u32  }
0x41: {  	s1 =	rddreg [dreg:$0x1];
	p0 =	sne.s32 s2, $0x0  }
0x42: {  	s3 =	rddreg [dreg:$0x2];
	[bflag:$0x3] =	sbarrier.arrive $0xFFFF;
	s2 =	simm.s32 @!p0 $0x1C01  }
0x43: {  	[timem:s3], [sflag:s2] =	dma.local @!p0 [hbm:s0], s1  }
0x44: {  	s0 =	simm.s32 @!p0 $0x1  }
0x45: {  	_ =	swait.ge @!p0 [sflag:s0], s1  }
0x46: {  	s1 =	ssub.s32 @!p0 $0x0, s1;
	[sflag:s0] =	ssyncset.done @!p0 $0x0  }
0x47: {  	[sflag:s0] =	ssyncadd.s32 @!p0 s1  }
0x48: {  	[bflag:$0x3] =	sbarrier.arrive $0xFFFF  }
0x49: {  	_ =	shalt  }

</sc_bundles>
